<compile_context>
chip_gen: v7x
topology: tpu7x:2x2x1
jax: 0.10.2.dev20260603
libtpu: 0.0.44.dev20260713+nightly
codegen_flags: <defaults>
</compile_context>

<pallas_src>
import functools

import jax
import jax.numpy as jnp
from jax import lax
from jax.experimental import pallas as pl
from jax.experimental.pallas import tpu as pltpu
from jax.experimental.pallas import tpu_sc as plsc

B = 2
L = 4096
D = 1024
R = 4
NH = 64
NB = 2 * NH
C = 64
CH = 512
NCH = L // CH
RB = R * B

NW = 32
ROWS_PER_W = (RB * L) // NW
SC_CH = 64
SC_NCH = ROWS_PER_W // SC_CH


def _hash_rank_body(x_ref, rmt_ref, grank_ref, sh_ref, hist_s, hash_s, pb_s):
    b = pl.program_id(0)
    ch = pl.program_id(1)

    @pl.when(ch == 0)
    def _():
        hist_s[...] = jnp.zeros((R, NB), jnp.float32)

    xb = x_ref[0]
    ss = jnp.sum(xb * xb, axis=1, keepdims=True)
    xn = xb / jnp.maximum(jnp.sqrt(ss), 1e-12)
    rot = lax.dot_general(xn, rmt_ref[...], (((1,), (0,)), ((), ())),
                          preferred_element_type=jnp.float32)

    iota_nh = lax.broadcasted_iota(jnp.int32, (CH, NH), 1).astype(jnp.float32)
    iota_nb = lax.broadcasted_iota(jnp.int32, (CH, NB), 1).astype(
        jnp.float32) + 1.0
    row_i = lax.broadcasted_iota(jnp.int32, (CH, CH), 0)
    col_i = lax.broadcasted_iota(jnp.int32, (CH, CH), 1)
    tri = (col_i < row_i).astype(jnp.float32)

    for r in range(R):
        rr = rot[:, r * NH:(r + 1) * NH]
        m1 = jnp.max(rr, axis=1, keepdims=True)
        m2 = jnp.min(rr, axis=1, keepdims=True)
        a1 = jnp.min(jnp.where(rr == m1, iota_nh, float(NH)), axis=1,
                     keepdims=True)
        a2 = jnp.min(jnp.where(rr == m2, iota_nh, float(NH)), axis=1,
                     keepdims=True)
        h = jnp.where(m1 >= -m2, a1 + 1.0, a2 + 1.0 + NH)
        oh = (h == iota_nb).astype(jnp.float32)
        base_cnt = hist_s[r]
        term_a = jnp.sum(oh * base_cnt[None, :], axis=1, keepdims=True)
        within = lax.dot_general(tri, oh, (((1,), (0,)), ((), ())),
                                 preferred_element_type=jnp.float32)
        term_b = jnp.sum(within * oh, axis=1, keepdims=True)
        off = pl.multiple_of(ch * CH, CH)
        pb_s[r, pl.ds(off, CH)] = (term_a + term_b)[:, 0]
        hash_s[r, pl.ds(off, CH)] = h[:, 0]
        hist_s[r] = base_cnt + jnp.sum(oh, axis=0)

    @pl.when(ch == NCH - 1)
    def _():
        iota_h_col = lax.broadcasted_iota(jnp.int32, (NB, L), 0).astype(
            jnp.float32) + 1.0
        iota_pos = lax.broadcasted_iota(jnp.int32, (NB, L), 1).astype(
            jnp.float32)
        row_b = lax.broadcasted_iota(jnp.int32, (NB, NB), 0)
        col_b = lax.broadcasted_iota(jnp.int32, (NB, NB), 1)
        tri_incl = (col_b <= row_b).astype(jnp.float32)
        for r in range(R):
            cnt_col = hist_s[r][:, None]
            incl_col = lax.dot_general(tri_incl, cnt_col,
                                       (((1,), (0,)), ((), ())),
                                       preferred_element_type=jnp.float32)
            excl_col = incl_col - cnt_col
            hh = hash_s[r]
            ohf_t = (hh[None, :] == iota_h_col).astype(jnp.float32)
            term_a = jnp.sum(ohf_t * excl_col, axis=0)
            rank = pb_s[r] + term_a
            grank_ref[0, r] = rank.astype(jnp.int32) + (r * B + b) * L
            sh = 1.0 + jnp.sum((incl_col <= iota_pos).astype(jnp.float32),
                               axis=0)
            sh_ref[0, r] = sh.astype(jnp.int32)


def _hash_rank(x, rmt):
    return pl.pallas_call(
        _hash_rank_body,
        grid=(B, NCH),
        in_specs=[
            pl.BlockSpec((1, CH, D), lambda b, ch: (b, ch, 0)),
            pl.BlockSpec((D, R * NH), lambda b, ch: (0, 0)),
        ],
        out_specs=[
            pl.BlockSpec((1, R, L), lambda b, ch: (b, 0, 0)),
            pl.BlockSpec((1, R, L), lambda b, ch: (b, 0, 0)),
        ],
        out_shape=[
            jax.ShapeDtypeStruct((B, R, L), jnp.int32),
            jax.ShapeDtypeStruct((B, R, L), jnp.int32),
        ],
        scratch_shapes=[
            pltpu.VMEM((R, NB), jnp.float32),
            pltpu.VMEM((R, L), jnp.float32),
            pltpu.VMEM((R, L), jnp.float32),
        ],
    )(x, rmt)


SI_CH = 128
SEG = (B * L) // NW
NSEG = SEG // SC_CH
SI_NSEG = SEG // SI_CH


def _make_sc_scatter():
    mesh = plsc.VectorSubcoreMesh(core_axis_name="c", subcore_axis_name="s")

    @functools.partial(
        pl.kernel,
        mesh=mesh,
        out_type=[
            jax.ShapeDtypeStruct((RB * L, D), jnp.float32),
            jax.ShapeDtypeStruct((RB * L,), jnp.int32),
        ],
        scratch_types=[
            pltpu.VMEM((R, NSEG, SC_CH), jnp.int32),
            pltpu.VMEM((R, SI_NSEG, SI_CH), jnp.int32),
            pltpu.VMEM((SI_NSEG, SI_CH), jnp.int32),
            pltpu.VMEM((1, SC_CH, D), jnp.float32),
            pltpu.SemaphoreType.DMA,
            pltpu.SemaphoreType.DMA,
            pltpu.SemaphoreType.DMA,
            pltpu.SemaphoreType.DMA,
            pltpu.SemaphoreType.DMA,
        ],
    )
    def sc_scatter(x_hbm, grank_hbm, grankw_hbm, pos_hbm, xs_hbm, si_hbm,
                   idx_v, idxw_v, pos_v, buf_v,
                   sem_g0, sem_g1, sem_s0, sem_s1, sem_i):
        w = lax.axis_index("s") * 2 + lax.axis_index("c")
        b = w // 16
        seg = w % 16
        xbase = b * L + seg * SEG
        sem_g = (sem_g0, sem_g1)
        sem_s = (sem_s0, sem_s1)

        def g_desc(j, p):
            return pltpu.make_async_copy(
                x_hbm.at[pl.ds(xbase + j * SC_CH, SC_CH)], buf_v.at[p],
                sem_g[p])

        g_desc(0, 0).start()

        for r in range(R):
            pltpu.sync_copy(
                grank_hbm.at[pl.ds((b * R + r) * (L // SC_CH) + seg * NSEG,
                                   NSEG)], idx_v.at[r])
            pltpu.sync_copy(
                grankw_hbm.at[pl.ds((b * R + r) * (L // SI_CH)
                                    + seg * SI_NSEG, SI_NSEG)], idxw_v.at[r])
        pltpu.sync_copy(pos_hbm.at[pl.ds(seg * SI_NSEG, SI_NSEG)], pos_v)

        for r in range(R):
            for i in range(SI_NSEG):
                pltpu.async_copy(pos_v.at[i], si_hbm.at[idxw_v.at[r, i]],
                                 sem_i)

        def s_desc(j, r, p):
            return pltpu.make_async_copy(
                buf_v.at[p], xs_hbm.at[idx_v.at[r, j]], sem_s[p])

        for j in range(NSEG):
            g_desc(j, 0).wait()
            for r in range(R):
                s_desc(j, r, 0).start()
            for r in range(R):
                s_desc(j, r, 0).wait()
            if j + 1 < NSEG:
                g_desc(j + 1, 0).start()

        for r in range(R):
            for i in range(SI_NSEG):
                pltpu.make_async_copy(pos_v.at[i], si_hbm.at[idxw_v.at[r, i]],
                                      sem_i).wait()

    return sc_scatter


def kernel(x, random_matrix):
    rmt = random_matrix[:R].reshape(R * NH, D).T
    grank, sh = _hash_rank(x, rmt)
    grank2d = grank.reshape((RB * L) // SC_CH, SC_CH)
    grankw = grank.reshape((RB * L) // SI_CH, SI_CH)
    posw = jnp.arange(L, dtype=jnp.int32).reshape(L // SI_CH, SI_CH)
    xs_flat, si_flat = _make_sc_scatter()(x.reshape(B * L, D), grank2d,
                                          grankw, posw)
    x_sorted = xs_flat.reshape(R, B, L // C, C, D)
    sorted_hashes = jnp.transpose(sh, (1, 0, 2)).reshape(R, B, L // C, C)
    sorted_indices = si_flat.reshape(R, B, L, 1)
    return (x_sorted, sorted_hashes, sorted_indices, 0)

# --- scband reference (transcript-rebuilt; emitter-appended) ---
"""Pipeline reference for scband-angular-local-sensitive-hashing-31585189495342 (READ-ONLY COPY).

The authoritative reference and input builder live on the scoring server;
editing this copy changes nothing except your own understanding.
"""

import jax, jax.numpy as jnp
import numpy as np

HIDDEN_DIM = 1024
N_ROUNDS = 4
MAX_LEN = 4096
BUCKET_SIZE = 64
MAX_N_ROUNDS = 16
N_HASHES = MAX_LEN // BUCKET_SIZE  # 64
BATCH = 2


def setup_inputs(seed: int = 0) -> dict:
    key = jax.random.key(seed)
    kx, km = jax.random.split(key)
    x = jax.random.normal(kx, (BATCH, MAX_LEN, HIDDEN_DIM), dtype=jnp.float32)
    # buffer: random_matrix = stack of QR-orthonormalized random matrices, first n_hashes rows
    mats = []
    for r in range(MAX_N_ROUNDS):
        g = jax.random.normal(jax.random.fold_in(km, r), (HIDDEN_DIM, HIDDEN_DIM), dtype=jnp.float32)
        q, _ = jnp.linalg.qr(g)
        mats.append(q[:N_HASHES])
    random_matrix = jnp.stack(mats)  # (max_n_rounds, n_hashes, hidden_dim)
    return {"x": x, "random_matrix": random_matrix}


def reference(x, random_matrix):
    # Faithful translation of AngularLocalSensitiveHashing.return_sorted.
    # torch.randperm over rounds is replaced by a deterministic identity permutation
    # (the permutation only reorders which orthogonal matrices are used per round).
    r = N_ROUNDS
    c = BUCKET_SIZE
    xe = jnp.broadcast_to(x, (r,) + x.shape)  # x.expand(n_rounds, ...)
    # F.normalize(x, dim=-1)
    x_norm = xe / jnp.maximum(jnp.linalg.norm(xe, axis=-1, keepdims=True), 1e-12)
    rand_matrix_perm = random_matrix  # identity perm
    rotation = jnp.einsum('rbld,rcd->rblc', x_norm, rand_matrix_perm[:r, :, :])
    hashes = jnp.argmax(jnp.concatenate([rotation, -rotation], axis=3), axis=3) + 1
    L = hashes.shape[2]
    positions = jnp.arange(MAX_LEN)[:L]
    sort_keys = hashes * L + positions
    sorted_indices = jnp.argsort(sort_keys, axis=2, stable=True)
    # L % chunk_dim == 0 here, so pad_dim = 0 and no padding branch is taken
    pad_dim = 0
    sorted_indices = sorted_indices[..., None]
    x_sorted = jnp.take_along_axis(xe, sorted_indices, axis=2)
    x_sorted = x_sorted.reshape(x_sorted.shape[0], x_sorted.shape[1], x_sorted.shape[2] // c, c, x_sorted.shape[3])
    sorted_hashes = jnp.sort(hashes, axis=2)
    sorted_hashes = sorted_hashes.reshape(sorted_hashes.shape[0], sorted_hashes.shape[1], sorted_hashes.shape[2] // c, c)
    return (x_sorted, sorted_hashes, sorted_indices, pad_dim)

if __name__ == "__main__":
    import jax
    _d = setup_inputs()
    print(jax.jit(kernel)(*tuple(_d.values())))

</pallas_src>

<mosaic_0001>
#map = affine_map<(d0, d1) -> (0, 0)>
#map1 = affine_map<(d0, d1) -> (0)>
module attributes {stable_mosaic.version = 14 : i64} {
  func.func @sc_scatter(%arg0: i32, %arg1: i32, %arg2: memref<8192x1024xf32, #tpu.memory_space<hbm>>, %arg3: memref<512x64xi32, #tpu.memory_space<hbm>>, %arg4: memref<256x128xi32, #tpu.memory_space<hbm>>, %arg5: memref<32x128xi32, #tpu.memory_space<hbm>>, %arg6: memref<32768x1024xf32, #tpu.memory_space<hbm>>, %arg7: memref<32768xi32, #tpu.memory_space<hbm>>, %arg8: memref<4x4x64xi32, #tpu.memory_space<vmem>>, %arg9: memref<4x2x128xi32, #tpu.memory_space<vmem>>, %arg10: memref<2x128xi32, #tpu.memory_space<vmem>>, %arg11: memref<1x64x1024xf32, #tpu.memory_space<vmem>>, %arg12: memref<!tpu.dma_semaphore, #tpu.memory_space<semaphore_mem>>, %arg13: memref<!tpu.dma_semaphore, #tpu.memory_space<semaphore_mem>>, %arg14: memref<!tpu.dma_semaphore, #tpu.memory_space<semaphore_mem>>, %arg15: memref<!tpu.dma_semaphore, #tpu.memory_space<semaphore_mem>>, %arg16: memref<!tpu.dma_semaphore, #tpu.memory_space<semaphore_mem>>) attributes {dimension_semantics = [#tpu.dimension_semantics<core_parallel>, #tpu.dimension_semantics<subcore_parallel>], iteration_bounds = array<i64: 2, 16>, scalar_prefetch = 0 : i64, scratch_operands = 9 : i64, tpu.core_type = #tpu.core_type<sc_vector_subcore>, window_params = [{transform_indices = #map}, {transform_indices = #map}, {transform_indices = #map}, {transform_indices = #map}, {transform_indices = #map}, {transform_indices = #map1}]} {
    %mul3A = arith.constant 2 : i32
    %mul3A_0 = arith.muli %arg1, %mul3A : i32
    %add3A = arith.addi %mul3A_0, %arg0 : i32
    %jit3A = arith.constant 16 : i32
    %div3A = arith.divsi %add3A, %jit3A : i32
    %sign3A = arith.constant 0 : i32
    %sign3A_1 = arith.cmpi sgt, %add3A, %sign3A : i32
    %sign3A_2 = arith.extui %sign3A_1 : i1 to i32
    %sign3A_3 = arith.constant 0 : i32
    %sign3A_4 = arith.cmpi slt, %add3A, %sign3A_3 : i32
    %sign3A_5 = arith.extui %sign3A_4 : i1 to i32
    %sign3A_6 = arith.subi %sign3A_2, %sign3A_5 : i32
    %sign3A_7 = arith.constant 0 : i32
    %sign3A_8 = arith.cmpi sgt, %jit3A, %sign3A_7 : i32
    %sign3A_9 = arith.extui %sign3A_8 : i1 to i32
    %sign3A_10 = arith.constant 0 : i32
    %sign3A_11 = arith.cmpi slt, %jit3A, %sign3A_10 : i32
    %sign3A_12 = arith.extui %sign3A_11 : i1 to i32
    %sign3A_13 = arith.subi %sign3A_9, %sign3A_12 : i32
    %ne3A = arith.cmpi ne, %sign3A_6, %sign3A_13 : i32
    %rem3A = arith.remsi %add3A, %jit3A : i32
    %ne3A_14 = arith.constant 0 : i32
    %ne3A_15 = arith.cmpi ne, %rem3A, %ne3A_14 : i32
    %and3A = arith.andi %ne3A, %ne3A_15 : i1
    %sub3A = arith.constant 1 : i32
    %sub3A_16 = arith.subi %div3A, %sub3A : i32
    %select_n3A = arith.select %and3A, %sub3A_16, %div3A : i32
    %jit3A_17 = arith.constant 16 : i32
    %eq3A = arith.constant 0 : i32
    %eq3A_18 = arith.cmpi eq, %jit3A_17, %eq3A : i32
    %jit3A_19 = arith.constant 1 : i32
    %select_n3A_20 = arith.select %eq3A_18, %jit3A_19, %jit3A_17 : i32
    %rem3A_21 = arith.remsi %add3A, %select_n3A_20 : i32
    %ne3A_22 = arith.constant 0 : i32
    %ne3A_23 = arith.cmpi ne, %rem3A_21, %ne3A_22 : i32
    %lt3A = arith.constant 0 : i32
    %lt3A_24 = arith.cmpi slt, %rem3A_21, %lt3A : i32
    %lt3A_25 = arith.constant 0 : i32
    %lt3A_26 = arith.cmpi slt, %select_n3A_20, %lt3A_25 : i32
    %ne3A_27 = arith.xori %lt3A_24, %lt3A_26 : i1
    %and3A_28 = arith.andi %ne3A_27, %ne3A_23 : i1
    %add3A_29 = arith.addi %rem3A_21, %select_n3A_20 : i32
    %select_n3A_30 = arith.select %and3A_28, %add3A_29, %rem3A_21 : i32
    %mul3A_31 = arith.constant 4096 : i32
    %mul3A_32 = arith.muli %select_n3A, %mul3A_31 : i32
    %mul3A_33 = arith.constant 256 : i32
    %mul3A_34 = arith.muli %select_n3A_30, %mul3A_33 : i32
    %add3A_35 = arith.addi %mul3A_32, %mul3A_34 : i32
    %add3A_36 = arith.constant 0 : i32
    %add3A_37 = arith.addi %add3A_35, %add3A_36 : i32
    %dma_start3A = arith.constant 0 : i32
    %dma_start3A_38 = arith.constant 0 : i32
    %dma_start3A_39 = arith.constant 0 : i32
    %dma_start3A_40 = tpu.memref_slice %arg11[%dma_start3A, %dma_start3A_38, %dma_start3A_39] : memref<1x64x1024xf32, #tpu.memory_space<vmem>> -> memref<1x64x1024xf32, #tpu.memory_space<vmem>>
    %dma_start3A_41 = tpu.memref_squeeze %dma_start3A_40 : memref<1x64x1024xf32, #tpu.memory_space<vmem>> -> memref<64x1024xf32, #tpu.memory_space<vmem>>
    %dma_start3A_42 = arith.constant 0 : i32
    %dma_start3A_43 = tpu.memref_slice %arg2[%add3A_37, %dma_start3A_42] : memref<8192x1024xf32, #tpu.memory_space<hbm>> -> memref<64x1024xf32, #tpu.memory_space<hbm>>
    %dma_start3A_44 = arith.constant 0 : i32
    %dma_start3A_45 = arith.constant 0 : i32
    %dma_start3A_46 = tpu.memref_slice %arg11[%dma_start3A, %dma_start3A_44, %dma_start3A_45] : memref<1x64x1024xf32, #tpu.memory_space<vmem>> -> memref<1x64x1024xf32, #tpu.memory_space<vmem>>
    %dma_start3A_47 = tpu.memref_squeeze %dma_start3A_46 : memref<1x64x1024xf32, #tpu.memory_space<vmem>> -> memref<64x1024xf32, #tpu.memory_space<vmem>>
    %dma_start3A_48 = arith.constant 0 : i32
    %dma_start3A_49 = tpu.memref_slice %arg2[%add3A_37, %dma_start3A_48] : memref<8192x1024xf32, #tpu.memory_space<hbm>> -> memref<64x1024xf32, #tpu.memory_space<hbm>>
    tpu.enqueue_dma source(%dma_start3A_49 : memref<64x1024xf32, #tpu.memory_space<hbm>>) target(%dma_start3A_47 : memref<64x1024xf32, #tpu.memory_space<vmem>>) target_semaphore(%arg12 : memref<!tpu.dma_semaphore, #tpu.memory_space<semaphore_mem>>)
    %mul3A_50 = arith.constant 4 : i32
    %mul3A_51 = arith.muli %select_n3A, %mul3A_50 : i32
    %add3A_52 = arith.constant 0 : i32
    %add3A_53 = arith.addi %mul3A_51, %add3A_52 : i32
    %mul3A_54 = arith.constant 64 : i32
    %mul3A_55 = arith.muli %add3A_53, %mul3A_54 : i32
    %mul3A_56 = arith.constant 4 : i32
    %mul3A_57 = arith.muli %select_n3A_30, %mul3A_56 : i32
    %add3A_58 = arith.addi %mul3A_55, %mul3A_57 : i32
    %run_scoped3A = arith.constant 0 : i32
    "tpu.region"() ({
      %run_scoped3A_827 = tpu.sem_alloc : memref<!tpu.dma_semaphore, #tpu.memory_space<semaphore_mem>>
      %dma_start3A_828 = arith.constant 0 : i32
      %dma_start3A_829 = arith.constant 0 : i32
      %dma_start3A_830 = tpu.memref_slice %arg8[%run_scoped3A, %dma_start3A_828, %dma_start3A_829] : memref<4x4x64xi32, #tpu.memory_space<vmem>> -> memref<1x4x64xi32, #tpu.memory_space<vmem>>
      %dma_start3A_831 = tpu.memref_squeeze %dma_start3A_830 : memref<1x4x64xi32, #tpu.memory_space<vmem>> -> memref<4x64xi32, #tpu.memory_space<vmem>>
      %dma_start3A_832 = arith.constant 0 : i32
      %dma_start3A_833 = tpu.memref_slice %arg3[%add3A_58, %dma_start3A_832] : memref<512x64xi32, #tpu.memory_space<hbm>> -> memref<4x64xi32, #tpu.memory_space<hbm>>
      %dma_start3A_834 = arith.constant 0 : i32
      %dma_start3A_835 = arith.constant 0 : i32
      %dma_start3A_836 = tpu.memref_slice %arg8[%run_scoped3A, %dma_start3A_834, %dma_start3A_835] : memref<4x4x64xi32, #tpu.memory_space<vmem>> -> memref<1x4x64xi32, #tpu.memory_space<vmem>>
      %dma_start3A_837 = tpu.memref_squeeze %dma_start3A_836 : memref<1x4x64xi32, #tpu.memory_space<vmem>> -> memref<4x64xi32, #tpu.memory_space<vmem>>
      %dma_start3A_838 = arith.constant 0 : i32
      %dma_start3A_839 = tpu.memref_slice %arg3[%add3A_58, %dma_start3A_838] : memref<512x64xi32, #tpu.memory_space<hbm>> -> memref<4x64xi32, #tpu.memory_space<hbm>>
      tpu.enqueue_dma source(%dma_start3A_839 : memref<4x64xi32, #tpu.memory_space<hbm>>) target(%dma_start3A_837 : memref<4x64xi32, #tpu.memory_space<vmem>>) target_semaphore(%run_scoped3A_827 : memref<!tpu.dma_semaphore, #tpu.memory_space<semaphore_mem>>)
      %dma_wait3A_840 = arith.constant 0 : i32
      %dma_wait3A_841 = arith.constant 0 : i32
      %dma_wait3A_842 = tpu.memref_slice %arg8[%run_scoped3A, %dma_wait3A_840, %dma_wait3A_841] : memref<4x4x64xi32, #tpu.memory_space<vmem>> -> memref<1x4x64xi32, #tpu.memory_space<vmem>>
      %dma_wait3A_843 = tpu.memref_squeeze %dma_wait3A_842 : memref<1x4x64xi32, #tpu.memory_space<vmem>> -> memref<4x64xi32, #tpu.memory_space<vmem>>
      %dma_wait3A_844 = arith.constant 0 : i32
      %dma_wait3A_845 = tpu.memref_slice %arg3[%add3A_58, %dma_wait3A_844] : memref<512x64xi32, #tpu.memory_space<hbm>> -> memref<4x64xi32, #tpu.memory_space<hbm>>
      %dma_wait3A_846 = arith.constant 0 : i32
      %dma_wait3A_847 = arith.constant 0 : i32
      %dma_wait3A_848 = tpu.memref_slice %arg8[%run_scoped3A, %dma_wait3A_846, %dma_wait3A_847] : memref<4x4x64xi32, #tpu.memory_space<vmem>> -> memref<1x4x64xi32, #tpu.memory_space<vmem>>
      %dma_wait3A_849 = tpu.memref_squeeze %dma_wait3A_848 : memref<1x4x64xi32, #tpu.memory_space<vmem>> -> memref<4x64xi32, #tpu.memory_space<vmem>>
      %dma_wait3A_850 = arith.constant 0 : i32
      %dma_wait3A_851 = tpu.memref_slice %arg3[%add3A_58, %dma_wait3A_850] : memref<512x64xi32, #tpu.memory_space<hbm>> -> memref<4x64xi32, #tpu.memory_space<hbm>>
      tpu.wait_dma2 semaphore(%run_scoped3A_827 : memref<!tpu.dma_semaphore, #tpu.memory_space<semaphore_mem>>) src(%dma_wait3A_851 : memref<4x64xi32, #tpu.memory_space<hbm>>) dst(%dma_wait3A_849 : memref<4x64xi32, #tpu.memory_space<vmem>>)
      tpu.yield
    }) : () -> ()
    %mul3A_59 = arith.constant 4 : i32
    %mul3A_60 = arith.muli %select_n3A, %mul3A_59 : i32
    %add3A_61 = arith.constant 0 : i32
    %add3A_62 = arith.addi %mul3A_60, %add3A_61 : i32
    %mul3A_63 = arith.constant 32 : i32
    %mul3A_64 = arith.muli %add3A_62, %mul3A_63 : i32
    %mul3A_65 = arith.constant 2 : i32
    %mul3A_66 = arith.muli %select_n3A_30, %mul3A_65 : i32
    %add3A_67 = arith.addi %mul3A_64, %mul3A_66 : i32
    %run_scoped3A_68 = arith.constant 0 : i32
    "tpu.region"() ({
      %run_scoped3A_827 = tpu.sem_alloc : memref<!tpu.dma_semaphore, #tpu.memory_space<semaphore_mem>>
      %dma_start3A_828 = arith.constant 0 : i32
      %dma_start3A_829 = arith.constant 0 : i32
      %dma_start3A_830 = tpu.memref_slice %arg9[%run_scoped3A_68, %dma_start3A_828, %dma_start3A_829] : memref<4x2x128xi32, #tpu.memory_space<vmem>> -> memref<1x2x128xi32, #tpu.memory_space<vmem>>
      %dma_start3A_831 = tpu.memref_squeeze %dma_start3A_830 : memref<1x2x128xi32, #tpu.memory_space<vmem>> -> memref<2x128xi32, #tpu.memory_space<vmem>>
      %dma_start3A_832 = arith.constant 0 : i32
      %dma_start3A_833 = tpu.memref_slice %arg4[%add3A_67, %dma_start3A_832] : memref<256x128xi32, #tpu.memory_space<hbm>> -> memref<2x128xi32, #tpu.memory_space<hbm>>
      %dma_start3A_834 = arith.constant 0 : i32
      %dma_start3A_835 = arith.constant 0 : i32
      %dma_start3A_836 = tpu.memref_slice %arg9[%run_scoped3A_68, %dma_start3A_834, %dma_start3A_835] : memref<4x2x128xi32, #tpu.memory_space<vmem>> -> memref<1x2x128xi32, #tpu.memory_space<vmem>>
      %dma_start3A_837 = tpu.memref_squeeze %dma_start3A_836 : memref<1x2x128xi32, #tpu.memory_space<vmem>> -> memref<2x128xi32, #tpu.memory_space<vmem>>
      %dma_start3A_838 = arith.constant 0 : i32
      %dma_start3A_839 = tpu.memref_slice %arg4[%add3A_67, %dma_start3A_838] : memref<256x128xi32, #tpu.memory_space<hbm>> -> memref<2x128xi32, #tpu.memory_space<hbm>>
      tpu.enqueue_dma source(%dma_start3A_839 : memref<2x128xi32, #tpu.memory_space<hbm>>) target(%dma_start3A_837 : memref<2x128xi32, #tpu.memory_space<vmem>>) target_semaphore(%run_scoped3A_827 : memref<!tpu.dma_semaphore, #tpu.memory_space<semaphore_mem>>)
      %dma_wait3A_840 = arith.constant 0 : i32
      %dma_wait3A_841 = arith.constant 0 : i32
      %dma_wait3A_842 = tpu.memref_slice %arg9[%run_scoped3A_68, %dma_wait3A_840, %dma_wait3A_841] : memref<4x2x128xi32, #tpu.memory_space<vmem>> -> memref<1x2x128xi32, #tpu.memory_space<vmem>>
      %dma_wait3A_843 = tpu.memref_squeeze %dma_wait3A_842 : memref<1x2x128xi32, #tpu.memory_space<vmem>> -> memref<2x128xi32, #tpu.memory_space<vmem>>
      %dma_wait3A_844 = arith.constant 0 : i32
      %dma_wait3A_845 = tpu.memref_slice %arg4[%add3A_67, %dma_wait3A_844] : memref<256x128xi32, #tpu.memory_space<hbm>> -> memref<2x128xi32, #tpu.memory_space<hbm>>
      %dma_wait3A_846 = arith.constant 0 : i32
      %dma_wait3A_847 = arith.constant 0 : i32
      %dma_wait3A_848 = tpu.memref_slice %arg9[%run_scoped3A_68, %dma_wait3A_846, %dma_wait3A_847] : memref<4x2x128xi32, #tpu.memory_space<vmem>> -> memref<1x2x128xi32, #tpu.memory_space<vmem>>
      %dma_wait3A_849 = tpu.memref_squeeze %dma_wait3A_848 : memref<1x2x128xi32, #tpu.memory_space<vmem>> -> memref<2x128xi32, #tpu.memory_space<vmem>>
      %dma_wait3A_850 = arith.constant 0 : i32
      %dma_wait3A_851 = tpu.memref_slice %arg4[%add3A_67, %dma_wait3A_850] : memref<256x128xi32, #tpu.memory_space<hbm>> -> memref<2x128xi32, #tpu.memory_space<hbm>>
      tpu.wait_dma2 semaphore(%run_scoped3A_827 : memref<!tpu.dma_semaphore, #tpu.memory_space<semaphore_mem>>) src(%dma_wait3A_851 : memref<2x128xi32, #tpu.memory_space<hbm>>) dst(%dma_wait3A_849 : memref<2x128xi32, #tpu.memory_space<vmem>>)
      tpu.yield
    }) : () -> ()
    %mul3A_69 = arith.constant 4 : i32
    %mul3A_70 = arith.muli %select_n3A, %mul3A_69 : i32
    %add3A_71 = arith.constant 1 : i32
    %add3A_72 = arith.addi %mul3A_70, %add3A_71 : i32
    %mul3A_73 = arith.constant 64 : i32
    %mul3A_74 = arith.muli %add3A_72, %mul3A_73 : i32
    %mul3A_75 = arith.constant 4 : i32
    %mul3A_76 = arith.muli %select_n3A_30, %mul3A_75 : i32
    %add3A_77 = arith.addi %mul3A_74, %mul3A_76 : i32
    %run_scoped3A_78 = arith.constant 1 : i32
    "tpu.region"() ({
      %run_scoped3A_827 = tpu.sem_alloc : memref<!tpu.dma_semaphore, #tpu.memory_space<semaphore_mem>>
      %dma_start3A_828 = arith.constant 0 : i32
      %dma_start3A_829 = arith.constant 0 : i32
      %dma_start3A_830 = tpu.memref_slice %arg8[%run_scoped3A_78, %dma_start3A_828, %dma_start3A_829] : memref<4x4x64xi32, #tpu.memory_space<vmem>> -> memref<1x4x64xi32, #tpu.memory_space<vmem>>
      %dma_start3A_831 = tpu.memref_squeeze %dma_start3A_830 : memref<1x4x64xi32, #tpu.memory_space<vmem>> -> memref<4x64xi32, #tpu.memory_space<vmem>>
      %dma_start3A_832 = arith.constant 0 : i32
      %dma_start3A_833 = tpu.memref_slice %arg3[%add3A_77, %dma_start3A_832] : memref<512x64xi32, #tpu.memory_space<hbm>> -> memref<4x64xi32, #tpu.memory_space<hbm>>
      %dma_start3A_834 = arith.constant 0 : i32
      %dma_start3A_835 = arith.constant 0 : i32
      %dma_start3A_836 = tpu.memref_slice %arg8[%run_scoped3A_78, %dma_start3A_834, %dma_start3A_835] : memref<4x4x64xi32, #tpu.memory_space<vmem>> -> memref<1x4x64xi32, #tpu.memory_space<vmem>>
      %dma_start3A_837 = tpu.memref_squeeze %dma_start3A_836 : memref<1x4x64xi32, #tpu.memory_space<vmem>> -> memref<4x64xi32, #tpu.memory_space<vmem>>
      %dma_start3A_838 = arith.constant 0 : i32
      %dma_start3A_839 = tpu.memref_slice %arg3[%add3A_77, %dma_start3A_838] : memref<512x64xi32, #tpu.memory_space<hbm>> -> memref<4x64xi32, #tpu.memory_space<hbm>>
      tpu.enqueue_dma source(%dma_start3A_839 : memref<4x64xi32, #tpu.memory_space<hbm>>) target(%dma_start3A_837 : memref<4x64xi32, #tpu.memory_space<vmem>>) target_semaphore(%run_scoped3A_827 : memref<!tpu.dma_semaphore, #tpu.memory_space<semaphore_mem>>)
      %dma_wait3A_840 = arith.constant 0 : i32
      %dma_wait3A_841 = arith.constant 0 : i32
      %dma_wait3A_842 = tpu.memref_slice %arg8[%run_scoped3A_78, %dma_wait3A_840, %dma_wait3A_841] : memref<4x4x64xi32, #tpu.memory_space<vmem>> -> memref<1x4x64xi32, #tpu.memory_space<vmem>>
      %dma_wait3A_843 = tpu.memref_squeeze %dma_wait3A_842 : memref<1x4x64xi32, #tpu.memory_space<vmem>> -> memref<4x64xi32, #tpu.memory_space<vmem>>
      %dma_wait3A_844 = arith.constant 0 : i32
      %dma_wait3A_845 = tpu.memref_slice %arg3[%add3A_77, %dma_wait3A_844] : memref<512x64xi32, #tpu.memory_space<hbm>> -> memref<4x64xi32, #tpu.memory_space<hbm>>
      %dma_wait3A_846 = arith.constant 0 : i32
      %dma_wait3A_847 = arith.constant 0 : i32
      %dma_wait3A_848 = tpu.memref_slice %arg8[%run_scoped3A_78, %dma_wait3A_846, %dma_wait3A_847] : memref<4x4x64xi32, #tpu.memory_space<vmem>> -> memref<1x4x64xi32, #tpu.memory_space<vmem>>
      %dma_wait3A_849 = tpu.memref_squeeze %dma_wait3A_848 : memref<1x4x64xi32, #tpu.memory_space<vmem>> -> memref<4x64xi32, #tpu.memory_space<vmem>>
      %dma_wait3A_850 = arith.constant 0 : i32
      %dma_wait3A_851 = tpu.memref_slice %arg3[%add3A_77, %dma_wait3A_850] : memref<512x64xi32, #tpu.memory_space<hbm>> -> memref<4x64xi32, #tpu.memory_space<hbm>>
      tpu.wait_dma2 semaphore(%run_scoped3A_827 : memref<!tpu.dma_semaphore, #tpu.memory_space<semaphore_mem>>) src(%dma_wait3A_851 : memref<4x64xi32, #tpu.memory_space<hbm>>) dst(%dma_wait3A_849 : memref<4x64xi32, #tpu.memory_space<vmem>>)
      tpu.yield
    }) : () -> ()
    %mul3A_79 = arith.constant 4 : i32
    %mul3A_80 = arith.muli %select_n3A, %mul3A_79 : i32
    %add3A_81 = arith.constant 1 : i32
    %add3A_82 = arith.addi %mul3A_80, %add3A_81 : i32
    %mul3A_83 = arith.constant 32 : i32
    %mul3A_84 = arith.muli %add3A_82, %mul3A_83 : i32
    %mul3A_85 = arith.constant 2 : i32
    %mul3A_86 = arith.muli %select_n3A_30, %mul3A_85 : i32
    %add3A_87 = arith.addi %mul3A_84, %mul3A_86 : i32
    %run_scoped3A_88 = arith.constant 1 : i32
    "tpu.region"() ({
      %run_scoped3A_827 = tpu.sem_alloc : memref<!tpu.dma_semaphore, #tpu.memory_space<semaphore_mem>>
      %dma_start3A_828 = arith.constant 0 : i32
      %dma_start3A_829 = arith.constant 0 : i32
      %dma_start3A_830 = tpu.memref_slice %arg9[%run_scoped3A_88, %dma_start3A_828, %dma_start3A_829] : memref<4x2x128xi32, #tpu.memory_space<vmem>> -> memref<1x2x128xi32, #tpu.memory_space<vmem>>
      %dma_start3A_831 = tpu.memref_squeeze %dma_start3A_830 : memref<1x2x128xi32, #tpu.memory_space<vmem>> -> memref<2x128xi32, #tpu.memory_space<vmem>>
      %dma_start3A_832 = arith.constant 0 : i32
      %dma_start3A_833 = tpu.memref_slice %arg4[%add3A_87, %dma_start3A_832] : memref<256x128xi32, #tpu.memory_space<hbm>> -> memref<2x128xi32, #tpu.memory_space<hbm>>
      %dma_start3A_834 = arith.constant 0 : i32
      %dma_start3A_835 = arith.constant 0 : i32
      %dma_start3A_836 = tpu.memref_slice %arg9[%run_scoped3A_88, %dma_start3A_834, %dma_start3A_835] : memref<4x2x128xi32, #tpu.memory_space<vmem>> -> memref<1x2x128xi32, #tpu.memory_space<vmem>>
      %dma_start3A_837 = tpu.memref_squeeze %dma_start3A_836 : memref<1x2x128xi32, #tpu.memory_space<vmem>> -> memref<2x128xi32, #tpu.memory_space<vmem>>
      %dma_start3A_838 = arith.constant 0 : i32
      %dma_start3A_839 = tpu.memref_slice %arg4[%add3A_87, %dma_start3A_838] : memref<256x128xi32, #tpu.memory_space<hbm>> -> memref<2x128xi32, #tpu.memory_space<hbm>>
      tpu.enqueue_dma source(%dma_start3A_839 : memref<2x128xi32, #tpu.memory_space<hbm>>) target(%dma_start3A_837 : memref<2x128xi32, #tpu.memory_space<vmem>>) target_semaphore(%run_scoped3A_827 : memref<!tpu.dma_semaphore, #tpu.memory_space<semaphore_mem>>)
      %dma_wait3A_840 = arith.constant 0 : i32
      %dma_wait3A_841 = arith.constant 0 : i32
      %dma_wait3A_842 = tpu.memref_slice %arg9[%run_scoped3A_88, %dma_wait3A_840, %dma_wait3A_841] : memref<4x2x128xi32, #tpu.memory_space<vmem>> -> memref<1x2x128xi32, #tpu.memory_space<vmem>>
      %dma_wait3A_843 = tpu.memref_squeeze %dma_wait3A_842 : memref<1x2x128xi32, #tpu.memory_space<vmem>> -> memref<2x128xi32, #tpu.memory_space<vmem>>
      %dma_wait3A_844 = arith.constant 0 : i32
      %dma_wait3A_845 = tpu.memref_slice %arg4[%add3A_87, %dma_wait3A_844] : memref<256x128xi32, #tpu.memory_space<hbm>> -> memref<2x128xi32, #tpu.memory_space<hbm>>
      %dma_wait3A_846 = arith.constant 0 : i32
      %dma_wait3A_847 = arith.constant 0 : i32
      %dma_wait3A_848 = tpu.memref_slice %arg9[%run_scoped3A_88, %dma_wait3A_846, %dma_wait3A_847] : memref<4x2x128xi32, #tpu.memory_space<vmem>> -> memref<1x2x128xi32, #tpu.memory_space<vmem>>
      %dma_wait3A_849 = tpu.memref_squeeze %dma_wait3A_848 : memref<1x2x128xi32, #tpu.memory_space<vmem>> -> memref<2x128xi32, #tpu.memory_space<vmem>>
      %dma_wait3A_850 = arith.constant 0 : i32
      %dma_wait3A_851 = tpu.memref_slice %arg4[%add3A_87, %dma_wait3A_850] : memref<256x128xi32, #tpu.memory_space<hbm>> -> memref<2x128xi32, #tpu.memory_space<hbm>>
      tpu.wait_dma2 semaphore(%run_scoped3A_827 : memref<!tpu.dma_semaphore, #tpu.memory_space<semaphore_mem>>) src(%dma_wait3A_851 : memref<2x128xi32, #tpu.memory_space<hbm>>) dst(%dma_wait3A_849 : memref<2x128xi32, #tpu.memory_space<vmem>>)
      tpu.yield
    }) : () -> ()
    %mul3A_89 = arith.constant 4 : i32
    %mul3A_90 = arith.muli %select_n3A, %mul3A_89 : i32
    %add3A_91 = arith.constant 2 : i32
    %add3A_92 = arith.addi %mul3A_90, %add3A_91 : i32
    %mul3A_93 = arith.constant 64 : i32
    %mul3A_94 = arith.muli %add3A_92, %mul3A_93 : i32
    %mul3A_95 = arith.constant 4 : i32
    %mul3A_96 = arith.muli %select_n3A_30, %mul3A_95 : i32
    %add3A_97 = arith.addi %mul3A_94, %mul3A_96 : i32
    %run_scoped3A_98 = arith.constant 2 : i32
    "tpu.region"() ({
      %run_scoped3A_827 = tpu.sem_alloc : memref<!tpu.dma_semaphore, #tpu.memory_space<semaphore_mem>>
      %dma_start3A_828 = arith.constant 0 : i32
      %dma_start3A_829 = arith.constant 0 : i32
      %dma_start3A_830 = tpu.memref_slice %arg8[%run_scoped3A_98, %dma_start3A_828, %dma_start3A_829] : memref<4x4x64xi32, #tpu.memory_space<vmem>> -> memref<1x4x64xi32, #tpu.memory_space<vmem>>
      %dma_start3A_831 = tpu.memref_squeeze %dma_start3A_830 : memref<1x4x64xi32, #tpu.memory_space<vmem>> -> memref<4x64xi32, #tpu.memory_space<vmem>>
      %dma_start3A_832 = arith.constant 0 : i32
      %dma_start3A_833 = tpu.memref_slice %arg3[%add3A_97, %dma_start3A_832] : memref<512x64xi32, #tpu.memory_space<hbm>> -> memref<4x64xi32, #tpu.memory_space<hbm>>
      %dma_start3A_834 = arith.constant 0 : i32
      %dma_start3A_835 = arith.constant 0 : i32
      %dma_start3A_836 = tpu.memref_slice %arg8[%run_scoped3A_98, %dma_start3A_834, %dma_start3A_835] : memref<4x4x64xi32, #tpu.memory_space<vmem>> -> memref<1x4x64xi32, #tpu.memory_space<vmem>>
      %dma_start3A_837 = tpu.memref_squeeze %dma_start3A_836 : memref<1x4x64xi32, #tpu.memory_space<vmem>> -> memref<4x64xi32, #tpu.memory_space<vmem>>
      %dma_start3A_838 = arith.constant 0 : i32
      %dma_start3A_839 = tpu.memref_slice %arg3[%add3A_97, %dma_start3A_838] : memref<512x64xi32, #tpu.memory_space<hbm>> -> memref<4x64xi32, #tpu.memory_space<hbm>>
      tpu.enqueue_dma source(%dma_start3A_839 : memref<4x64xi32, #tpu.memory_space<hbm>>) target(%dma_start3A_837 : memref<4x64xi32, #tpu.memory_space<vmem>>) target_semaphore(%run_scoped3A_827 : memref<!tpu.dma_semaphore, #tpu.memory_space<semaphore_mem>>)
      %dma_wait3A_840 = arith.constant 0 : i32
      %dma_wait3A_841 = arith.constant 0 : i32
      %dma_wait3A_842 = tpu.memref_slice %arg8[%run_scoped3A_98, %dma_wait3A_840, %dma_wait3A_841] : memref<4x4x64xi32, #tpu.memory_space<vmem>> -> memref<1x4x64xi32, #tpu.memory_space<vmem>>
      %dma_wait3A_843 = tpu.memref_squeeze %dma_wait3A_842 : memref<1x4x64xi32, #tpu.memory_space<vmem>> -> memref<4x64xi32, #tpu.memory_space<vmem>>
      %dma_wait3A_844 = arith.constant 0 : i32
      %dma_wait3A_845 = tpu.memref_slice %arg3[%add3A_97, %dma_wait3A_844] : memref<512x64xi32, #tpu.memory_space<hbm>> -> memref<4x64xi32, #tpu.memory_space<hbm>>
      %dma_wait3A_846 = arith.constant 0 : i32
      %dma_wait3A_847 = arith.constant 0 : i32
      %dma_wait3A_848 = tpu.memref_slice %arg8[%run_scoped3A_98, %dma_wait3A_846, %dma_wait3A_847] : memref<4x4x64xi32, #tpu.memory_space<vmem>> -> memref<1x4x64xi32, #tpu.memory_space<vmem>>
      %dma_wait3A_849 = tpu.memref_squeeze %dma_wait3A_848 : memref<1x4x64xi32, #tpu.memory_space<vmem>> -> memref<4x64xi32, #tpu.memory_space<vmem>>
      %dma_wait3A_850 = arith.constant 0 : i32
      %dma_wait3A_851 = tpu.memref_slice %arg3[%add3A_97, %dma_wait3A_850] : memref<512x64xi32, #tpu.memory_space<hbm>> -> memref<4x64xi32, #tpu.memory_space<hbm>>
      tpu.wait_dma2 semaphore(%run_scoped3A_827 : memref<!tpu.dma_semaphore, #tpu.memory_space<semaphore_mem>>) src(%dma_wait3A_851 : memref<4x64xi32, #tpu.memory_space<hbm>>) dst(%dma_wait3A_849 : memref<4x64xi32, #tpu.memory_space<vmem>>)
      tpu.yield
    }) : () -> ()
    %mul3A_99 = arith.constant 4 : i32
    %mul3A_100 = arith.muli %select_n3A, %mul3A_99 : i32
    %add3A_101 = arith.constant 2 : i32
    %add3A_102 = arith.addi %mul3A_100, %add3A_101 : i32
    %mul3A_103 = arith.constant 32 : i32
    %mul3A_104 = arith.muli %add3A_102, %mul3A_103 : i32
    %mul3A_105 = arith.constant 2 : i32
    %mul3A_106 = arith.muli %select_n3A_30, %mul3A_105 : i32
    %add3A_107 = arith.addi %mul3A_104, %mul3A_106 : i32
    %run_scoped3A_108 = arith.constant 2 : i32
    "tpu.region"() ({
      %run_scoped3A_827 = tpu.sem_alloc : memref<!tpu.dma_semaphore, #tpu.memory_space<semaphore_mem>>
      %dma_start3A_828 = arith.constant 0 : i32
      %dma_start3A_829 = arith.constant 0 : i32
      %dma_start3A_830 = tpu.memref_slice %arg9[%run_scoped3A_108, %dma_start3A_828, %dma_start3A_829] : memref<4x2x128xi32, #tpu.memory_space<vmem>> -> memref<1x2x128xi32, #tpu.memory_space<vmem>>
      %dma_start3A_831 = tpu.memref_squeeze %dma_start3A_830 : memref<1x2x128xi32, #tpu.memory_space<vmem>> -> memref<2x128xi32, #tpu.memory_space<vmem>>
      %dma_start3A_832 = arith.constant 0 : i32
      %dma_start3A_833 = tpu.memref_slice %arg4[%add3A_107, %dma_start3A_832] : memref<256x128xi32, #tpu.memory_space<hbm>> -> memref<2x128xi32, #tpu.memory_space<hbm>>
      %dma_start3A_834 = arith.constant 0 : i32
      %dma_start3A_835 = arith.constant 0 : i32
      %dma_start3A_836 = tpu.memref_slice %arg9[%run_scoped3A_108, %dma_start3A_834, %dma_start3A_835] : memref<4x2x128xi32, #tpu.memory_space<vmem>> -> memref<1x2x128xi32, #tpu.memory_space<vmem>>
      %dma_start3A_837 = tpu.memref_squeeze %dma_start3A_836 : memref<1x2x128xi32, #tpu.memory_space<vmem>> -> memref<2x128xi32, #tpu.memory_space<vmem>>
      %dma_start3A_838 = arith.constant 0 : i32
      %dma_start3A_839 = tpu.memref_slice %arg4[%add3A_107, %dma_start3A_838] : memref<256x128xi32, #tpu.memory_space<hbm>> -> memref<2x128xi32, #tpu.memory_space<hbm>>
      tpu.enqueue_dma source(%dma_start3A_839 : memref<2x128xi32, #tpu.memory_space<hbm>>) target(%dma_start3A_837 : memref<2x128xi32, #tpu.memory_space<vmem>>) target_semaphore(%run_scoped3A_827 : memref<!tpu.dma_semaphore, #tpu.memory_space<semaphore_mem>>)
      %dma_wait3A_840 = arith.constant 0 : i32
      %dma_wait3A_841 = arith.constant 0 : i32
      %dma_wait3A_842 = tpu.memref_slice %arg9[%run_scoped3A_108, %dma_wait3A_840, %dma_wait3A_841] : memref<4x2x128xi32, #tpu.memory_space<vmem>> -> memref<1x2x128xi32, #tpu.memory_space<vmem>>
      %dma_wait3A_843 = tpu.memref_squeeze %dma_wait3A_842 : memref<1x2x128xi32, #tpu.memory_space<vmem>> -> memref<2x128xi32, #tpu.memory_space<vmem>>
      %dma_wait3A_844 = arith.constant 0 : i32
      %dma_wait3A_845 = tpu.memref_slice %arg4[%add3A_107, %dma_wait3A_844] : memref<256x128xi32, #tpu.memory_space<hbm>> -> memref<2x128xi32, #tpu.memory_space<hbm>>
      %dma_wait3A_846 = arith.constant 0 : i32
      %dma_wait3A_847 = arith.constant 0 : i32
      %dma_wait3A_848 = tpu.memref_slice %arg9[%run_scoped3A_108, %dma_wait3A_846, %dma_wait3A_847] : memref<4x2x128xi32, #tpu.memory_space<vmem>> -> memref<1x2x128xi32, #tpu.memory_space<vmem>>
      %dma_wait3A_849 = tpu.memref_squeeze %dma_wait3A_848 : memref<1x2x128xi32, #tpu.memory_space<vmem>> -> memref<2x128xi32, #tpu.memory_space<vmem>>
      %dma_wait3A_850 = arith.constant 0 : i32
      %dma_wait3A_851 = tpu.memref_slice %arg4[%add3A_107, %dma_wait3A_850] : memref<256x128xi32, #tpu.memory_space<hbm>> -> memref<2x128xi32, #tpu.memory_space<hbm>>
      tpu.wait_dma2 semaphore(%run_scoped3A_827 : memref<!tpu.dma_semaphore, #tpu.memory_space<semaphore_mem>>) src(%dma_wait3A_851 : memref<2x128xi32, #tpu.memory_space<hbm>>) dst(%dma_wait3A_849 : memref<2x128xi32, #tpu.memory_space<vmem>>)
      tpu.yield
    }) : () -> ()
    %mul3A_109 = arith.constant 4 : i32
    %mul3A_110 = arith.muli %select_n3A, %mul3A_109 : i32
    %add3A_111 = arith.constant 3 : i32
    %add3A_112 = arith.addi %mul3A_110, %add3A_111 : i32
    %mul3A_113 = arith.constant 64 : i32
    %mul3A_114 = arith.muli %add3A_112, %mul3A_113 : i32
    %mul3A_115 = arith.constant 4 : i32
    %mul3A_116 = arith.muli %select_n3A_30, %mul3A_115 : i32
    %add3A_117 = arith.addi %mul3A_114, %mul3A_116 : i32
    %run_scoped3A_118 = arith.constant 3 : i32
    "tpu.region"() ({
      %run_scoped3A_827 = tpu.sem_alloc : memref<!tpu.dma_semaphore, #tpu.memory_space<semaphore_mem>>
      %dma_start3A_828 = arith.constant 0 : i32
      %dma_start3A_829 = arith.constant 0 : i32
      %dma_start3A_830 = tpu.memref_slice %arg8[%run_scoped3A_118, %dma_start3A_828, %dma_start3A_829] : memref<4x4x64xi32, #tpu.memory_space<vmem>> -> memref<1x4x64xi32, #tpu.memory_space<vmem>>
      %dma_start3A_831 = tpu.memref_squeeze %dma_start3A_830 : memref<1x4x64xi32, #tpu.memory_space<vmem>> -> memref<4x64xi32, #tpu.memory_space<vmem>>
      %dma_start3A_832 = arith.constant 0 : i32
      %dma_start3A_833 = tpu.memref_slice %arg3[%add3A_117, %dma_start3A_832] : memref<512x64xi32, #tpu.memory_space<hbm>> -> memref<4x64xi32, #tpu.memory_space<hbm>>
      %dma_start3A_834 = arith.constant 0 : i32
      %dma_start3A_835 = arith.constant 0 : i32
      %dma_start3A_836 = tpu.memref_slice %arg8[%run_scoped3A_118, %dma_start3A_834, %dma_start3A_835] : memref<4x4x64xi32, #tpu.memory_space<vmem>> -> memref<1x4x64xi32, #tpu.memory_space<vmem>>
      %dma_start3A_837 = tpu.memref_squeeze %dma_start3A_836 : memref<1x4x64xi32, #tpu.memory_space<vmem>> -> memref<4x64xi32, #tpu.memory_space<vmem>>
      %dma_start3A_838 = arith.constant 0 : i32
      %dma_start3A_839 = tpu.memref_slice %arg3[%add3A_117, %dma_start3A_838] : memref<512x64xi32, #tpu.memory_space<hbm>> -> memref<4x64xi32, #tpu.memory_space<hbm>>
      tpu.enqueue_dma source(%dma_start3A_839 : memref<4x64xi32, #tpu.memory_space<hbm>>) target(%dma_start3A_837 : memref<4x64xi32, #tpu.memory_space<vmem>>) target_semaphore(%run_scoped3A_827 : memref<!tpu.dma_semaphore, #tpu.memory_space<semaphore_mem>>)
      %dma_wait3A_840 = arith.constant 0 : i32
      %dma_wait3A_841 = arith.constant 0 : i32
      %dma_wait3A_842 = tpu.memref_slice %arg8[%run_scoped3A_118, %dma_wait3A_840, %dma_wait3A_841] : memref<4x4x64xi32, #tpu.memory_space<vmem>> -> memref<1x4x64xi32, #tpu.memory_space<vmem>>
      %dma_wait3A_843 = tpu.memref_squeeze %dma_wait3A_842 : memref<1x4x64xi32, #tpu.memory_space<vmem>> -> memref<4x64xi32, #tpu.memory_space<vmem>>
      %dma_wait3A_844 = arith.constant 0 : i32
      %dma_wait3A_845 = tpu.memref_slice %arg3[%add3A_117, %dma_wait3A_844] : memref<512x64xi32, #tpu.memory_space<hbm>> -> memref<4x64xi32, #tpu.memory_space<hbm>>
      %dma_wait3A_846 = arith.constant 0 : i32
      %dma_wait3A_847 = arith.constant 0 : i32
      %dma_wait3A_848 = tpu.memref_slice %arg8[%run_scoped3A_118, %dma_wait3A_846, %dma_wait3A_847] : memref<4x4x64xi32, #tpu.memory_space<vmem>> -> memref<1x4x64xi32, #tpu.memory_space<vmem>>
      %dma_wait3A_849 = tpu.memref_squeeze %dma_wait3A_848 : memref<1x4x64xi32, #tpu.memory_space<vmem>> -> memref<4x64xi32, #tpu.memory_space<vmem>>
      %dma_wait3A_850 = arith.constant 0 : i32
      %dma_wait3A_851 = tpu.memref_slice %arg3[%add3A_117, %dma_wait3A_850] : memref<512x64xi32, #tpu.memory_space<hbm>> -> memref<4x64xi32, #tpu.memory_space<hbm>>
      tpu.wait_dma2 semaphore(%run_scoped3A_827 : memref<!tpu.dma_semaphore, #tpu.memory_space<semaphore_mem>>) src(%dma_wait3A_851 : memref<4x64xi32, #tpu.memory_space<hbm>>) dst(%dma_wait3A_849 : memref<4x64xi32, #tpu.memory_space<vmem>>)
      tpu.yield
    }) : () -> ()
    %mul3A_119 = arith.constant 4 : i32
    %mul3A_120 = arith.muli %select_n3A, %mul3A_119 : i32
    %add3A_121 = arith.constant 3 : i32
    %add3A_122 = arith.addi %mul3A_120, %add3A_121 : i32
    %mul3A_123 = arith.constant 32 : i32
    %mul3A_124 = arith.muli %add3A_122, %mul3A_123 : i32
    %mul3A_125 = arith.constant 2 : i32
    %mul3A_126 = arith.muli %select_n3A_30, %mul3A_125 : i32
    %add3A_127 = arith.addi %mul3A_124, %mul3A_126 : i32
    %run_scoped3A_128 = arith.constant 3 : i32
    "tpu.region"() ({
      %run_scoped3A_827 = tpu.sem_alloc : memref<!tpu.dma_semaphore, #tpu.memory_space<semaphore_mem>>
      %dma_start3A_828 = arith.constant 0 : i32
      %dma_start3A_829 = arith.constant 0 : i32
      %dma_start3A_830 = tpu.memref_slice %arg9[%run_scoped3A_128, %dma_start3A_828, %dma_start3A_829] : memref<4x2x128xi32, #tpu.memory_space<vmem>> -> memref<1x2x128xi32, #tpu.memory_space<vmem>>
      %dma_start3A_831 = tpu.memref_squeeze %dma_start3A_830 : memref<1x2x128xi32, #tpu.memory_space<vmem>> -> memref<2x128xi32, #tpu.memory_space<vmem>>
      %dma_start3A_832 = arith.constant 0 : i32
      %dma_start3A_833 = tpu.memref_slice %arg4[%add3A_127, %dma_start3A_832] : memref<256x128xi32, #tpu.memory_space<hbm>> -> memref<2x128xi32, #tpu.memory_space<hbm>>
      %dma_start3A_834 = arith.constant 0 : i32
      %dma_start3A_835 = arith.constant 0 : i32
      %dma_start3A_836 = tpu.memref_slice %arg9[%run_scoped3A_128, %dma_start3A_834, %dma_start3A_835] : memref<4x2x128xi32, #tpu.memory_space<vmem>> -> memref<1x2x128xi32, #tpu.memory_space<vmem>>
      %dma_start3A_837 = tpu.memref_squeeze %dma_start3A_836 : memref<1x2x128xi32, #tpu.memory_space<vmem>> -> memref<2x128xi32, #tpu.memory_space<vmem>>
      %dma_start3A_838 = arith.constant 0 : i32
      %dma_start3A_839 = tpu.memref_slice %arg4[%add3A_127, %dma_start3A_838] : memref<256x128xi32, #tpu.memory_space<hbm>> -> memref<2x128xi32, #tpu.memory_space<hbm>>
      tpu.enqueue_dma source(%dma_start3A_839 : memref<2x128xi32, #tpu.memory_space<hbm>>) target(%dma_start3A_837 : memref<2x128xi32, #tpu.memory_space<vmem>>) target_semaphore(%run_scoped3A_827 : memref<!tpu.dma_semaphore, #tpu.memory_space<semaphore_mem>>)
      %dma_wait3A_840 = arith.constant 0 : i32
      %dma_wait3A_841 = arith.constant 0 : i32
      %dma_wait3A_842 = tpu.memref_slice %arg9[%run_scoped3A_128, %dma_wait3A_840, %dma_wait3A_841] : memref<4x2x128xi32, #tpu.memory_space<vmem>> -> memref<1x2x128xi32, #tpu.memory_space<vmem>>
      %dma_wait3A_843 = tpu.memref_squeeze %dma_wait3A_842 : memref<1x2x128xi32, #tpu.memory_space<vmem>> -> memref<2x128xi32, #tpu.memory_space<vmem>>
      %dma_wait3A_844 = arith.constant 0 : i32
      %dma_wait3A_845 = tpu.memref_slice %arg4[%add3A_127, %dma_wait3A_844] : memref<256x128xi32, #tpu.memory_space<hbm>> -> memref<2x128xi32, #tpu.memory_space<hbm>>
      %dma_wait3A_846 = arith.constant 0 : i32
      %dma_wait3A_847 = arith.constant 0 : i32
      %dma_wait3A_848 = tpu.memref_slice %arg9[%run_scoped3A_128, %dma_wait3A_846, %dma_wait3A_847] : memref<4x2x128xi32, #tpu.memory_space<vmem>> -> memref<1x2x128xi32, #tpu.memory_space<vmem>>
      %dma_wait3A_849 = tpu.memref_squeeze %dma_wait3A_848 : memref<1x2x128xi32, #tpu.memory_space<vmem>> -> memref<2x128xi32, #tpu.memory_space<vmem>>
      %dma_wait3A_850 = arith.constant 0 : i32
      %dma_wait3A_851 = tpu.memref_slice %arg4[%add3A_127, %dma_wait3A_850] : memref<256x128xi32, #tpu.memory_space<hbm>> -> memref<2x128xi32, #tpu.memory_space<hbm>>
      tpu.wait_dma2 semaphore(%run_scoped3A_827 : memref<!tpu.dma_semaphore, #tpu.memory_space<semaphore_mem>>) src(%dma_wait3A_851 : memref<2x128xi32, #tpu.memory_space<hbm>>) dst(%dma_wait3A_849 : memref<2x128xi32, #tpu.memory_space<vmem>>)
      tpu.yield
    }) : () -> ()
    %mul3A_129 = arith.constant 2 : i32
    %mul3A_130 = arith.muli %select_n3A_30, %mul3A_129 : i32
    "tpu.region"() ({
      %run_scoped3A_827 = tpu.sem_alloc : memref<!tpu.dma_semaphore, #tpu.memory_space<semaphore_mem>>
      %dma_start3A_828 = arith.constant 0 : i32
      %dma_start3A_829 = tpu.memref_slice %arg5[%mul3A_130, %dma_start3A_828] : memref<32x128xi32, #tpu.memory_space<hbm>> -> memref<2x128xi32, #tpu.memory_space<hbm>>
      %dma_start3A_830 = arith.constant 0 : i32
      %dma_start3A_831 = tpu.memref_slice %arg5[%mul3A_130, %dma_start3A_830] : memref<32x128xi32, #tpu.memory_space<hbm>> -> memref<2x128xi32, #tpu.memory_space<hbm>>
      tpu.enqueue_dma source(%dma_start3A_831 : memref<2x128xi32, #tpu.memory_space<hbm>>) target(%arg10 : memref<2x128xi32, #tpu.memory_space<vmem>>) target_semaphore(%run_scoped3A_827 : memref<!tpu.dma_semaphore, #tpu.memory_space<semaphore_mem>>)
      %dma_wait3A_832 = arith.constant 0 : i32
      %dma_wait3A_833 = tpu.memref_slice %arg5[%mul3A_130, %dma_wait3A_832] : memref<32x128xi32, #tpu.memory_space<hbm>> -> memref<2x128xi32, #tpu.memory_space<hbm>>
      %dma_wait3A_834 = arith.constant 0 : i32
      %dma_wait3A_835 = tpu.memref_slice %arg5[%mul3A_130, %dma_wait3A_834] : memref<32x128xi32, #tpu.memory_space<hbm>> -> memref<2x128xi32, #tpu.memory_space<hbm>>
      tpu.wait_dma2 semaphore(%run_scoped3A_827 : memref<!tpu.dma_semaphore, #tpu.memory_space<semaphore_mem>>) src(%dma_wait3A_835 : memref<2x128xi32, #tpu.memory_space<hbm>>) dst(%arg10 : memref<2x128xi32, #tpu.memory_space<vmem>>)
      tpu.yield
    }) : () -> ()
    %dma_start3A_131 = arith.constant 0 : i32
    %dma_start3A_132 = arith.constant 0 : i32
    %dma_start3A_133 = arith.constant 0 : i32
    %dma_start3A_134 = arith.constant 0 : i32
    %dma_start3A_135 = tpu.memref_slice %arg10[%dma_start3A_131, %dma_start3A_134] : memref<2x128xi32, #tpu.memory_space<vmem>> -> memref<1x128xi32, #tpu.memory_space<vmem>>
    %dma_start3A_136 = tpu.memref_squeeze %dma_start3A_135 : memref<1x128xi32, #tpu.memory_space<vmem>> -> memref<128xi32, #tpu.memory_space<vmem>>
    %dma_start3A_137 = arith.constant 0 : i32
    %dma_start3A_138 = tpu.memref_slice %arg9[%dma_start3A_132, %dma_start3A_133, %dma_start3A_137] : memref<4x2x128xi32, #tpu.memory_space<vmem>> -> memref<1x1x128xi32, #tpu.memory_space<vmem>>
    %dma_start3A_139 = tpu.memref_squeeze %dma_start3A_138 : memref<1x1x128xi32, #tpu.memory_space<vmem>> -> memref<128xi32, #tpu.memory_space<vmem>>
    %dma_start3A_140 = arith.constant 0 : i32
    %dma_start3A_141 = tpu.memref_slice %arg7[%dma_start3A_140] : memref<32768xi32, #tpu.memory_space<hbm>> -> memref<32768xi32, #tpu.memory_space<hbm>>
    tpu.enqueue_indirect_dma source(%dma_start3A_136 : memref<128xi32, #tpu.memory_space<vmem>>) target(%dma_start3A_141 : memref<32768xi32, #tpu.memory_space<hbm>>) offsets(%dma_start3A_139 : memref<128xi32, #tpu.memory_space<vmem>>) semaphore(%arg16 : memref<!tpu.dma_semaphore, #tpu.memory_space<semaphore_mem>>)
    %dma_start3A_142 = arith.constant 1 : i32
    %dma_start3A_143 = arith.constant 0 : i32
    %dma_start3A_144 = arith.constant 1 : i32
    %dma_start3A_145 = arith.constant 0 : i32
    %dma_start3A_146 = tpu.memref_slice %arg10[%dma_start3A_142, %dma_start3A_145] : memref<2x128xi32, #tpu.memory_space<vmem>> -> memref<1x128xi32, #tpu.memory_space<vmem>>
    %dma_start3A_147 = tpu.memref_squeeze %dma_start3A_146 : memref<1x128xi32, #tpu.memory_space<vmem>> -> memref<128xi32, #tpu.memory_space<vmem>>
    %dma_start3A_148 = arith.constant 0 : i32
    %dma_start3A_149 = tpu.memref_slice %arg9[%dma_start3A_143, %dma_start3A_144, %dma_start3A_148] : memref<4x2x128xi32, #tpu.memory_space<vmem>> -> memref<1x1x128xi32, #tpu.memory_space<vmem>>
    %dma_start3A_150 = tpu.memref_squeeze %dma_start3A_149 : memref<1x1x128xi32, #tpu.memory_space<vmem>> -> memref<128xi32, #tpu.memory_space<vmem>>
    %dma_start3A_151 = arith.constant 0 : i32
    %dma_start3A_152 = tpu.memref_slice %arg7[%dma_start3A_151] : memref<32768xi32, #tpu.memory_space<hbm>> -> memref<32768xi32, #tpu.memory_space<hbm>>
    tpu.enqueue_indirect_dma source(%dma_start3A_147 : memref<128xi32, #tpu.memory_space<vmem>>) target(%dma_start3A_152 : memref<32768xi32, #tpu.memory_space<hbm>>) offsets(%dma_start3A_150 : memref<128xi32, #tpu.memory_space<vmem>>) semaphore(%arg16 : memref<!tpu.dma_semaphore, #tpu.memory_space<semaphore_mem>>)
    %dma_start3A_153 = arith.constant 0 : i32
    %dma_start3A_154 = arith.constant 1 : i32
    %dma_start3A_155 = arith.constant 0 : i32
    %dma_start3A_156 = arith.constant 0 : i32
    %dma_start3A_157 = tpu.memref_slice %arg10[%dma_start3A_153, %dma_start3A_156] : memref<2x128xi32, #tpu.memory_space<vmem>> -> memref<1x128xi32, #tpu.memory_space<vmem>>
    %dma_start3A_158 = tpu.memref_squeeze %dma_start3A_157 : memref<1x128xi32, #tpu.memory_space<vmem>> -> memref<128xi32, #tpu.memory_space<vmem>>
    %dma_start3A_159 = arith.constant 0 : i32
    %dma_start3A_160 = tpu.memref_slice %arg9[%dma_start3A_154, %dma_start3A_155, %dma_start3A_159] : memref<4x2x128xi32, #tpu.memory_space<vmem>> -> memref<1x1x128xi32, #tpu.memory_space<vmem>>
    %dma_start3A_161 = tpu.memref_squeeze %dma_start3A_160 : memref<1x1x128xi32, #tpu.memory_space<vmem>> -> memref<128xi32, #tpu.memory_space<vmem>>
    %dma_start3A_162 = arith.constant 0 : i32
    %dma_start3A_163 = tpu.memref_slice %arg7[%dma_start3A_162] : memref<32768xi32, #tpu.memory_space<hbm>> -> memref<32768xi32, #tpu.memory_space<hbm>>
    tpu.enqueue_indirect_dma source(%dma_start3A_158 : memref<128xi32, #tpu.memory_space<vmem>>) target(%dma_start3A_163 : memref<32768xi32, #tpu.memory_space<hbm>>) offsets(%dma_start3A_161 : memref<128xi32, #tpu.memory_space<vmem>>) semaphore(%arg16 : memref<!tpu.dma_semaphore, #tpu.memory_space<semaphore_mem>>)
    %dma_start3A_164 = arith.constant 1 : i32
    %dma_start3A_165 = arith.constant 1 : i32
    %dma_start3A_166 = arith.constant 1 : i32
    %dma_start3A_167 = arith.constant 0 : i32
    %dma_start3A_168 = tpu.memref_slice %arg10[%dma_start3A_164, %dma_start3A_167] : memref<2x128xi32, #tpu.memory_space<vmem>> -> memref<1x128xi32, #tpu.memory_space<vmem>>
    %dma_start3A_169 = tpu.memref_squeeze %dma_start3A_168 : memref<1x128xi32, #tpu.memory_space<vmem>> -> memref<128xi32, #tpu.memory_space<vmem>>
    %dma_start3A_170 = arith.constant 0 : i32
    %dma_start3A_171 = tpu.memref_slice %arg9[%dma_start3A_165, %dma_start3A_166, %dma_start3A_170] : memref<4x2x128xi32, #tpu.memory_space<vmem>> -> memref<1x1x128xi32, #tpu.memory_space<vmem>>
    %dma_start3A_172 = tpu.memref_squeeze %dma_start3A_171 : memref<1x1x128xi32, #tpu.memory_space<vmem>> -> memref<128xi32, #tpu.memory_space<vmem>>
    %dma_start3A_173 = arith.constant 0 : i32
    %dma_start3A_174 = tpu.memref_slice %arg7[%dma_start3A_173] : memref<32768xi32, #tpu.memory_space<hbm>> -> memref<32768xi32, #tpu.memory_space<hbm>>
    tpu.enqueue_indirect_dma source(%dma_start3A_169 : memref<128xi32, #tpu.memory_space<vmem>>) target(%dma_start3A_174 : memref<32768xi32, #tpu.memory_space<hbm>>) offsets(%dma_start3A_172 : memref<128xi32, #tpu.memory_space<vmem>>) semaphore(%arg16 : memref<!tpu.dma_semaphore, #tpu.memory_space<semaphore_mem>>)
    %dma_start3A_175 = arith.constant 0 : i32
    %dma_start3A_176 = arith.constant 2 : i32
    %dma_start3A_177 = arith.constant 0 : i32
    %dma_start3A_178 = arith.constant 0 : i32
    %dma_start3A_179 = tpu.memref_slice %arg10[%dma_start3A_175, %dma_start3A_178] : memref<2x128xi32, #tpu.memory_space<vmem>> -> memref<1x128xi32, #tpu.memory_space<vmem>>
    %dma_start3A_180 = tpu.memref_squeeze %dma_start3A_179 : memref<1x128xi32, #tpu.memory_space<vmem>> -> memref<128xi32, #tpu.memory_space<vmem>>
    %dma_start3A_181 = arith.constant 0 : i32
    %dma_start3A_182 = tpu.memref_slice %arg9[%dma_start3A_176, %dma_start3A_177, %dma_start3A_181] : memref<4x2x128xi32, #tpu.memory_space<vmem>> -> memref<1x1x128xi32, #tpu.memory_space<vmem>>
    %dma_start3A_183 = tpu.memref_squeeze %dma_start3A_182 : memref<1x1x128xi32, #tpu.memory_space<vmem>> -> memref<128xi32, #tpu.memory_space<vmem>>
    %dma_start3A_184 = arith.constant 0 : i32
    %dma_start3A_185 = tpu.memref_slice %arg7[%dma_start3A_184] : memref<32768xi32, #tpu.memory_space<hbm>> -> memref<32768xi32, #tpu.memory_space<hbm>>
    tpu.enqueue_indirect_dma source(%dma_start3A_180 : memref<128xi32, #tpu.memory_space<vmem>>) target(%dma_start3A_185 : memref<32768xi32, #tpu.memory_space<hbm>>) offsets(%dma_start3A_183 : memref<128xi32, #tpu.memory_space<vmem>>) semaphore(%arg16 : memref<!tpu.dma_semaphore, #tpu.memory_space<semaphore_mem>>)
    %dma_start3A_186 = arith.constant 1 : i32
    %dma_start3A_187 = arith.constant 2 : i32
    %dma_start3A_188 = arith.constant 1 : i32
    %dma_start3A_189 = arith.constant 0 : i32
    %dma_start3A_190 = tpu.memref_slice %arg10[%dma_start3A_186, %dma_start3A_189] : memref<2x128xi32, #tpu.memory_space<vmem>> -> memref<1x128xi32, #tpu.memory_space<vmem>>
    %dma_start3A_191 = tpu.memref_squeeze %dma_start3A_190 : memref<1x128xi32, #tpu.memory_space<vmem>> -> memref<128xi32, #tpu.memory_space<vmem>>
    %dma_start3A_192 = arith.constant 0 : i32
    %dma_start3A_193 = tpu.memref_slice %arg9[%dma_start3A_187, %dma_start3A_188, %dma_start3A_192] : memref<4x2x128xi32, #tpu.memory_space<vmem>> -> memref<1x1x128xi32, #tpu.memory_space<vmem>>
    %dma_start3A_194 = tpu.memref_squeeze %dma_start3A_193 : memref<1x1x128xi32, #tpu.memory_space<vmem>> -> memref<128xi32, #tpu.memory_space<vmem>>
    %dma_start3A_195 = arith.constant 0 : i32
    %dma_start3A_196 = tpu.memref_slice %arg7[%dma_start3A_195] : memref<32768xi32, #tpu.memory_space<hbm>> -> memref<32768xi32, #tpu.memory_space<hbm>>
    tpu.enqueue_indirect_dma source(%dma_start3A_191 : memref<128xi32, #tpu.memory_space<vmem>>) target(%dma_start3A_196 : memref<32768xi32, #tpu.memory_space<hbm>>) offsets(%dma_start3A_194 : memref<128xi32, #tpu.memory_space<vmem>>) semaphore(%arg16 : memref<!tpu.dma_semaphore, #tpu.memory_space<semaphore_mem>>)
    %dma_start3A_197 = arith.constant 0 : i32
    %dma_start3A_198 = arith.constant 3 : i32
    %dma_start3A_199 = arith.constant 0 : i32
    %dma_start3A_200 = arith.constant 0 : i32
    %dma_start3A_201 = tpu.memref_slice %arg10[%dma_start3A_197, %dma_start3A_200] : memref<2x128xi32, #tpu.memory_space<vmem>> -> memref<1x128xi32, #tpu.memory_space<vmem>>
    %dma_start3A_202 = tpu.memref_squeeze %dma_start3A_201 : memref<1x128xi32, #tpu.memory_space<vmem>> -> memref<128xi32, #tpu.memory_space<vmem>>
    %dma_start3A_203 = arith.constant 0 : i32
    %dma_start3A_204 = tpu.memref_slice %arg9[%dma_start3A_198, %dma_start3A_199, %dma_start3A_203] : memref<4x2x128xi32, #tpu.memory_space<vmem>> -> memref<1x1x128xi32, #tpu.memory_space<vmem>>
    %dma_start3A_205 = tpu.memref_squeeze %dma_start3A_204 : memref<1x1x128xi32, #tpu.memory_space<vmem>> -> memref<128xi32, #tpu.memory_space<vmem>>
    %dma_start3A_206 = arith.constant 0 : i32
    %dma_start3A_207 = tpu.memref_slice %arg7[%dma_start3A_206] : memref<32768xi32, #tpu.memory_space<hbm>> -> memref<32768xi32, #tpu.memory_space<hbm>>
    tpu.enqueue_indirect_dma source(%dma_start3A_202 : memref<128xi32, #tpu.memory_space<vmem>>) target(%dma_start3A_207 : memref<32768xi32, #tpu.memory_space<hbm>>) offsets(%dma_start3A_205 : memref<128xi32, #tpu.memory_space<vmem>>) semaphore(%arg16 : memref<!tpu.dma_semaphore, #tpu.memory_space<semaphore_mem>>)
    %dma_start3A_208 = arith.constant 1 : i32
    %dma_start3A_209 = arith.constant 3 : i32
    %dma_start3A_210 = arith.constant 1 : i32
    %dma_start3A_211 = arith.constant 0 : i32
    %dma_start3A_212 = tpu.memref_slice %arg10[%dma_start3A_208, %dma_start3A_211] : memref<2x128xi32, #tpu.memory_space<vmem>> -> memref<1x128xi32, #tpu.memory_space<vmem>>
    %dma_start3A_213 = tpu.memref_squeeze %dma_start3A_212 : memref<1x128xi32, #tpu.memory_space<vmem>> -> memref<128xi32, #tpu.memory_space<vmem>>
    %dma_start3A_214 = arith.constant 0 : i32
    %dma_start3A_215 = tpu.memref_slice %arg9[%dma_start3A_209, %dma_start3A_210, %dma_start3A_214] : memref<4x2x128xi32, #tpu.memory_space<vmem>> -> memref<1x1x128xi32, #tpu.memory_space<vmem>>
    %dma_start3A_216 = tpu.memref_squeeze %dma_start3A_215 : memref<1x1x128xi32, #tpu.memory_space<vmem>> -> memref<128xi32, #tpu.memory_space<vmem>>
    %dma_start3A_217 = arith.constant 0 : i32
    %dma_start3A_218 = tpu.memref_slice %arg7[%dma_start3A_217] : memref<32768xi32, #tpu.memory_space<hbm>> -> memref<32768xi32, #tpu.memory_space<hbm>>
    tpu.enqueue_indirect_dma source(%dma_start3A_213 : memref<128xi32, #tpu.memory_space<vmem>>) target(%dma_start3A_218 : memref<32768xi32, #tpu.memory_space<hbm>>) offsets(%dma_start3A_216 : memref<128xi32, #tpu.memory_space<vmem>>) semaphore(%arg16 : memref<!tpu.dma_semaphore, #tpu.memory_space<semaphore_mem>>)
    %add3A_219 = arith.constant 0 : i32
    %add3A_220 = arith.addi %add3A_35, %add3A_219 : i32
    %dma_wait3A = arith.constant 0 : i32
    %dma_wait3A_221 = arith.constant 0 : i32
    %dma_wait3A_222 = arith.constant 0 : i32
    %dma_wait3A_223 = tpu.memref_slice %arg11[%dma_wait3A, %dma_wait3A_221, %dma_wait3A_222] : memref<1x64x1024xf32, #tpu.memory_space<vmem>> -> memref<1x64x1024xf32, #tpu.memory_space<vmem>>
    %dma_wait3A_224 = tpu.memref_squeeze %dma_wait3A_223 : memref<1x64x1024xf32, #tpu.memory_space<vmem>> -> memref<64x1024xf32, #tpu.memory_space<vmem>>
    %dma_wait3A_225 = arith.constant 0 : i32
    %dma_wait3A_226 = tpu.memref_slice %arg2[%add3A_220, %dma_wait3A_225] : memref<8192x1024xf32, #tpu.memory_space<hbm>> -> memref<64x1024xf32, #tpu.memory_space<hbm>>
    %dma_wait3A_227 = arith.constant 0 : i32
    %dma_wait3A_228 = arith.constant 0 : i32
    %dma_wait3A_229 = tpu.memref_slice %arg11[%dma_wait3A, %dma_wait3A_227, %dma_wait3A_228] : memref<1x64x1024xf32, #tpu.memory_space<vmem>> -> memref<1x64x1024xf32, #tpu.memory_space<vmem>>
    %dma_wait3A_230 = tpu.memref_squeeze %dma_wait3A_229 : memref<1x64x1024xf32, #tpu.memory_space<vmem>> -> memref<64x1024xf32, #tpu.memory_space<vmem>>
    %dma_wait3A_231 = arith.constant 0 : i32
    %dma_wait3A_232 = tpu.memref_slice %arg2[%add3A_220, %dma_wait3A_231] : memref<8192x1024xf32, #tpu.memory_space<hbm>> -> memref<64x1024xf32, #tpu.memory_space<hbm>>
    tpu.wait_dma2 semaphore(%arg12 : memref<!tpu.dma_semaphore, #tpu.memory_space<semaphore_mem>>) src(%dma_wait3A_232 : memref<64x1024xf32, #tpu.memory_space<hbm>>) dst(%dma_wait3A_230 : memref<64x1024xf32, #tpu.memory_space<vmem>>)
    %dma_start3A_233 = arith.constant 0 : i32
    %dma_start3A_234 = arith.constant 0 : i32
    %dma_start3A_235 = arith.constant 0 : i32
    %dma_start3A_236 = arith.constant 0 : i32
    %dma_start3A_237 = arith.constant 0 : i32
    %dma_start3A_238 = tpu.memref_slice %arg11[%dma_start3A_233, %dma_start3A_236, %dma_start3A_237] : memref<1x64x1024xf32, #tpu.memory_space<vmem>> -> memref<1x64x1024xf32, #tpu.memory_space<vmem>>
    %dma_start3A_239 = tpu.memref_squeeze %dma_start3A_238 : memref<1x64x1024xf32, #tpu.memory_space<vmem>> -> memref<64x1024xf32, #tpu.memory_space<vmem>>
    %dma_start3A_240 = arith.constant 0 : i32
    %dma_start3A_241 = tpu.memref_slice %arg8[%dma_start3A_234, %dma_start3A_235, %dma_start3A_240] : memref<4x4x64xi32, #tpu.memory_space<vmem>> -> memref<1x1x64xi32, #tpu.memory_space<vmem>>
    %dma_start3A_242 = tpu.memref_squeeze %dma_start3A_241 : memref<1x1x64xi32, #tpu.memory_space<vmem>> -> memref<64xi32, #tpu.memory_space<vmem>>
    %dma_start3A_243 = arith.constant 0 : i32
    %dma_start3A_244 = arith.constant 0 : i32
    %dma_start3A_245 = tpu.memref_slice %arg6[%dma_start3A_243, %dma_start3A_244] : memref<32768x1024xf32, #tpu.memory_space<hbm>> -> memref<32768x1024xf32, #tpu.memory_space<hbm>>
    tpu.enqueue_indirect_dma source(%dma_start3A_239 : memref<64x1024xf32, #tpu.memory_space<vmem>>) target(%dma_start3A_245 : memref<32768x1024xf32, #tpu.memory_space<hbm>>) offsets(%dma_start3A_242 : memref<64xi32, #tpu.memory_space<vmem>>) semaphore(%arg14 : memref<!tpu.dma_semaphore, #tpu.memory_space<semaphore_mem>>)
    %dma_start3A_246 = arith.constant 0 : i32
    %dma_start3A_247 = arith.constant 1 : i32
    %dma_start3A_248 = arith.constant 0 : i32
    %dma_start3A_249 = arith.constant 0 : i32
    %dma_start3A_250 = arith.constant 0 : i32
    %dma_start3A_251 = tpu.memref_slice %arg11[%dma_start3A_246, %dma_start3A_249, %dma_start3A_250] : memref<1x64x1024xf32, #tpu.memory_space<vmem>> -> memref<1x64x1024xf32, #tpu.memory_space<vmem>>
    %dma_start3A_252 = tpu.memref_squeeze %dma_start3A_251 : memref<1x64x1024xf32, #tpu.memory_space<vmem>> -> memref<64x1024xf32, #tpu.memory_space<vmem>>
    %dma_start3A_253 = arith.constant 0 : i32
    %dma_start3A_254 = tpu.memref_slice %arg8[%dma_start3A_247, %dma_start3A_248, %dma_start3A_253] : memref<4x4x64xi32, #tpu.memory_space<vmem>> -> memref<1x1x64xi32, #tpu.memory_space<vmem>>
    %dma_start3A_255 = tpu.memref_squeeze %dma_start3A_254 : memref<1x1x64xi32, #tpu.memory_space<vmem>> -> memref<64xi32, #tpu.memory_space<vmem>>
    %dma_start3A_256 = arith.constant 0 : i32
    %dma_start3A_257 = arith.constant 0 : i32
    %dma_start3A_258 = tpu.memref_slice %arg6[%dma_start3A_256, %dma_start3A_257] : memref<32768x1024xf32, #tpu.memory_space<hbm>> -> memref<32768x1024xf32, #tpu.memory_space<hbm>>
    tpu.enqueue_indirect_dma source(%dma_start3A_252 : memref<64x1024xf32, #tpu.memory_space<vmem>>) target(%dma_start3A_258 : memref<32768x1024xf32, #tpu.memory_space<hbm>>) offsets(%dma_start3A_255 : memref<64xi32, #tpu.memory_space<vmem>>) semaphore(%arg14 : memref<!tpu.dma_semaphore, #tpu.memory_space<semaphore_mem>>)
    %dma_start3A_259 = arith.constant 0 : i32
    %dma_start3A_260 = arith.constant 2 : i32
    %dma_start3A_261 = arith.constant 0 : i32
    %dma_start3A_262 = arith.constant 0 : i32
    %dma_start3A_263 = arith.constant 0 : i32
    %dma_start3A_264 = tpu.memref_slice %arg11[%dma_start3A_259, %dma_start3A_262, %dma_start3A_263] : memref<1x64x1024xf32, #tpu.memory_space<vmem>> -> memref<1x64x1024xf32, #tpu.memory_space<vmem>>
    %dma_start3A_265 = tpu.memref_squeeze %dma_start3A_264 : memref<1x64x1024xf32, #tpu.memory_space<vmem>> -> memref<64x1024xf32, #tpu.memory_space<vmem>>
    %dma_start3A_266 = arith.constant 0 : i32
    %dma_start3A_267 = tpu.memref_slice %arg8[%dma_start3A_260, %dma_start3A_261, %dma_start3A_266] : memref<4x4x64xi32, #tpu.memory_space<vmem>> -> memref<1x1x64xi32, #tpu.memory_space<vmem>>
    %dma_start3A_268 = tpu.memref_squeeze %dma_start3A_267 : memref<1x1x64xi32, #tpu.memory_space<vmem>> -> memref<64xi32, #tpu.memory_space<vmem>>
    %dma_start3A_269 = arith.constant 0 : i32
    %dma_start3A_270 = arith.constant 0 : i32
    %dma_start3A_271 = tpu.memref_slice %arg6[%dma_start3A_269, %dma_start3A_270] : memref<32768x1024xf32, #tpu.memory_space<hbm>> -> memref<32768x1024xf32, #tpu.memory_space<hbm>>
    tpu.enqueue_indirect_dma source(%dma_start3A_265 : memref<64x1024xf32, #tpu.memory_space<vmem>>) target(%dma_start3A_271 : memref<32768x1024xf32, #tpu.memory_space<hbm>>) offsets(%dma_start3A_268 : memref<64xi32, #tpu.memory_space<vmem>>) semaphore(%arg14 : memref<!tpu.dma_semaphore, #tpu.memory_space<semaphore_mem>>)
    %dma_start3A_272 = arith.constant 0 : i32
    %dma_start3A_273 = arith.constant 3 : i32
    %dma_start3A_274 = arith.constant 0 : i32
    %dma_start3A_275 = arith.constant 0 : i32
    %dma_start3A_276 = arith.constant 0 : i32
    %dma_start3A_277 = tpu.memref_slice %arg11[%dma_start3A_272, %dma_start3A_275, %dma_start3A_276] : memref<1x64x1024xf32, #tpu.memory_space<vmem>> -> memref<1x64x1024xf32, #tpu.memory_space<vmem>>
    %dma_start3A_278 = tpu.memref_squeeze %dma_start3A_277 : memref<1x64x1024xf32, #tpu.memory_space<vmem>> -> memref<64x1024xf32, #tpu.memory_space<vmem>>
    %dma_start3A_279 = arith.constant 0 : i32
    %dma_start3A_280 = tpu.memref_slice %arg8[%dma_start3A_273, %dma_start3A_274, %dma_start3A_279] : memref<4x4x64xi32, #tpu.memory_space<vmem>> -> memref<1x1x64xi32, #tpu.memory_space<vmem>>
    %dma_start3A_281 = tpu.memref_squeeze %dma_start3A_280 : memref<1x1x64xi32, #tpu.memory_space<vmem>> -> memref<64xi32, #tpu.memory_space<vmem>>
    %dma_start3A_282 = arith.constant 0 : i32
    %dma_start3A_283 = arith.constant 0 : i32
    %dma_start3A_284 = tpu.memref_slice %arg6[%dma_start3A_282, %dma_start3A_283] : memref<32768x1024xf32, #tpu.memory_space<hbm>> -> memref<32768x1024xf32, #tpu.memory_space<hbm>>
    tpu.enqueue_indirect_dma source(%dma_start3A_278 : memref<64x1024xf32, #tpu.memory_space<vmem>>) target(%dma_start3A_284 : memref<32768x1024xf32, #tpu.memory_space<hbm>>) offsets(%dma_start3A_281 : memref<64xi32, #tpu.memory_space<vmem>>) semaphore(%arg14 : memref<!tpu.dma_semaphore, #tpu.memory_space<semaphore_mem>>)
    %dma_wait3A_285 = arith.constant 0 : i32
    %dma_wait3A_286 = arith.constant 0 : i32
    %dma_wait3A_287 = arith.constant 0 : i32
    %dma_wait3A_288 = arith.constant 0 : i32
    %dma_wait3A_289 = arith.constant 0 : i32
    %dma_wait3A_290 = tpu.memref_slice %arg11[%dma_wait3A_285, %dma_wait3A_288, %dma_wait3A_289] : memref<1x64x1024xf32, #tpu.memory_space<vmem>> -> memref<1x64x1024xf32, #tpu.memory_space<vmem>>
    %dma_wait3A_291 = tpu.memref_squeeze %dma_wait3A_290 : memref<1x64x1024xf32, #tpu.memory_space<vmem>> -> memref<64x1024xf32, #tpu.memory_space<vmem>>
    %dma_wait3A_292 = arith.constant 0 : i32
    %dma_wait3A_293 = tpu.memref_slice %arg8[%dma_wait3A_286, %dma_wait3A_287, %dma_wait3A_292] : memref<4x4x64xi32, #tpu.memory_space<vmem>> -> memref<1x1x64xi32, #tpu.memory_space<vmem>>
    %dma_wait3A_294 = tpu.memref_squeeze %dma_wait3A_293 : memref<1x1x64xi32, #tpu.memory_space<vmem>> -> memref<64xi32, #tpu.memory_space<vmem>>
    %dma_wait3A_295 = arith.constant 0 : i32
    %dma_wait3A_296 = arith.constant 0 : i32
    %dma_wait3A_297 = tpu.memref_slice %arg6[%dma_wait3A_295, %dma_wait3A_296] : memref<32768x1024xf32, #tpu.memory_space<hbm>> -> memref<32768x1024xf32, #tpu.memory_space<hbm>>
    tpu.wait_indirect_dma semaphore(%arg14 : memref<!tpu.dma_semaphore, #tpu.memory_space<semaphore_mem>>) src(%dma_wait3A_291 : memref<64x1024xf32, #tpu.memory_space<vmem>>) dst(%dma_wait3A_297 : memref<32768x1024xf32, #tpu.memory_space<hbm>>)
    %dma_wait3A_298 = arith.constant 0 : i32
    %dma_wait3A_299 = arith.constant 1 : i32
    %dma_wait3A_300 = arith.constant 0 : i32
    %dma_wait3A_301 = arith.constant 0 : i32
    %dma_wait3A_302 = arith.constant 0 : i32
    %dma_wait3A_303 = tpu.memref_slice %arg11[%dma_wait3A_298, %dma_wait3A_301, %dma_wait3A_302] : memref<1x64x1024xf32, #tpu.memory_space<vmem>> -> memref<1x64x1024xf32, #tpu.memory_space<vmem>>
    %dma_wait3A_304 = tpu.memref_squeeze %dma_wait3A_303 : memref<1x64x1024xf32, #tpu.memory_space<vmem>> -> memref<64x1024xf32, #tpu.memory_space<vmem>>
    %dma_wait3A_305 = arith.constant 0 : i32
    %dma_wait3A_306 = tpu.memref_slice %arg8[%dma_wait3A_299, %dma_wait3A_300, %dma_wait3A_305] : memref<4x4x64xi32, #tpu.memory_space<vmem>> -> memref<1x1x64xi32, #tpu.memory_space<vmem>>
    %dma_wait3A_307 = tpu.memref_squeeze %dma_wait3A_306 : memref<1x1x64xi32, #tpu.memory_space<vmem>> -> memref<64xi32, #tpu.memory_space<vmem>>
    %dma_wait3A_308 = arith.constant 0 : i32
    %dma_wait3A_309 = arith.constant 0 : i32
    %dma_wait3A_310 = tpu.memref_slice %arg6[%dma_wait3A_308, %dma_wait3A_309] : memref<32768x1024xf32, #tpu.memory_space<hbm>> -> memref<32768x1024xf32, #tpu.memory_space<hbm>>
    tpu.wait_indirect_dma semaphore(%arg14 : memref<!tpu.dma_semaphore, #tpu.memory_space<semaphore_mem>>) src(%dma_wait3A_304 : memref<64x1024xf32, #tpu.memory_space<vmem>>) dst(%dma_wait3A_310 : memref<32768x1024xf32, #tpu.memory_space<hbm>>)
    %dma_wait3A_311 = arith.constant 0 : i32
    %dma_wait3A_312 = arith.constant 2 : i32
    %dma_wait3A_313 = arith.constant 0 : i32
    %dma_wait3A_314 = arith.constant 0 : i32
    %dma_wait3A_315 = arith.constant 0 : i32
    %dma_wait3A_316 = tpu.memref_slice %arg11[%dma_wait3A_311, %dma_wait3A_314, %dma_wait3A_315] : memref<1x64x1024xf32, #tpu.memory_space<vmem>> -> memref<1x64x1024xf32, #tpu.memory_space<vmem>>
    %dma_wait3A_317 = tpu.memref_squeeze %dma_wait3A_316 : memref<1x64x1024xf32, #tpu.memory_space<vmem>> -> memref<64x1024xf32, #tpu.memory_space<vmem>>
    %dma_wait3A_318 = arith.constant 0 : i32
    %dma_wait3A_319 = tpu.memref_slice %arg8[%dma_wait3A_312, %dma_wait3A_313, %dma_wait3A_318] : memref<4x4x64xi32, #tpu.memory_space<vmem>> -> memref<1x1x64xi32, #tpu.memory_space<vmem>>
    %dma_wait3A_320 = tpu.memref_squeeze %dma_wait3A_319 : memref<1x1x64xi32, #tpu.memory_space<vmem>> -> memref<64xi32, #tpu.memory_space<vmem>>
    %dma_wait3A_321 = arith.constant 0 : i32
    %dma_wait3A_322 = arith.constant 0 : i32
    %dma_wait3A_323 = tpu.memref_slice %arg6[%dma_wait3A_321, %dma_wait3A_322] : memref<32768x1024xf32, #tpu.memory_space<hbm>> -> memref<32768x1024xf32, #tpu.memory_space<hbm>>
    tpu.wait_indirect_dma semaphore(%arg14 : memref<!tpu.dma_semaphore, #tpu.memory_space<semaphore_mem>>) src(%dma_wait3A_317 : memref<64x1024xf32, #tpu.memory_space<vmem>>) dst(%dma_wait3A_323 : memref<32768x1024xf32, #tpu.memory_space<hbm>>)
    %dma_wait3A_324 = arith.constant 0 : i32
    %dma_wait3A_325 = arith.constant 3 : i32
    %dma_wait3A_326 = arith.constant 0 : i32
    %dma_wait3A_327 = arith.constant 0 : i32
    %dma_wait3A_328 = arith.constant 0 : i32
    %dma_wait3A_329 = tpu.memref_slice %arg11[%dma_wait3A_324, %dma_wait3A_327, %dma_wait3A_328] : memref<1x64x1024xf32, #tpu.memory_space<vmem>> -> memref<1x64x1024xf32, #tpu.memory_space<vmem>>
    %dma_wait3A_330 = tpu.memref_squeeze %dma_wait3A_329 : memref<1x64x1024xf32, #tpu.memory_space<vmem>> -> memref<64x1024xf32, #tpu.memory_space<vmem>>
    %dma_wait3A_331 = arith.constant 0 : i32
    %dma_wait3A_332 = tpu.memref_slice %arg8[%dma_wait3A_325, %dma_wait3A_326, %dma_wait3A_331] : memref<4x4x64xi32, #tpu.memory_space<vmem>> -> memref<1x1x64xi32, #tpu.memory_space<vmem>>
    %dma_wait3A_333 = tpu.memref_squeeze %dma_wait3A_332 : memref<1x1x64xi32, #tpu.memory_space<vmem>> -> memref<64xi32, #tpu.memory_space<vmem>>
    %dma_wait3A_334 = arith.constant 0 : i32
    %dma_wait3A_335 = arith.constant 0 : i32
    %dma_wait3A_336 = tpu.memref_slice %arg6[%dma_wait3A_334, %dma_wait3A_335] : memref<32768x1024xf32, #tpu.memory_space<hbm>> -> memref<32768x1024xf32, #tpu.memory_space<hbm>>
    tpu.wait_indirect_dma semaphore(%arg14 : memref<!tpu.dma_semaphore, #tpu.memory_space<semaphore_mem>>) src(%dma_wait3A_330 : memref<64x1024xf32, #tpu.memory_space<vmem>>) dst(%dma_wait3A_336 : memref<32768x1024xf32, #tpu.memory_space<hbm>>)
    %add3A_337 = arith.constant 64 : i32
    %add3A_338 = arith.addi %add3A_35, %add3A_337 : i32
    %dma_start3A_339 = arith.constant 0 : i32
    %dma_start3A_340 = arith.constant 0 : i32
    %dma_start3A_341 = arith.constant 0 : i32
    %dma_start3A_342 = tpu.memref_slice %arg11[%dma_start3A_339, %dma_start3A_340, %dma_start3A_341] : memref<1x64x1024xf32, #tpu.memory_space<vmem>> -> memref<1x64x1024xf32, #tpu.memory_space<vmem>>
    %dma_start3A_343 = tpu.memref_squeeze %dma_start3A_342 : memref<1x64x1024xf32, #tpu.memory_space<vmem>> -> memref<64x1024xf32, #tpu.memory_space<vmem>>
    %dma_start3A_344 = arith.constant 0 : i32
    %dma_start3A_345 = tpu.memref_slice %arg2[%add3A_338, %dma_start3A_344] : memref<8192x1024xf32, #tpu.memory_space<hbm>> -> memref<64x1024xf32, #tpu.memory_space<hbm>>
    %dma_start3A_346 = arith.constant 0 : i32
    %dma_start3A_347 = arith.constant 0 : i32
    %dma_start3A_348 = tpu.memref_slice %arg11[%dma_start3A_339, %dma_start3A_346, %dma_start3A_347] : memref<1x64x1024xf32, #tpu.memory_space<vmem>> -> memref<1x64x1024xf32, #tpu.memory_space<vmem>>
    %dma_start3A_349 = tpu.memref_squeeze %dma_start3A_348 : memref<1x64x1024xf32, #tpu.memory_space<vmem>> -> memref<64x1024xf32, #tpu.memory_space<vmem>>
    %dma_start3A_350 = arith.constant 0 : i32
    %dma_start3A_351 = tpu.memref_slice %arg2[%add3A_338, %dma_start3A_350] : memref<8192x1024xf32, #tpu.memory_space<hbm>> -> memref<64x1024xf32, #tpu.memory_space<hbm>>
    tpu.enqueue_dma source(%dma_start3A_351 : memref<64x1024xf32, #tpu.memory_space<hbm>>) target(%dma_start3A_349 : memref<64x1024xf32, #tpu.memory_space<vmem>>) target_semaphore(%arg12 : memref<!tpu.dma_semaphore, #tpu.memory_space<semaphore_mem>>)
    %add3A_352 = arith.constant 64 : i32
    %add3A_353 = arith.addi %add3A_35, %add3A_352 : i32
    %dma_wait3A_354 = arith.constant 0 : i32
    %dma_wait3A_355 = arith.constant 0 : i32
    %dma_wait3A_356 = arith.constant 0 : i32
    %dma_wait3A_357 = tpu.memref_slice %arg11[%dma_wait3A_354, %dma_wait3A_355, %dma_wait3A_356] : memref<1x64x1024xf32, #tpu.memory_space<vmem>> -> memref<1x64x1024xf32, #tpu.memory_space<vmem>>
    %dma_wait3A_358 = tpu.memref_squeeze %dma_wait3A_357 : memref<1x64x1024xf32, #tpu.memory_space<vmem>> -> memref<64x1024xf32, #tpu.memory_space<vmem>>
    %dma_wait3A_359 = arith.constant 0 : i32
    %dma_wait3A_360 = tpu.memref_slice %arg2[%add3A_353, %dma_wait3A_359] : memref<8192x1024xf32, #tpu.memory_space<hbm>> -> memref<64x1024xf32, #tpu.memory_space<hbm>>
    %dma_wait3A_361 = arith.constant 0 : i32
    %dma_wait3A_362 = arith.constant 0 : i32
    %dma_wait3A_363 = tpu.memref_slice %arg11[%dma_wait3A_354, %dma_wait3A_361, %dma_wait3A_362] : memref<1x64x1024xf32, #tpu.memory_space<vmem>> -> memref<1x64x1024xf32, #tpu.memory_space<vmem>>
    %dma_wait3A_364 = tpu.memref_squeeze %dma_wait3A_363 : memref<1x64x1024xf32, #tpu.memory_space<vmem>> -> memref<64x1024xf32, #tpu.memory_space<vmem>>
    %dma_wait3A_365 = arith.constant 0 : i32
    %dma_wait3A_366 = tpu.memref_slice %arg2[%add3A_353, %dma_wait3A_365] : memref<8192x1024xf32, #tpu.memory_space<hbm>> -> memref<64x1024xf32, #tpu.memory_space<hbm>>
    tpu.wait_dma2 semaphore(%arg12 : memref<!tpu.dma_semaphore, #tpu.memory_space<semaphore_mem>>) src(%dma_wait3A_366 : memref<64x1024xf32, #tpu.memory_space<hbm>>) dst(%dma_wait3A_364 : memref<64x1024xf32, #tpu.memory_space<vmem>>)
    %dma_start3A_367 = arith.constant 0 : i32
    %dma_start3A_368 = arith.constant 0 : i32
    %dma_start3A_369 = arith.constant 1 : i32
    %dma_start3A_370 = arith.constant 0 : i32
    %dma_start3A_371 = arith.constant 0 : i32
    %dma_start3A_372 = tpu.memref_slice %arg11[%dma_start3A_367, %dma_start3A_370, %dma_start3A_371] : memref<1x64x1024xf32, #tpu.memory_space<vmem>> -> memref<1x64x1024xf32, #tpu.memory_space<vmem>>
    %dma_start3A_373 = tpu.memref_squeeze %dma_start3A_372 : memref<1x64x1024xf32, #tpu.memory_space<vmem>> -> memref<64x1024xf32, #tpu.memory_space<vmem>>
    %dma_start3A_374 = arith.constant 0 : i32
    %dma_start3A_375 = tpu.memref_slice %arg8[%dma_start3A_368, %dma_start3A_369, %dma_start3A_374] : memref<4x4x64xi32, #tpu.memory_space<vmem>> -> memref<1x1x64xi32, #tpu.memory_space<vmem>>
    %dma_start3A_376 = tpu.memref_squeeze %dma_start3A_375 : memref<1x1x64xi32, #tpu.memory_space<vmem>> -> memref<64xi32, #tpu.memory_space<vmem>>
    %dma_start3A_377 = arith.constant 0 : i32
    %dma_start3A_378 = arith.constant 0 : i32
    %dma_start3A_379 = tpu.memref_slice %arg6[%dma_start3A_377, %dma_start3A_378] : memref<32768x1024xf32, #tpu.memory_space<hbm>> -> memref<32768x1024xf32, #tpu.memory_space<hbm>>
    tpu.enqueue_indirect_dma source(%dma_start3A_373 : memref<64x1024xf32, #tpu.memory_space<vmem>>) target(%dma_start3A_379 : memref<32768x1024xf32, #tpu.memory_space<hbm>>) offsets(%dma_start3A_376 : memref<64xi32, #tpu.memory_space<vmem>>) semaphore(%arg14 : memref<!tpu.dma_semaphore, #tpu.memory_space<semaphore_mem>>)
    %dma_start3A_380 = arith.constant 0 : i32
    %dma_start3A_381 = arith.constant 1 : i32
    %dma_start3A_382 = arith.constant 1 : i32
    %dma_start3A_383 = arith.constant 0 : i32
    %dma_start3A_384 = arith.constant 0 : i32
    %dma_start3A_385 = tpu.memref_slice %arg11[%dma_start3A_380, %dma_start3A_383, %dma_start3A_384] : memref<1x64x1024xf32, #tpu.memory_space<vmem>> -> memref<1x64x1024xf32, #tpu.memory_space<vmem>>
    %dma_start3A_386 = tpu.memref_squeeze %dma_start3A_385 : memref<1x64x1024xf32, #tpu.memory_space<vmem>> -> memref<64x1024xf32, #tpu.memory_space<vmem>>
    %dma_start3A_387 = arith.constant 0 : i32
    %dma_start3A_388 = tpu.memref_slice %arg8[%dma_start3A_381, %dma_start3A_382, %dma_start3A_387] : memref<4x4x64xi32, #tpu.memory_space<vmem>> -> memref<1x1x64xi32, #tpu.memory_space<vmem>>
    %dma_start3A_389 = tpu.memref_squeeze %dma_start3A_388 : memref<1x1x64xi32, #tpu.memory_space<vmem>> -> memref<64xi32, #tpu.memory_space<vmem>>
    %dma_start3A_390 = arith.constant 0 : i32
    %dma_start3A_391 = arith.constant 0 : i32
    %dma_start3A_392 = tpu.memref_slice %arg6[%dma_start3A_390, %dma_start3A_391] : memref<32768x1024xf32, #tpu.memory_space<hbm>> -> memref<32768x1024xf32, #tpu.memory_space<hbm>>
    tpu.enqueue_indirect_dma source(%dma_start3A_386 : memref<64x1024xf32, #tpu.memory_space<vmem>>) target(%dma_start3A_392 : memref<32768x1024xf32, #tpu.memory_space<hbm>>) offsets(%dma_start3A_389 : memref<64xi32, #tpu.memory_space<vmem>>) semaphore(%arg14 : memref<!tpu.dma_semaphore, #tpu.memory_space<semaphore_mem>>)
    %dma_start3A_393 = arith.constant 0 : i32
    %dma_start3A_394 = arith.constant 2 : i32
    %dma_start3A_395 = arith.constant 1 : i32
    %dma_start3A_396 = arith.constant 0 : i32
    %dma_start3A_397 = arith.constant 0 : i32
    %dma_start3A_398 = tpu.memref_slice %arg11[%dma_start3A_393, %dma_start3A_396, %dma_start3A_397] : memref<1x64x1024xf32, #tpu.memory_space<vmem>> -> memref<1x64x1024xf32, #tpu.memory_space<vmem>>
    %dma_start3A_399 = tpu.memref_squeeze %dma_start3A_398 : memref<1x64x1024xf32, #tpu.memory_space<vmem>> -> memref<64x1024xf32, #tpu.memory_space<vmem>>
    %dma_start3A_400 = arith.constant 0 : i32
    %dma_start3A_401 = tpu.memref_slice %arg8[%dma_start3A_394, %dma_start3A_395, %dma_start3A_400] : memref<4x4x64xi32, #tpu.memory_space<vmem>> -> memref<1x1x64xi32, #tpu.memory_space<vmem>>
    %dma_start3A_402 = tpu.memref_squeeze %dma_start3A_401 : memref<1x1x64xi32, #tpu.memory_space<vmem>> -> memref<64xi32, #tpu.memory_space<vmem>>
    %dma_start3A_403 = arith.constant 0 : i32
    %dma_start3A_404 = arith.constant 0 : i32
    %dma_start3A_405 = tpu.memref_slice %arg6[%dma_start3A_403, %dma_start3A_404] : memref<32768x1024xf32, #tpu.memory_space<hbm>> -> memref<32768x1024xf32, #tpu.memory_space<hbm>>
    tpu.enqueue_indirect_dma source(%dma_start3A_399 : memref<64x1024xf32, #tpu.memory_space<vmem>>) target(%dma_start3A_405 : memref<32768x1024xf32, #tpu.memory_space<hbm>>) offsets(%dma_start3A_402 : memref<64xi32, #tpu.memory_space<vmem>>) semaphore(%arg14 : memref<!tpu.dma_semaphore, #tpu.memory_space<semaphore_mem>>)
    %dma_start3A_406 = arith.constant 0 : i32
    %dma_start3A_407 = arith.constant 3 : i32
    %dma_start3A_408 = arith.constant 1 : i32
    %dma_start3A_409 = arith.constant 0 : i32
    %dma_start3A_410 = arith.constant 0 : i32
    %dma_start3A_411 = tpu.memref_slice %arg11[%dma_start3A_406, %dma_start3A_409, %dma_start3A_410] : memref<1x64x1024xf32, #tpu.memory_space<vmem>> -> memref<1x64x1024xf32, #tpu.memory_space<vmem>>
    %dma_start3A_412 = tpu.memref_squeeze %dma_start3A_411 : memref<1x64x1024xf32, #tpu.memory_space<vmem>> -> memref<64x1024xf32, #tpu.memory_space<vmem>>
    %dma_start3A_413 = arith.constant 0 : i32
    %dma_start3A_414 = tpu.memref_slice %arg8[%dma_start3A_407, %dma_start3A_408, %dma_start3A_413] : memref<4x4x64xi32, #tpu.memory_space<vmem>> -> memref<1x1x64xi32, #tpu.memory_space<vmem>>
    %dma_start3A_415 = tpu.memref_squeeze %dma_start3A_414 : memref<1x1x64xi32, #tpu.memory_space<vmem>> -> memref<64xi32, #tpu.memory_space<vmem>>
    %dma_start3A_416 = arith.constant 0 : i32
    %dma_start3A_417 = arith.constant 0 : i32
    %dma_start3A_418 = tpu.memref_slice %arg6[%dma_start3A_416, %dma_start3A_417] : memref<32768x1024xf32, #tpu.memory_space<hbm>> -> memref<32768x1024xf32, #tpu.memory_space<hbm>>
    tpu.enqueue_indirect_dma source(%dma_start3A_412 : memref<64x1024xf32, #tpu.memory_space<vmem>>) target(%dma_start3A_418 : memref<32768x1024xf32, #tpu.memory_space<hbm>>) offsets(%dma_start3A_415 : memref<64xi32, #tpu.memory_space<vmem>>) semaphore(%arg14 : memref<!tpu.dma_semaphore, #tpu.memory_space<semaphore_mem>>)
    %dma_wait3A_419 = arith.constant 0 : i32
    %dma_wait3A_420 = arith.constant 0 : i32
    %dma_wait3A_421 = arith.constant 1 : i32
    %dma_wait3A_422 = arith.constant 0 : i32
    %dma_wait3A_423 = arith.constant 0 : i32
    %dma_wait3A_424 = tpu.memref_slice %arg11[%dma_wait3A_419, %dma_wait3A_422, %dma_wait3A_423] : memref<1x64x1024xf32, #tpu.memory_space<vmem>> -> memref<1x64x1024xf32, #tpu.memory_space<vmem>>
    %dma_wait3A_425 = tpu.memref_squeeze %dma_wait3A_424 : memref<1x64x1024xf32, #tpu.memory_space<vmem>> -> memref<64x1024xf32, #tpu.memory_space<vmem>>
    %dma_wait3A_426 = arith.constant 0 : i32
    %dma_wait3A_427 = tpu.memref_slice %arg8[%dma_wait3A_420, %dma_wait3A_421, %dma_wait3A_426] : memref<4x4x64xi32, #tpu.memory_space<vmem>> -> memref<1x1x64xi32, #tpu.memory_space<vmem>>
    %dma_wait3A_428 = tpu.memref_squeeze %dma_wait3A_427 : memref<1x1x64xi32, #tpu.memory_space<vmem>> -> memref<64xi32, #tpu.memory_space<vmem>>
    %dma_wait3A_429 = arith.constant 0 : i32
    %dma_wait3A_430 = arith.constant 0 : i32
    %dma_wait3A_431 = tpu.memref_slice %arg6[%dma_wait3A_429, %dma_wait3A_430] : memref<32768x1024xf32, #tpu.memory_space<hbm>> -> memref<32768x1024xf32, #tpu.memory_space<hbm>>
    tpu.wait_indirect_dma semaphore(%arg14 : memref<!tpu.dma_semaphore, #tpu.memory_space<semaphore_mem>>) src(%dma_wait3A_425 : memref<64x1024xf32, #tpu.memory_space<vmem>>) dst(%dma_wait3A_431 : memref<32768x1024xf32, #tpu.memory_space<hbm>>)
    %dma_wait3A_432 = arith.constant 0 : i32
    %dma_wait3A_433 = arith.constant 1 : i32
    %dma_wait3A_434 = arith.constant 1 : i32
    %dma_wait3A_435 = arith.constant 0 : i32
    %dma_wait3A_436 = arith.constant 0 : i32
    %dma_wait3A_437 = tpu.memref_slice %arg11[%dma_wait3A_432, %dma_wait3A_435, %dma_wait3A_436] : memref<1x64x1024xf32, #tpu.memory_space<vmem>> -> memref<1x64x1024xf32, #tpu.memory_space<vmem>>
    %dma_wait3A_438 = tpu.memref_squeeze %dma_wait3A_437 : memref<1x64x1024xf32, #tpu.memory_space<vmem>> -> memref<64x1024xf32, #tpu.memory_space<vmem>>
    %dma_wait3A_439 = arith.constant 0 : i32
    %dma_wait3A_440 = tpu.memref_slice %arg8[%dma_wait3A_433, %dma_wait3A_434, %dma_wait3A_439] : memref<4x4x64xi32, #tpu.memory_space<vmem>> -> memref<1x1x64xi32, #tpu.memory_space<vmem>>
    %dma_wait3A_441 = tpu.memref_squeeze %dma_wait3A_440 : memref<1x1x64xi32, #tpu.memory_space<vmem>> -> memref<64xi32, #tpu.memory_space<vmem>>
    %dma_wait3A_442 = arith.constant 0 : i32
    %dma_wait3A_443 = arith.constant 0 : i32
    %dma_wait3A_444 = tpu.memref_slice %arg6[%dma_wait3A_442, %dma_wait3A_443] : memref<32768x1024xf32, #tpu.memory_space<hbm>> -> memref<32768x1024xf32, #tpu.memory_space<hbm>>
    tpu.wait_indirect_dma semaphore(%arg14 : memref<!tpu.dma_semaphore, #tpu.memory_space<semaphore_mem>>) src(%dma_wait3A_438 : memref<64x1024xf32, #tpu.memory_space<vmem>>) dst(%dma_wait3A_444 : memref<32768x1024xf32, #tpu.memory_space<hbm>>)
    %dma_wait3A_445 = arith.constant 0 : i32
    %dma_wait3A_446 = arith.constant 2 : i32
    %dma_wait3A_447 = arith.constant 1 : i32
    %dma_wait3A_448 = arith.constant 0 : i32
    %dma_wait3A_449 = arith.constant 0 : i32
    %dma_wait3A_450 = tpu.memref_slice %arg11[%dma_wait3A_445, %dma_wait3A_448, %dma_wait3A_449] : memref<1x64x1024xf32, #tpu.memory_space<vmem>> -> memref<1x64x1024xf32, #tpu.memory_space<vmem>>
    %dma_wait3A_451 = tpu.memref_squeeze %dma_wait3A_450 : memref<1x64x1024xf32, #tpu.memory_space<vmem>> -> memref<64x1024xf32, #tpu.memory_space<vmem>>
    %dma_wait3A_452 = arith.constant 0 : i32
    %dma_wait3A_453 = tpu.memref_slice %arg8[%dma_wait3A_446, %dma_wait3A_447, %dma_wait3A_452] : memref<4x4x64xi32, #tpu.memory_space<vmem>> -> memref<1x1x64xi32, #tpu.memory_space<vmem>>
    %dma_wait3A_454 = tpu.memref_squeeze %dma_wait3A_453 : memref<1x1x64xi32, #tpu.memory_space<vmem>> -> memref<64xi32, #tpu.memory_space<vmem>>
    %dma_wait3A_455 = arith.constant 0 : i32
    %dma_wait3A_456 = arith.constant 0 : i32
    %dma_wait3A_457 = tpu.memref_slice %arg6[%dma_wait3A_455, %dma_wait3A_456] : memref<32768x1024xf32, #tpu.memory_space<hbm>> -> memref<32768x1024xf32, #tpu.memory_space<hbm>>
    tpu.wait_indirect_dma semaphore(%arg14 : memref<!tpu.dma_semaphore, #tpu.memory_space<semaphore_mem>>) src(%dma_wait3A_451 : memref<64x1024xf32, #tpu.memory_space<vmem>>) dst(%dma_wait3A_457 : memref<32768x1024xf32, #tpu.memory_space<hbm>>)
    %dma_wait3A_458 = arith.constant 0 : i32
    %dma_wait3A_459 = arith.constant 3 : i32
    %dma_wait3A_460 = arith.constant 1 : i32
    %dma_wait3A_461 = arith.constant 0 : i32
    %dma_wait3A_462 = arith.constant 0 : i32
    %dma_wait3A_463 = tpu.memref_slice %arg11[%dma_wait3A_458, %dma_wait3A_461, %dma_wait3A_462] : memref<1x64x1024xf32, #tpu.memory_space<vmem>> -> memref<1x64x1024xf32, #tpu.memory_space<vmem>>
    %dma_wait3A_464 = tpu.memref_squeeze %dma_wait3A_463 : memref<1x64x1024xf32, #tpu.memory_space<vmem>> -> memref<64x1024xf32, #tpu.memory_space<vmem>>
    %dma_wait3A_465 = arith.constant 0 : i32
    %dma_wait3A_466 = tpu.memref_slice %arg8[%dma_wait3A_459, %dma_wait3A_460, %dma_wait3A_465] : memref<4x4x64xi32, #tpu.memory_space<vmem>> -> memref<1x1x64xi32, #tpu.memory_space<vmem>>
    %dma_wait3A_467 = tpu.memref_squeeze %dma_wait3A_466 : memref<1x1x64xi32, #tpu.memory_space<vmem>> -> memref<64xi32, #tpu.memory_space<vmem>>
    %dma_wait3A_468 = arith.constant 0 : i32
    %dma_wait3A_469 = arith.constant 0 : i32
    %dma_wait3A_470 = tpu.memref_slice %arg6[%dma_wait3A_468, %dma_wait3A_469] : memref<32768x1024xf32, #tpu.memory_space<hbm>> -> memref<32768x1024xf32, #tpu.memory_space<hbm>>
    tpu.wait_indirect_dma semaphore(%arg14 : memref<!tpu.dma_semaphore, #tpu.memory_space<semaphore_mem>>) src(%dma_wait3A_464 : memref<64x1024xf32, #tpu.memory_space<vmem>>) dst(%dma_wait3A_470 : memref<32768x1024xf32, #tpu.memory_space<hbm>>)
    %add3A_471 = arith.constant 128 : i32
    %add3A_472 = arith.addi %add3A_35, %add3A_471 : i32
    %dma_start3A_473 = arith.constant 0 : i32
    %dma_start3A_474 = arith.constant 0 : i32
    %dma_start3A_475 = arith.constant 0 : i32
    %dma_start3A_476 = tpu.memref_slice %arg11[%dma_start3A_473, %dma_start3A_474, %dma_start3A_475] : memref<1x64x1024xf32, #tpu.memory_space<vmem>> -> memref<1x64x1024xf32, #tpu.memory_space<vmem>>
    %dma_start3A_477 = tpu.memref_squeeze %dma_start3A_476 : memref<1x64x1024xf32, #tpu.memory_space<vmem>> -> memref<64x1024xf32, #tpu.memory_space<vmem>>
    %dma_start3A_478 = arith.constant 0 : i32
    %dma_start3A_479 = tpu.memref_slice %arg2[%add3A_472, %dma_start3A_478] : memref<8192x1024xf32, #tpu.memory_space<hbm>> -> memref<64x1024xf32, #tpu.memory_space<hbm>>
    %dma_start3A_480 = arith.constant 0 : i32
    %dma_start3A_481 = arith.constant 0 : i32
    %dma_start3A_482 = tpu.memref_slice %arg11[%dma_start3A_473, %dma_start3A_480, %dma_start3A_481] : memref<1x64x1024xf32, #tpu.memory_space<vmem>> -> memref<1x64x1024xf32, #tpu.memory_space<vmem>>
    %dma_start3A_483 = tpu.memref_squeeze %dma_start3A_482 : memref<1x64x1024xf32, #tpu.memory_space<vmem>> -> memref<64x1024xf32, #tpu.memory_space<vmem>>
    %dma_start3A_484 = arith.constant 0 : i32
    %dma_start3A_485 = tpu.memref_slice %arg2[%add3A_472, %dma_start3A_484] : memref<8192x1024xf32, #tpu.memory_space<hbm>> -> memref<64x1024xf32, #tpu.memory_space<hbm>>
    tpu.enqueue_dma source(%dma_start3A_485 : memref<64x1024xf32, #tpu.memory_space<hbm>>) target(%dma_start3A_483 : memref<64x1024xf32, #tpu.memory_space<vmem>>) target_semaphore(%arg12 : memref<!tpu.dma_semaphore, #tpu.memory_space<semaphore_mem>>)
    %add3A_486 = arith.constant 128 : i32
    %add3A_487 = arith.addi %add3A_35, %add3A_486 : i32
    %dma_wait3A_488 = arith.constant 0 : i32
    %dma_wait3A_489 = arith.constant 0 : i32
    %dma_wait3A_490 = arith.constant 0 : i32
    %dma_wait3A_491 = tpu.memref_slice %arg11[%dma_wait3A_488, %dma_wait3A_489, %dma_wait3A_490] : memref<1x64x1024xf32, #tpu.memory_space<vmem>> -> memref<1x64x1024xf32, #tpu.memory_space<vmem>>
    %dma_wait3A_492 = tpu.memref_squeeze %dma_wait3A_491 : memref<1x64x1024xf32, #tpu.memory_space<vmem>> -> memref<64x1024xf32, #tpu.memory_space<vmem>>
    %dma_wait3A_493 = arith.constant 0 : i32
    %dma_wait3A_494 = tpu.memref_slice %arg2[%add3A_487, %dma_wait3A_493] : memref<8192x1024xf32, #tpu.memory_space<hbm>> -> memref<64x1024xf32, #tpu.memory_space<hbm>>
    %dma_wait3A_495 = arith.constant 0 : i32
    %dma_wait3A_496 = arith.constant 0 : i32
    %dma_wait3A_497 = tpu.memref_slice %arg11[%dma_wait3A_488, %dma_wait3A_495, %dma_wait3A_496] : memref<1x64x1024xf32, #tpu.memory_space<vmem>> -> memref<1x64x1024xf32, #tpu.memory_space<vmem>>
    %dma_wait3A_498 = tpu.memref_squeeze %dma_wait3A_497 : memref<1x64x1024xf32, #tpu.memory_space<vmem>> -> memref<64x1024xf32, #tpu.memory_space<vmem>>
    %dma_wait3A_499 = arith.constant 0 : i32
    %dma_wait3A_500 = tpu.memref_slice %arg2[%add3A_487, %dma_wait3A_499] : memref<8192x1024xf32, #tpu.memory_space<hbm>> -> memref<64x1024xf32, #tpu.memory_space<hbm>>
    tpu.wait_dma2 semaphore(%arg12 : memref<!tpu.dma_semaphore, #tpu.memory_space<semaphore_mem>>) src(%dma_wait3A_500 : memref<64x1024xf32, #tpu.memory_space<hbm>>) dst(%dma_wait3A_498 : memref<64x1024xf32, #tpu.memory_space<vmem>>)
    %dma_start3A_501 = arith.constant 0 : i32
    %dma_start3A_502 = arith.constant 0 : i32
    %dma_start3A_503 = arith.constant 2 : i32
    %dma_start3A_504 = arith.constant 0 : i32
    %dma_start3A_505 = arith.constant 0 : i32
    %dma_start3A_506 = tpu.memref_slice %arg11[%dma_start3A_501, %dma_start3A_504, %dma_start3A_505] : memref<1x64x1024xf32, #tpu.memory_space<vmem>> -> memref<1x64x1024xf32, #tpu.memory_space<vmem>>
    %dma_start3A_507 = tpu.memref_squeeze %dma_start3A_506 : memref<1x64x1024xf32, #tpu.memory_space<vmem>> -> memref<64x1024xf32, #tpu.memory_space<vmem>>
    %dma_start3A_508 = arith.constant 0 : i32
    %dma_start3A_509 = tpu.memref_slice %arg8[%dma_start3A_502, %dma_start3A_503, %dma_start3A_508] : memref<4x4x64xi32, #tpu.memory_space<vmem>> -> memref<1x1x64xi32, #tpu.memory_space<vmem>>
    %dma_start3A_510 = tpu.memref_squeeze %dma_start3A_509 : memref<1x1x64xi32, #tpu.memory_space<vmem>> -> memref<64xi32, #tpu.memory_space<vmem>>
    %dma_start3A_511 = arith.constant 0 : i32
    %dma_start3A_512 = arith.constant 0 : i32
    %dma_start3A_513 = tpu.memref_slice %arg6[%dma_start3A_511, %dma_start3A_512] : memref<32768x1024xf32, #tpu.memory_space<hbm>> -> memref<32768x1024xf32, #tpu.memory_space<hbm>>
    tpu.enqueue_indirect_dma source(%dma_start3A_507 : memref<64x1024xf32, #tpu.memory_space<vmem>>) target(%dma_start3A_513 : memref<32768x1024xf32, #tpu.memory_space<hbm>>) offsets(%dma_start3A_510 : memref<64xi32, #tpu.memory_space<vmem>>) semaphore(%arg14 : memref<!tpu.dma_semaphore, #tpu.memory_space<semaphore_mem>>)
    %dma_start3A_514 = arith.constant 0 : i32
    %dma_start3A_515 = arith.constant 1 : i32
    %dma_start3A_516 = arith.constant 2 : i32
    %dma_start3A_517 = arith.constant 0 : i32
    %dma_start3A_518 = arith.constant 0 : i32
    %dma_start3A_519 = tpu.memref_slice %arg11[%dma_start3A_514, %dma_start3A_517, %dma_start3A_518] : memref<1x64x1024xf32, #tpu.memory_space<vmem>> -> memref<1x64x1024xf32, #tpu.memory_space<vmem>>
    %dma_start3A_520 = tpu.memref_squeeze %dma_start3A_519 : memref<1x64x1024xf32, #tpu.memory_space<vmem>> -> memref<64x1024xf32, #tpu.memory_space<vmem>>
    %dma_start3A_521 = arith.constant 0 : i32
    %dma_start3A_522 = tpu.memref_slice %arg8[%dma_start3A_515, %dma_start3A_516, %dma_start3A_521] : memref<4x4x64xi32, #tpu.memory_space<vmem>> -> memref<1x1x64xi32, #tpu.memory_space<vmem>>
    %dma_start3A_523 = tpu.memref_squeeze %dma_start3A_522 : memref<1x1x64xi32, #tpu.memory_space<vmem>> -> memref<64xi32, #tpu.memory_space<vmem>>
    %dma_start3A_524 = arith.constant 0 : i32
    %dma_start3A_525 = arith.constant 0 : i32
    %dma_start3A_526 = tpu.memref_slice %arg6[%dma_start3A_524, %dma_start3A_525] : memref<32768x1024xf32, #tpu.memory_space<hbm>> -> memref<32768x1024xf32, #tpu.memory_space<hbm>>
    tpu.enqueue_indirect_dma source(%dma_start3A_520 : memref<64x1024xf32, #tpu.memory_space<vmem>>) target(%dma_start3A_526 : memref<32768x1024xf32, #tpu.memory_space<hbm>>) offsets(%dma_start3A_523 : memref<64xi32, #tpu.memory_space<vmem>>) semaphore(%arg14 : memref<!tpu.dma_semaphore, #tpu.memory_space<semaphore_mem>>)
    %dma_start3A_527 = arith.constant 0 : i32
    %dma_start3A_528 = arith.constant 2 : i32
    %dma_start3A_529 = arith.constant 2 : i32
    %dma_start3A_530 = arith.constant 0 : i32
    %dma_start3A_531 = arith.constant 0 : i32
    %dma_start3A_532 = tpu.memref_slice %arg11[%dma_start3A_527, %dma_start3A_530, %dma_start3A_531] : memref<1x64x1024xf32, #tpu.memory_space<vmem>> -> memref<1x64x1024xf32, #tpu.memory_space<vmem>>
    %dma_start3A_533 = tpu.memref_squeeze %dma_start3A_532 : memref<1x64x1024xf32, #tpu.memory_space<vmem>> -> memref<64x1024xf32, #tpu.memory_space<vmem>>
    %dma_start3A_534 = arith.constant 0 : i32
    %dma_start3A_535 = tpu.memref_slice %arg8[%dma_start3A_528, %dma_start3A_529, %dma_start3A_534] : memref<4x4x64xi32, #tpu.memory_space<vmem>> -> memref<1x1x64xi32, #tpu.memory_space<vmem>>
    %dma_start3A_536 = tpu.memref_squeeze %dma_start3A_535 : memref<1x1x64xi32, #tpu.memory_space<vmem>> -> memref<64xi32, #tpu.memory_space<vmem>>
    %dma_start3A_537 = arith.constant 0 : i32
    %dma_start3A_538 = arith.constant 0 : i32
    %dma_start3A_539 = tpu.memref_slice %arg6[%dma_start3A_537, %dma_start3A_538] : memref<32768x1024xf32, #tpu.memory_space<hbm>> -> memref<32768x1024xf32, #tpu.memory_space<hbm>>
    tpu.enqueue_indirect_dma source(%dma_start3A_533 : memref<64x1024xf32, #tpu.memory_space<vmem>>) target(%dma_start3A_539 : memref<32768x1024xf32, #tpu.memory_space<hbm>>) offsets(%dma_start3A_536 : memref<64xi32, #tpu.memory_space<vmem>>) semaphore(%arg14 : memref<!tpu.dma_semaphore, #tpu.memory_space<semaphore_mem>>)
    %dma_start3A_540 = arith.constant 0 : i32
    %dma_start3A_541 = arith.constant 3 : i32
    %dma_start3A_542 = arith.constant 2 : i32
    %dma_start3A_543 = arith.constant 0 : i32
    %dma_start3A_544 = arith.constant 0 : i32
    %dma_start3A_545 = tpu.memref_slice %arg11[%dma_start3A_540, %dma_start3A_543, %dma_start3A_544] : memref<1x64x1024xf32, #tpu.memory_space<vmem>> -> memref<1x64x1024xf32, #tpu.memory_space<vmem>>
    %dma_start3A_546 = tpu.memref_squeeze %dma_start3A_545 : memref<1x64x1024xf32, #tpu.memory_space<vmem>> -> memref<64x1024xf32, #tpu.memory_space<vmem>>
    %dma_start3A_547 = arith.constant 0 : i32
    %dma_start3A_548 = tpu.memref_slice %arg8[%dma_start3A_541, %dma_start3A_542, %dma_start3A_547] : memref<4x4x64xi32, #tpu.memory_space<vmem>> -> memref<1x1x64xi32, #tpu.memory_space<vmem>>
    %dma_start3A_549 = tpu.memref_squeeze %dma_start3A_548 : memref<1x1x64xi32, #tpu.memory_space<vmem>> -> memref<64xi32, #tpu.memory_space<vmem>>
    %dma_start3A_550 = arith.constant 0 : i32
    %dma_start3A_551 = arith.constant 0 : i32
    %dma_start3A_552 = tpu.memref_slice %arg6[%dma_start3A_550, %dma_start3A_551] : memref<32768x1024xf32, #tpu.memory_space<hbm>> -> memref<32768x1024xf32, #tpu.memory_space<hbm>>
    tpu.enqueue_indirect_dma source(%dma_start3A_546 : memref<64x1024xf32, #tpu.memory_space<vmem>>) target(%dma_start3A_552 : memref<32768x1024xf32, #tpu.memory_space<hbm>>) offsets(%dma_start3A_549 : memref<64xi32, #tpu.memory_space<vmem>>) semaphore(%arg14 : memref<!tpu.dma_semaphore, #tpu.memory_space<semaphore_mem>>)
    %dma_wait3A_553 = arith.constant 0 : i32
    %dma_wait3A_554 = arith.constant 0 : i32
    %dma_wait3A_555 = arith.constant 2 : i32
    %dma_wait3A_556 = arith.constant 0 : i32
    %dma_wait3A_557 = arith.constant 0 : i32
    %dma_wait3A_558 = tpu.memref_slice %arg11[%dma_wait3A_553, %dma_wait3A_556, %dma_wait3A_557] : memref<1x64x1024xf32, #tpu.memory_space<vmem>> -> memref<1x64x1024xf32, #tpu.memory_space<vmem>>
    %dma_wait3A_559 = tpu.memref_squeeze %dma_wait3A_558 : memref<1x64x1024xf32, #tpu.memory_space<vmem>> -> memref<64x1024xf32, #tpu.memory_space<vmem>>
    %dma_wait3A_560 = arith.constant 0 : i32
    %dma_wait3A_561 = tpu.memref_slice %arg8[%dma_wait3A_554, %dma_wait3A_555, %dma_wait3A_560] : memref<4x4x64xi32, #tpu.memory_space<vmem>> -> memref<1x1x64xi32, #tpu.memory_space<vmem>>
    %dma_wait3A_562 = tpu.memref_squeeze %dma_wait3A_561 : memref<1x1x64xi32, #tpu.memory_space<vmem>> -> memref<64xi32, #tpu.memory_space<vmem>>
    %dma_wait3A_563 = arith.constant 0 : i32
    %dma_wait3A_564 = arith.constant 0 : i32
    %dma_wait3A_565 = tpu.memref_slice %arg6[%dma_wait3A_563, %dma_wait3A_564] : memref<32768x1024xf32, #tpu.memory_space<hbm>> -> memref<32768x1024xf32, #tpu.memory_space<hbm>>
    tpu.wait_indirect_dma semaphore(%arg14 : memref<!tpu.dma_semaphore, #tpu.memory_space<semaphore_mem>>) src(%dma_wait3A_559 : memref<64x1024xf32, #tpu.memory_space<vmem>>) dst(%dma_wait3A_565 : memref<32768x1024xf32, #tpu.memory_space<hbm>>)
    %dma_wait3A_566 = arith.constant 0 : i32
    %dma_wait3A_567 = arith.constant 1 : i32
    %dma_wait3A_568 = arith.constant 2 : i32
    %dma_wait3A_569 = arith.constant 0 : i32
    %dma_wait3A_570 = arith.constant 0 : i32
    %dma_wait3A_571 = tpu.memref_slice %arg11[%dma_wait3A_566, %dma_wait3A_569, %dma_wait3A_570] : memref<1x64x1024xf32, #tpu.memory_space<vmem>> -> memref<1x64x1024xf32, #tpu.memory_space<vmem>>
    %dma_wait3A_572 = tpu.memref_squeeze %dma_wait3A_571 : memref<1x64x1024xf32, #tpu.memory_space<vmem>> -> memref<64x1024xf32, #tpu.memory_space<vmem>>
    %dma_wait3A_573 = arith.constant 0 : i32
    %dma_wait3A_574 = tpu.memref_slice %arg8[%dma_wait3A_567, %dma_wait3A_568, %dma_wait3A_573] : memref<4x4x64xi32, #tpu.memory_space<vmem>> -> memref<1x1x64xi32, #tpu.memory_space<vmem>>
    %dma_wait3A_575 = tpu.memref_squeeze %dma_wait3A_574 : memref<1x1x64xi32, #tpu.memory_space<vmem>> -> memref<64xi32, #tpu.memory_space<vmem>>
    %dma_wait3A_576 = arith.constant 0 : i32
    %dma_wait3A_577 = arith.constant 0 : i32
    %dma_wait3A_578 = tpu.memref_slice %arg6[%dma_wait3A_576, %dma_wait3A_577] : memref<32768x1024xf32, #tpu.memory_space<hbm>> -> memref<32768x1024xf32, #tpu.memory_space<hbm>>
    tpu.wait_indirect_dma semaphore(%arg14 : memref<!tpu.dma_semaphore, #tpu.memory_space<semaphore_mem>>) src(%dma_wait3A_572 : memref<64x1024xf32, #tpu.memory_space<vmem>>) dst(%dma_wait3A_578 : memref<32768x1024xf32, #tpu.memory_space<hbm>>)
    %dma_wait3A_579 = arith.constant 0 : i32
    %dma_wait3A_580 = arith.constant 2 : i32
    %dma_wait3A_581 = arith.constant 2 : i32
    %dma_wait3A_582 = arith.constant 0 : i32
    %dma_wait3A_583 = arith.constant 0 : i32
    %dma_wait3A_584 = tpu.memref_slice %arg11[%dma_wait3A_579, %dma_wait3A_582, %dma_wait3A_583] : memref<1x64x1024xf32, #tpu.memory_space<vmem>> -> memref<1x64x1024xf32, #tpu.memory_space<vmem>>
    %dma_wait3A_585 = tpu.memref_squeeze %dma_wait3A_584 : memref<1x64x1024xf32, #tpu.memory_space<vmem>> -> memref<64x1024xf32, #tpu.memory_space<vmem>>
    %dma_wait3A_586 = arith.constant 0 : i32
    %dma_wait3A_587 = tpu.memref_slice %arg8[%dma_wait3A_580, %dma_wait3A_581, %dma_wait3A_586] : memref<4x4x64xi32, #tpu.memory_space<vmem>> -> memref<1x1x64xi32, #tpu.memory_space<vmem>>
    %dma_wait3A_588 = tpu.memref_squeeze %dma_wait3A_587 : memref<1x1x64xi32, #tpu.memory_space<vmem>> -> memref<64xi32, #tpu.memory_space<vmem>>
    %dma_wait3A_589 = arith.constant 0 : i32
    %dma_wait3A_590 = arith.constant 0 : i32
    %dma_wait3A_591 = tpu.memref_slice %arg6[%dma_wait3A_589, %dma_wait3A_590] : memref<32768x1024xf32, #tpu.memory_space<hbm>> -> memref<32768x1024xf32, #tpu.memory_space<hbm>>
    tpu.wait_indirect_dma semaphore(%arg14 : memref<!tpu.dma_semaphore, #tpu.memory_space<semaphore_mem>>) src(%dma_wait3A_585 : memref<64x1024xf32, #tpu.memory_space<vmem>>) dst(%dma_wait3A_591 : memref<32768x1024xf32, #tpu.memory_space<hbm>>)
    %dma_wait3A_592 = arith.constant 0 : i32
    %dma_wait3A_593 = arith.constant 3 : i32
    %dma_wait3A_594 = arith.constant 2 : i32
    %dma_wait3A_595 = arith.constant 0 : i32
    %dma_wait3A_596 = arith.constant 0 : i32
    %dma_wait3A_597 = tpu.memref_slice %arg11[%dma_wait3A_592, %dma_wait3A_595, %dma_wait3A_596] : memref<1x64x1024xf32, #tpu.memory_space<vmem>> -> memref<1x64x1024xf32, #tpu.memory_space<vmem>>
    %dma_wait3A_598 = tpu.memref_squeeze %dma_wait3A_597 : memref<1x64x1024xf32, #tpu.memory_space<vmem>> -> memref<64x1024xf32, #tpu.memory_space<vmem>>
    %dma_wait3A_599 = arith.constant 0 : i32
    %dma_wait3A_600 = tpu.memref_slice %arg8[%dma_wait3A_593, %dma_wait3A_594, %dma_wait3A_599] : memref<4x4x64xi32, #tpu.memory_space<vmem>> -> memref<1x1x64xi32, #tpu.memory_space<vmem>>
    %dma_wait3A_601 = tpu.memref_squeeze %dma_wait3A_600 : memref<1x1x64xi32, #tpu.memory_space<vmem>> -> memref<64xi32, #tpu.memory_space<vmem>>
    %dma_wait3A_602 = arith.constant 0 : i32
    %dma_wait3A_603 = arith.constant 0 : i32
    %dma_wait3A_604 = tpu.memref_slice %arg6[%dma_wait3A_602, %dma_wait3A_603] : memref<32768x1024xf32, #tpu.memory_space<hbm>> -> memref<32768x1024xf32, #tpu.memory_space<hbm>>
    tpu.wait_indirect_dma semaphore(%arg14 : memref<!tpu.dma_semaphore, #tpu.memory_space<semaphore_mem>>) src(%dma_wait3A_598 : memref<64x1024xf32, #tpu.memory_space<vmem>>) dst(%dma_wait3A_604 : memref<32768x1024xf32, #tpu.memory_space<hbm>>)
    %add3A_605 = arith.constant 192 : i32
    %add3A_606 = arith.addi %add3A_35, %add3A_605 : i32
    %dma_start3A_607 = arith.constant 0 : i32
    %dma_start3A_608 = arith.constant 0 : i32
    %dma_start3A_609 = arith.constant 0 : i32
    %dma_start3A_610 = tpu.memref_slice %arg11[%dma_start3A_607, %dma_start3A_608, %dma_start3A_609] : memref<1x64x1024xf32, #tpu.memory_space<vmem>> -> memref<1x64x1024xf32, #tpu.memory_space<vmem>>
    %dma_start3A_611 = tpu.memref_squeeze %dma_start3A_610 : memref<1x64x1024xf32, #tpu.memory_space<vmem>> -> memref<64x1024xf32, #tpu.memory_space<vmem>>
    %dma_start3A_612 = arith.constant 0 : i32
    %dma_start3A_613 = tpu.memref_slice %arg2[%add3A_606, %dma_start3A_612] : memref<8192x1024xf32, #tpu.memory_space<hbm>> -> memref<64x1024xf32, #tpu.memory_space<hbm>>
    %dma_start3A_614 = arith.constant 0 : i32
    %dma_start3A_615 = arith.constant 0 : i32
    %dma_start3A_616 = tpu.memref_slice %arg11[%dma_start3A_607, %dma_start3A_614, %dma_start3A_615] : memref<1x64x1024xf32, #tpu.memory_space<vmem>> -> memref<1x64x1024xf32, #tpu.memory_space<vmem>>
    %dma_start3A_617 = tpu.memref_squeeze %dma_start3A_616 : memref<1x64x1024xf32, #tpu.memory_space<vmem>> -> memref<64x1024xf32, #tpu.memory_space<vmem>>
    %dma_start3A_618 = arith.constant 0 : i32
    %dma_start3A_619 = tpu.memref_slice %arg2[%add3A_606, %dma_start3A_618] : memref<8192x1024xf32, #tpu.memory_space<hbm>> -> memref<64x1024xf32, #tpu.memory_space<hbm>>
    tpu.enqueue_dma source(%dma_start3A_619 : memref<64x1024xf32, #tpu.memory_space<hbm>>) target(%dma_start3A_617 : memref<64x1024xf32, #tpu.memory_space<vmem>>) target_semaphore(%arg12 : memref<!tpu.dma_semaphore, #tpu.memory_space<semaphore_mem>>)
    %add3A_620 = arith.constant 192 : i32
    %add3A_621 = arith.addi %add3A_35, %add3A_620 : i32
    %dma_wait3A_622 = arith.constant 0 : i32
    %dma_wait3A_623 = arith.constant 0 : i32
    %dma_wait3A_624 = arith.constant 0 : i32
    %dma_wait3A_625 = tpu.memref_slice %arg11[%dma_wait3A_622, %dma_wait3A_623, %dma_wait3A_624] : memref<1x64x1024xf32, #tpu.memory_space<vmem>> -> memref<1x64x1024xf32, #tpu.memory_space<vmem>>
    %dma_wait3A_626 = tpu.memref_squeeze %dma_wait3A_625 : memref<1x64x1024xf32, #tpu.memory_space<vmem>> -> memref<64x1024xf32, #tpu.memory_space<vmem>>
    %dma_wait3A_627 = arith.constant 0 : i32
    %dma_wait3A_628 = tpu.memref_slice %arg2[%add3A_621, %dma_wait3A_627] : memref<8192x1024xf32, #tpu.memory_space<hbm>> -> memref<64x1024xf32, #tpu.memory_space<hbm>>
    %dma_wait3A_629 = arith.constant 0 : i32
    %dma_wait3A_630 = arith.constant 0 : i32
    %dma_wait3A_631 = tpu.memref_slice %arg11[%dma_wait3A_622, %dma_wait3A_629, %dma_wait3A_630] : memref<1x64x1024xf32, #tpu.memory_space<vmem>> -> memref<1x64x1024xf32, #tpu.memory_space<vmem>>
    %dma_wait3A_632 = tpu.memref_squeeze %dma_wait3A_631 : memref<1x64x1024xf32, #tpu.memory_space<vmem>> -> memref<64x1024xf32, #tpu.memory_space<vmem>>
    %dma_wait3A_633 = arith.constant 0 : i32
    %dma_wait3A_634 = tpu.memref_slice %arg2[%add3A_621, %dma_wait3A_633] : memref<8192x1024xf32, #tpu.memory_space<hbm>> -> memref<64x1024xf32, #tpu.memory_space<hbm>>
    tpu.wait_dma2 semaphore(%arg12 : memref<!tpu.dma_semaphore, #tpu.memory_space<semaphore_mem>>) src(%dma_wait3A_634 : memref<64x1024xf32, #tpu.memory_space<hbm>>) dst(%dma_wait3A_632 : memref<64x1024xf32, #tpu.memory_space<vmem>>)
    %dma_start3A_635 = arith.constant 0 : i32
    %dma_start3A_636 = arith.constant 0 : i32
    %dma_start3A_637 = arith.constant 3 : i32
    %dma_start3A_638 = arith.constant 0 : i32
    %dma_start3A_639 = arith.constant 0 : i32
    %dma_start3A_640 = tpu.memref_slice %arg11[%dma_start3A_635, %dma_start3A_638, %dma_start3A_639] : memref<1x64x1024xf32, #tpu.memory_space<vmem>> -> memref<1x64x1024xf32, #tpu.memory_space<vmem>>
    %dma_start3A_641 = tpu.memref_squeeze %dma_start3A_640 : memref<1x64x1024xf32, #tpu.memory_space<vmem>> -> memref<64x1024xf32, #tpu.memory_space<vmem>>
    %dma_start3A_642 = arith.constant 0 : i32
    %dma_start3A_643 = tpu.memref_slice %arg8[%dma_start3A_636, %dma_start3A_637, %dma_start3A_642] : memref<4x4x64xi32, #tpu.memory_space<vmem>> -> memref<1x1x64xi32, #tpu.memory_space<vmem>>
    %dma_start3A_644 = tpu.memref_squeeze %dma_start3A_643 : memref<1x1x64xi32, #tpu.memory_space<vmem>> -> memref<64xi32, #tpu.memory_space<vmem>>
    %dma_start3A_645 = arith.constant 0 : i32
    %dma_start3A_646 = arith.constant 0 : i32
    %dma_start3A_647 = tpu.memref_slice %arg6[%dma_start3A_645, %dma_start3A_646] : memref<32768x1024xf32, #tpu.memory_space<hbm>> -> memref<32768x1024xf32, #tpu.memory_space<hbm>>
    tpu.enqueue_indirect_dma source(%dma_start3A_641 : memref<64x1024xf32, #tpu.memory_space<vmem>>) target(%dma_start3A_647 : memref<32768x1024xf32, #tpu.memory_space<hbm>>) offsets(%dma_start3A_644 : memref<64xi32, #tpu.memory_space<vmem>>) semaphore(%arg14 : memref<!tpu.dma_semaphore, #tpu.memory_space<semaphore_mem>>)
    %dma_start3A_648 = arith.constant 0 : i32
    %dma_start3A_649 = arith.constant 1 : i32
    %dma_start3A_650 = arith.constant 3 : i32
    %dma_start3A_651 = arith.constant 0 : i32
    %dma_start3A_652 = arith.constant 0 : i32
    %dma_start3A_653 = tpu.memref_slice %arg11[%dma_start3A_648, %dma_start3A_651, %dma_start3A_652] : memref<1x64x1024xf32, #tpu.memory_space<vmem>> -> memref<1x64x1024xf32, #tpu.memory_space<vmem>>
    %dma_start3A_654 = tpu.memref_squeeze %dma_start3A_653 : memref<1x64x1024xf32, #tpu.memory_space<vmem>> -> memref<64x1024xf32, #tpu.memory_space<vmem>>
    %dma_start3A_655 = arith.constant 0 : i32
    %dma_start3A_656 = tpu.memref_slice %arg8[%dma_start3A_649, %dma_start3A_650, %dma_start3A_655] : memref<4x4x64xi32, #tpu.memory_space<vmem>> -> memref<1x1x64xi32, #tpu.memory_space<vmem>>
    %dma_start3A_657 = tpu.memref_squeeze %dma_start3A_656 : memref<1x1x64xi32, #tpu.memory_space<vmem>> -> memref<64xi32, #tpu.memory_space<vmem>>
    %dma_start3A_658 = arith.constant 0 : i32
    %dma_start3A_659 = arith.constant 0 : i32
    %dma_start3A_660 = tpu.memref_slice %arg6[%dma_start3A_658, %dma_start3A_659] : memref<32768x1024xf32, #tpu.memory_space<hbm>> -> memref<32768x1024xf32, #tpu.memory_space<hbm>>
    tpu.enqueue_indirect_dma source(%dma_start3A_654 : memref<64x1024xf32, #tpu.memory_space<vmem>>) target(%dma_start3A_660 : memref<32768x1024xf32, #tpu.memory_space<hbm>>) offsets(%dma_start3A_657 : memref<64xi32, #tpu.memory_space<vmem>>) semaphore(%arg14 : memref<!tpu.dma_semaphore, #tpu.memory_space<semaphore_mem>>)
    %dma_start3A_661 = arith.constant 0 : i32
    %dma_start3A_662 = arith.constant 2 : i32
    %dma_start3A_663 = arith.constant 3 : i32
    %dma_start3A_664 = arith.constant 0 : i32
    %dma_start3A_665 = arith.constant 0 : i32
    %dma_start3A_666 = tpu.memref_slice %arg11[%dma_start3A_661, %dma_start3A_664, %dma_start3A_665] : memref<1x64x1024xf32, #tpu.memory_space<vmem>> -> memref<1x64x1024xf32, #tpu.memory_space<vmem>>
    %dma_start3A_667 = tpu.memref_squeeze %dma_start3A_666 : memref<1x64x1024xf32, #tpu.memory_space<vmem>> -> memref<64x1024xf32, #tpu.memory_space<vmem>>
    %dma_start3A_668 = arith.constant 0 : i32
    %dma_start3A_669 = tpu.memref_slice %arg8[%dma_start3A_662, %dma_start3A_663, %dma_start3A_668] : memref<4x4x64xi32, #tpu.memory_space<vmem>> -> memref<1x1x64xi32, #tpu.memory_space<vmem>>
    %dma_start3A_670 = tpu.memref_squeeze %dma_start3A_669 : memref<1x1x64xi32, #tpu.memory_space<vmem>> -> memref<64xi32, #tpu.memory_space<vmem>>
    %dma_start3A_671 = arith.constant 0 : i32
    %dma_start3A_672 = arith.constant 0 : i32
    %dma_start3A_673 = tpu.memref_slice %arg6[%dma_start3A_671, %dma_start3A_672] : memref<32768x1024xf32, #tpu.memory_space<hbm>> -> memref<32768x1024xf32, #tpu.memory_space<hbm>>
    tpu.enqueue_indirect_dma source(%dma_start3A_667 : memref<64x1024xf32, #tpu.memory_space<vmem>>) target(%dma_start3A_673 : memref<32768x1024xf32, #tpu.memory_space<hbm>>) offsets(%dma_start3A_670 : memref<64xi32, #tpu.memory_space<vmem>>) semaphore(%arg14 : memref<!tpu.dma_semaphore, #tpu.memory_space<semaphore_mem>>)
    %dma_start3A_674 = arith.constant 0 : i32
    %dma_start3A_675 = arith.constant 3 : i32
    %dma_start3A_676 = arith.constant 3 : i32
    %dma_start3A_677 = arith.constant 0 : i32
    %dma_start3A_678 = arith.constant 0 : i32
    %dma_start3A_679 = tpu.memref_slice %arg11[%dma_start3A_674, %dma_start3A_677, %dma_start3A_678] : memref<1x64x1024xf32, #tpu.memory_space<vmem>> -> memref<1x64x1024xf32, #tpu.memory_space<vmem>>
    %dma_start3A_680 = tpu.memref_squeeze %dma_start3A_679 : memref<1x64x1024xf32, #tpu.memory_space<vmem>> -> memref<64x1024xf32, #tpu.memory_space<vmem>>
    %dma_start3A_681 = arith.constant 0 : i32
    %dma_start3A_682 = tpu.memref_slice %arg8[%dma_start3A_675, %dma_start3A_676, %dma_start3A_681] : memref<4x4x64xi32, #tpu.memory_space<vmem>> -> memref<1x1x64xi32, #tpu.memory_space<vmem>>
    %dma_start3A_683 = tpu.memref_squeeze %dma_start3A_682 : memref<1x1x64xi32, #tpu.memory_space<vmem>> -> memref<64xi32, #tpu.memory_space<vmem>>
    %dma_start3A_684 = arith.constant 0 : i32
    %dma_start3A_685 = arith.constant 0 : i32
    %dma_start3A_686 = tpu.memref_slice %arg6[%dma_start3A_684, %dma_start3A_685] : memref<32768x1024xf32, #tpu.memory_space<hbm>> -> memref<32768x1024xf32, #tpu.memory_space<hbm>>
    tpu.enqueue_indirect_dma source(%dma_start3A_680 : memref<64x1024xf32, #tpu.memory_space<vmem>>) target(%dma_start3A_686 : memref<32768x1024xf32, #tpu.memory_space<hbm>>) offsets(%dma_start3A_683 : memref<64xi32, #tpu.memory_space<vmem>>) semaphore(%arg14 : memref<!tpu.dma_semaphore, #tpu.memory_space<semaphore_mem>>)
    %dma_wait3A_687 = arith.constant 0 : i32
    %dma_wait3A_688 = arith.constant 0 : i32
    %dma_wait3A_689 = arith.constant 3 : i32
    %dma_wait3A_690 = arith.constant 0 : i32
    %dma_wait3A_691 = arith.constant 0 : i32
    %dma_wait3A_692 = tpu.memref_slice %arg11[%dma_wait3A_687, %dma_wait3A_690, %dma_wait3A_691] : memref<1x64x1024xf32, #tpu.memory_space<vmem>> -> memref<1x64x1024xf32, #tpu.memory_space<vmem>>
    %dma_wait3A_693 = tpu.memref_squeeze %dma_wait3A_692 : memref<1x64x1024xf32, #tpu.memory_space<vmem>> -> memref<64x1024xf32, #tpu.memory_space<vmem>>
    %dma_wait3A_694 = arith.constant 0 : i32
    %dma_wait3A_695 = tpu.memref_slice %arg8[%dma_wait3A_688, %dma_wait3A_689, %dma_wait3A_694] : memref<4x4x64xi32, #tpu.memory_space<vmem>> -> memref<1x1x64xi32, #tpu.memory_space<vmem>>
    %dma_wait3A_696 = tpu.memref_squeeze %dma_wait3A_695 : memref<1x1x64xi32, #tpu.memory_space<vmem>> -> memref<64xi32, #tpu.memory_space<vmem>>
    %dma_wait3A_697 = arith.constant 0 : i32
    %dma_wait3A_698 = arith.constant 0 : i32
    %dma_wait3A_699 = tpu.memref_slice %arg6[%dma_wait3A_697, %dma_wait3A_698] : memref<32768x1024xf32, #tpu.memory_space<hbm>> -> memref<32768x1024xf32, #tpu.memory_space<hbm>>
    tpu.wait_indirect_dma semaphore(%arg14 : memref<!tpu.dma_semaphore, #tpu.memory_space<semaphore_mem>>) src(%dma_wait3A_693 : memref<64x1024xf32, #tpu.memory_space<vmem>>) dst(%dma_wait3A_699 : memref<32768x1024xf32, #tpu.memory_space<hbm>>)
    %dma_wait3A_700 = arith.constant 0 : i32
    %dma_wait3A_701 = arith.constant 1 : i32
    %dma_wait3A_702 = arith.constant 3 : i32
    %dma_wait3A_703 = arith.constant 0 : i32
    %dma_wait3A_704 = arith.constant 0 : i32
    %dma_wait3A_705 = tpu.memref_slice %arg11[%dma_wait3A_700, %dma_wait3A_703, %dma_wait3A_704] : memref<1x64x1024xf32, #tpu.memory_space<vmem>> -> memref<1x64x1024xf32, #tpu.memory_space<vmem>>
    %dma_wait3A_706 = tpu.memref_squeeze %dma_wait3A_705 : memref<1x64x1024xf32, #tpu.memory_space<vmem>> -> memref<64x1024xf32, #tpu.memory_space<vmem>>
    %dma_wait3A_707 = arith.constant 0 : i32
    %dma_wait3A_708 = tpu.memref_slice %arg8[%dma_wait3A_701, %dma_wait3A_702, %dma_wait3A_707] : memref<4x4x64xi32, #tpu.memory_space<vmem>> -> memref<1x1x64xi32, #tpu.memory_space<vmem>>
    %dma_wait3A_709 = tpu.memref_squeeze %dma_wait3A_708 : memref<1x1x64xi32, #tpu.memory_space<vmem>> -> memref<64xi32, #tpu.memory_space<vmem>>
    %dma_wait3A_710 = arith.constant 0 : i32
    %dma_wait3A_711 = arith.constant 0 : i32
    %dma_wait3A_712 = tpu.memref_slice %arg6[%dma_wait3A_710, %dma_wait3A_711] : memref<32768x1024xf32, #tpu.memory_space<hbm>> -> memref<32768x1024xf32, #tpu.memory_space<hbm>>
    tpu.wait_indirect_dma semaphore(%arg14 : memref<!tpu.dma_semaphore, #tpu.memory_space<semaphore_mem>>) src(%dma_wait3A_706 : memref<64x1024xf32, #tpu.memory_space<vmem>>) dst(%dma_wait3A_712 : memref<32768x1024xf32, #tpu.memory_space<hbm>>)
    %dma_wait3A_713 = arith.constant 0 : i32
    %dma_wait3A_714 = arith.constant 2 : i32
    %dma_wait3A_715 = arith.constant 3 : i32
    %dma_wait3A_716 = arith.constant 0 : i32
    %dma_wait3A_717 = arith.constant 0 : i32
    %dma_wait3A_718 = tpu.memref_slice %arg11[%dma_wait3A_713, %dma_wait3A_716, %dma_wait3A_717] : memref<1x64x1024xf32, #tpu.memory_space<vmem>> -> memref<1x64x1024xf32, #tpu.memory_space<vmem>>
    %dma_wait3A_719 = tpu.memref_squeeze %dma_wait3A_718 : memref<1x64x1024xf32, #tpu.memory_space<vmem>> -> memref<64x1024xf32, #tpu.memory_space<vmem>>
    %dma_wait3A_720 = arith.constant 0 : i32
    %dma_wait3A_721 = tpu.memref_slice %arg8[%dma_wait3A_714, %dma_wait3A_715, %dma_wait3A_720] : memref<4x4x64xi32, #tpu.memory_space<vmem>> -> memref<1x1x64xi32, #tpu.memory_space<vmem>>
    %dma_wait3A_722 = tpu.memref_squeeze %dma_wait3A_721 : memref<1x1x64xi32, #tpu.memory_space<vmem>> -> memref<64xi32, #tpu.memory_space<vmem>>
    %dma_wait3A_723 = arith.constant 0 : i32
    %dma_wait3A_724 = arith.constant 0 : i32
    %dma_wait3A_725 = tpu.memref_slice %arg6[%dma_wait3A_723, %dma_wait3A_724] : memref<32768x1024xf32, #tpu.memory_space<hbm>> -> memref<32768x1024xf32, #tpu.memory_space<hbm>>
    tpu.wait_indirect_dma semaphore(%arg14 : memref<!tpu.dma_semaphore, #tpu.memory_space<semaphore_mem>>) src(%dma_wait3A_719 : memref<64x1024xf32, #tpu.memory_space<vmem>>) dst(%dma_wait3A_725 : memref<32768x1024xf32, #tpu.memory_space<hbm>>)
    %dma_wait3A_726 = arith.constant 0 : i32
    %dma_wait3A_727 = arith.constant 3 : i32
    %dma_wait3A_728 = arith.constant 3 : i32
    %dma_wait3A_729 = arith.constant 0 : i32
    %dma_wait3A_730 = arith.constant 0 : i32
    %dma_wait3A_731 = tpu.memref_slice %arg11[%dma_wait3A_726, %dma_wait3A_729, %dma_wait3A_730] : memref<1x64x1024xf32, #tpu.memory_space<vmem>> -> memref<1x64x1024xf32, #tpu.memory_space<vmem>>
    %dma_wait3A_732 = tpu.memref_squeeze %dma_wait3A_731 : memref<1x64x1024xf32, #tpu.memory_space<vmem>> -> memref<64x1024xf32, #tpu.memory_space<vmem>>
    %dma_wait3A_733 = arith.constant 0 : i32
    %dma_wait3A_734 = tpu.memref_slice %arg8[%dma_wait3A_727, %dma_wait3A_728, %dma_wait3A_733] : memref<4x4x64xi32, #tpu.memory_space<vmem>> -> memref<1x1x64xi32, #tpu.memory_space<vmem>>
    %dma_wait3A_735 = tpu.memref_squeeze %dma_wait3A_734 : memref<1x1x64xi32, #tpu.memory_space<vmem>> -> memref<64xi32, #tpu.memory_space<vmem>>
    %dma_wait3A_736 = arith.constant 0 : i32
    %dma_wait3A_737 = arith.constant 0 : i32
    %dma_wait3A_738 = tpu.memref_slice %arg6[%dma_wait3A_736, %dma_wait3A_737] : memref<32768x1024xf32, #tpu.memory_space<hbm>> -> memref<32768x1024xf32, #tpu.memory_space<hbm>>
    tpu.wait_indirect_dma semaphore(%arg14 : memref<!tpu.dma_semaphore, #tpu.memory_space<semaphore_mem>>) src(%dma_wait3A_732 : memref<64x1024xf32, #tpu.memory_space<vmem>>) dst(%dma_wait3A_738 : memref<32768x1024xf32, #tpu.memory_space<hbm>>)
    %dma_wait3A_739 = arith.constant 0 : i32
    %dma_wait3A_740 = arith.constant 0 : i32
    %dma_wait3A_741 = arith.constant 0 : i32
    %dma_wait3A_742 = arith.constant 0 : i32
    %dma_wait3A_743 = tpu.memref_slice %arg10[%dma_wait3A_739, %dma_wait3A_742] : memref<2x128xi32, #tpu.memory_space<vmem>> -> memref<1x128xi32, #tpu.memory_space<vmem>>
    %dma_wait3A_744 = tpu.memref_squeeze %dma_wait3A_743 : memref<1x128xi32, #tpu.memory_space<vmem>> -> memref<128xi32, #tpu.memory_space<vmem>>
    %dma_wait3A_745 = arith.constant 0 : i32
    %dma_wait3A_746 = tpu.memref_slice %arg9[%dma_wait3A_740, %dma_wait3A_741, %dma_wait3A_745] : memref<4x2x128xi32, #tpu.memory_space<vmem>> -> memref<1x1x128xi32, #tpu.memory_space<vmem>>
    %dma_wait3A_747 = tpu.memref_squeeze %dma_wait3A_746 : memref<1x1x128xi32, #tpu.memory_space<vmem>> -> memref<128xi32, #tpu.memory_space<vmem>>
    %dma_wait3A_748 = arith.constant 0 : i32
    %dma_wait3A_749 = tpu.memref_slice %arg7[%dma_wait3A_748] : memref<32768xi32, #tpu.memory_space<hbm>> -> memref<32768xi32, #tpu.memory_space<hbm>>
    tpu.wait_indirect_dma semaphore(%arg16 : memref<!tpu.dma_semaphore, #tpu.memory_space<semaphore_mem>>) src(%dma_wait3A_744 : memref<128xi32, #tpu.memory_space<vmem>>) dst(%dma_wait3A_749 : memref<32768xi32, #tpu.memory_space<hbm>>)
    %dma_wait3A_750 = arith.constant 1 : i32
    %dma_wait3A_751 = arith.constant 0 : i32
    %dma_wait3A_752 = arith.constant 1 : i32
    %dma_wait3A_753 = arith.constant 0 : i32
    %dma_wait3A_754 = tpu.memref_slice %arg10[%dma_wait3A_750, %dma_wait3A_753] : memref<2x128xi32, #tpu.memory_space<vmem>> -> memref<1x128xi32, #tpu.memory_space<vmem>>
    %dma_wait3A_755 = tpu.memref_squeeze %dma_wait3A_754 : memref<1x128xi32, #tpu.memory_space<vmem>> -> memref<128xi32, #tpu.memory_space<vmem>>
    %dma_wait3A_756 = arith.constant 0 : i32
    %dma_wait3A_757 = tpu.memref_slice %arg9[%dma_wait3A_751, %dma_wait3A_752, %dma_wait3A_756] : memref<4x2x128xi32, #tpu.memory_space<vmem>> -> memref<1x1x128xi32, #tpu.memory_space<vmem>>
    %dma_wait3A_758 = tpu.memref_squeeze %dma_wait3A_757 : memref<1x1x128xi32, #tpu.memory_space<vmem>> -> memref<128xi32, #tpu.memory_space<vmem>>
    %dma_wait3A_759 = arith.constant 0 : i32
    %dma_wait3A_760 = tpu.memref_slice %arg7[%dma_wait3A_759] : memref<32768xi32, #tpu.memory_space<hbm>> -> memref<32768xi32, #tpu.memory_space<hbm>>
    tpu.wait_indirect_dma semaphore(%arg16 : memref<!tpu.dma_semaphore, #tpu.memory_space<semaphore_mem>>) src(%dma_wait3A_755 : memref<128xi32, #tpu.memory_space<vmem>>) dst(%dma_wait3A_760 : memref<32768xi32, #tpu.memory_space<hbm>>)
    %dma_wait3A_761 = arith.constant 0 : i32
    %dma_wait3A_762 = arith.constant 1 : i32
    %dma_wait3A_763 = arith.constant 0 : i32
    %dma_wait3A_764 = arith.constant 0 : i32
    %dma_wait3A_765 = tpu.memref_slice %arg10[%dma_wait3A_761, %dma_wait3A_764] : memref<2x128xi32, #tpu.memory_space<vmem>> -> memref<1x128xi32, #tpu.memory_space<vmem>>
    %dma_wait3A_766 = tpu.memref_squeeze %dma_wait3A_765 : memref<1x128xi32, #tpu.memory_space<vmem>> -> memref<128xi32, #tpu.memory_space<vmem>>
    %dma_wait3A_767 = arith.constant 0 : i32
    %dma_wait3A_768 = tpu.memref_slice %arg9[%dma_wait3A_762, %dma_wait3A_763, %dma_wait3A_767] : memref<4x2x128xi32, #tpu.memory_space<vmem>> -> memref<1x1x128xi32, #tpu.memory_space<vmem>>
    %dma_wait3A_769 = tpu.memref_squeeze %dma_wait3A_768 : memref<1x1x128xi32, #tpu.memory_space<vmem>> -> memref<128xi32, #tpu.memory_space<vmem>>
    %dma_wait3A_770 = arith.constant 0 : i32
    %dma_wait3A_771 = tpu.memref_slice %arg7[%dma_wait3A_770] : memref<32768xi32, #tpu.memory_space<hbm>> -> memref<32768xi32, #tpu.memory_space<hbm>>
    tpu.wait_indirect_dma semaphore(%arg16 : memref<!tpu.dma_semaphore, #tpu.memory_space<semaphore_mem>>) src(%dma_wait3A_766 : memref<128xi32, #tpu.memory_space<vmem>>) dst(%dma_wait3A_771 : memref<32768xi32, #tpu.memory_space<hbm>>)
    %dma_wait3A_772 = arith.constant 1 : i32
    %dma_wait3A_773 = arith.constant 1 : i32
    %dma_wait3A_774 = arith.constant 1 : i32
    %dma_wait3A_775 = arith.constant 0 : i32
    %dma_wait3A_776 = tpu.memref_slice %arg10[%dma_wait3A_772, %dma_wait3A_775] : memref<2x128xi32, #tpu.memory_space<vmem>> -> memref<1x128xi32, #tpu.memory_space<vmem>>
    %dma_wait3A_777 = tpu.memref_squeeze %dma_wait3A_776 : memref<1x128xi32, #tpu.memory_space<vmem>> -> memref<128xi32, #tpu.memory_space<vmem>>
    %dma_wait3A_778 = arith.constant 0 : i32
    %dma_wait3A_779 = tpu.memref_slice %arg9[%dma_wait3A_773, %dma_wait3A_774, %dma_wait3A_778] : memref<4x2x128xi32, #tpu.memory_space<vmem>> -> memref<1x1x128xi32, #tpu.memory_space<vmem>>
    %dma_wait3A_780 = tpu.memref_squeeze %dma_wait3A_779 : memref<1x1x128xi32, #tpu.memory_space<vmem>> -> memref<128xi32, #tpu.memory_space<vmem>>
    %dma_wait3A_781 = arith.constant 0 : i32
    %dma_wait3A_782 = tpu.memref_slice %arg7[%dma_wait3A_781] : memref<32768xi32, #tpu.memory_space<hbm>> -> memref<32768xi32, #tpu.memory_space<hbm>>
    tpu.wait_indirect_dma semaphore(%arg16 : memref<!tpu.dma_semaphore, #tpu.memory_space<semaphore_mem>>) src(%dma_wait3A_777 : memref<128xi32, #tpu.memory_space<vmem>>) dst(%dma_wait3A_782 : memref<32768xi32, #tpu.memory_space<hbm>>)
    %dma_wait3A_783 = arith.constant 0 : i32
    %dma_wait3A_784 = arith.constant 2 : i32
    %dma_wait3A_785 = arith.constant 0 : i32
    %dma_wait3A_786 = arith.constant 0 : i32
    %dma_wait3A_787 = tpu.memref_slice %arg10[%dma_wait3A_783, %dma_wait3A_786] : memref<2x128xi32, #tpu.memory_space<vmem>> -> memref<1x128xi32, #tpu.memory_space<vmem>>
    %dma_wait3A_788 = tpu.memref_squeeze %dma_wait3A_787 : memref<1x128xi32, #tpu.memory_space<vmem>> -> memref<128xi32, #tpu.memory_space<vmem>>
    %dma_wait3A_789 = arith.constant 0 : i32
    %dma_wait3A_790 = tpu.memref_slice %arg9[%dma_wait3A_784, %dma_wait3A_785, %dma_wait3A_789] : memref<4x2x128xi32, #tpu.memory_space<vmem>> -> memref<1x1x128xi32, #tpu.memory_space<vmem>>
    %dma_wait3A_791 = tpu.memref_squeeze %dma_wait3A_790 : memref<1x1x128xi32, #tpu.memory_space<vmem>> -> memref<128xi32, #tpu.memory_space<vmem>>
    %dma_wait3A_792 = arith.constant 0 : i32
    %dma_wait3A_793 = tpu.memref_slice %arg7[%dma_wait3A_792] : memref<32768xi32, #tpu.memory_space<hbm>> -> memref<32768xi32, #tpu.memory_space<hbm>>
    tpu.wait_indirect_dma semaphore(%arg16 : memref<!tpu.dma_semaphore, #tpu.memory_space<semaphore_mem>>) src(%dma_wait3A_788 : memref<128xi32, #tpu.memory_space<vmem>>) dst(%dma_wait3A_793 : memref<32768xi32, #tpu.memory_space<hbm>>)
    %dma_wait3A_794 = arith.constant 1 : i32
    %dma_wait3A_795 = arith.constant 2 : i32
    %dma_wait3A_796 = arith.constant 1 : i32
    %dma_wait3A_797 = arith.constant 0 : i32
    %dma_wait3A_798 = tpu.memref_slice %arg10[%dma_wait3A_794, %dma_wait3A_797] : memref<2x128xi32, #tpu.memory_space<vmem>> -> memref<1x128xi32, #tpu.memory_space<vmem>>
    %dma_wait3A_799 = tpu.memref_squeeze %dma_wait3A_798 : memref<1x128xi32, #tpu.memory_space<vmem>> -> memref<128xi32, #tpu.memory_space<vmem>>
    %dma_wait3A_800 = arith.constant 0 : i32
    %dma_wait3A_801 = tpu.memref_slice %arg9[%dma_wait3A_795, %dma_wait3A_796, %dma_wait3A_800] : memref<4x2x128xi32, #tpu.memory_space<vmem>> -> memref<1x1x128xi32, #tpu.memory_space<vmem>>
    %dma_wait3A_802 = tpu.memref_squeeze %dma_wait3A_801 : memref<1x1x128xi32, #tpu.memory_space<vmem>> -> memref<128xi32, #tpu.memory_space<vmem>>
    %dma_wait3A_803 = arith.constant 0 : i32
    %dma_wait3A_804 = tpu.memref_slice %arg7[%dma_wait3A_803] : memref<32768xi32, #tpu.memory_space<hbm>> -> memref<32768xi32, #tpu.memory_space<hbm>>
    tpu.wait_indirect_dma semaphore(%arg16 : memref<!tpu.dma_semaphore, #tpu.memory_space<semaphore_mem>>) src(%dma_wait3A_799 : memref<128xi32, #tpu.memory_space<vmem>>) dst(%dma_wait3A_804 : memref<32768xi32, #tpu.memory_space<hbm>>)
    %dma_wait3A_805 = arith.constant 0 : i32
    %dma_wait3A_806 = arith.constant 3 : i32
    %dma_wait3A_807 = arith.constant 0 : i32
    %dma_wait3A_808 = arith.constant 0 : i32
    %dma_wait3A_809 = tpu.memref_slice %arg10[%dma_wait3A_805, %dma_wait3A_808] : memref<2x128xi32, #tpu.memory_space<vmem>> -> memref<1x128xi32, #tpu.memory_space<vmem>>
    %dma_wait3A_810 = tpu.memref_squeeze %dma_wait3A_809 : memref<1x128xi32, #tpu.memory_space<vmem>> -> memref<128xi32, #tpu.memory_space<vmem>>
    %dma_wait3A_811 = arith.constant 0 : i32
    %dma_wait3A_812 = tpu.memref_slice %arg9[%dma_wait3A_806, %dma_wait3A_807, %dma_wait3A_811] : memref<4x2x128xi32, #tpu.memory_space<vmem>> -> memref<1x1x128xi32, #tpu.memory_space<vmem>>
    %dma_wait3A_813 = tpu.memref_squeeze %dma_wait3A_812 : memref<1x1x128xi32, #tpu.memory_space<vmem>> -> memref<128xi32, #tpu.memory_space<vmem>>
    %dma_wait3A_814 = arith.constant 0 : i32
    %dma_wait3A_815 = tpu.memref_slice %arg7[%dma_wait3A_814] : memref<32768xi32, #tpu.memory_space<hbm>> -> memref<32768xi32, #tpu.memory_space<hbm>>
    tpu.wait_indirect_dma semaphore(%arg16 : memref<!tpu.dma_semaphore, #tpu.memory_space<semaphore_mem>>) src(%dma_wait3A_810 : memref<128xi32, #tpu.memory_space<vmem>>) dst(%dma_wait3A_815 : memref<32768xi32, #tpu.memory_space<hbm>>)
    %dma_wait3A_816 = arith.constant 1 : i32
    %dma_wait3A_817 = arith.constant 3 : i32
    %dma_wait3A_818 = arith.constant 1 : i32
    %dma_wait3A_819 = arith.constant 0 : i32
    %dma_wait3A_820 = tpu.memref_slice %arg10[%dma_wait3A_816, %dma_wait3A_819] : memref<2x128xi32, #tpu.memory_space<vmem>> -> memref<1x128xi32, #tpu.memory_space<vmem>>
    %dma_wait3A_821 = tpu.memref_squeeze %dma_wait3A_820 : memref<1x128xi32, #tpu.memory_space<vmem>> -> memref<128xi32, #tpu.memory_space<vmem>>
    %dma_wait3A_822 = arith.constant 0 : i32
    %dma_wait3A_823 = tpu.memref_slice %arg9[%dma_wait3A_817, %dma_wait3A_818, %dma_wait3A_822] : memref<4x2x128xi32, #tpu.memory_space<vmem>> -> memref<1x1x128xi32, #tpu.memory_space<vmem>>
    %dma_wait3A_824 = tpu.memref_squeeze %dma_wait3A_823 : memref<1x1x128xi32, #tpu.memory_space<vmem>> -> memref<128xi32, #tpu.memory_space<vmem>>
    %dma_wait3A_825 = arith.constant 0 : i32
    %dma_wait3A_826 = tpu.memref_slice %arg7[%dma_wait3A_825] : memref<32768xi32, #tpu.memory_space<hbm>> -> memref<32768xi32, #tpu.memory_space<hbm>>
    tpu.wait_indirect_dma semaphore(%arg16 : memref<!tpu.dma_semaphore, #tpu.memory_space<semaphore_mem>>) src(%dma_wait3A_821 : memref<128xi32, #tpu.memory_space<vmem>>) dst(%dma_wait3A_826 : memref<32768xi32, #tpu.memory_space<hbm>>)
    return
  }
}

module attributes {stable_mosaic.version = 14 : i64} {
  func.func @_hash_rank_body(%arg0: i32, %arg1: i32, %arg2: memref<1x512x1024xf32, #tpu.memory_space<vmem>>, %arg3: memref<1024x256xf32, #tpu.memory_space<vmem>>, %arg4: memref<1x4x4096xi32, #tpu.memory_space<vmem>>, %arg5: memref<1x4x4096xi32, #tpu.memory_space<vmem>>, %arg6: memref<4x128xf32, #tpu.memory_space<vmem>>, %arg7: memref<4x4096xf32, #tpu.memory_space<vmem>>, %arg8: memref<4x4096xf32, #tpu.memory_space<vmem>>) attributes {dimension_semantics = [#tpu.dimension_semantics<arbitrary>, #tpu.dimension_semantics<arbitrary>], iteration_bounds = array<i64: 2, 8>, scalar_prefetch = 0 : i64, scratch_operands = 3 : i64, tpu.core_type = #tpu.core_type<tc>, window_params = [{transform_indices = @transform_0, window_bounds = array<i64: 1, 512, 1024>}, {pipeline_mode = #tpu.pipeline_mode<synchronous>, transform_indices = @transform_1, window_bounds = array<i64: 1024, 256>}, {transform_indices = @transform_2, window_bounds = array<i64: 1, 4, 4096>}, {transform_indices = @transform_3, window_bounds = array<i64: 1, 4, 4096>}]} {
    %eq3A = arith.constant 0 : i32
    %eq3A_0 = arith.cmpi eq, %arg1, %eq3A : i32
    %convert_element_type3A = arith.extui %eq3A_0 : i1 to i32
    %cond3A = arith.constant 0 : i32
    %cond3A_1 = arith.cmpi ne, %convert_element_type3A, %cond3A : i32
    scf.if %cond3A_1 {
      %broadcast_in_dim3A_342 = arith.constant 0.000000e+00 : f32
      %broadcast_in_dim3A_343 = vector.broadcast %broadcast_in_dim3A_342 : f32 to vector<4x128xf32>
      %swap3A_344 = arith.constant 0 : index
      %swap3A_345 = arith.constant 0 : index
      %swap3A_346 = vector.load %arg6[%swap3A_344, %swap3A_345] : memref<4x128xf32, #tpu.memory_space<vmem>>, vector<4x128xf32>
      tpu.vector_store %arg6[%swap3A_344, %swap3A_345], %broadcast_in_dim3A_343 {strides = array<i32>} : memref<4x128xf32, #tpu.memory_space<vmem>>, vector<4x128xf32>,
    } else {
    }
    %get3A = arith.constant 0 : index
    %get3A_2 = arith.constant 0 : index
    %get3A_3 = arith.constant 0 : index
    %get3A_4 = vector.load %arg2[%get3A, %get3A_2, %get3A_3] : memref<1x512x1024xf32, #tpu.memory_space<vmem>>, vector<1x512x1024xf32>
    %get3A_5 = vector.shape_cast %get3A_4 : vector<1x512x1024xf32> to vector<512x1024xf32>
    %mul3A = arith.mulf %get3A_5, %get3A_5 : vector<512x1024xf32>
    %reduce_sum3A = arith.constant dense<0.000000e+00> : vector<512xf32>
    %reduce_sum3A_6 = vector.multi_reduction <add>, %mul3A, %reduce_sum3A [1] : vector<512x1024xf32> to vector<512xf32>
    %broadcast_in_dim3A = vector.shape_cast %reduce_sum3A_6 : vector<512xf32> to vector<512x1xf32>
    %sqrt3A = math.sqrt %broadcast_in_dim3A : vector<512x1xf32>
    %max3A = arith.constant 9.99999996E-13 : f32
    %max3A_7 = vector.broadcast %max3A : f32 to vector<512x1xf32>
    %max3A_8 = arith.maximumf %sqrt3A, %max3A_7 : vector<512x1xf32>
    %div3A = vector.broadcast %max3A_8 : vector<512x1xf32> to vector<512x1024xf32>
    %div3A_9 = arith.divf %get3A_5, %div3A : vector<512x1024xf32>
    %get3A_10 = arith.constant 0 : index
    %get3A_11 = arith.constant 0 : index
    %get3A_12 = vector.load %arg3[%get3A_10, %get3A_11] : memref<1024x256xf32, #tpu.memory_space<vmem>>, vector<1024x256xf32>
    %dot_general3A = arith.constant dense<0.000000e+00> : vector<512x256xf32>
    %dot_general3A_13 = tpu.matmul %div3A_9, %get3A_12, %dot_general3A {dimension_numbers = #tpu.dot_dimension_numbers<[1], [0], [0], [1], [0, 0, 1, 1], [], []>, transpose_lhs_hint = false} : vector<512x1024xf32>, vector<1024x256xf32>, vector<512x256xf32> -> vector<512x256xf32>
    %iota3A = tpu.iota {dimensions = array<i32: 1>} : vector<512x64xi32>
    %convert_element_type3A_14 = arith.sitofp %iota3A : vector<512x64xi32> to vector<512x64xf32>
    %iota3A_15 = tpu.iota {dimensions = array<i32: 1>} : vector<512x128xi32>
    %convert_element_type3A_16 = arith.sitofp %iota3A_15 : vector<512x128xi32> to vector<512x128xf32>
    %add3A = arith.constant 1.000000e+00 : f32
    %add3A_17 = vector.broadcast %add3A : f32 to vector<512x128xf32>
    %add3A_18 = arith.addf %convert_element_type3A_16, %add3A_17 : vector<512x128xf32>
    %iota3A_19 = tpu.iota {dimensions = array<i32: 0>} : vector<512x512xi32>
    %iota3A_20 = tpu.iota {dimensions = array<i32: 1>} : vector<512x512xi32>
    %lt3A = arith.cmpi slt, %iota3A_20, %iota3A_19 : vector<512x512xi32>
    %convert_element_type3A_21 = arith.extui %lt3A : vector<512x512xi1> to vector<512x512xi32>
    %convert_element_type3A_22 = arith.sitofp %convert_element_type3A_21 : vector<512x512xi32> to vector<512x512xf32>
    %slice3A = vector.extract_strided_slice %dot_general3A_13 {offsets = [0, 0], sizes = [512, 64], strides = [1, 1]} : vector<512x256xf32> to vector<512x64xf32>
    %reduce_max3A = arith.constant dense<0xFF800000> : vector<512xf32>
    %reduce_max3A_23 = vector.multi_reduction <maximumf>, %slice3A, %reduce_max3A [1] : vector<512x64xf32> to vector<512xf32>
    %broadcast_in_dim3A_24 = vector.shape_cast %reduce_max3A_23 : vector<512xf32> to vector<512x1xf32>
    %reduce_min3A = arith.constant dense<0x7F800000> : vector<512xf32>
    %reduce_min3A_25 = vector.multi_reduction <minimumf>, %slice3A, %reduce_min3A [1] : vector<512x64xf32> to vector<512xf32>
    %broadcast_in_dim3A_26 = vector.shape_cast %reduce_min3A_25 : vector<512xf32> to vector<512x1xf32>
    %eq3A_27 = vector.broadcast %broadcast_in_dim3A_24 : vector<512x1xf32> to vector<512x64xf32>
    %eq3A_28 = arith.cmpf oeq, %slice3A, %eq3A_27 : vector<512x64xf32>
    %jit3A = arith.constant 6.400000e+01 : f32
    %broadcast_in_dim3A_29 = vector.broadcast %jit3A : f32 to vector<512x64xf32>
    %select_n3A = arith.select %eq3A_28, %convert_element_type3A_14, %broadcast_in_dim3A_29 : vector<512x64xi1>, vector<512x64xf32>
    %reduce_min3A_30 = arith.constant dense<0x7F800000> : vector<512xf32>
    %reduce_min3A_31 = vector.multi_reduction <minimumf>, %select_n3A, %reduce_min3A_30 [1] : vector<512x64xf32> to vector<512xf32>
    %broadcast_in_dim3A_32 = vector.shape_cast %reduce_min3A_31 : vector<512xf32> to vector<512x1xf32>
    %eq3A_33 = vector.broadcast %broadcast_in_dim3A_26 : vector<512x1xf32> to vector<512x64xf32>
    %eq3A_34 = arith.cmpf oeq, %slice3A, %eq3A_33 : vector<512x64xf32>
    %jit3A_35 = arith.constant 6.400000e+01 : f32
    %broadcast_in_dim3A_36 = vector.broadcast %jit3A_35 : f32 to vector<512x64xf32>
    %select_n3A_37 = arith.select %eq3A_34, %convert_element_type3A_14, %broadcast_in_dim3A_36 : vector<512x64xi1>, vector<512x64xf32>
    %reduce_min3A_38 = arith.constant dense<0x7F800000> : vector<512xf32>
    %reduce_min3A_39 = vector.multi_reduction <minimumf>, %select_n3A_37, %reduce_min3A_38 [1] : vector<512x64xf32> to vector<512xf32>
    %broadcast_in_dim3A_40 = vector.shape_cast %reduce_min3A_39 : vector<512xf32> to vector<512x1xf32>
    %neg3A = arith.constant 0.000000e+00 : f32
    %neg3A_41 = vector.broadcast %neg3A : f32 to vector<512x1xf32>
    %neg3A_42 = arith.subf %neg3A_41, %broadcast_in_dim3A_26 : vector<512x1xf32>
    %ge3A = arith.cmpf oge, %broadcast_in_dim3A_24, %neg3A_42 : vector<512x1xf32>
    %add3A_43 = arith.constant 1.000000e+00 : f32
    %add3A_44 = vector.broadcast %add3A_43 : f32 to vector<512x1xf32>
    %add3A_45 = arith.addf %broadcast_in_dim3A_32, %add3A_44 : vector<512x1xf32>
    %add3A_46 = arith.constant 1.000000e+00 : f32
    %add3A_47 = vector.broadcast %add3A_46 : f32 to vector<512x1xf32>
    %add3A_48 = arith.addf %broadcast_in_dim3A_40, %add3A_47 : vector<512x1xf32>
    %add3A_49 = arith.constant 6.400000e+01 : f32
    %add3A_50 = vector.broadcast %add3A_49 : f32 to vector<512x1xf32>
    %add3A_51 = arith.addf %add3A_48, %add3A_50 : vector<512x1xf32>
    %select_n3A_52 = arith.select %ge3A, %add3A_45, %add3A_51 : vector<512x1xi1>, vector<512x1xf32>
    %eq3A_53 = vector.broadcast %select_n3A_52 : vector<512x1xf32> to vector<512x128xf32>
    %eq3A_54 = arith.cmpf oeq, %eq3A_53, %add3A_18 : vector<512x128xf32>
    %convert_element_type3A_55 = arith.extui %eq3A_54 : vector<512x128xi1> to vector<512x128xi32>
    %convert_element_type3A_56 = arith.sitofp %convert_element_type3A_55 : vector<512x128xi32> to vector<512x128xf32>
    %get3A_57 = arith.constant 0 : index
    %get3A_58 = arith.constant 0 : index
    %get3A_59 = vector.load %arg6[%get3A_57, %get3A_58] : memref<4x128xf32, #tpu.memory_space<vmem>>, vector<1x128xf32>
    %get3A_60 = vector.shape_cast %get3A_59 : vector<1x128xf32> to vector<128xf32>
    %broadcast_in_dim3A_61 = vector.shape_cast %get3A_60 : vector<128xf32> to vector<1x128xf32>
    %mul3A_62 = vector.broadcast %broadcast_in_dim3A_61 : vector<1x128xf32> to vector<512x128xf32>
    %mul3A_63 = arith.mulf %convert_element_type3A_56, %mul3A_62 : vector<512x128xf32>
    %reduce_sum3A_64 = arith.constant dense<0.000000e+00> : vector<512xf32>
    %reduce_sum3A_65 = vector.multi_reduction <add>, %mul3A_63, %reduce_sum3A_64 [1] : vector<512x128xf32> to vector<512xf32>
    %broadcast_in_dim3A_66 = vector.shape_cast %reduce_sum3A_65 : vector<512xf32> to vector<512x1xf32>
    %dot_general3A_67 = arith.constant dense<0.000000e+00> : vector<512x128xf32>
    %dot_general3A_68 = tpu.matmul %convert_element_type3A_22, %convert_element_type3A_56, %dot_general3A_67 {dimension_numbers = #tpu.dot_dimension_numbers<[1], [0], [0], [1], [0, 0, 1, 1], [], []>, transpose_lhs_hint = false} : vector<512x512xf32>, vector<512x128xf32>, vector<512x128xf32> -> vector<512x128xf32>
    %mul3A_69 = arith.mulf %dot_general3A_68, %convert_element_type3A_56 : vector<512x128xf32>
    %reduce_sum3A_70 = arith.constant dense<0.000000e+00> : vector<512xf32>
    %reduce_sum3A_71 = vector.multi_reduction <add>, %mul3A_69, %reduce_sum3A_70 [1] : vector<512x128xf32> to vector<512xf32>
    %broadcast_in_dim3A_72 = vector.shape_cast %reduce_sum3A_71 : vector<512xf32> to vector<512x1xf32>
    %mul3A_73 = arith.constant 512 : i32
    %mul3A_74 = arith.muli %arg1, %mul3A_73 : i32
    %multiple_of3A = tpu.assume_multiple %mul3A_74, 512 : i32
    %add3A_75 = arith.addf %broadcast_in_dim3A_66, %broadcast_in_dim3A_72 : vector<512x1xf32>
    %squeeze3A = vector.shape_cast %add3A_75 : vector<512x1xf32> to vector<512xf32>
    %swap3A = arith.constant 0 : index
    %swap3A_76 = arith.index_cast %multiple_of3A : i32 to index
    %swap3A_77 = vector.load %arg8[%swap3A, %swap3A_76] : memref<4x4096xf32, #tpu.memory_space<vmem>>, vector<1x512xf32>
    %swap3A_78 = vector.shape_cast %swap3A_77 : vector<1x512xf32> to vector<512xf32>
    %swap3A_79 = vector.shape_cast %squeeze3A : vector<512xf32> to vector<1x512xf32>
    tpu.vector_store %arg8[%swap3A, %swap3A_76], %swap3A_79 {strides = array<i32>} : memref<4x4096xf32, #tpu.memory_space<vmem>>, vector<1x512xf32>,
    %squeeze3A_80 = vector.shape_cast %select_n3A_52 : vector<512x1xf32> to vector<512xf32>
    %swap3A_81 = arith.constant 0 : index
    %swap3A_82 = arith.index_cast %multiple_of3A : i32 to index
    %swap3A_83 = vector.load %arg7[%swap3A_81, %swap3A_82] : memref<4x4096xf32, #tpu.memory_space<vmem>>, vector<1x512xf32>
    %swap3A_84 = vector.shape_cast %swap3A_83 : vector<1x512xf32> to vector<512xf32>
    %swap3A_85 = vector.shape_cast %squeeze3A_80 : vector<512xf32> to vector<1x512xf32>
    tpu.vector_store %arg7[%swap3A_81, %swap3A_82], %swap3A_85 {strides = array<i32>} : memref<4x4096xf32, #tpu.memory_space<vmem>>, vector<1x512xf32>,
    %reduce_sum3A_86 = arith.constant dense<0.000000e+00> : vector<128xf32>
    %reduce_sum3A_87 = vector.multi_reduction <add>, %convert_element_type3A_56, %reduce_sum3A_86 [0] : vector<512x128xf32> to vector<128xf32>
    %add3A_88 = arith.addf %get3A_60, %reduce_sum3A_87 : vector<128xf32>
    %swap3A_89 = arith.constant 0 : index
    %swap3A_90 = arith.constant 0 : index
    %swap3A_91 = vector.load %arg6[%swap3A_89, %swap3A_90] : memref<4x128xf32, #tpu.memory_space<vmem>>, vector<1x128xf32>
    %swap3A_92 = vector.shape_cast %swap3A_91 : vector<1x128xf32> to vector<128xf32>
    %swap3A_93 = vector.shape_cast %add3A_88 : vector<128xf32> to vector<1x128xf32>
    tpu.vector_store %arg6[%swap3A_89, %swap3A_90], %swap3A_93 {strides = array<i32>} : memref<4x128xf32, #tpu.memory_space<vmem>>, vector<1x128xf32>,
    %slice3A_94 = vector.extract_strided_slice %dot_general3A_13 {offsets = [0, 64], sizes = [512, 64], strides = [1, 1]} : vector<512x256xf32> to vector<512x64xf32>
    %reduce_max3A_95 = arith.constant dense<0xFF800000> : vector<512xf32>
    %reduce_max3A_96 = vector.multi_reduction <maximumf>, %slice3A_94, %reduce_max3A_95 [1] : vector<512x64xf32> to vector<512xf32>
    %broadcast_in_dim3A_97 = vector.shape_cast %reduce_max3A_96 : vector<512xf32> to vector<512x1xf32>
    %reduce_min3A_98 = arith.constant dense<0x7F800000> : vector<512xf32>
    %reduce_min3A_99 = vector.multi_reduction <minimumf>, %slice3A_94, %reduce_min3A_98 [1] : vector<512x64xf32> to vector<512xf32>
    %broadcast_in_dim3A_100 = vector.shape_cast %reduce_min3A_99 : vector<512xf32> to vector<512x1xf32>
    %eq3A_101 = vector.broadcast %broadcast_in_dim3A_97 : vector<512x1xf32> to vector<512x64xf32>
    %eq3A_102 = arith.cmpf oeq, %slice3A_94, %eq3A_101 : vector<512x64xf32>
    %jit3A_103 = arith.constant 6.400000e+01 : f32
    %broadcast_in_dim3A_104 = vector.broadcast %jit3A_103 : f32 to vector<512x64xf32>
    %select_n3A_105 = arith.select %eq3A_102, %convert_element_type3A_14, %broadcast_in_dim3A_104 : vector<512x64xi1>, vector<512x64xf32>
    %reduce_min3A_106 = arith.constant dense<0x7F800000> : vector<512xf32>
    %reduce_min3A_107 = vector.multi_reduction <minimumf>, %select_n3A_105, %reduce_min3A_106 [1] : vector<512x64xf32> to vector<512xf32>
    %broadcast_in_dim3A_108 = vector.shape_cast %reduce_min3A_107 : vector<512xf32> to vector<512x1xf32>
    %eq3A_109 = vector.broadcast %broadcast_in_dim3A_100 : vector<512x1xf32> to vector<512x64xf32>
    %eq3A_110 = arith.cmpf oeq, %slice3A_94, %eq3A_109 : vector<512x64xf32>
    %jit3A_111 = arith.constant 6.400000e+01 : f32
    %broadcast_in_dim3A_112 = vector.broadcast %jit3A_111 : f32 to vector<512x64xf32>
    %select_n3A_113 = arith.select %eq3A_110, %convert_element_type3A_14, %broadcast_in_dim3A_112 : vector<512x64xi1>, vector<512x64xf32>
    %reduce_min3A_114 = arith.constant dense<0x7F800000> : vector<512xf32>
    %reduce_min3A_115 = vector.multi_reduction <minimumf>, %select_n3A_113, %reduce_min3A_114 [1] : vector<512x64xf32> to vector<512xf32>
    %broadcast_in_dim3A_116 = vector.shape_cast %reduce_min3A_115 : vector<512xf32> to vector<512x1xf32>
    %neg3A_117 = arith.constant 0.000000e+00 : f32
    %neg3A_118 = vector.broadcast %neg3A_117 : f32 to vector<512x1xf32>
    %neg3A_119 = arith.subf %neg3A_118, %broadcast_in_dim3A_100 : vector<512x1xf32>
    %ge3A_120 = arith.cmpf oge, %broadcast_in_dim3A_97, %neg3A_119 : vector<512x1xf32>
    %add3A_121 = arith.constant 1.000000e+00 : f32
    %add3A_122 = vector.broadcast %add3A_121 : f32 to vector<512x1xf32>
    %add3A_123 = arith.addf %broadcast_in_dim3A_108, %add3A_122 : vector<512x1xf32>
    %add3A_124 = arith.constant 1.000000e+00 : f32
    %add3A_125 = vector.broadcast %add3A_124 : f32 to vector<512x1xf32>
    %add3A_126 = arith.addf %broadcast_in_dim3A_116, %add3A_125 : vector<512x1xf32>
    %add3A_127 = arith.constant 6.400000e+01 : f32
    %add3A_128 = vector.broadcast %add3A_127 : f32 to vector<512x1xf32>
    %add3A_129 = arith.addf %add3A_126, %add3A_128 : vector<512x1xf32>
    %select_n3A_130 = arith.select %ge3A_120, %add3A_123, %add3A_129 : vector<512x1xi1>, vector<512x1xf32>
    %eq3A_131 = vector.broadcast %select_n3A_130 : vector<512x1xf32> to vector<512x128xf32>
    %eq3A_132 = arith.cmpf oeq, %eq3A_131, %add3A_18 : vector<512x128xf32>
    %convert_element_type3A_133 = arith.extui %eq3A_132 : vector<512x128xi1> to vector<512x128xi32>
    %convert_element_type3A_134 = arith.sitofp %convert_element_type3A_133 : vector<512x128xi32> to vector<512x128xf32>
    %get3A_135 = arith.constant 1 : index
    %get3A_136 = arith.constant 0 : index
    %get3A_137 = vector.load %arg6[%get3A_135, %get3A_136] : memref<4x128xf32, #tpu.memory_space<vmem>>, vector<1x128xf32>
    %get3A_138 = vector.shape_cast %get3A_137 : vector<1x128xf32> to vector<128xf32>
    %broadcast_in_dim3A_139 = vector.shape_cast %get3A_138 : vector<128xf32> to vector<1x128xf32>
    %mul3A_140 = vector.broadcast %broadcast_in_dim3A_139 : vector<1x128xf32> to vector<512x128xf32>
    %mul3A_141 = arith.mulf %convert_element_type3A_134, %mul3A_140 : vector<512x128xf32>
    %reduce_sum3A_142 = arith.constant dense<0.000000e+00> : vector<512xf32>
    %reduce_sum3A_143 = vector.multi_reduction <add>, %mul3A_141, %reduce_sum3A_142 [1] : vector<512x128xf32> to vector<512xf32>
    %broadcast_in_dim3A_144 = vector.shape_cast %reduce_sum3A_143 : vector<512xf32> to vector<512x1xf32>
    %dot_general3A_145 = arith.constant dense<0.000000e+00> : vector<512x128xf32>
    %dot_general3A_146 = tpu.matmul %convert_element_type3A_22, %convert_element_type3A_134, %dot_general3A_145 {dimension_numbers = #tpu.dot_dimension_numbers<[1], [0], [0], [1], [0, 0, 1, 1], [], []>, transpose_lhs_hint = false} : vector<512x512xf32>, vector<512x128xf32>, vector<512x128xf32> -> vector<512x128xf32>
    %mul3A_147 = arith.mulf %dot_general3A_146, %convert_element_type3A_134 : vector<512x128xf32>
    %reduce_sum3A_148 = arith.constant dense<0.000000e+00> : vector<512xf32>
    %reduce_sum3A_149 = vector.multi_reduction <add>, %mul3A_147, %reduce_sum3A_148 [1] : vector<512x128xf32> to vector<512xf32>
    %broadcast_in_dim3A_150 = vector.shape_cast %reduce_sum3A_149 : vector<512xf32> to vector<512x1xf32>
    %mul3A_151 = arith.constant 512 : i32
    %mul3A_152 = arith.muli %arg1, %mul3A_151 : i32
    %multiple_of3A_153 = tpu.assume_multiple %mul3A_152, 512 : i32
    %add3A_154 = arith.addf %broadcast_in_dim3A_144, %broadcast_in_dim3A_150 : vector<512x1xf32>
    %squeeze3A_155 = vector.shape_cast %add3A_154 : vector<512x1xf32> to vector<512xf32>
    %swap3A_156 = arith.constant 1 : index
    %swap3A_157 = arith.index_cast %multiple_of3A_153 : i32 to index
    %swap3A_158 = vector.load %arg8[%swap3A_156, %swap3A_157] : memref<4x4096xf32, #tpu.memory_space<vmem>>, vector<1x512xf32>
    %swap3A_159 = vector.shape_cast %swap3A_158 : vector<1x512xf32> to vector<512xf32>
    %swap3A_160 = vector.shape_cast %squeeze3A_155 : vector<512xf32> to vector<1x512xf32>
    tpu.vector_store %arg8[%swap3A_156, %swap3A_157], %swap3A_160 {strides = array<i32>} : memref<4x4096xf32, #tpu.memory_space<vmem>>, vector<1x512xf32>,
    %squeeze3A_161 = vector.shape_cast %select_n3A_130 : vector<512x1xf32> to vector<512xf32>
    %swap3A_162 = arith.constant 1 : index
    %swap3A_163 = arith.index_cast %multiple_of3A_153 : i32 to index
    %swap3A_164 = vector.load %arg7[%swap3A_162, %swap3A_163] : memref<4x4096xf32, #tpu.memory_space<vmem>>, vector<1x512xf32>
    %swap3A_165 = vector.shape_cast %swap3A_164 : vector<1x512xf32> to vector<512xf32>
    %swap3A_166 = vector.shape_cast %squeeze3A_161 : vector<512xf32> to vector<1x512xf32>
    tpu.vector_store %arg7[%swap3A_162, %swap3A_163], %swap3A_166 {strides = array<i32>} : memref<4x4096xf32, #tpu.memory_space<vmem>>, vector<1x512xf32>,
    %reduce_sum3A_167 = arith.constant dense<0.000000e+00> : vector<128xf32>
    %reduce_sum3A_168 = vector.multi_reduction <add>, %convert_element_type3A_134, %reduce_sum3A_167 [0] : vector<512x128xf32> to vector<128xf32>
    %add3A_169 = arith.addf %get3A_138, %reduce_sum3A_168 : vector<128xf32>
    %swap3A_170 = arith.constant 1 : index
    %swap3A_171 = arith.constant 0 : index
    %swap3A_172 = vector.load %arg6[%swap3A_170, %swap3A_171] : memref<4x128xf32, #tpu.memory_space<vmem>>, vector<1x128xf32>
    %swap3A_173 = vector.shape_cast %swap3A_172 : vector<1x128xf32> to vector<128xf32>
    %swap3A_174 = vector.shape_cast %add3A_169 : vector<128xf32> to vector<1x128xf32>
    tpu.vector_store %arg6[%swap3A_170, %swap3A_171], %swap3A_174 {strides = array<i32>} : memref<4x128xf32, #tpu.memory_space<vmem>>, vector<1x128xf32>,
    %slice3A_175 = vector.extract_strided_slice %dot_general3A_13 {offsets = [0, 128], sizes = [512, 64], strides = [1, 1]} : vector<512x256xf32> to vector<512x64xf32>
    %reduce_max3A_176 = arith.constant dense<0xFF800000> : vector<512xf32>
    %reduce_max3A_177 = vector.multi_reduction <maximumf>, %slice3A_175, %reduce_max3A_176 [1] : vector<512x64xf32> to vector<512xf32>
    %broadcast_in_dim3A_178 = vector.shape_cast %reduce_max3A_177 : vector<512xf32> to vector<512x1xf32>
    %reduce_min3A_179 = arith.constant dense<0x7F800000> : vector<512xf32>
    %reduce_min3A_180 = vector.multi_reduction <minimumf>, %slice3A_175, %reduce_min3A_179 [1] : vector<512x64xf32> to vector<512xf32>
    %broadcast_in_dim3A_181 = vector.shape_cast %reduce_min3A_180 : vector<512xf32> to vector<512x1xf32>
    %eq3A_182 = vector.broadcast %broadcast_in_dim3A_178 : vector<512x1xf32> to vector<512x64xf32>
    %eq3A_183 = arith.cmpf oeq, %slice3A_175, %eq3A_182 : vector<512x64xf32>
    %jit3A_184 = arith.constant 6.400000e+01 : f32
    %broadcast_in_dim3A_185 = vector.broadcast %jit3A_184 : f32 to vector<512x64xf32>
    %select_n3A_186 = arith.select %eq3A_183, %convert_element_type3A_14, %broadcast_in_dim3A_185 : vector<512x64xi1>, vector<512x64xf32>
    %reduce_min3A_187 = arith.constant dense<0x7F800000> : vector<512xf32>
    %reduce_min3A_188 = vector.multi_reduction <minimumf>, %select_n3A_186, %reduce_min3A_187 [1] : vector<512x64xf32> to vector<512xf32>
    %broadcast_in_dim3A_189 = vector.shape_cast %reduce_min3A_188 : vector<512xf32> to vector<512x1xf32>
    %eq3A_190 = vector.broadcast %broadcast_in_dim3A_181 : vector<512x1xf32> to vector<512x64xf32>
    %eq3A_191 = arith.cmpf oeq, %slice3A_175, %eq3A_190 : vector<512x64xf32>
    %jit3A_192 = arith.constant 6.400000e+01 : f32
    %broadcast_in_dim3A_193 = vector.broadcast %jit3A_192 : f32 to vector<512x64xf32>
    %select_n3A_194 = arith.select %eq3A_191, %convert_element_type3A_14, %broadcast_in_dim3A_193 : vector<512x64xi1>, vector<512x64xf32>
    %reduce_min3A_195 = arith.constant dense<0x7F800000> : vector<512xf32>
    %reduce_min3A_196 = vector.multi_reduction <minimumf>, %select_n3A_194, %reduce_min3A_195 [1] : vector<512x64xf32> to vector<512xf32>
    %broadcast_in_dim3A_197 = vector.shape_cast %reduce_min3A_196 : vector<512xf32> to vector<512x1xf32>
    %neg3A_198 = arith.constant 0.000000e+00 : f32
    %neg3A_199 = vector.broadcast %neg3A_198 : f32 to vector<512x1xf32>
    %neg3A_200 = arith.subf %neg3A_199, %broadcast_in_dim3A_181 : vector<512x1xf32>
    %ge3A_201 = arith.cmpf oge, %broadcast_in_dim3A_178, %neg3A_200 : vector<512x1xf32>
    %add3A_202 = arith.constant 1.000000e+00 : f32
    %add3A_203 = vector.broadcast %add3A_202 : f32 to vector<512x1xf32>
    %add3A_204 = arith.addf %broadcast_in_dim3A_189, %add3A_203 : vector<512x1xf32>
    %add3A_205 = arith.constant 1.000000e+00 : f32
    %add3A_206 = vector.broadcast %add3A_205 : f32 to vector<512x1xf32>
    %add3A_207 = arith.addf %broadcast_in_dim3A_197, %add3A_206 : vector<512x1xf32>
    %add3A_208 = arith.constant 6.400000e+01 : f32
    %add3A_209 = vector.broadcast %add3A_208 : f32 to vector<512x1xf32>
    %add3A_210 = arith.addf %add3A_207, %add3A_209 : vector<512x1xf32>
    %select_n3A_211 = arith.select %ge3A_201, %add3A_204, %add3A_210 : vector<512x1xi1>, vector<512x1xf32>
    %eq3A_212 = vector.broadcast %select_n3A_211 : vector<512x1xf32> to vector<512x128xf32>
    %eq3A_213 = arith.cmpf oeq, %eq3A_212, %add3A_18 : vector<512x128xf32>
    %convert_element_type3A_214 = arith.extui %eq3A_213 : vector<512x128xi1> to vector<512x128xi32>
    %convert_element_type3A_215 = arith.sitofp %convert_element_type3A_214 : vector<512x128xi32> to vector<512x128xf32>
    %get3A_216 = arith.constant 2 : index
    %get3A_217 = arith.constant 0 : index
    %get3A_218 = vector.load %arg6[%get3A_216, %get3A_217] : memref<4x128xf32, #tpu.memory_space<vmem>>, vector<1x128xf32>
    %get3A_219 = vector.shape_cast %get3A_218 : vector<1x128xf32> to vector<128xf32>
    %broadcast_in_dim3A_220 = vector.shape_cast %get3A_219 : vector<128xf32> to vector<1x128xf32>
    %mul3A_221 = vector.broadcast %broadcast_in_dim3A_220 : vector<1x128xf32> to vector<512x128xf32>
    %mul3A_222 = arith.mulf %convert_element_type3A_215, %mul3A_221 : vector<512x128xf32>
    %reduce_sum3A_223 = arith.constant dense<0.000000e+00> : vector<512xf32>
    %reduce_sum3A_224 = vector.multi_reduction <add>, %mul3A_222, %reduce_sum3A_223 [1] : vector<512x128xf32> to vector<512xf32>
    %broadcast_in_dim3A_225 = vector.shape_cast %reduce_sum3A_224 : vector<512xf32> to vector<512x1xf32>
    %dot_general3A_226 = arith.constant dense<0.000000e+00> : vector<512x128xf32>
    %dot_general3A_227 = tpu.matmul %convert_element_type3A_22, %convert_element_type3A_215, %dot_general3A_226 {dimension_numbers = #tpu.dot_dimension_numbers<[1], [0], [0], [1], [0, 0, 1, 1], [], []>, transpose_lhs_hint = false} : vector<512x512xf32>, vector<512x128xf32>, vector<512x128xf32> -> vector<512x128xf32>
    %mul3A_228 = arith.mulf %dot_general3A_227, %convert_element_type3A_215 : vector<512x128xf32>
    %reduce_sum3A_229 = arith.constant dense<0.000000e+00> : vector<512xf32>
    %reduce_sum3A_230 = vector.multi_reduction <add>, %mul3A_228, %reduce_sum3A_229 [1] : vector<512x128xf32> to vector<512xf32>
    %broadcast_in_dim3A_231 = vector.shape_cast %reduce_sum3A_230 : vector<512xf32> to vector<512x1xf32>
    %mul3A_232 = arith.constant 512 : i32
    %mul3A_233 = arith.muli %arg1, %mul3A_232 : i32
    %multiple_of3A_234 = tpu.assume_multiple %mul3A_233, 512 : i32
    %add3A_235 = arith.addf %broadcast_in_dim3A_225, %broadcast_in_dim3A_231 : vector<512x1xf32>
    %squeeze3A_236 = vector.shape_cast %add3A_235 : vector<512x1xf32> to vector<512xf32>
    %swap3A_237 = arith.constant 2 : index
    %swap3A_238 = arith.index_cast %multiple_of3A_234 : i32 to index
    %swap3A_239 = vector.load %arg8[%swap3A_237, %swap3A_238] : memref<4x4096xf32, #tpu.memory_space<vmem>>, vector<1x512xf32>
    %swap3A_240 = vector.shape_cast %swap3A_239 : vector<1x512xf32> to vector<512xf32>
    %swap3A_241 = vector.shape_cast %squeeze3A_236 : vector<512xf32> to vector<1x512xf32>
    tpu.vector_store %arg8[%swap3A_237, %swap3A_238], %swap3A_241 {strides = array<i32>} : memref<4x4096xf32, #tpu.memory_space<vmem>>, vector<1x512xf32>,
    %squeeze3A_242 = vector.shape_cast %select_n3A_211 : vector<512x1xf32> to vector<512xf32>
    %swap3A_243 = arith.constant 2 : index
    %swap3A_244 = arith.index_cast %multiple_of3A_234 : i32 to index
    %swap3A_245 = vector.load %arg7[%swap3A_243, %swap3A_244] : memref<4x4096xf32, #tpu.memory_space<vmem>>, vector<1x512xf32>
    %swap3A_246 = vector.shape_cast %swap3A_245 : vector<1x512xf32> to vector<512xf32>
    %swap3A_247 = vector.shape_cast %squeeze3A_242 : vector<512xf32> to vector<1x512xf32>
    tpu.vector_store %arg7[%swap3A_243, %swap3A_244], %swap3A_247 {strides = array<i32>} : memref<4x4096xf32, #tpu.memory_space<vmem>>, vector<1x512xf32>,
    %reduce_sum3A_248 = arith.constant dense<0.000000e+00> : vector<128xf32>
    %reduce_sum3A_249 = vector.multi_reduction <add>, %convert_element_type3A_215, %reduce_sum3A_248 [0] : vector<512x128xf32> to vector<128xf32>
    %add3A_250 = arith.addf %get3A_219, %reduce_sum3A_249 : vector<128xf32>
    %swap3A_251 = arith.constant 2 : index
    %swap3A_252 = arith.constant 0 : index
    %swap3A_253 = vector.load %arg6[%swap3A_251, %swap3A_252] : memref<4x128xf32, #tpu.memory_space<vmem>>, vector<1x128xf32>
    %swap3A_254 = vector.shape_cast %swap3A_253 : vector<1x128xf32> to vector<128xf32>
    %swap3A_255 = vector.shape_cast %add3A_250 : vector<128xf32> to vector<1x128xf32>
    tpu.vector_store %arg6[%swap3A_251, %swap3A_252], %swap3A_255 {strides = array<i32>} : memref<4x128xf32, #tpu.memory_space<vmem>>, vector<1x128xf32>,
    %slice3A_256 = vector.extract_strided_slice %dot_general3A_13 {offsets = [0, 192], sizes = [512, 64], strides = [1, 1]} : vector<512x256xf32> to vector<512x64xf32>
    %reduce_max3A_257 = arith.constant dense<0xFF800000> : vector<512xf32>
    %reduce_max3A_258 = vector.multi_reduction <maximumf>, %slice3A_256, %reduce_max3A_257 [1] : vector<512x64xf32> to vector<512xf32>
    %broadcast_in_dim3A_259 = vector.shape_cast %reduce_max3A_258 : vector<512xf32> to vector<512x1xf32>
    %reduce_min3A_260 = arith.constant dense<0x7F800000> : vector<512xf32>
    %reduce_min3A_261 = vector.multi_reduction <minimumf>, %slice3A_256, %reduce_min3A_260 [1] : vector<512x64xf32> to vector<512xf32>
    %broadcast_in_dim3A_262 = vector.shape_cast %reduce_min3A_261 : vector<512xf32> to vector<512x1xf32>
    %eq3A_263 = vector.broadcast %broadcast_in_dim3A_259 : vector<512x1xf32> to vector<512x64xf32>
    %eq3A_264 = arith.cmpf oeq, %slice3A_256, %eq3A_263 : vector<512x64xf32>
    %jit3A_265 = arith.constant 6.400000e+01 : f32
    %broadcast_in_dim3A_266 = vector.broadcast %jit3A_265 : f32 to vector<512x64xf32>
    %select_n3A_267 = arith.select %eq3A_264, %convert_element_type3A_14, %broadcast_in_dim3A_266 : vector<512x64xi1>, vector<512x64xf32>
    %reduce_min3A_268 = arith.constant dense<0x7F800000> : vector<512xf32>
    %reduce_min3A_269 = vector.multi_reduction <minimumf>, %select_n3A_267, %reduce_min3A_268 [1] : vector<512x64xf32> to vector<512xf32>
    %broadcast_in_dim3A_270 = vector.shape_cast %reduce_min3A_269 : vector<512xf32> to vector<512x1xf32>
    %eq3A_271 = vector.broadcast %broadcast_in_dim3A_262 : vector<512x1xf32> to vector<512x64xf32>
    %eq3A_272 = arith.cmpf oeq, %slice3A_256, %eq3A_271 : vector<512x64xf32>
    %jit3A_273 = arith.constant 6.400000e+01 : f32
    %broadcast_in_dim3A_274 = vector.broadcast %jit3A_273 : f32 to vector<512x64xf32>
    %select_n3A_275 = arith.select %eq3A_272, %convert_element_type3A_14, %broadcast_in_dim3A_274 : vector<512x64xi1>, vector<512x64xf32>
    %reduce_min3A_276 = arith.constant dense<0x7F800000> : vector<512xf32>
    %reduce_min3A_277 = vector.multi_reduction <minimumf>, %select_n3A_275, %reduce_min3A_276 [1] : vector<512x64xf32> to vector<512xf32>
    %broadcast_in_dim3A_278 = vector.shape_cast %reduce_min3A_277 : vector<512xf32> to vector<512x1xf32>
    %neg3A_279 = arith.constant 0.000000e+00 : f32
    %neg3A_280 = vector.broadcast %neg3A_279 : f32 to vector<512x1xf32>
    %neg3A_281 = arith.subf %neg3A_280, %broadcast_in_dim3A_262 : vector<512x1xf32>
    %ge3A_282 = arith.cmpf oge, %broadcast_in_dim3A_259, %neg3A_281 : vector<512x1xf32>
    %add3A_283 = arith.constant 1.000000e+00 : f32
    %add3A_284 = vector.broadcast %add3A_283 : f32 to vector<512x1xf32>
    %add3A_285 = arith.addf %broadcast_in_dim3A_270, %add3A_284 : vector<512x1xf32>
    %add3A_286 = arith.constant 1.000000e+00 : f32
    %add3A_287 = vector.broadcast %add3A_286 : f32 to vector<512x1xf32>
    %add3A_288 = arith.addf %broadcast_in_dim3A_278, %add3A_287 : vector<512x1xf32>
    %add3A_289 = arith.constant 6.400000e+01 : f32
    %add3A_290 = vector.broadcast %add3A_289 : f32 to vector<512x1xf32>
    %add3A_291 = arith.addf %add3A_288, %add3A_290 : vector<512x1xf32>
    %select_n3A_292 = arith.select %ge3A_282, %add3A_285, %add3A_291 : vector<512x1xi1>, vector<512x1xf32>
    %eq3A_293 = vector.broadcast %select_n3A_292 : vector<512x1xf32> to vector<512x128xf32>
    %eq3A_294 = arith.cmpf oeq, %eq3A_293, %add3A_18 : vector<512x128xf32>
    %convert_element_type3A_295 = arith.extui %eq3A_294 : vector<512x128xi1> to vector<512x128xi32>
    %convert_element_type3A_296 = arith.sitofp %convert_element_type3A_295 : vector<512x128xi32> to vector<512x128xf32>
    %get3A_297 = arith.constant 3 : index
    %get3A_298 = arith.constant 0 : index
    %get3A_299 = vector.load %arg6[%get3A_297, %get3A_298] : memref<4x128xf32, #tpu.memory_space<vmem>>, vector<1x128xf32>
    %get3A_300 = vector.shape_cast %get3A_299 : vector<1x128xf32> to vector<128xf32>
    %broadcast_in_dim3A_301 = vector.shape_cast %get3A_300 : vector<128xf32> to vector<1x128xf32>
    %mul3A_302 = vector.broadcast %broadcast_in_dim3A_301 : vector<1x128xf32> to vector<512x128xf32>
    %mul3A_303 = arith.mulf %convert_element_type3A_296, %mul3A_302 : vector<512x128xf32>
    %reduce_sum3A_304 = arith.constant dense<0.000000e+00> : vector<512xf32>
    %reduce_sum3A_305 = vector.multi_reduction <add>, %mul3A_303, %reduce_sum3A_304 [1] : vector<512x128xf32> to vector<512xf32>
    %broadcast_in_dim3A_306 = vector.shape_cast %reduce_sum3A_305 : vector<512xf32> to vector<512x1xf32>
    %dot_general3A_307 = arith.constant dense<0.000000e+00> : vector<512x128xf32>
    %dot_general3A_308 = tpu.matmul %convert_element_type3A_22, %convert_element_type3A_296, %dot_general3A_307 {dimension_numbers = #tpu.dot_dimension_numbers<[1], [0], [0], [1], [0, 0, 1, 1], [], []>, transpose_lhs_hint = false} : vector<512x512xf32>, vector<512x128xf32>, vector<512x128xf32> -> vector<512x128xf32>
    %mul3A_309 = arith.mulf %dot_general3A_308, %convert_element_type3A_296 : vector<512x128xf32>
    %reduce_sum3A_310 = arith.constant dense<0.000000e+00> : vector<512xf32>
    %reduce_sum3A_311 = vector.multi_reduction <add>, %mul3A_309, %reduce_sum3A_310 [1] : vector<512x128xf32> to vector<512xf32>
    %broadcast_in_dim3A_312 = vector.shape_cast %reduce_sum3A_311 : vector<512xf32> to vector<512x1xf32>
    %mul3A_313 = arith.constant 512 : i32
    %mul3A_314 = arith.muli %arg1, %mul3A_313 : i32
    %multiple_of3A_315 = tpu.assume_multiple %mul3A_314, 512 : i32
    %add3A_316 = arith.addf %broadcast_in_dim3A_306, %broadcast_in_dim3A_312 : vector<512x1xf32>
    %squeeze3A_317 = vector.shape_cast %add3A_316 : vector<512x1xf32> to vector<512xf32>
    %swap3A_318 = arith.constant 3 : index
    %swap3A_319 = arith.index_cast %multiple_of3A_315 : i32 to index
    %swap3A_320 = vector.load %arg8[%swap3A_318, %swap3A_319] : memref<4x4096xf32, #tpu.memory_space<vmem>>, vector<1x512xf32>
    %swap3A_321 = vector.shape_cast %swap3A_320 : vector<1x512xf32> to vector<512xf32>
    %swap3A_322 = vector.shape_cast %squeeze3A_317 : vector<512xf32> to vector<1x512xf32>
    tpu.vector_store %arg8[%swap3A_318, %swap3A_319], %swap3A_322 {strides = array<i32>} : memref<4x4096xf32, #tpu.memory_space<vmem>>, vector<1x512xf32>,
    %squeeze3A_323 = vector.shape_cast %select_n3A_292 : vector<512x1xf32> to vector<512xf32>
    %swap3A_324 = arith.constant 3 : index
    %swap3A_325 = arith.index_cast %multiple_of3A_315 : i32 to index
    %swap3A_326 = vector.load %arg7[%swap3A_324, %swap3A_325] : memref<4x4096xf32, #tpu.memory_space<vmem>>, vector<1x512xf32>
    %swap3A_327 = vector.shape_cast %swap3A_326 : vector<1x512xf32> to vector<512xf32>
    %swap3A_328 = vector.shape_cast %squeeze3A_323 : vector<512xf32> to vector<1x512xf32>
    tpu.vector_store %arg7[%swap3A_324, %swap3A_325], %swap3A_328 {strides = array<i32>} : memref<4x4096xf32, #tpu.memory_space<vmem>>, vector<1x512xf32>,
    %reduce_sum3A_329 = arith.constant dense<0.000000e+00> : vector<128xf32>
    %reduce_sum3A_330 = vector.multi_reduction <add>, %convert_element_type3A_296, %reduce_sum3A_329 [0] : vector<512x128xf32> to vector<128xf32>
    %add3A_331 = arith.addf %get3A_300, %reduce_sum3A_330 : vector<128xf32>
    %swap3A_332 = arith.constant 3 : index
    %swap3A_333 = arith.constant 0 : index
    %swap3A_334 = vector.load %arg6[%swap3A_332, %swap3A_333] : memref<4x128xf32, #tpu.memory_space<vmem>>, vector<1x128xf32>
    %swap3A_335 = vector.shape_cast %swap3A_334 : vector<1x128xf32> to vector<128xf32>
    %swap3A_336 = vector.shape_cast %add3A_331 : vector<128xf32> to vector<1x128xf32>
    tpu.vector_store %arg6[%swap3A_332, %swap3A_333], %swap3A_336 {strides = array<i32>} : memref<4x128xf32, #tpu.memory_space<vmem>>, vector<1x128xf32>,
    %eq3A_337 = arith.constant 7 : i32
    %eq3A_338 = arith.cmpi eq, %arg1, %eq3A_337 : i32
    %convert_element_type3A_339 = arith.extui %eq3A_338 : i1 to i32
    %cond3A_340 = arith.constant 0 : i32
    %cond3A_341 = arith.cmpi ne, %convert_element_type3A_339, %cond3A_340 : i32
    scf.if %cond3A_341 {
      %iota3A_342 = tpu.iota {dimensions = array<i32: 0>} : vector<128x4096xi32>
      %convert_element_type3A_343 = arith.sitofp %iota3A_342 : vector<128x4096xi32> to vector<128x4096xf32>
      %add3A_344 = arith.constant 1.000000e+00 : f32
      %add3A_345 = vector.broadcast %add3A_344 : f32 to vector<128x4096xf32>
      %add3A_346 = arith.addf %convert_element_type3A_343, %add3A_345 : vector<128x4096xf32>
      %iota3A_347 = tpu.iota {dimensions = array<i32: 1>} : vector<128x4096xi32>
      %convert_element_type3A_348 = arith.sitofp %iota3A_347 : vector<128x4096xi32> to vector<128x4096xf32>
      %iota3A_349 = tpu.iota {dimensions = array<i32: 0>} : vector<128x128xi32>
      %iota3A_350 = tpu.iota {dimensions = array<i32: 1>} : vector<128x128xi32>
      %le3A = arith.cmpi sle, %iota3A_350, %iota3A_349 : vector<128x128xi32>
      %convert_element_type3A_351 = arith.extui %le3A : vector<128x128xi1> to vector<128x128xi32>
      %convert_element_type3A_352 = arith.sitofp %convert_element_type3A_351 : vector<128x128xi32> to vector<128x128xf32>
      %get3A_353 = arith.constant 0 : index
      %get3A_354 = arith.constant 0 : index
      %get3A_355 = vector.load %arg6[%get3A_353, %get3A_354] : memref<4x128xf32, #tpu.memory_space<vmem>>, vector<1x128xf32>
      %get3A_356 = vector.shape_cast %get3A_355 : vector<1x128xf32> to vector<128xf32>
      %broadcast_in_dim3A_357 = vector.shape_cast %get3A_356 : vector<128xf32> to vector<128x1xf32>
      %dot_general3A_358 = arith.constant dense<0.000000e+00> : vector<128x1xf32>
      %dot_general3A_359 = tpu.matmul %convert_element_type3A_352, %broadcast_in_dim3A_357, %dot_general3A_358 {dimension_numbers = #tpu.dot_dimension_numbers<[1], [0], [0], [1], [0, 0, 1, 1], [], []>, transpose_lhs_hint = false} : vector<128x128xf32>, vector<128x1xf32>, vector<128x1xf32> -> vector<128x1xf32>
      %sub3A = arith.subf %dot_general3A_359, %broadcast_in_dim3A_357 : vector<128x1xf32>
      %get3A_360 = arith.constant 0 : index
      %get3A_361 = arith.constant 0 : index
      %get3A_362 = vector.load %arg7[%get3A_360, %get3A_361] : memref<4x4096xf32, #tpu.memory_space<vmem>>, vector<1x4096xf32>
      %get3A_363 = vector.shape_cast %get3A_362 : vector<1x4096xf32> to vector<4096xf32>
      %broadcast_in_dim3A_364 = vector.shape_cast %get3A_363 : vector<4096xf32> to vector<1x4096xf32>
      %eq3A_365 = vector.broadcast %broadcast_in_dim3A_364 : vector<1x4096xf32> to vector<128x4096xf32>
      %eq3A_366 = arith.cmpf oeq, %eq3A_365, %add3A_346 : vector<128x4096xf32>
      %convert_element_type3A_367 = arith.extui %eq3A_366 : vector<128x4096xi1> to vector<128x4096xi32>
      %convert_element_type3A_368 = arith.sitofp %convert_element_type3A_367 : vector<128x4096xi32> to vector<128x4096xf32>
      %mul3A_369 = vector.broadcast %sub3A : vector<128x1xf32> to vector<128x4096xf32>
      %mul3A_370 = arith.mulf %convert_element_type3A_368, %mul3A_369 : vector<128x4096xf32>
      %reduce_sum3A_371 = arith.constant dense<0.000000e+00> : vector<4096xf32>
      %reduce_sum3A_372 = vector.multi_reduction <add>, %mul3A_370, %reduce_sum3A_371 [0] : vector<128x4096xf32> to vector<4096xf32>
      %get3A_373 = arith.constant 0 : index
      %get3A_374 = arith.constant 0 : index
      %get3A_375 = vector.load %arg8[%get3A_373, %get3A_374] : memref<4x4096xf32, #tpu.memory_space<vmem>>, vector<1x4096xf32>
      %get3A_376 = vector.shape_cast %get3A_375 : vector<1x4096xf32> to vector<4096xf32>
      %add3A_377 = arith.addf %get3A_376, %reduce_sum3A_372 : vector<4096xf32>
      %convert_element_type3A_378 = arith.fptosi %add3A_377 : vector<4096xf32> to vector<4096xi32>
      %add3A_379 = arith.constant 0 : i32
      %add3A_380 = arith.addi %add3A_379, %arg0 : i32
      %mul3A_381 = arith.constant 4096 : i32
      %mul3A_382 = arith.muli %add3A_380, %mul3A_381 : i32
      %add3A_383 = vector.broadcast %mul3A_382 : i32 to vector<4096xi32>
      %add3A_384 = arith.addi %convert_element_type3A_378, %add3A_383 : vector<4096xi32>
      %swap3A_385 = arith.constant 0 : index
      %swap3A_386 = arith.constant 0 : index
      %swap3A_387 = arith.constant 0 : index
      %swap3A_388 = vector.load %arg4[%swap3A_385, %swap3A_386, %swap3A_387] : memref<1x4x4096xi32, #tpu.memory_space<vmem>>, vector<1x1x4096xi32>
      %swap3A_389 = vector.shape_cast %swap3A_388 : vector<1x1x4096xi32> to vector<4096xi32>
      %swap3A_390 = vector.shape_cast %add3A_384 : vector<4096xi32> to vector<1x1x4096xi32>
      tpu.vector_store %arg4[%swap3A_385, %swap3A_386, %swap3A_387], %swap3A_390 {strides = array<i32>} : memref<1x4x4096xi32, #tpu.memory_space<vmem>>, vector<1x1x4096xi32>,
      %le3A_391 = vector.broadcast %dot_general3A_359 : vector<128x1xf32> to vector<128x4096xf32>
      %le3A_392 = arith.cmpf ole, %le3A_391, %convert_element_type3A_348 : vector<128x4096xf32>
      %convert_element_type3A_393 = arith.extui %le3A_392 : vector<128x4096xi1> to vector<128x4096xi32>
      %convert_element_type3A_394 = arith.sitofp %convert_element_type3A_393 : vector<128x4096xi32> to vector<128x4096xf32>
      %reduce_sum3A_395 = arith.constant dense<0.000000e+00> : vector<4096xf32>
      %reduce_sum3A_396 = vector.multi_reduction <add>, %convert_element_type3A_394, %reduce_sum3A_395 [0] : vector<128x4096xf32> to vector<4096xf32>
      %add3A_397 = arith.constant 1.000000e+00 : f32
      %add3A_398 = vector.broadcast %add3A_397 : f32 to vector<4096xf32>
      %add3A_399 = arith.addf %add3A_398, %reduce_sum3A_396 : vector<4096xf32>
      %convert_element_type3A_400 = arith.fptosi %add3A_399 : vector<4096xf32> to vector<4096xi32>
      %swap3A_401 = arith.constant 0 : index
      %swap3A_402 = arith.constant 0 : index
      %swap3A_403 = arith.constant 0 : index
      %swap3A_404 = vector.load %arg5[%swap3A_401, %swap3A_402, %swap3A_403] : memref<1x4x4096xi32, #tpu.memory_space<vmem>>, vector<1x1x4096xi32>
      %swap3A_405 = vector.shape_cast %swap3A_404 : vector<1x1x4096xi32> to vector<4096xi32>
      %swap3A_406 = vector.shape_cast %convert_element_type3A_400 : vector<4096xi32> to vector<1x1x4096xi32>
      tpu.vector_store %arg5[%swap3A_401, %swap3A_402, %swap3A_403], %swap3A_406 {strides = array<i32>} : memref<1x4x4096xi32, #tpu.memory_space<vmem>>, vector<1x1x4096xi32>,
      %get3A_407 = arith.constant 1 : index
      %get3A_408 = arith.constant 0 : index
      %get3A_409 = vector.load %arg6[%get3A_407, %get3A_408] : memref<4x128xf32, #tpu.memory_space<vmem>>, vector<1x128xf32>
      %get3A_410 = vector.shape_cast %get3A_409 : vector<1x128xf32> to vector<128xf32>
      %broadcast_in_dim3A_411 = vector.shape_cast %get3A_410 : vector<128xf32> to vector<128x1xf32>
      %dot_general3A_412 = arith.constant dense<0.000000e+00> : vector<128x1xf32>
      %dot_general3A_413 = tpu.matmul %convert_element_type3A_352, %broadcast_in_dim3A_411, %dot_general3A_412 {dimension_numbers = #tpu.dot_dimension_numbers<[1], [0], [0], [1], [0, 0, 1, 1], [], []>, transpose_lhs_hint = false} : vector<128x128xf32>, vector<128x1xf32>, vector<128x1xf32> -> vector<128x1xf32>
      %sub3A_414 = arith.subf %dot_general3A_413, %broadcast_in_dim3A_411 : vector<128x1xf32>
      %get3A_415 = arith.constant 1 : index
      %get3A_416 = arith.constant 0 : index
      %get3A_417 = vector.load %arg7[%get3A_415, %get3A_416] : memref<4x4096xf32, #tpu.memory_space<vmem>>, vector<1x4096xf32>
      %get3A_418 = vector.shape_cast %get3A_417 : vector<1x4096xf32> to vector<4096xf32>
      %broadcast_in_dim3A_419 = vector.shape_cast %get3A_418 : vector<4096xf32> to vector<1x4096xf32>
      %eq3A_420 = vector.broadcast %broadcast_in_dim3A_419 : vector<1x4096xf32> to vector<128x4096xf32>
      %eq3A_421 = arith.cmpf oeq, %eq3A_420, %add3A_346 : vector<128x4096xf32>
      %convert_element_type3A_422 = arith.extui %eq3A_421 : vector<128x4096xi1> to vector<128x4096xi32>
      %convert_element_type3A_423 = arith.sitofp %convert_element_type3A_422 : vector<128x4096xi32> to vector<128x4096xf32>
      %mul3A_424 = vector.broadcast %sub3A_414 : vector<128x1xf32> to vector<128x4096xf32>
      %mul3A_425 = arith.mulf %convert_element_type3A_423, %mul3A_424 : vector<128x4096xf32>
      %reduce_sum3A_426 = arith.constant dense<0.000000e+00> : vector<4096xf32>
      %reduce_sum3A_427 = vector.multi_reduction <add>, %mul3A_425, %reduce_sum3A_426 [0] : vector<128x4096xf32> to vector<4096xf32>
      %get3A_428 = arith.constant 1 : index
      %get3A_429 = arith.constant 0 : index
      %get3A_430 = vector.load %arg8[%get3A_428, %get3A_429] : memref<4x4096xf32, #tpu.memory_space<vmem>>, vector<1x4096xf32>
      %get3A_431 = vector.shape_cast %get3A_430 : vector<1x4096xf32> to vector<4096xf32>
      %add3A_432 = arith.addf %get3A_431, %reduce_sum3A_427 : vector<4096xf32>
      %convert_element_type3A_433 = arith.fptosi %add3A_432 : vector<4096xf32> to vector<4096xi32>
      %add3A_434 = arith.constant 2 : i32
      %add3A_435 = arith.addi %add3A_434, %arg0 : i32
      %mul3A_436 = arith.constant 4096 : i32
      %mul3A_437 = arith.muli %add3A_435, %mul3A_436 : i32
      %add3A_438 = vector.broadcast %mul3A_437 : i32 to vector<4096xi32>
      %add3A_439 = arith.addi %convert_element_type3A_433, %add3A_438 : vector<4096xi32>
      %swap3A_440 = arith.constant 0 : index
      %swap3A_441 = arith.constant 1 : index
      %swap3A_442 = arith.constant 0 : index
      %swap3A_443 = vector.load %arg4[%swap3A_440, %swap3A_441, %swap3A_442] : memref<1x4x4096xi32, #tpu.memory_space<vmem>>, vector<1x1x4096xi32>
      %swap3A_444 = vector.shape_cast %swap3A_443 : vector<1x1x4096xi32> to vector<4096xi32>
      %swap3A_445 = vector.shape_cast %add3A_439 : vector<4096xi32> to vector<1x1x4096xi32>
      tpu.vector_store %arg4[%swap3A_440, %swap3A_441, %swap3A_442], %swap3A_445 {strides = array<i32>} : memref<1x4x4096xi32, #tpu.memory_space<vmem>>, vector<1x1x4096xi32>,
      %le3A_446 = vector.broadcast %dot_general3A_413 : vector<128x1xf32> to vector<128x4096xf32>
      %le3A_447 = arith.cmpf ole, %le3A_446, %convert_element_type3A_348 : vector<128x4096xf32>
      %convert_element_type3A_448 = arith.extui %le3A_447 : vector<128x4096xi1> to vector<128x4096xi32>
      %convert_element_type3A_449 = arith.sitofp %convert_element_type3A_448 : vector<128x4096xi32> to vector<128x4096xf32>
      %reduce_sum3A_450 = arith.constant dense<0.000000e+00> : vector<4096xf32>
      %reduce_sum3A_451 = vector.multi_reduction <add>, %convert_element_type3A_449, %reduce_sum3A_450 [0] : vector<128x4096xf32> to vector<4096xf32>
      %add3A_452 = arith.constant 1.000000e+00 : f32
      %add3A_453 = vector.broadcast %add3A_452 : f32 to vector<4096xf32>
      %add3A_454 = arith.addf %add3A_453, %reduce_sum3A_451 : vector<4096xf32>
      %convert_element_type3A_455 = arith.fptosi %add3A_454 : vector<4096xf32> to vector<4096xi32>
      %swap3A_456 = arith.constant 0 : index
      %swap3A_457 = arith.constant 1 : index
      %swap3A_458 = arith.constant 0 : index
      %swap3A_459 = vector.load %arg5[%swap3A_456, %swap3A_457, %swap3A_458] : memref<1x4x4096xi32, #tpu.memory_space<vmem>>, vector<1x1x4096xi32>
      %swap3A_460 = vector.shape_cast %swap3A_459 : vector<1x1x4096xi32> to vector<4096xi32>
      %swap3A_461 = vector.shape_cast %convert_element_type3A_455 : vector<4096xi32> to vector<1x1x4096xi32>
      tpu.vector_store %arg5[%swap3A_456, %swap3A_457, %swap3A_458], %swap3A_461 {strides = array<i32>} : memref<1x4x4096xi32, #tpu.memory_space<vmem>>, vector<1x1x4096xi32>,
      %get3A_462 = arith.constant 2 : index
      %get3A_463 = arith.constant 0 : index
      %get3A_464 = vector.load %arg6[%get3A_462, %get3A_463] : memref<4x128xf32, #tpu.memory_space<vmem>>, vector<1x128xf32>
      %get3A_465 = vector.shape_cast %get3A_464 : vector<1x128xf32> to vector<128xf32>
      %broadcast_in_dim3A_466 = vector.shape_cast %get3A_465 : vector<128xf32> to vector<128x1xf32>
      %dot_general3A_467 = arith.constant dense<0.000000e+00> : vector<128x1xf32>
      %dot_general3A_468 = tpu.matmul %convert_element_type3A_352, %broadcast_in_dim3A_466, %dot_general3A_467 {dimension_numbers = #tpu.dot_dimension_numbers<[1], [0], [0], [1], [0, 0, 1, 1], [], []>, transpose_lhs_hint = false} : vector<128x128xf32>, vector<128x1xf32>, vector<128x1xf32> -> vector<128x1xf32>
      %sub3A_469 = arith.subf %dot_general3A_468, %broadcast_in_dim3A_466 : vector<128x1xf32>
      %get3A_470 = arith.constant 2 : index
      %get3A_471 = arith.constant 0 : index
      %get3A_472 = vector.load %arg7[%get3A_470, %get3A_471] : memref<4x4096xf32, #tpu.memory_space<vmem>>, vector<1x4096xf32>
      %get3A_473 = vector.shape_cast %get3A_472 : vector<1x4096xf32> to vector<4096xf32>
      %broadcast_in_dim3A_474 = vector.shape_cast %get3A_473 : vector<4096xf32> to vector<1x4096xf32>
      %eq3A_475 = vector.broadcast %broadcast_in_dim3A_474 : vector<1x4096xf32> to vector<128x4096xf32>
      %eq3A_476 = arith.cmpf oeq, %eq3A_475, %add3A_346 : vector<128x4096xf32>
      %convert_element_type3A_477 = arith.extui %eq3A_476 : vector<128x4096xi1> to vector<128x4096xi32>
      %convert_element_type3A_478 = arith.sitofp %convert_element_type3A_477 : vector<128x4096xi32> to vector<128x4096xf32>
      %mul3A_479 = vector.broadcast %sub3A_469 : vector<128x1xf32> to vector<128x4096xf32>
      %mul3A_480 = arith.mulf %convert_element_type3A_478, %mul3A_479 : vector<128x4096xf32>
      %reduce_sum3A_481 = arith.constant dense<0.000000e+00> : vector<4096xf32>
      %reduce_sum3A_482 = vector.multi_reduction <add>, %mul3A_480, %reduce_sum3A_481 [0] : vector<128x4096xf32> to vector<4096xf32>
      %get3A_483 = arith.constant 2 : index
      %get3A_484 = arith.constant 0 : index
      %get3A_485 = vector.load %arg8[%get3A_483, %get3A_484] : memref<4x4096xf32, #tpu.memory_space<vmem>>, vector<1x4096xf32>
      %get3A_486 = vector.shape_cast %get3A_485 : vector<1x4096xf32> to vector<4096xf32>
      %add3A_487 = arith.addf %get3A_486, %reduce_sum3A_482 : vector<4096xf32>
      %convert_element_type3A_488 = arith.fptosi %add3A_487 : vector<4096xf32> to vector<4096xi32>
      %add3A_489 = arith.constant 4 : i32
      %add3A_490 = arith.addi %add3A_489, %arg0 : i32
      %mul3A_491 = arith.constant 4096 : i32
      %mul3A_492 = arith.muli %add3A_490, %mul3A_491 : i32
      %add3A_493 = vector.broadcast %mul3A_492 : i32 to vector<4096xi32>
      %add3A_494 = arith.addi %convert_element_type3A_488, %add3A_493 : vector<4096xi32>
      %swap3A_495 = arith.constant 0 : index
      %swap3A_496 = arith.constant 2 : index
      %swap3A_497 = arith.constant 0 : index
      %swap3A_498 = vector.load %arg4[%swap3A_495, %swap3A_496, %swap3A_497] : memref<1x4x4096xi32, #tpu.memory_space<vmem>>, vector<1x1x4096xi32>
      %swap3A_499 = vector.shape_cast %swap3A_498 : vector<1x1x4096xi32> to vector<4096xi32>
      %swap3A_500 = vector.shape_cast %add3A_494 : vector<4096xi32> to vector<1x1x4096xi32>
      tpu.vector_store %arg4[%swap3A_495, %swap3A_496, %swap3A_497], %swap3A_500 {strides = array<i32>} : memref<1x4x4096xi32, #tpu.memory_space<vmem>>, vector<1x1x4096xi32>,
      %le3A_501 = vector.broadcast %dot_general3A_468 : vector<128x1xf32> to vector<128x4096xf32>
      %le3A_502 = arith.cmpf ole, %le3A_501, %convert_element_type3A_348 : vector<128x4096xf32>
      %convert_element_type3A_503 = arith.extui %le3A_502 : vector<128x4096xi1> to vector<128x4096xi32>
      %convert_element_type3A_504 = arith.sitofp %convert_element_type3A_503 : vector<128x4096xi32> to vector<128x4096xf32>
      %reduce_sum3A_505 = arith.constant dense<0.000000e+00> : vector<4096xf32>
      %reduce_sum3A_506 = vector.multi_reduction <add>, %convert_element_type3A_504, %reduce_sum3A_505 [0] : vector<128x4096xf32> to vector<4096xf32>
      %add3A_507 = arith.constant 1.000000e+00 : f32
      %add3A_508 = vector.broadcast %add3A_507 : f32 to vector<4096xf32>
      %add3A_509 = arith.addf %add3A_508, %reduce_sum3A_506 : vector<4096xf32>
      %convert_element_type3A_510 = arith.fptosi %add3A_509 : vector<4096xf32> to vector<4096xi32>
      %swap3A_511 = arith.constant 0 : index
      %swap3A_512 = arith.constant 2 : index
      %swap3A_513 = arith.constant 0 : index
      %swap3A_514 = vector.load %arg5[%swap3A_511, %swap3A_512, %swap3A_513] : memref<1x4x4096xi32, #tpu.memory_space<vmem>>, vector<1x1x4096xi32>
      %swap3A_515 = vector.shape_cast %swap3A_514 : vector<1x1x4096xi32> to vector<4096xi32>
      %swap3A_516 = vector.shape_cast %convert_element_type3A_510 : vector<4096xi32> to vector<1x1x4096xi32>
      tpu.vector_store %arg5[%swap3A_511, %swap3A_512, %swap3A_513], %swap3A_516 {strides = array<i32>} : memref<1x4x4096xi32, #tpu.memory_space<vmem>>, vector<1x1x4096xi32>,
      %get3A_517 = arith.constant 3 : index
      %get3A_518 = arith.constant 0 : index
      %get3A_519 = vector.load %arg6[%get3A_517, %get3A_518] : memref<4x128xf32, #tpu.memory_space<vmem>>, vector<1x128xf32>
      %get3A_520 = vector.shape_cast %get3A_519 : vector<1x128xf32> to vector<128xf32>
      %broadcast_in_dim3A_521 = vector.shape_cast %get3A_520 : vector<128xf32> to vector<128x1xf32>
      %dot_general3A_522 = arith.constant dense<0.000000e+00> : vector<128x1xf32>
      %dot_general3A_523 = tpu.matmul %convert_element_type3A_352, %broadcast_in_dim3A_521, %dot_general3A_522 {dimension_numbers = #tpu.dot_dimension_numbers<[1], [0], [0], [1], [0, 0, 1, 1], [], []>, transpose_lhs_hint = false} : vector<128x128xf32>, vector<128x1xf32>, vector<128x1xf32> -> vector<128x1xf32>
      %sub3A_524 = arith.subf %dot_general3A_523, %broadcast_in_dim3A_521 : vector<128x1xf32>
      %get3A_525 = arith.constant 3 : index
      %get3A_526 = arith.constant 0 : index
      %get3A_527 = vector.load %arg7[%get3A_525, %get3A_526] : memref<4x4096xf32, #tpu.memory_space<vmem>>, vector<1x4096xf32>
      %get3A_528 = vector.shape_cast %get3A_527 : vector<1x4096xf32> to vector<4096xf32>
      %broadcast_in_dim3A_529 = vector.shape_cast %get3A_528 : vector<4096xf32> to vector<1x4096xf32>
      %eq3A_530 = vector.broadcast %broadcast_in_dim3A_529 : vector<1x4096xf32> to vector<128x4096xf32>
      %eq3A_531 = arith.cmpf oeq, %eq3A_530, %add3A_346 : vector<128x4096xf32>
      %convert_element_type3A_532 = arith.extui %eq3A_531 : vector<128x4096xi1> to vector<128x4096xi32>
      %convert_element_type3A_533 = arith.sitofp %convert_element_type3A_532 : vector<128x4096xi32> to vector<128x4096xf32>
      %mul3A_534 = vector.broadcast %sub3A_524 : vector<128x1xf32> to vector<128x4096xf32>
      %mul3A_535 = arith.mulf %convert_element_type3A_533, %mul3A_534 : vector<128x4096xf32>
      %reduce_sum3A_536 = arith.constant dense<0.000000e+00> : vector<4096xf32>
      %reduce_sum3A_537 = vector.multi_reduction <add>, %mul3A_535, %reduce_sum3A_536 [0] : vector<128x4096xf32> to vector<4096xf32>
      %get3A_538 = arith.constant 3 : index
      %get3A_539 = arith.constant 0 : index
      %get3A_540 = vector.load %arg8[%get3A_538, %get3A_539] : memref<4x4096xf32, #tpu.memory_space<vmem>>, vector<1x4096xf32>
      %get3A_541 = vector.shape_cast %get3A_540 : vector<1x4096xf32> to vector<4096xf32>
      %add3A_542 = arith.addf %get3A_541, %reduce_sum3A_537 : vector<4096xf32>
      %convert_element_type3A_543 = arith.fptosi %add3A_542 : vector<4096xf32> to vector<4096xi32>
      %add3A_544 = arith.constant 6 : i32
      %add3A_545 = arith.addi %add3A_544, %arg0 : i32
      %mul3A_546 = arith.constant 4096 : i32
      %mul3A_547 = arith.muli %add3A_545, %mul3A_546 : i32
      %add3A_548 = vector.broadcast %mul3A_547 : i32 to vector<4096xi32>
      %add3A_549 = arith.addi %convert_element_type3A_543, %add3A_548 : vector<4096xi32>
      %swap3A_550 = arith.constant 0 : index
      %swap3A_551 = arith.constant 3 : index
      %swap3A_552 = arith.constant 0 : index
      %swap3A_553 = vector.load %arg4[%swap3A_550, %swap3A_551, %swap3A_552] : memref<1x4x4096xi32, #tpu.memory_space<vmem>>, vector<1x1x4096xi32>
      %swap3A_554 = vector.shape_cast %swap3A_553 : vector<1x1x4096xi32> to vector<4096xi32>
      %swap3A_555 = vector.shape_cast %add3A_549 : vector<4096xi32> to vector<1x1x4096xi32>
      tpu.vector_store %arg4[%swap3A_550, %swap3A_551, %swap3A_552], %swap3A_555 {strides = array<i32>} : memref<1x4x4096xi32, #tpu.memory_space<vmem>>, vector<1x1x4096xi32>,
      %le3A_556 = vector.broadcast %dot_general3A_523 : vector<128x1xf32> to vector<128x4096xf32>
      %le3A_557 = arith.cmpf ole, %le3A_556, %convert_element_type3A_348 : vector<128x4096xf32>
      %convert_element_type3A_558 = arith.extui %le3A_557 : vector<128x4096xi1> to vector<128x4096xi32>
      %convert_element_type3A_559 = arith.sitofp %convert_element_type3A_558 : vector<128x4096xi32> to vector<128x4096xf32>
      %reduce_sum3A_560 = arith.constant dense<0.000000e+00> : vector<4096xf32>
      %reduce_sum3A_561 = vector.multi_reduction <add>, %convert_element_type3A_559, %reduce_sum3A_560 [0] : vector<128x4096xf32> to vector<4096xf32>
      %add3A_562 = arith.constant 1.000000e+00 : f32
      %add3A_563 = vector.broadcast %add3A_562 : f32 to vector<4096xf32>
      %add3A_564 = arith.addf %add3A_563, %reduce_sum3A_561 : vector<4096xf32>
      %convert_element_type3A_565 = arith.fptosi %add3A_564 : vector<4096xf32> to vector<4096xi32>
      %swap3A_566 = arith.constant 0 : index
      %swap3A_567 = arith.constant 3 : index
      %swap3A_568 = arith.constant 0 : index
      %swap3A_569 = vector.load %arg5[%swap3A_566, %swap3A_567, %swap3A_568] : memref<1x4x4096xi32, #tpu.memory_space<vmem>>, vector<1x1x4096xi32>
      %swap3A_570 = vector.shape_cast %swap3A_569 : vector<1x1x4096xi32> to vector<4096xi32>
      %swap3A_571 = vector.shape_cast %convert_element_type3A_565 : vector<4096xi32> to vector<1x1x4096xi32>
      tpu.vector_store %arg5[%swap3A_566, %swap3A_567, %swap3A_568], %swap3A_571 {strides = array<i32>} : memref<1x4x4096xi32, #tpu.memory_space<vmem>>, vector<1x1x4096xi32>,
    } else {
    }
    return
  }
  func.func @transform_0(%arg0: i32, %arg1: i32) -> (i32, i32, i32) {
    %c0_i32 = arith.constant 0 : i32
    %c0_i32_0 = arith.constant 0 : i32
    return %arg0, %arg1, %c0_i32 : i32, i32, i32
  }
  func.func @transform_1(%arg0: i32, %arg1: i32) -> (i32, i32) {
    %c0_i32 = arith.constant 0 : i32
    %c0_i32_0 = arith.constant 0 : i32
    %c0_i32_1 = arith.constant 0 : i32
    return %c0_i32, %c0_i32_0 : i32, i32
  }
  func.func @transform_2(%arg0: i32, %arg1: i32) -> (i32, i32, i32) {
    %c0_i32 = arith.constant 0 : i32
    %c0_i32_0 = arith.constant 0 : i32
    %c0_i32_1 = arith.constant 0 : i32
    return %arg0, %c0_i32, %c0_i32_0 : i32, i32, i32
  }
  func.func @transform_3(%arg0: i32, %arg1: i32) -> (i32, i32, i32) {
    %c0_i32 = arith.constant 0 : i32
    %c0_i32_0 = arith.constant 0 : i32
    %c0_i32_1 = arith.constant 0 : i32
    return %arg0, %c0_i32, %c0_i32_0 : i32, i32, i32
  }
}

</mosaic_0001>

<sc_bundles>
// kernel: kernel.4.cloned.1.call-start
scs
__scs_entry_jumppad:
0x0: {  	(pc) =	sbr.rel $0x88, $3  }
0x1: {  	(tag) =	ssettag $0x0;
	lr =	simm.s32 $0x1  }
0x2: {  	[smem:$0x3F9F] =	sst lr;
	_ =	strace $0xD0000000  }
0x3: {  	_ = 	snop  }
0x4: {  	_ = 	snop  }
0x5: {  	_ = 	snop  }
0x6: {  	_ = 	snop  }
0x7: {  	_ = 	snop  }
__scs_overlays_trampoline_lowered:
0x8: {  	[smem:$0x3FAE] =	sst s0  }
0x9: {  	[smem:$0x3FAF] =	sst s1  }
0xa: {  	[smem:$0x3FB0] =	sst s2  }
0xb: {  	[smem:$0x3FB1] =	sst s3  }
0xc: {  	[smem:$0x3FB2] =	sst s4  }
0xd: {  	[smem:$0x3FB3] =	sst s5  }
0xe: {  	[smem:$0x3FB4] =	sst s6  }
0xf: {  	[smem:$0x3FB5] =	sst s7  }
0x10: {  	[smem:$0x3FB6] =	sst s8  }
0x11: {  	[smem:$0x3FB7] =	sst s9;
	s0 =	simm.s32 @!p0 $0x0  }
0x12: {  	s1 =	sld [smem:$0x3F9D];
	s0 =	simm.s32 @p0 $0x1  }
0x13: {  	[smem:$0x3FB8] =	sst s0;
	s0 =	simm.s32 @!p1 $0x0  }
0x14: {  	s2 =	sld [smem:$0x3F9C];
	s0 =	simm.s32 @p1 $0x1  }
0x15: {  	[smem:$0x3FB9] =	sst s0;
	s0 =	simm.s32 @!p2 $0x0  }
0x16: {  	s3 =	sld [smem:$0x3FDB];
	s0 =	simm.s32 @p2 $0x1  }
0x17: {  	s4 =	simm.s32 $0x1BF5;
	[smem:$0x3FBB] =	sst s0  }
0x18: {  	s0 =	sld [smem:$0x3F9E];
	_ =	swait.ge [sflag:s4], $0x0  }
0x19: {  	s7 =	sld [smem:$0x3F9F]  }
0x1a: {  	s8 =	sadd.s32 $0xFFFFE003, lr  }
0x1b: {  	s9 =	sadd.s32 $0xFFFFFEF7, lr;
	s5 =	simm.s32 $0xFFFFFFFF;
	p2 =	slt.u32 s8, $0xFFFFF086  }
0x1c: {  	p1 =	slt.u32 s9, $0xF7A;
	s5 =	simm.s32 @!p2 $0x0  }
0x1d: {  	s5 =	simm.s32 @p1 $0x1;
	p0 =	seq.s32 s7, s2  }
0x1e: {  	s7 =	smul.u32 @!p0 $0xF7A, s2;
	p2 =	seq.s32 @!p0 s5, $0x0  }
0x1f: {  	s9 =	smul.u32 $0xF7A, s1;
	s8 =	simm.s32 @!p0 $0x1BF5;
	p2 =	por !p2, p0  }
0x20: {  	[sflag:s8] =	ssyncset.s32 @!p0 $0xFFFFF086;
	s6 =	sadd.s32 @!p0 s3, s7;
	s7 =	simm.s32 @!p0 $0x108  }
0x21: {  	s3 =	sadd.s32 s3, s9;
	s6 =	sadd.s32 @!p0 $0x88, s6;
	s7 =	simm.s32 @p2 $0x1082  }
0x22: {  	[simem:s7], [sflag:s8] =	dma.local @!p0 [hbm:s6], $0xF7A  }
0x23: {  	s9 =	sor.u32 $0xD0000000, s2;
	s6 =	simm.s32 $0x108;
	_ =	swait.ge @!p0 [sflag:s8], $0x0  }
0x24: {  	s3 =	sadd.s32 $0x88, s3;
	s6 =	simm.s32 @!p1 $0x1082;
	[sflag:s4] =	ssyncset.s32 $0xFFFFF086  }
0x25: {  	[simem:s6], [sflag:s4] =	dma.local [hbm:s3], $0xF7A  }
0x26: {  	[smem:$0x3F9F] =	sst s1;
	(tag) =	ssettag s2;
	_ =	strace s9  }
0x27: {  	s1 =	sld [smem:$0x3FAF]  }
0x28: {  	s2 =	sld [smem:$0x3FB0]  }
0x29: {  	s4 =	sld [smem:$0x3FB2]  }
0x2a: {  	p0 =	seq.s32 s5, $0x0;
	s5 =	sld [smem:$0x3FB3]  }
0x2b: {  	s6 =	sld [smem:$0x3FB4]  }
0x2c: {  	s7 =	sld [smem:$0x3FB5]  }
0x2d: {  	s3 =	simm.s32 $0x108;
	s8 =	sld [smem:$0x3FB6]  }
0x2e: {  	s3 =	simm.s32 @!p0 $0x1082;
	s9 =	sld [smem:$0x3FB7]  }
0x2f: {  	lr =	sadd.s32 s0, s3;
	s0 =	sld [smem:$0x3FAE]  }
0x30: {  	s3 =	sld [smem:$0x3FB1]  }
0x31: {  	[smem:$0x3FBA] =	sst s10  }
0x32: {  	s10 =	sld [smem:$0x3FB8];
	_ =	sdelay $0x3  }
0x33: {  	p0 =	seq.s32 s10, $0x1;
	s10 =	sld [smem:$0x3FBA];
	_ =	sdelay $0x3  }
0x34: {  	[smem:$0x3FBA] =	sst s10  }
0x35: {  	s10 =	sld [smem:$0x3FB9];
	_ =	sdelay $0x3  }
0x36: {  	p1 =	seq.s32 s10, $0x1;
	s10 =	sld [smem:$0x3FBA];
	_ =	sdelay $0x3  }
0x37: {  	[smem:$0x3FBA] =	sst s10  }
0x38: {  	s10 =	sld [smem:$0x3FBB]  }
0x39: {  	_ = 	snop;
	(pc) =	sbr.ind lr, $3  }
0x3a: {  	_ = 	snop  }
0x3b: {  	_ = 	snop  }
0x3c: {  	p2 =	seq.s32 s10, $0x1;
	s10 =	sld [smem:$0x3FBA]  }
0x3d: {  	_ =	shalt  }
0x3e: {  	_ =	shalt  }
0x3f: {  	_ =	shalt  }
0x40: {  	_ =	shalt  }
0x41: {  	_ =	shalt  }
0x42: {  	_ =	shalt  }
0x43: {  	_ =	shalt  }
0x44: {  	_ =	shalt  }
0x45: {  	_ =	shalt  }
0x46: {  	_ =	shalt  }
0x47: {  	_ =	shalt  }
0x48: {  	_ =	shalt  }
0x49: {  	_ =	shalt  }
0x4a: {  	_ =	shalt  }
0x4b: {  	_ =	shalt  }
0x4c: {  	_ =	shalt  }
0x4d: {  	_ =	shalt  }
0x4e: {  	_ =	shalt  }
0x4f: {  	_ =	shalt  }
0x50: {  	_ =	shalt  }
0x51: {  	_ =	shalt  }
0x52: {  	_ =	shalt  }
0x53: {  	_ =	shalt  }
0x54: {  	_ =	shalt  }
0x55: {  	_ =	shalt  }
0x56: {  	_ =	shalt  }
0x57: {  	_ =	shalt  }
0x58: {  	_ =	shalt  }
0x59: {  	_ =	shalt  }
0x5a: {  	_ =	shalt  }
0x5b: {  	_ =	shalt  }
0x5c: {  	_ =	shalt  }
0x5d: {  	_ =	shalt  }
0x5e: {  	_ =	shalt  }
0x5f: {  	_ =	shalt  }
0x60: {  	_ =	shalt  }
0x61: {  	_ =	shalt  }
0x62: {  	_ =	shalt  }
0x63: {  	_ =	shalt  }
0x64: {  	_ =	shalt  }
0x65: {  	_ =	shalt  }
0x66: {  	_ =	shalt  }
0x67: {  	_ =	shalt  }
0x68: {  	_ =	shalt  }
0x69: {  	_ =	shalt  }
0x6a: {  	_ =	shalt  }
0x6b: {  	_ =	shalt  }
0x6c: {  	_ =	shalt  }
0x6d: {  	_ =	shalt  }
0x6e: {  	_ =	shalt  }
0x6f: {  	_ =	shalt  }
0x70: {  	_ =	shalt  }
0x71: {  	_ =	shalt  }
0x72: {  	_ =	shalt  }
0x73: {  	_ =	shalt  }
0x74: {  	_ =	shalt  }
0x75: {  	_ =	shalt  }
0x76: {  	_ =	shalt  }
0x77: {  	_ =	shalt  }
0x78: {  	_ =	shalt  }
0x79: {  	_ =	shalt  }
0x7a: {  	_ =	shalt  }
0x7b: {  	_ =	shalt  }
0x7c: {  	_ =	shalt  }
0x7d: {  	_ =	shalt  }
0x7e: {  	_ =	shalt  }
0x7f: {  	_ =	shalt  }
0x80: {  	_ =	shalt  }
0x81: {  	_ =	shalt  }
0x82: {  	_ =	shalt  }
0x83: {  	_ =	shalt  }
0x84: {  	_ =	shalt  }
0x85: {  	_ =	shalt  }
0x86: {  	_ =	shalt  }
0x87: {  	_ =	shalt  }
.Lfunc_end0:
.L_simem_size_0:
called_computation_lowered:
.L_overlay_start_0:
0x88: {  	s2 =	sld [smem:$0x3FD9]  }
0x89: {  	s3 =	sld [smem:$0x3FFE];
	_ =	sdelay $0x1  }
0x8a: {  	s1 =	srdreg.scid  }
0x8b: {  	s0 =	sand.u32 $0x1, s1  }
0x8c: {  	s14 =	sshll.u32 s0, $0xA;
	s2 =	sadd.s32 s3, s2  }
0x8d: {  	s2 =	sadd.s32 s2, s14  }
0x8e: {  	[smem:$0x3FC6] =	sst s2  }
0x8f: {  	_ = 	snop  }
0x90: {  	s2 =	sld [smem:$0x3FD0];
	_ =	sdelay $0x2  }
0x91: {  	s4 =	simm.s32 $0xA;
	s5 =	simm.s32 $0x10;
	s15 =	sld [smem:$0x3FC9]  }
0x92: {  	[smem:s5], [sflag:s4] =	dma.local [hbm:s2], $0x1  }
0x93: {  	_ =	swait.eq [sflag:s4], $0x1  }
0x94: {  	[sflag:s4] =	ssyncset.done $0x0  }
0x95: {  	s16 =	sld [smem:$0x10];
	[sflag:s4] =	ssyncadd.s32 $0xFFFFFFFF  }
0x96: {  	s17 =	sld [smem:$0x12];
	(tm) =	ssettm $0x1  }
0x97: {  	s18 =	sld [smem:$0x3FFB];
	_ =	sdelay $0x3  }
0x98: {  	_ =	strace s18  }
0x99: {  	s5 =	sld [smem:$0x3FFC];
	_ =	sdelay $0x3  }
0x9a: {  	_ =	strace s5  }
0x9b: {  	s5 =	sld [smem:$0x3FFD];
	_ =	sdelay $0x3  }
0x9c: {  	_ =	strace s5  }
0x9d: {  	_ =	strace $0x8FFFFFFF  }
0x9e: {  	s19 =	sld [smem:$0x3FDB];
	_ =	sdelay $0x1  }
0x9f: {  	s6 =	simm.s32 $_scs_section_size  }
0xa0: {  	s7 =	simm.s32 $_size__tile_overlayer_lowered;
	s8 =	simm.s32 $_tile_overlayer_lowered  }
0xa1: {  	s22 =	simm.s32 $0x1BFF;
	s21 =	sshll.u32 s8, $0x1;
	s5 =	sadd.s32 s6, s19  }
0xa2: {  	s9 =	simm.s32 $0x0;
	s20 =	sshll.u32 s7, $0x1;
	s7 =	sadd.s32 s21, s5  }
0xa3: {  	[timem:s9], [sflag:s22] =	dma.local [hbm:s7], s20  }
0xa4: {  	_ =	swait.ge [sflag:s22], s20  }
0xa5: {  	s6 =	ssub.s32 $0x0, s20;
	[sflag:s22] =	ssyncset.done $0x0  }
0xa6: {  	[sflag:s22] =	ssyncadd.s32 s6;
	_ =	sdelay $0x1  }
0xa7: {  	s23 =	simm.s32 $0x1B8B  }
0xa8: {  	_ =	swait.ge [sflag:s23], $0x1  }
0xa9: {  	[sflag:s23] =	ssyncset.done $0x0  }
0xaa: {  	s25 =	simm.s32 $0x1B8E;
	s24 =	sld [smem:$0x3FFE];
	[sflag:s23] =	ssyncadd.s32 $0xFFFFFFFF  }
0xab: {  	s26 =	simm.s32 $execute0_lowered;
	[smem:$0x3FD2] =	sst s25  }
0xac: {  	s7 =	sshll.u32 s26, $0x1;
	_ =	strace $0x80000046;
	[dreg:$0x1] =	wrdreg $0xFFFFFFFF  }
0xad: {  	s28 =	simm.s32 $_size_execute0_lowered;
	s5 =	sadd.s32 s5, s7;
	[dreg:$0x0] =	wrdreg $0x0  }
0xae: {  	s7 =	sshll.u32 s28, $0x1;
	[dreg:$0x2] =	wrdreg s5  }
0xaf: {  	[dreg:$0x3] =	wrdreg s7  }
0xb0: {  	[dreg:$0x4] =	wrdreg $0xC0  }
0xb1: {  	_ =	task [dreg:s9], $0x5FFFF  }
0xb2: {  	[dreg:$0x1] =	wrdreg $0xFFFFFFFF  }
0xb3: {  	[dreg:$0x0] =	wrdreg $0x60  }
0xb4: {  	[dreg:$0x2] =	wrdreg s15  }
0xb5: {  	[dreg:$0x3] =	wrdreg s24  }
0xb6: {  	[dreg:$0x4] =	wrdreg s16  }
0xb7: {  	[dreg:$0x5] =	wrdreg s17  }
0xb8: {  	[dreg:$0x6] =	wrdreg $0x9  }
0xb9: {  	_ =	task.clear_ibuf [dreg:s9], $0x7FFFF;
	_ =	strace $0x90000046  }
0xba: {  	s29 =	simm.s32 $0x9;
	_ =	strace $0x80000048  }
0xbb: {  	_ =	swait.ge [sflag:s29], $0x1  }
0xbc: {  	[sflag:s29] =	ssyncadd.s32 $0xFFFFFFFF  }
0xbd: {  	_ =	strace $0x90000048  }
0xbe: {  	_ =	sfence  }
0xbf: {  	s30 =	sld [smem:$0x0];
	_ =	sdelay $0x2  }
0xc0: {  	s31 =	sshll.u32 s1, $0xD;
	s1 =	sshrl.u32 s1, $0x2  }
0xc1: {  	s3 =	sand.u32 $0x4000, s31;
	s1 =	sadd.s32 s1, s30  }
0xc2: {  	s0 =	sor.u32 s3, s0;
	s1 =	sshll.u32 s1, $0x11  }
0xc3: {  	s0 =	sor.u32 s1, s0  }
0xc4: {  	s0 =	sadd.s32 $0x8F2B, s0  }
0xc5: {  	[sflag:s0] =	ssyncadd.remote.s32 $0x1  }
0xc6: {  	_ =	sfence.sel $0xFFFF  }
0xc7: {  	[dreg:$0x0] =	wrdreg $0xFFFFFFFF;
	(pc) =	sbr.abs _section_cstart, $3  }
0xc8: {  	[dreg:$0x1] =	wrdreg $0xFFFFFFFF  }
0xc9: {  	_ =	task.clear_ibuf [dreg:s9], $0x2FFFF;
	_ =	strace $0x9FFFFFFF  }
0xca: {  	(tm) =	ssettm $0x7FFFFFFF  }
0xcb: {  	_ =	shalt  }
tec
execute0_lowered:
.L_overlay_start_1:
0x0: {  	(tag) =	ssettag $0x1  }
0x1: {  	s0 =	rddreg [dreg:$0x0]  }
0x2: {  	s3 =	rddreg [dreg:$0x1]  }
0x3: {  	s2 =	rddreg [dreg:$0x2];
	s13 =	stileid.u32;
	s4 =	simm.s32 $0x0  }
0x4: {  	s1 =	srdreg.scid;
	s28 =	simm.s32 $0x2;
	s5 =	sshll.u32 s13, $0x1  }
0x5: {  	[smem:$0x7FF] =	sst s4;
	s7 =	sand.u32 $0x1, s1;
	s6 =	sadd.s32 $0xA00, s3  }
0x6: {  	s1 =	sadd.s32 $0x2A00, s3;
	s9 =	sshrl.u32 s13, $0x3;
	s12 =	sshll.u32 s13, $0x7  }
0x7: {  	s13 =	sshll.u32 s13, $0x9;
	s16 =	sand.u32 $0xE, s5;
	_ =	strace $0x80000047  }
0x8: {  	s5 =	ssub.s32 $0x2, s7;
	s10 =	sshll.u32 s9, $0xC;
	s12 =	sand.u32 $0x380, s12  }
0x9: {  	s14 =	sshll.u32 s9, $0xE;
	s13 =	sand.u32 $0xC00, s13;
	s20 =	sshll.u32 s9, $0x2  }
0xa: {  	s9 =	sshllo.u32 s9, $0x2;
	s8 =	sor.u32 s7, s16;
	s7 =	sshll.u32 s7, $0x6  }
0xb: {  	s18 =	sor.u32 s13, s14;
	s22 =	sor.u32 $0x1, s20;
	s14 =	sor.u32 $0x2, s20  }
0xc: {  	s17 =	sshll.u32 s8, $0x5;
	s11 =	sshll.u32 s8, $0x8;
	s8 =	sshll.u32 s8, $0x9  }
0xd: {  	s7 =	sadd.s32 s6, s7;
	s15 =	sshll.u32 s22, $0xD;
	s31 =	sshll.u32 s14, $0xC  }
0xe: {  	s7 =	sadd.s32 s12, s7;
	s19 =	sand.u32 $0x300, s11;
	s16 =	sand.u32 $0x1C00, s8  }
0xf: {  	s8 =	sand.u32 $0x200, s8;
	s24 =	sand.u32 $0xC00, s11;
	s7 =	sadd.s32 s10, s7  }
0x10: {  	s12 =	sor.u32 s18, s19;
	s23 =	sor.u32 s15, s16;
	s18 =	sshll.u32 s14, $0xD  }
0x11: {  	s10 =	sor.u32 s10, s11;
	s11 =	sor.u32 s31, s24;
	s31 =	simm.s32 $0xB80  }
0x12: {  	[dreg:$0x5] =	wrdreg s7;
	s21 =	sshrl.u32 s12, $0x3;
	s12 =	sshll.u32 s22, $0xC  }
0x13: {  	s18 =	sor.u32 s18, s16;
	s22 =	simm.s32 $0x200;
	[dreg:$0x17] =	wrdreg s31  }
0x14: {  	s7 =	sadd.s32 s1, s21;
	s12 =	sor.u32 s12, s24;
	[dreg:$0x11] =	wrdreg s22  }
0x15: {  	s26 =	sor.u32 s8, s18;
	[dreg:$0x6] =	wrdreg s7;
	s7 =	sor.u32 s8, s23  }
0x16: {  	s12 =	sor.u32 s19, s12;
	s29 =	sshrl.u32 s26, $0x3;
	s23 =	simm.s32 $0x400  }
0x17: {  	s26 =	simm.s32 $0x980;
	s7 =	sshrl.u32 s7, $0x3;
	[dreg:$0x12] =	wrdreg s23  }
0x18: {  	s12 =	sshrl.u32 s12, $0x3;
	[dreg:$0x15] =	wrdreg s26;
	s7 =	sadd.s32 s6, s7  }
0x19: {  	s3 =	sadd.s32 s17, s3;
	s25 =	sadd.s32 s1, s12;
	[dreg:$0x7] =	wrdreg s7  }
0x1a: {  	s12 =	sshll.u32 s9, $0xD;
	s9 =	sshll.u32 s9, $0xC;
	[dreg:$0x8] =	wrdreg s25  }
0x1b: {  	s7 =	sadd.s32 s6, s29;
	s9 =	sor.u32 s9, s24;
	s24 =	simm.s32 $0x600  }
0x1c: {  	s25 =	simm.s32 $0x880;
	s29 =	simm.s32 $0xA80;
	[dreg:$0x9] =	wrdreg s7  }
0x1d: {  	s7 =	sor.u32 s19, s11;
	s11 =	sor.u32 s12, s16;
	[dreg:$0x13] =	wrdreg s24  }
0x1e: {  	s9 =	sor.u32 s19, s9;
	s16 =	sadd.s32 $0x3A00, s3;
	[dreg:$0x14] =	wrdreg s25  }
0x1f: {  	[dreg:$0x16] =	wrdreg s29;
	s7 =	sshrl.u32 s7, $0x3;
	s8 =	sor.u32 s8, s11  }
0x20: {  	s14 =	sshrl.u32 s9, $0x3;
	[dreg:$0xd] =	wrdreg s16;
	s7 =	sadd.s32 s1, s7  }
0x21: {  	s8 =	sshrl.u32 s8, $0x3;
	s1 =	sadd.s32 s1, s14;
	[dreg:$0xa] =	wrdreg s7  }
0x22: {  	s15 =	sshll.u32 s10, $0x7;
	s6 =	sadd.s32 s6, s8;
	[dreg:$0xc] =	wrdreg s1  }
0x23: {  	s17 =	sshrl.u32 s5, $0x1;
	s8 =	sadd.s32 s0, s15;
	[dreg:$0xb] =	wrdreg s6  }
0x24: {  	s18 =	ssub.s32 s5, s17;
	s19 =	sadd.s32 $0x2000, s8;
	[dreg:$0x18] =	wrdreg s8  }
0x25: {  	v2 =	vlaneseq.u32;
	s30 =	smax.u32 s18, $0x1;
	s20 =	sadd.s32 $0x4000, s8;
	[dreg:$0xe] =	wrdreg s19  }
0x26: {  	vm0 =	vmmov $0xffff;
	v1 =	vshrl.u32 v2, $0x3;
	s7 =	sadd.s32 $0x200, s2;
	s21 =	sadd.s32 $0x6000, s8;
	[dreg:$0xf] =	wrdreg s20  }
0x27: {  	v0 =	vand.u32 $0x7, v2;
	v2 =	vor.u32 $0x8, v2;
	v1 =	vmul.u32 $0x8, v1;
	s6 =	sadd.s32 $0x100, s2;
	s8 =	sadd.s32 $0x300, s2;
	[dreg:$0x10] =	wrdreg s21  }
.LBB2_1:
0x28: {  	[dreg:$0x19] =	wrdreg s30  }
0x29: {  	s31 =	rddreg [dreg:$0x18];
	s0 =	simm.s32 $0xD00  }
0x2a: {  	[tilespmem:s0], [sflag:$0x1] =	stream.linear.gather [hbm4b:s31+s4], $0x10000, $0x38;
	[tilespmem:$0x10D00] =	vst v63  }
0x2b: {  	s30 =	rddreg [dreg:$0x5];
	s3 =	simm.s32 $0x4  }
0x2c: {  	[tilespmem:s4], [sflag:$0x4] =	stream.linear.gather [hbm4b:s30+s4], $0x200, $0x38;
	[tilespmem:$0x10D00] =	vst v63  }
0x2d: {  	_ =	swait.ge [sflag:s3], $0x200  }
0x2e: {  	[sflag:s3] =	ssyncset.done $0x0  }
0x2f: {  	s19 =	simm.s32 $0x800;
	s30 =	rddreg [dreg:$0x6];
	[sflag:s3] =	ssyncadd.s32 $0xFFFFFE00  }
0x30: {  	[tilespmem:s19], [sflag:$0x4] =	stream.linear.gather [hbm4b:s30+s4], $0x100, $0x38;
	[tilespmem:$0x10D00] =	vst v63  }
0x31: {  	_ =	swait.ge [sflag:s3], $0x100  }
0x32: {  	s30 =	rddreg [dreg:$0x7];
	[sflag:s3] =	ssyncset.done $0x0  }
0x33: {  	s20 =	rddreg [dreg:$0x11];
	[sflag:s3] =	ssyncadd.s32 $0xFFFFFF00  }
0x34: {  	[tilespmem:s20], [sflag:$0x4] =	stream.linear.gather [hbm4b:s30+s4], $0x200, $0x38;
	[tilespmem:$0x10D00] =	vst v63  }
0x35: {  	_ =	swait.ge [sflag:s3], $0x200  }
0x36: {  	[sflag:s3] =	ssyncset.done $0x0  }
0x37: {  	s1 =	simm.s32 $0x900;
	s30 =	rddreg [dreg:$0x8];
	[sflag:s3] =	ssyncadd.s32 $0xFFFFFE00  }
0x38: {  	[tilespmem:s1], [sflag:$0x4] =	stream.linear.gather [hbm4b:s30+s4], $0x100, $0x38;
	[tilespmem:$0x10D00] =	vst v63  }
0x39: {  	_ =	swait.ge [sflag:s3], $0x100  }
0x3a: {  	s30 =	rddreg [dreg:$0x9];
	[sflag:s3] =	ssyncset.done $0x0  }
0x3b: {  	s21 =	rddreg [dreg:$0x12];
	[sflag:s3] =	ssyncadd.s32 $0xFFFFFF00  }
0x3c: {  	[tilespmem:s21], [sflag:$0x4] =	stream.linear.gather [hbm4b:s30+s4], $0x200, $0x38;
	[tilespmem:$0x10D00] =	vst v63  }
0x3d: {  	_ =	swait.ge [sflag:s3], $0x200  }
0x3e: {  	[sflag:s3] =	ssyncset.done $0x0  }
0x3f: {  	s12 =	simm.s32 $0xA00;
	s30 =	rddreg [dreg:$0xa];
	[sflag:s3] =	ssyncadd.s32 $0xFFFFFE00  }
0x40: {  	[tilespmem:s12], [sflag:$0x4] =	stream.linear.gather [hbm4b:s30+s4], $0x100, $0x38;
	[tilespmem:$0x10D00] =	vst v63  }
0x41: {  	_ =	swait.ge [sflag:s3], $0x100  }
0x42: {  	s30 =	rddreg [dreg:$0xb];
	[sflag:s3] =	ssyncset.done $0x0  }
0x43: {  	s22 =	rddreg [dreg:$0x13];
	[sflag:s3] =	ssyncadd.s32 $0xFFFFFF00  }
0x44: {  	[tilespmem:s22], [sflag:$0x4] =	stream.linear.gather [hbm4b:s30+s4], $0x200, $0x38;
	[tilespmem:$0x10D00] =	vst v63  }
0x45: {  	_ =	swait.ge [sflag:s3], $0x200  }
0x46: {  	[sflag:s3] =	ssyncset.done $0x0  }
0x47: {  	s13 =	simm.s32 $0xB00;
	s30 =	rddreg [dreg:$0xc];
	[sflag:s3] =	ssyncadd.s32 $0xFFFFFE00  }
0x48: {  	[tilespmem:s13], [sflag:$0x4] =	stream.linear.gather [hbm4b:s30+s4], $0x100, $0x38;
	[tilespmem:$0x10D00] =	vst v63  }
0x49: {  	_ =	swait.ge [sflag:s3], $0x100  }
0x4a: {  	[sflag:s3] =	ssyncset.done $0x0  }
0x4b: {  	s14 =	simm.s32 $0xC00;
	s30 =	rddreg [dreg:$0xd];
	[sflag:s3] =	ssyncadd.s32 $0xFFFFFF00  }
0x4c: {  	[tilespmem:s14], [sflag:$0x4] =	stream.linear.gather [hbm4b:s30+s4], $0x100, $0x38;
	[tilespmem:$0x10D00] =	vst v63  }
0x4d: {  	_ =	swait.ge [sflag:s3], $0x100  }
0x4e: {  	[sflag:s3] =	ssyncset.done $0x0  }
0x4f: {  	[sflag:s3] =	ssyncadd.s32 $0xFFFFFF00  }
0x50: {  	s15 =	simm.s32 $0x80;
	s23 =	rddreg [dreg:$0x3]  }
0x51: {  	[hbm4b:s23+s15] =	stream.indirect.scatter [tilespmem:s14], [sflag:$0x3], $0x1, s19, s15, $0xb8;
	[tilespmem:$0x10D00] =	vst v63  }
0x52: {  	s24 =	simm.s32 $0xC80;
	s30 =	rddreg [dreg:$0x14]  }
0x53: {  	[hbm4b:s23+s15] =	stream.indirect.scatter [tilespmem:s24], [sflag:$0x3], $0x1, s30, s15, $0xb8;
	[tilespmem:$0x10D00] =	vst v63  }
0x54: {  	_ = 	snop  }
0x55: {  	[hbm4b:s23+s15] =	stream.indirect.scatter [tilespmem:s14], [sflag:$0x3], $0x1, s1, s15, $0xb8;
	[tilespmem:$0x10D00] =	vst v63  }
0x56: {  	s30 =	rddreg [dreg:$0x15]  }
0x57: {  	[hbm4b:s23+s15] =	stream.indirect.scatter [tilespmem:s24], [sflag:$0x3], $0x1, s30, s15, $0xb8;
	[tilespmem:$0x10D00] =	vst v63  }
0x58: {  	_ = 	snop  }
0x59: {  	[hbm4b:s23+s15] =	stream.indirect.scatter [tilespmem:s14], [sflag:$0x3], $0x1, s12, s15, $0xb8;
	[tilespmem:$0x10D00] =	vst v63  }
0x5a: {  	s30 =	rddreg [dreg:$0x16]  }
0x5b: {  	[hbm4b:s23+s15] =	stream.indirect.scatter [tilespmem:s24], [sflag:$0x3], $0x1, s30, s15, $0xb8;
	[tilespmem:$0x10D00] =	vst v63  }
0x5c: {  	_ = 	snop  }
0x5d: {  	[hbm4b:s23+s15] =	stream.indirect.scatter [tilespmem:s14], [sflag:$0x3], $0x1, s13, s15, $0xb8;
	[tilespmem:$0x10D00] =	vst v63  }
0x5e: {  	s25 =	simm.s32 $0x1;
	s30 =	rddreg [dreg:$0x17]  }
0x5f: {  	[hbm4b:s23+s15] =	stream.indirect.scatter [tilespmem:s24], [sflag:$0x3], $0x1, s30, s15, $0xb8;
	[tilespmem:$0x10D00] =	vst v63  }
0x60: {  	_ =	swait.ge [sflag:s25], $0x10000  }
0x61: {  	[sflag:s25] =	ssyncset.done $0x0  }
0x62: {  	[sflag:s25] =	ssyncadd.s32 $0xFFFF0000  }
0x63: {  	v3 =	vld [tilespmem:$0x0];
	_ =	sdelay $0x4  }
0x64: {  	v4 =	vshll.u32 v3, $0x3  }
0x65: {  	v3 =	vand.u32 $0x7, v3;
	v4 =	vand.u32 $0xFFFFFFC0, v4  }
0x66: {  	v3 =	vor.u32 v3, v4  }
0x67: {  	v4 =	vperm.xlane v3, v0;
	_ =	sdelay $0x1  }
0x68: {  	v4 =	vadd.s32 v1, v4;
	_ =	sdelay $0x3  }
0x69: {  	s26 =	simm.s32 $0xD00  }
0x6a: {  	[hbm4b:s2+s4] =	stream.indirect_vreg.scatter [tilespmem:s26], [sflag:$0x2], $0x80, v4, vm0, $0xb8;
	[tilespmem:$0x10D00] =	vst v63  }
0x6b: {  	s3 =	simm.s32 $0x1500;
	v3 =	vperm.xlane v3, v2  }
0x6c: {  	[hbm4b:s6+s4] =	stream.indirect_vreg.scatter [tilespmem:s3], [sflag:$0x2], $0x80, v4, vm0, $0xb8;
	[tilespmem:$0x10D00] =	vst v63  }
0x6d: {  	s5 =	simm.s32 $0x1D00;
	v3 =	vadd.s32 v1, v3  }
0x6e: {  	[hbm4b:s7+s4] =	stream.indirect_vreg.scatter [tilespmem:s5], [sflag:$0x2], $0x80, v4, vm0, $0xb8;
	[tilespmem:$0x10D00] =	vst v63  }
0x6f: {  	s9 =	simm.s32 $0x2500  }
0x70: {  	[hbm4b:s8+s4] =	stream.indirect_vreg.scatter [tilespmem:s9], [sflag:$0x2], $0x80, v4, vm0, $0xb8;
	[tilespmem:$0x10D00] =	vst v63  }
0x71: {  	s10 =	simm.s32 $0x2D00  }
0x72: {  	[hbm4b:s2+s4] =	stream.indirect_vreg.scatter [tilespmem:s10], [sflag:$0x2], $0x80, v3, vm0, $0xb8;
	[tilespmem:$0x10D00] =	vst v63  }
0x73: {  	s11 =	simm.s32 $0x3500  }
0x74: {  	[hbm4b:s6+s4] =	stream.indirect_vreg.scatter [tilespmem:s11], [sflag:$0x2], $0x80, v3, vm0, $0xb8;
	[tilespmem:$0x10D00] =	vst v63  }
0x75: {  	s14 =	simm.s32 $0x3D00  }
0x76: {  	[hbm4b:s7+s4] =	stream.indirect_vreg.scatter [tilespmem:s14], [sflag:$0x2], $0x80, v3, vm0, $0xb8;
	[tilespmem:$0x10D00] =	vst v63  }
0x77: {  	s23 =	simm.s32 $0x4500  }
0x78: {  	[hbm4b:s8+s4] =	stream.indirect_vreg.scatter [tilespmem:s23], [sflag:$0x2], $0x80, v3, vm0, $0xb8;
	[tilespmem:$0x10D00] =	vst v63  }
0x79: {  	v3 =	vld [tilespmem:$0x10];
	_ =	sdelay $0x4  }
0x7a: {  	v57 =	vshll.u32 v3, $0x3  }
0x7b: {  	v3 =	vand.u32 $0x7, v3;
	v4 =	vand.u32 $0xFFFFFFC0, v57  }
0x7c: {  	v3 =	vor.u32 v3, v4  }
0x7d: {  	v4 =	vperm.xlane v3, v0;
	_ =	sdelay $0x1  }
0x7e: {  	v4 =	vadd.s32 v1, v4;
	_ =	sdelay $0x3  }
0x7f: {  	s24 =	simm.s32 $0x4D00  }
0x80: {  	[hbm4b:s2+s4] =	stream.indirect_vreg.scatter [tilespmem:s24], [sflag:$0x2], $0x80, v4, vm0, $0xb8;
	[tilespmem:$0x10D00] =	vst v63  }
0x81: {  	s31 =	simm.s32 $0x5500;
	v3 =	vperm.xlane v3, v2  }
0x82: {  	[hbm4b:s6+s4] =	stream.indirect_vreg.scatter [tilespmem:s31], [sflag:$0x2], $0x80, v4, vm0, $0xb8;
	[tilespmem:$0x10D00] =	vst v63  }
0x83: {  	s5 =	simm.s32 $0x5D00;
	v3 =	vadd.s32 v1, v3  }
0x84: {  	[hbm4b:s7+s4] =	stream.indirect_vreg.scatter [tilespmem:s5], [sflag:$0x2], $0x80, v4, vm0, $0xb8;
	[tilespmem:$0x10D00] =	vst v63  }
0x85: {  	s9 =	simm.s32 $0x6500  }
0x86: {  	[hbm4b:s8+s4] =	stream.indirect_vreg.scatter [tilespmem:s9], [sflag:$0x2], $0x80, v4, vm0, $0xb8;
	[tilespmem:$0x10D00] =	vst v63  }
0x87: {  	s10 =	simm.s32 $0x6D00  }
0x88: {  	[hbm4b:s2+s4] =	stream.indirect_vreg.scatter [tilespmem:s10], [sflag:$0x2], $0x80, v3, vm0, $0xb8;
	[tilespmem:$0x10D00] =	vst v63  }
0x89: {  	s11 =	simm.s32 $0x7500  }
0x8a: {  	[hbm4b:s6+s4] =	stream.indirect_vreg.scatter [tilespmem:s11], [sflag:$0x2], $0x80, v3, vm0, $0xb8;
	[tilespmem:$0x10D00] =	vst v63  }
0x8b: {  	s16 =	simm.s32 $0x7D00  }
0x8c: {  	[hbm4b:s7+s4] =	stream.indirect_vreg.scatter [tilespmem:s16], [sflag:$0x2], $0x80, v3, vm0, $0xb8;
	[tilespmem:$0x10D00] =	vst v63  }
0x8d: {  	s19 =	simm.s32 $0x8500  }
0x8e: {  	[hbm4b:s8+s4] =	stream.indirect_vreg.scatter [tilespmem:s19], [sflag:$0x2], $0x80, v3, vm0, $0xb8;
	[tilespmem:$0x10D00] =	vst v63  }
0x8f: {  	v3 =	vld [tilespmem:$0x20];
	_ =	sdelay $0x4  }
0x90: {  	v58 =	vshll.u32 v3, $0x3  }
0x91: {  	v3 =	vand.u32 $0x7, v3;
	v4 =	vand.u32 $0xFFFFFFC0, v58  }
0x92: {  	v3 =	vor.u32 v3, v4  }
0x93: {  	v4 =	vperm.xlane v3, v0;
	_ =	sdelay $0x1  }
0x94: {  	v4 =	vadd.s32 v1, v4;
	_ =	sdelay $0x3  }
0x95: {  	s21 =	simm.s32 $0x8D00  }
0x96: {  	[hbm4b:s2+s4] =	stream.indirect_vreg.scatter [tilespmem:s21], [sflag:$0x2], $0x80, v4, vm0, $0xb8;
	[tilespmem:$0x10D00] =	vst v63  }
0x97: {  	s22 =	simm.s32 $0x9500;
	v3 =	vperm.xlane v3, v2  }
0x98: {  	[hbm4b:s6+s4] =	stream.indirect_vreg.scatter [tilespmem:s22], [sflag:$0x2], $0x80, v4, vm0, $0xb8;
	[tilespmem:$0x10D00] =	vst v63  }
0x99: {  	s23 =	simm.s32 $0x9D00;
	v3 =	vadd.s32 v1, v3  }
0x9a: {  	[hbm4b:s7+s4] =	stream.indirect_vreg.scatter [tilespmem:s23], [sflag:$0x2], $0x80, v4, vm0, $0xb8;
	[tilespmem:$0x10D00] =	vst v63  }
0x9b: {  	s16 =	simm.s32 $0xA500  }
0x9c: {  	[hbm4b:s8+s4] =	stream.indirect_vreg.scatter [tilespmem:s16], [sflag:$0x2], $0x80, v4, vm0, $0xb8;
	[tilespmem:$0x10D00] =	vst v63  }
0x9d: {  	s19 =	simm.s32 $0xAD00  }
0x9e: {  	[hbm4b:s2+s4] =	stream.indirect_vreg.scatter [tilespmem:s19], [sflag:$0x2], $0x80, v3, vm0, $0xb8;
	[tilespmem:$0x10D00] =	vst v63  }
0x9f: {  	s21 =	simm.s32 $0xB500  }
0xa0: {  	[hbm4b:s6+s4] =	stream.indirect_vreg.scatter [tilespmem:s21], [sflag:$0x2], $0x80, v3, vm0, $0xb8;
	[tilespmem:$0x10D00] =	vst v63  }
0xa1: {  	s22 =	simm.s32 $0xBD00  }
0xa2: {  	[hbm4b:s7+s4] =	stream.indirect_vreg.scatter [tilespmem:s22], [sflag:$0x2], $0x80, v3, vm0, $0xb8;
	[tilespmem:$0x10D00] =	vst v63  }
0xa3: {  	s30 =	simm.s32 $0xC500  }
0xa4: {  	[hbm4b:s8+s4] =	stream.indirect_vreg.scatter [tilespmem:s30], [sflag:$0x2], $0x80, v3, vm0, $0xb8;
	[tilespmem:$0x10D00] =	vst v63  }
0xa5: {  	v3 =	vld [tilespmem:$0x30];
	_ =	sdelay $0x4  }
0xa6: {  	v59 =	vshll.u32 v3, $0x3  }
0xa7: {  	v3 =	vand.u32 $0x7, v3;
	v4 =	vand.u32 $0xFFFFFFC0, v59  }
0xa8: {  	v3 =	vor.u32 v3, v4  }
0xa9: {  	v4 =	vperm.xlane v3, v0;
	_ =	sdelay $0x1  }
0xaa: {  	v4 =	vadd.s32 v1, v4;
	_ =	sdelay $0x3  }
0xab: {  	s30 =	simm.s32 $0xCD00  }
0xac: {  	[hbm4b:s2+s4] =	stream.indirect_vreg.scatter [tilespmem:s30], [sflag:$0x2], $0x80, v4, vm0, $0xb8;
	[tilespmem:$0x10D00] =	vst v63  }
0xad: {  	v3 =	vperm.xlane v3, v2;
	s30 =	simm.s32 $0xD500  }
0xae: {  	[hbm4b:s6+s4] =	stream.indirect_vreg.scatter [tilespmem:s30], [sflag:$0x2], $0x80, v4, vm0, $0xb8;
	[tilespmem:$0x10D00] =	vst v63  }
0xaf: {  	v3 =	vadd.s32 v1, v3;
	s30 =	simm.s32 $0xDD00  }
0xb0: {  	[hbm4b:s7+s4] =	stream.indirect_vreg.scatter [tilespmem:s30], [sflag:$0x2], $0x80, v4, vm0, $0xb8;
	[tilespmem:$0x10D00] =	vst v63  }
0xb1: {  	s30 =	simm.s32 $0xE500  }
0xb2: {  	[hbm4b:s8+s4] =	stream.indirect_vreg.scatter [tilespmem:s30], [sflag:$0x2], $0x80, v4, vm0, $0xb8;
	[tilespmem:$0x10D00] =	vst v63  }
0xb3: {  	s30 =	simm.s32 $0xED00  }
0xb4: {  	[hbm4b:s2+s4] =	stream.indirect_vreg.scatter [tilespmem:s30], [sflag:$0x2], $0x80, v3, vm0, $0xb8;
	[tilespmem:$0x10D00] =	vst v63  }
0xb5: {  	s30 =	simm.s32 $0xF500  }
0xb6: {  	[hbm4b:s6+s4] =	stream.indirect_vreg.scatter [tilespmem:s30], [sflag:$0x2], $0x80, v3, vm0, $0xb8;
	[tilespmem:$0x10D00] =	vst v63  }
0xb7: {  	s30 =	simm.s32 $0xFD00  }
0xb8: {  	[hbm4b:s7+s4] =	stream.indirect_vreg.scatter [tilespmem:s30], [sflag:$0x2], $0x80, v3, vm0, $0xb8;
	[tilespmem:$0x10D00] =	vst v63  }
0xb9: {  	s30 =	simm.s32 $0x10500  }
0xba: {  	[hbm4b:s8+s4] =	stream.indirect_vreg.scatter [tilespmem:s30], [sflag:$0x2], $0x80, v3, vm0, $0xb8;
	[tilespmem:$0x10D00] =	vst v63  }
0xbb: {  	v3 =	vld [tilespmem:$0x200];
	_ =	sdelay $0x4  }
0xbc: {  	v60 =	vshll.u32 v3, $0x3  }
0xbd: {  	v3 =	vand.u32 $0x7, v3;
	v4 =	vand.u32 $0xFFFFFFC0, v60  }
0xbe: {  	v3 =	vor.u32 v3, v4  }
0xbf: {  	v4 =	vperm.xlane v3, v0;
	_ =	sdelay $0x1  }
0xc0: {  	v4 =	vadd.s32 v1, v4;
	_ =	sdelay $0x4  }
0xc1: {  	[hbm4b:s2+s4] =	stream.indirect_vreg.scatter [tilespmem:s26], [sflag:$0x2], $0x80, v4, vm0, $0xb8;
	[tilespmem:$0x10D00] =	vst v63  }
0xc2: {  	s16 =	simm.s32 $0x1500;
	v3 =	vperm.xlane v3, v2  }
0xc3: {  	[hbm4b:s6+s4] =	stream.indirect_vreg.scatter [tilespmem:s16], [sflag:$0x2], $0x80, v4, vm0, $0xb8;
	[tilespmem:$0x10D00] =	vst v63  }
0xc4: {  	s18 =	simm.s32 $0x1D00;
	v3 =	vadd.s32 v1, v3  }
0xc5: {  	[hbm4b:s7+s4] =	stream.indirect_vreg.scatter [tilespmem:s18], [sflag:$0x2], $0x80, v4, vm0, $0xb8;
	[tilespmem:$0x10D00] =	vst v63  }
0xc6: {  	s12 =	simm.s32 $0x2500  }
0xc7: {  	[hbm4b:s8+s4] =	stream.indirect_vreg.scatter [tilespmem:s12], [sflag:$0x2], $0x80, v4, vm0, $0xb8;
	[tilespmem:$0x10D00] =	vst v63  }
0xc8: {  	s13 =	simm.s32 $0x2D00  }
0xc9: {  	[hbm4b:s2+s4] =	stream.indirect_vreg.scatter [tilespmem:s13], [sflag:$0x2], $0x80, v3, vm0, $0xb8;
	[tilespmem:$0x10D00] =	vst v63  }
0xca: {  	s3 =	simm.s32 $0x3500  }
0xcb: {  	[hbm4b:s6+s4] =	stream.indirect_vreg.scatter [tilespmem:s3], [sflag:$0x2], $0x80, v3, vm0, $0xb8;
	[tilespmem:$0x10D00] =	vst v63  }
0xcc: {  	s15 =	simm.s32 $0x3D00  }
0xcd: {  	[hbm4b:s7+s4] =	stream.indirect_vreg.scatter [tilespmem:s15], [sflag:$0x2], $0x80, v3, vm0, $0xb8;
	[tilespmem:$0x10D00] =	vst v63  }
0xce: {  	s13 =	simm.s32 $0x4500  }
0xcf: {  	[hbm4b:s8+s4] =	stream.indirect_vreg.scatter [tilespmem:s13], [sflag:$0x2], $0x80, v3, vm0, $0xb8;
	[tilespmem:$0x10D00] =	vst v63  }
0xd0: {  	v3 =	vld [tilespmem:$0x210];
	_ =	sdelay $0x4  }
0xd1: {  	v61 =	vshll.u32 v3, $0x3  }
0xd2: {  	v3 =	vand.u32 $0x7, v3;
	v4 =	vand.u32 $0xFFFFFFC0, v61  }
0xd3: {  	v3 =	vor.u32 v3, v4  }
0xd4: {  	v4 =	vperm.xlane v3, v0;
	_ =	sdelay $0x1  }
0xd5: {  	v4 =	vadd.s32 v1, v4;
	_ =	sdelay $0x3  }
0xd6: {  	s25 =	simm.s32 $0x4D00  }
0xd7: {  	[hbm4b:s2+s4] =	stream.indirect_vreg.scatter [tilespmem:s25], [sflag:$0x2], $0x80, v4, vm0, $0xb8;
	[tilespmem:$0x10D00] =	vst v63  }
0xd8: {  	s29 =	simm.s32 $0x5500;
	v3 =	vperm.xlane v3, v2  }
0xd9: {  	[hbm4b:s6+s4] =	stream.indirect_vreg.scatter [tilespmem:s29], [sflag:$0x2], $0x80, v4, vm0, $0xb8;
	[tilespmem:$0x10D00] =	vst v63  }
0xda: {  	s15 =	simm.s32 $0x5D00;
	v3 =	vadd.s32 v1, v3  }
0xdb: {  	[hbm4b:s7+s4] =	stream.indirect_vreg.scatter [tilespmem:s15], [sflag:$0x2], $0x80, v4, vm0, $0xb8;
	[tilespmem:$0x10D00] =	vst v63  }
0xdc: {  	s17 =	simm.s32 $0x6500  }
0xdd: {  	[hbm4b:s8+s4] =	stream.indirect_vreg.scatter [tilespmem:s17], [sflag:$0x2], $0x80, v4, vm0, $0xb8;
	[tilespmem:$0x10D00] =	vst v63  }
0xde: {  	s20 =	simm.s32 $0x6D00  }
0xdf: {  	[hbm4b:s2+s4] =	stream.indirect_vreg.scatter [tilespmem:s20], [sflag:$0x2], $0x80, v3, vm0, $0xb8;
	[tilespmem:$0x10D00] =	vst v63  }
0xe0: {  	s9 =	simm.s32 $0x7500  }
0xe1: {  	[hbm4b:s6+s4] =	stream.indirect_vreg.scatter [tilespmem:s9], [sflag:$0x2], $0x80, v3, vm0, $0xb8;
	[tilespmem:$0x10D00] =	vst v63  }
0xe2: {  	s0 =	simm.s32 $0x7D00  }
0xe3: {  	[hbm4b:s7+s4] =	stream.indirect_vreg.scatter [tilespmem:s0], [sflag:$0x2], $0x80, v3, vm0, $0xb8;
	[tilespmem:$0x10D00] =	vst v63  }
0xe4: {  	s11 =	simm.s32 $0x8500  }
0xe5: {  	[hbm4b:s8+s4] =	stream.indirect_vreg.scatter [tilespmem:s11], [sflag:$0x2], $0x80, v3, vm0, $0xb8;
	[tilespmem:$0x10D00] =	vst v63  }
0xe6: {  	v3 =	vld [tilespmem:$0x220];
	_ =	sdelay $0x4  }
0xe7: {  	v62 =	vshll.u32 v3, $0x3  }
0xe8: {  	v3 =	vand.u32 $0x7, v3;
	v4 =	vand.u32 $0xFFFFFFC0, v62  }
0xe9: {  	v3 =	vor.u32 v3, v4  }
0xea: {  	v4 =	vperm.xlane v3, v0;
	_ =	sdelay $0x1  }
0xeb: {  	v4 =	vadd.s32 v1, v4;
	_ =	sdelay $0x3  }
0xec: {  	s18 =	simm.s32 $0x8D00  }
0xed: {  	[hbm4b:s2+s4] =	stream.indirect_vreg.scatter [tilespmem:s18], [sflag:$0x2], $0x80, v4, vm0, $0xb8;
	[tilespmem:$0x10D00] =	vst v63  }
0xee: {  	s19 =	simm.s32 $0x9500;
	v3 =	vperm.xlane v3, v2  }
0xef: {  	[hbm4b:s6+s4] =	stream.indirect_vreg.scatter [tilespmem:s19], [sflag:$0x2], $0x80, v4, vm0, $0xb8;
	[tilespmem:$0x10D00] =	vst v63  }
0xf0: {  	s24 =	simm.s32 $0x9D00;
	v3 =	vadd.s32 v1, v3  }
0xf1: {  	[hbm4b:s7+s4] =	stream.indirect_vreg.scatter [tilespmem:s24], [sflag:$0x2], $0x80, v4, vm0, $0xb8;
	[tilespmem:$0x10D00] =	vst v63  }
0xf2: {  	s1 =	simm.s32 $0xA500  }
0xf3: {  	[hbm4b:s8+s4] =	stream.indirect_vreg.scatter [tilespmem:s1], [sflag:$0x2], $0x80, v4, vm0, $0xb8;
	[tilespmem:$0x10D00] =	vst v63  }
0xf4: {  	s14 =	simm.s32 $0xAD00  }
0xf5: {  	[hbm4b:s2+s4] =	stream.indirect_vreg.scatter [tilespmem:s14], [sflag:$0x2], $0x80, v3, vm0, $0xb8;
	[tilespmem:$0x10D00] =	vst v63  }
0xf6: {  	s5 =	simm.s32 $0xB500  }
0xf7: {  	[hbm4b:s6+s4] =	stream.indirect_vreg.scatter [tilespmem:s5], [sflag:$0x2], $0x80, v3, vm0, $0xb8;
	[tilespmem:$0x10D00] =	vst v63  }
0xf8: {  	s10 =	simm.s32 $0xBD00  }
0xf9: {  	[hbm4b:s7+s4] =	stream.indirect_vreg.scatter [tilespmem:s10], [sflag:$0x2], $0x80, v3, vm0, $0xb8;
	[tilespmem:$0x10D00] =	vst v63  }
0xfa: {  	s3 =	simm.s32 $0xC500  }
0xfb: {  	[hbm4b:s8+s4] =	stream.indirect_vreg.scatter [tilespmem:s3], [sflag:$0x2], $0x80, v3, vm0, $0xb8;
	[tilespmem:$0x10D00] =	vst v63  }
0xfc: {  	v3 =	vld [tilespmem:$0x230];
	_ =	sdelay $0x4  }
0xfd: {  	v63 =	vshll.u32 v3, $0x3  }
0xfe: {  	v3 =	vand.u32 $0x7, v3;
	v4 =	vand.u32 $0xFFFFFFC0, v63  }
0xff: {  	v3 =	vor.u32 v3, v4  }
0x100: {  	v4 =	vperm.xlane v3, v0;
	_ =	sdelay $0x1  }
0x101: {  	v4 =	vadd.s32 v1, v4;
	_ =	sdelay $0x3  }
0x102: {  	s17 =	simm.s32 $0xCD00  }
0x103: {  	[hbm4b:s2+s4] =	stream.indirect_vreg.scatter [tilespmem:s17], [sflag:$0x2], $0x80, v4, vm0, $0xb8;
	[tilespmem:$0x10D00] =	vst v63  }
0x104: {  	s30 =	simm.s32 $0xD500;
	v3 =	vperm.xlane v3, v2  }
0x105: {  	[hbm4b:s6+s4] =	stream.indirect_vreg.scatter [tilespmem:s30], [sflag:$0x2], $0x80, v4, vm0, $0xb8;
	[tilespmem:$0x10D00] =	vst v63  }
0x106: {  	s5 =	simm.s32 $0xDD00;
	v3 =	vadd.s32 v1, v3  }
0x107: {  	[hbm4b:s7+s4] =	stream.indirect_vreg.scatter [tilespmem:s5], [sflag:$0x2], $0x80, v4, vm0, $0xb8;
	[tilespmem:$0x10D00] =	vst v63  }
0x108: {  	s9 =	simm.s32 $0xE500  }
0x109: {  	[hbm4b:s8+s4] =	stream.indirect_vreg.scatter [tilespmem:s9], [sflag:$0x2], $0x80, v4, vm0, $0xb8;
	[tilespmem:$0x10D00] =	vst v63  }
0x10a: {  	s10 =	simm.s32 $0xED00  }
0x10b: {  	[hbm4b:s2+s4] =	stream.indirect_vreg.scatter [tilespmem:s10], [sflag:$0x2], $0x80, v3, vm0, $0xb8;
	[tilespmem:$0x10D00] =	vst v63  }
0x10c: {  	s11 =	simm.s32 $0xF500  }
0x10d: {  	[hbm4b:s6+s4] =	stream.indirect_vreg.scatter [tilespmem:s11], [sflag:$0x2], $0x80, v3, vm0, $0xb8;
	[tilespmem:$0x10D00] =	vst v63  }
0x10e: {  	s12 =	simm.s32 $0xFD00  }
0x10f: {  	[hbm4b:s7+s4] =	stream.indirect_vreg.scatter [tilespmem:s12], [sflag:$0x2], $0x80, v3, vm0, $0xb8;
	[tilespmem:$0x10D00] =	vst v63  }
0x110: {  	s22 =	simm.s32 $0x10500  }
0x111: {  	[hbm4b:s8+s4] =	stream.indirect_vreg.scatter [tilespmem:s22], [sflag:$0x2], $0x80, v3, vm0, $0xb8;
	[tilespmem:$0x10D00] =	vst v63  }
0x112: {  	v3 =	vld [tilespmem:$0x400];
	_ =	sdelay $0x4  }
0x113: {  	v8 =	vshll.u32 v3, $0x3  }
0x114: {  	v3 =	vand.u32 $0x7, v3;
	v4 =	vand.u32 $0xFFFFFFC0, v8  }
0x115: {  	v3 =	vor.u32 v3, v4  }
0x116: {  	v4 =	vperm.xlane v3, v0;
	_ =	sdelay $0x1  }
0x117: {  	v4 =	vadd.s32 v1, v4;
	_ =	sdelay $0x3  }
0x118: {  	s23 =	simm.s32 $0xD00  }
0x119: {  	[hbm4b:s2+s4] =	stream.indirect_vreg.scatter [tilespmem:s23], [sflag:$0x2], $0x80, v4, vm0, $0xb8;
	[tilespmem:$0x10D00] =	vst v63  }
0x11a: {  	v3 =	vperm.xlane v3, v2  }
0x11b: {  	[hbm4b:s6+s4] =	stream.indirect_vreg.scatter [tilespmem:s16], [sflag:$0x2], $0x80, v4, vm0, $0xb8;
	[tilespmem:$0x10D00] =	vst v63  }
0x11c: {  	s26 =	simm.s32 $0x1D00;
	v3 =	vadd.s32 v1, v3  }
0x11d: {  	[hbm4b:s7+s4] =	stream.indirect_vreg.scatter [tilespmem:s26], [sflag:$0x2], $0x80, v4, vm0, $0xb8;
	[tilespmem:$0x10D00] =	vst v63  }
0x11e: {  	s23 =	simm.s32 $0x2500  }
0x11f: {  	[hbm4b:s8+s4] =	stream.indirect_vreg.scatter [tilespmem:s23], [sflag:$0x2], $0x80, v4, vm0, $0xb8;
	[tilespmem:$0x10D00] =	vst v63  }
0x120: {  	s29 =	simm.s32 $0x2D00  }
0x121: {  	[hbm4b:s2+s4] =	stream.indirect_vreg.scatter [tilespmem:s29], [sflag:$0x2], $0x80, v3, vm0, $0xb8;
	[tilespmem:$0x10D00] =	vst v63  }
0x122: {  	s23 =	simm.s32 $0x3500  }
0x123: {  	[hbm4b:s6+s4] =	stream.indirect_vreg.scatter [tilespmem:s23], [sflag:$0x2], $0x80, v3, vm0, $0xb8;
	[tilespmem:$0x10D00] =	vst v63  }
0x124: {  	s29 =	simm.s32 $0x3D00  }
0x125: {  	[hbm4b:s7+s4] =	stream.indirect_vreg.scatter [tilespmem:s29], [sflag:$0x2], $0x80, v3, vm0, $0xb8;
	[tilespmem:$0x10D00] =	vst v63  }
0x126: {  	_ = 	snop  }
0x127: {  	[hbm4b:s8+s4] =	stream.indirect_vreg.scatter [tilespmem:s13], [sflag:$0x2], $0x80, v3, vm0, $0xb8;
	[tilespmem:$0x10D00] =	vst v63  }
0x128: {  	v3 =	vld [tilespmem:$0x410];
	_ =	sdelay $0x4  }
0x129: {  	v9 =	vshll.u32 v3, $0x3  }
0x12a: {  	v3 =	vand.u32 $0x7, v3;
	v4 =	vand.u32 $0xFFFFFFC0, v9  }
0x12b: {  	v3 =	vor.u32 v3, v4  }
0x12c: {  	v4 =	vperm.xlane v3, v0;
	_ =	sdelay $0x1  }
0x12d: {  	v4 =	vadd.s32 v1, v4;
	_ =	sdelay $0x3  }
0x12e: {  	s16 =	simm.s32 $0x4D00  }
0x12f: {  	[hbm4b:s2+s4] =	stream.indirect_vreg.scatter [tilespmem:s16], [sflag:$0x2], $0x80, v4, vm0, $0xb8;
	[tilespmem:$0x10D00] =	vst v63  }
0x130: {  	s21 =	simm.s32 $0x5500;
	v3 =	vperm.xlane v3, v2  }
0x131: {  	[hbm4b:s6+s4] =	stream.indirect_vreg.scatter [tilespmem:s21], [sflag:$0x2], $0x80, v4, vm0, $0xb8;
	[tilespmem:$0x10D00] =	vst v63  }
0x132: {  	v3 =	vadd.s32 v1, v3  }
0x133: {  	[hbm4b:s7+s4] =	stream.indirect_vreg.scatter [tilespmem:s15], [sflag:$0x2], $0x80, v4, vm0, $0xb8;
	[tilespmem:$0x10D00] =	vst v63  }
0x134: {  	s15 =	simm.s32 $0x6500  }
0x135: {  	[hbm4b:s8+s4] =	stream.indirect_vreg.scatter [tilespmem:s15], [sflag:$0x2], $0x80, v4, vm0, $0xb8;
	[tilespmem:$0x10D00] =	vst v63  }
0x136: {  	s15 =	simm.s32 $0x6D00  }
0x137: {  	[hbm4b:s2+s4] =	stream.indirect_vreg.scatter [tilespmem:s15], [sflag:$0x2], $0x80, v3, vm0, $0xb8;
	[tilespmem:$0x10D00] =	vst v63  }
0x138: {  	s25 =	simm.s32 $0x7500  }
0x139: {  	[hbm4b:s6+s4] =	stream.indirect_vreg.scatter [tilespmem:s25], [sflag:$0x2], $0x80, v3, vm0, $0xb8;
	[tilespmem:$0x10D00] =	vst v63  }
0x13a: {  	_ = 	snop  }
0x13b: {  	[hbm4b:s7+s4] =	stream.indirect_vreg.scatter [tilespmem:s0], [sflag:$0x2], $0x80, v3, vm0, $0xb8;
	[tilespmem:$0x10D00] =	vst v63  }
0x13c: {  	s20 =	simm.s32 $0x8500  }
0x13d: {  	[hbm4b:s8+s4] =	stream.indirect_vreg.scatter [tilespmem:s20], [sflag:$0x2], $0x80, v3, vm0, $0xb8;
	[tilespmem:$0x10D00] =	vst v63  }
0x13e: {  	v3 =	vld [tilespmem:$0x420];
	_ =	sdelay $0x4  }
0x13f: {  	v10 =	vshll.u32 v3, $0x3  }
0x140: {  	v3 =	vand.u32 $0x7, v3;
	v4 =	vand.u32 $0xFFFFFFC0, v10  }
0x141: {  	v3 =	vor.u32 v3, v4  }
0x142: {  	v4 =	vperm.xlane v3, v0;
	_ =	sdelay $0x1  }
0x143: {  	v4 =	vadd.s32 v1, v4;
	_ =	sdelay $0x4  }
0x144: {  	[hbm4b:s2+s4] =	stream.indirect_vreg.scatter [tilespmem:s18], [sflag:$0x2], $0x80, v4, vm0, $0xb8;
	[tilespmem:$0x10D00] =	vst v63  }
0x145: {  	v3 =	vperm.xlane v3, v2  }
0x146: {  	[hbm4b:s6+s4] =	stream.indirect_vreg.scatter [tilespmem:s19], [sflag:$0x2], $0x80, v4, vm0, $0xb8;
	[tilespmem:$0x10D00] =	vst v63  }
0x147: {  	s20 =	simm.s32 $0x9D00;
	v3 =	vadd.s32 v1, v3  }
0x148: {  	[hbm4b:s7+s4] =	stream.indirect_vreg.scatter [tilespmem:s20], [sflag:$0x2], $0x80, v4, vm0, $0xb8;
	[tilespmem:$0x10D00] =	vst v63  }
0x149: {  	_ = 	snop  }
0x14a: {  	[hbm4b:s8+s4] =	stream.indirect_vreg.scatter [tilespmem:s1], [sflag:$0x2], $0x80, v4, vm0, $0xb8;
	[tilespmem:$0x10D00] =	vst v63  }
0x14b: {  	_ = 	snop  }
0x14c: {  	[hbm4b:s2+s4] =	stream.indirect_vreg.scatter [tilespmem:s14], [sflag:$0x2], $0x80, v3, vm0, $0xb8;
	[tilespmem:$0x10D00] =	vst v63  }
0x14d: {  	s24 =	simm.s32 $0xB500  }
0x14e: {  	[hbm4b:s6+s4] =	stream.indirect_vreg.scatter [tilespmem:s24], [sflag:$0x2], $0x80, v3, vm0, $0xb8;
	[tilespmem:$0x10D00] =	vst v63  }
0x14f: {  	s20 =	simm.s32 $0xBD00  }
0x150: {  	[hbm4b:s7+s4] =	stream.indirect_vreg.scatter [tilespmem:s20], [sflag:$0x2], $0x80, v3, vm0, $0xb8;
	[tilespmem:$0x10D00] =	vst v63  }
0x151: {  	_ = 	snop  }
0x152: {  	[hbm4b:s8+s4] =	stream.indirect_vreg.scatter [tilespmem:s3], [sflag:$0x2], $0x80, v3, vm0, $0xb8;
	[tilespmem:$0x10D00] =	vst v63  }
0x153: {  	v3 =	vld [tilespmem:$0x430];
	_ =	sdelay $0x4  }
0x154: {  	v11 =	vshll.u32 v3, $0x3  }
0x155: {  	v3 =	vand.u32 $0x7, v3;
	v4 =	vand.u32 $0xFFFFFFC0, v11  }
0x156: {  	v3 =	vor.u32 v3, v4  }
0x157: {  	v4 =	vperm.xlane v3, v0;
	_ =	sdelay $0x1  }
0x158: {  	v4 =	vadd.s32 v1, v4;
	_ =	sdelay $0x4  }
0x159: {  	[hbm4b:s2+s4] =	stream.indirect_vreg.scatter [tilespmem:s17], [sflag:$0x2], $0x80, v4, vm0, $0xb8;
	[tilespmem:$0x10D00] =	vst v63  }
0x15a: {  	v3 =	vperm.xlane v3, v2  }
0x15b: {  	[hbm4b:s6+s4] =	stream.indirect_vreg.scatter [tilespmem:s30], [sflag:$0x2], $0x80, v4, vm0, $0xb8;
	[tilespmem:$0x10D00] =	vst v63  }
0x15c: {  	v3 =	vadd.s32 v1, v3  }
0x15d: {  	[hbm4b:s7+s4] =	stream.indirect_vreg.scatter [tilespmem:s5], [sflag:$0x2], $0x80, v4, vm0, $0xb8;
	[tilespmem:$0x10D00] =	vst v63  }
0x15e: {  	_ = 	snop  }
0x15f: {  	[hbm4b:s8+s4] =	stream.indirect_vreg.scatter [tilespmem:s9], [sflag:$0x2], $0x80, v4, vm0, $0xb8;
	[tilespmem:$0x10D00] =	vst v63  }
0x160: {  	_ = 	snop  }
0x161: {  	[hbm4b:s2+s4] =	stream.indirect_vreg.scatter [tilespmem:s10], [sflag:$0x2], $0x80, v3, vm0, $0xb8;
	[tilespmem:$0x10D00] =	vst v63  }
0x162: {  	_ = 	snop  }
0x163: {  	[hbm4b:s6+s4] =	stream.indirect_vreg.scatter [tilespmem:s11], [sflag:$0x2], $0x80, v3, vm0, $0xb8;
	[tilespmem:$0x10D00] =	vst v63  }
0x164: {  	_ = 	snop  }
0x165: {  	[hbm4b:s7+s4] =	stream.indirect_vreg.scatter [tilespmem:s12], [sflag:$0x2], $0x80, v3, vm0, $0xb8;
	[tilespmem:$0x10D00] =	vst v63  }
0x166: {  	s3 =	simm.s32 $0x10500  }
0x167: {  	[hbm4b:s8+s4] =	stream.indirect_vreg.scatter [tilespmem:s3], [sflag:$0x2], $0x80, v3, vm0, $0xb8;
	[tilespmem:$0x10D00] =	vst v63  }
0x168: {  	v3 =	vld [tilespmem:$0x600];
	_ =	sdelay $0x4  }
0x169: {  	v12 =	vshll.u32 v3, $0x3  }
0x16a: {  	v3 =	vand.u32 $0x7, v3;
	v4 =	vand.u32 $0xFFFFFFC0, v12  }
0x16b: {  	v3 =	vor.u32 v3, v4  }
0x16c: {  	v4 =	vperm.xlane v3, v0;
	_ =	sdelay $0x1  }
0x16d: {  	v4 =	vadd.s32 v1, v4;
	_ =	sdelay $0x3  }
0x16e: {  	s31 =	simm.s32 $0xD00  }
0x16f: {  	[hbm4b:s2+s4] =	stream.indirect_vreg.scatter [tilespmem:s31], [sflag:$0x2], $0x80, v4, vm0, $0xb8;
	[tilespmem:$0x10D00] =	vst v63  }
0x170: {  	s22 =	simm.s32 $0x1500;
	v3 =	vperm.xlane v3, v2  }
0x171: {  	[hbm4b:s6+s4] =	stream.indirect_vreg.scatter [tilespmem:s22], [sflag:$0x2], $0x80, v4, vm0, $0xb8;
	[tilespmem:$0x10D00] =	vst v63  }
0x172: {  	s26 =	simm.s32 $0x1D00;
	v3 =	vadd.s32 v1, v3  }
0x173: {  	[hbm4b:s7+s4] =	stream.indirect_vreg.scatter [tilespmem:s26], [sflag:$0x2], $0x80, v4, vm0, $0xb8;
	[tilespmem:$0x10D00] =	vst v63  }
0x174: {  	s26 =	simm.s32 $0x2500  }
0x175: {  	[hbm4b:s8+s4] =	stream.indirect_vreg.scatter [tilespmem:s26], [sflag:$0x2], $0x80, v4, vm0, $0xb8;
	[tilespmem:$0x10D00] =	vst v63  }
0x176: {  	s31 =	simm.s32 $0x2D00  }
0x177: {  	[hbm4b:s2+s4] =	stream.indirect_vreg.scatter [tilespmem:s31], [sflag:$0x2], $0x80, v3, vm0, $0xb8;
	[tilespmem:$0x10D00] =	vst v63  }
0x178: {  	s26 =	simm.s32 $0x3500  }
0x179: {  	[hbm4b:s6+s4] =	stream.indirect_vreg.scatter [tilespmem:s26], [sflag:$0x2], $0x80, v3, vm0, $0xb8;
	[tilespmem:$0x10D00] =	vst v63  }
0x17a: {  	s23 =	simm.s32 $0x3D00  }
0x17b: {  	[hbm4b:s7+s4] =	stream.indirect_vreg.scatter [tilespmem:s23], [sflag:$0x2], $0x80, v3, vm0, $0xb8;
	[tilespmem:$0x10D00] =	vst v63  }
0x17c: {  	s29 =	simm.s32 $0x4500  }
0x17d: {  	[hbm4b:s8+s4] =	stream.indirect_vreg.scatter [tilespmem:s29], [sflag:$0x2], $0x80, v3, vm0, $0xb8;
	[tilespmem:$0x10D00] =	vst v63  }
0x17e: {  	v3 =	vld [tilespmem:$0x610];
	_ =	sdelay $0x4  }
0x17f: {  	v13 =	vshll.u32 v3, $0x3  }
0x180: {  	v3 =	vand.u32 $0x7, v3;
	v4 =	vand.u32 $0xFFFFFFC0, v13  }
0x181: {  	v3 =	vor.u32 v3, v4  }
0x182: {  	v4 =	vperm.xlane v3, v0;
	_ =	sdelay $0x1  }
0x183: {  	v4 =	vadd.s32 v1, v4;
	_ =	sdelay $0x3  }
0x184: {  	s31 =	simm.s32 $0x4D00  }
0x185: {  	[hbm4b:s2+s4] =	stream.indirect_vreg.scatter [tilespmem:s31], [sflag:$0x2], $0x80, v4, vm0, $0xb8;
	[tilespmem:$0x10D00] =	vst v63  }
0x186: {  	s21 =	simm.s32 $0x5500;
	v3 =	vperm.xlane v3, v2  }
0x187: {  	[hbm4b:s6+s4] =	stream.indirect_vreg.scatter [tilespmem:s21], [sflag:$0x2], $0x80, v4, vm0, $0xb8;
	[tilespmem:$0x10D00] =	vst v63  }
0x188: {  	s16 =	simm.s32 $0x5D00;
	v3 =	vadd.s32 v1, v3  }
0x189: {  	[hbm4b:s7+s4] =	stream.indirect_vreg.scatter [tilespmem:s16], [sflag:$0x2], $0x80, v4, vm0, $0xb8;
	[tilespmem:$0x10D00] =	vst v63  }
0x18a: {  	s22 =	simm.s32 $0x6500  }
0x18b: {  	[hbm4b:s8+s4] =	stream.indirect_vreg.scatter [tilespmem:s22], [sflag:$0x2], $0x80, v4, vm0, $0xb8;
	[tilespmem:$0x10D00] =	vst v63  }
0x18c: {  	s23 =	simm.s32 $0x6D00  }
0x18d: {  	[hbm4b:s2+s4] =	stream.indirect_vreg.scatter [tilespmem:s23], [sflag:$0x2], $0x80, v3, vm0, $0xb8;
	[tilespmem:$0x10D00] =	vst v63  }
0x18e: {  	s25 =	simm.s32 $0x7500  }
0x18f: {  	[hbm4b:s6+s4] =	stream.indirect_vreg.scatter [tilespmem:s25], [sflag:$0x2], $0x80, v3, vm0, $0xb8;
	[tilespmem:$0x10D00] =	vst v63  }
0x190: {  	s15 =	simm.s32 $0x7D00  }
0x191: {  	[hbm4b:s7+s4] =	stream.indirect_vreg.scatter [tilespmem:s15], [sflag:$0x2], $0x80, v3, vm0, $0xb8;
	[tilespmem:$0x10D00] =	vst v63  }
0x192: {  	s13 =	simm.s32 $0x8500  }
0x193: {  	[hbm4b:s8+s4] =	stream.indirect_vreg.scatter [tilespmem:s13], [sflag:$0x2], $0x80, v3, vm0, $0xb8;
	[tilespmem:$0x10D00] =	vst v63  }
0x194: {  	v3 =	vld [tilespmem:$0x620];
	_ =	sdelay $0x4  }
0x195: {  	v14 =	vshll.u32 v3, $0x3  }
0x196: {  	v3 =	vand.u32 $0x7, v3;
	v4 =	vand.u32 $0xFFFFFFC0, v14  }
0x197: {  	v3 =	vor.u32 v3, v4  }
0x198: {  	v4 =	vperm.xlane v3, v0;
	_ =	sdelay $0x1  }
0x199: {  	v4 =	vadd.s32 v1, v4;
	_ =	sdelay $0x3  }
0x19a: {  	s18 =	simm.s32 $0x8D00  }
0x19b: {  	[hbm4b:s2+s4] =	stream.indirect_vreg.scatter [tilespmem:s18], [sflag:$0x2], $0x80, v4, vm0, $0xb8;
	[tilespmem:$0x10D00] =	vst v63  }
0x19c: {  	s19 =	simm.s32 $0x9500;
	v3 =	vperm.xlane v3, v2  }
0x19d: {  	[hbm4b:s6+s4] =	stream.indirect_vreg.scatter [tilespmem:s19], [sflag:$0x2], $0x80, v4, vm0, $0xb8;
	[tilespmem:$0x10D00] =	vst v63  }
0x19e: {  	s31 =	simm.s32 $0x9D00;
	v3 =	vadd.s32 v1, v3  }
0x19f: {  	[hbm4b:s7+s4] =	stream.indirect_vreg.scatter [tilespmem:s31], [sflag:$0x2], $0x80, v4, vm0, $0xb8;
	[tilespmem:$0x10D00] =	vst v63  }
0x1a0: {  	s1 =	simm.s32 $0xA500  }
0x1a1: {  	[hbm4b:s8+s4] =	stream.indirect_vreg.scatter [tilespmem:s1], [sflag:$0x2], $0x80, v4, vm0, $0xb8;
	[tilespmem:$0x10D00] =	vst v63  }
0x1a2: {  	s14 =	simm.s32 $0xAD00  }
0x1a3: {  	[hbm4b:s2+s4] =	stream.indirect_vreg.scatter [tilespmem:s14], [sflag:$0x2], $0x80, v3, vm0, $0xb8;
	[tilespmem:$0x10D00] =	vst v63  }
0x1a4: {  	s24 =	simm.s32 $0xB500  }
0x1a5: {  	[hbm4b:s6+s4] =	stream.indirect_vreg.scatter [tilespmem:s24], [sflag:$0x2], $0x80, v3, vm0, $0xb8;
	[tilespmem:$0x10D00] =	vst v63  }
0x1a6: {  	s14 =	simm.s32 $0xBD00  }
0x1a7: {  	[hbm4b:s7+s4] =	stream.indirect_vreg.scatter [tilespmem:s14], [sflag:$0x2], $0x80, v3, vm0, $0xb8;
	[tilespmem:$0x10D00] =	vst v63  }
0x1a8: {  	s20 =	simm.s32 $0xC500  }
0x1a9: {  	[hbm4b:s8+s4] =	stream.indirect_vreg.scatter [tilespmem:s20], [sflag:$0x2], $0x80, v3, vm0, $0xb8;
	[tilespmem:$0x10D00] =	vst v63  }
0x1aa: {  	v3 =	vld [tilespmem:$0x630];
	_ =	sdelay $0x4  }
0x1ab: {  	v15 =	vshll.u32 v3, $0x3  }
0x1ac: {  	v3 =	vand.u32 $0x7, v3;
	v4 =	vand.u32 $0xFFFFFFC0, v15  }
0x1ad: {  	v3 =	vor.u32 v3, v4  }
0x1ae: {  	v4 =	vperm.xlane v3, v0;
	_ =	sdelay $0x1  }
0x1af: {  	v4 =	vadd.s32 v1, v4;
	_ =	sdelay $0x3  }
0x1b0: {  	s17 =	simm.s32 $0xCD00  }
0x1b1: {  	[hbm4b:s2+s4] =	stream.indirect_vreg.scatter [tilespmem:s17], [sflag:$0x2], $0x80, v4, vm0, $0xb8;
	[tilespmem:$0x10D00] =	vst v63  }
0x1b2: {  	s0 =	simm.s32 $0xD500;
	v3 =	vperm.xlane v3, v2  }
0x1b3: {  	[hbm4b:s6+s4] =	stream.indirect_vreg.scatter [tilespmem:s0], [sflag:$0x2], $0x80, v4, vm0, $0xb8;
	[tilespmem:$0x10D00] =	vst v63  }
0x1b4: {  	s5 =	simm.s32 $0xDD00;
	v3 =	vadd.s32 v1, v3  }
0x1b5: {  	[hbm4b:s7+s4] =	stream.indirect_vreg.scatter [tilespmem:s5], [sflag:$0x2], $0x80, v4, vm0, $0xb8;
	[tilespmem:$0x10D00] =	vst v63  }
0x1b6: {  	s9 =	simm.s32 $0xE500  }
0x1b7: {  	[hbm4b:s8+s4] =	stream.indirect_vreg.scatter [tilespmem:s9], [sflag:$0x2], $0x80, v4, vm0, $0xb8;
	[tilespmem:$0x10D00] =	vst v63  }
0x1b8: {  	s10 =	simm.s32 $0xED00  }
0x1b9: {  	[hbm4b:s2+s4] =	stream.indirect_vreg.scatter [tilespmem:s10], [sflag:$0x2], $0x80, v3, vm0, $0xb8;
	[tilespmem:$0x10D00] =	vst v63  }
0x1ba: {  	s11 =	simm.s32 $0xF500  }
0x1bb: {  	[hbm4b:s6+s4] =	stream.indirect_vreg.scatter [tilespmem:s11], [sflag:$0x2], $0x80, v3, vm0, $0xb8;
	[tilespmem:$0x10D00] =	vst v63  }
0x1bc: {  	s12 =	simm.s32 $0xFD00  }
0x1bd: {  	[hbm4b:s7+s4] =	stream.indirect_vreg.scatter [tilespmem:s12], [sflag:$0x2], $0x80, v3, vm0, $0xb8;
	[tilespmem:$0x10D00] =	vst v63  }
0x1be: {  	s30 =	simm.s32 $0x10500  }
0x1bf: {  	[hbm4b:s8+s4] =	stream.indirect_vreg.scatter [tilespmem:s30], [sflag:$0x2], $0x80, v3, vm0, $0xb8;
	[tilespmem:$0x10D00] =	vst v63  }
0x1c0: {  	_ =	swait.ge [sflag:s28], $0x10000  }
0x1c1: {  	[sflag:s28] =	ssyncset.done $0x0  }
0x1c2: {  	[sflag:s28] =	ssyncadd.s32 $0xFFFF0000  }
0x1c3: {  	_ =	swait.ge [sflag:s28], $0x10000  }
0x1c4: {  	[sflag:s28] =	ssyncset.done $0x0  }
0x1c5: {  	[sflag:s28] =	ssyncadd.s32 $0xFFFF0000  }
0x1c6: {  	_ =	swait.ge [sflag:s28], $0x10000  }
0x1c7: {  	[sflag:s28] =	ssyncset.done $0x0  }
0x1c8: {  	[sflag:s28] =	ssyncadd.s32 $0xFFFF0000  }
0x1c9: {  	_ =	swait.ge [sflag:s28], $0x10000  }
0x1ca: {  	s16 =	simm.s32 $0x1;
	[sflag:s28] =	ssyncset.done $0x0  }
0x1cb: {  	s15 =	simm.s32 $0xD00;
	s30 =	rddreg [dreg:$0xe];
	[sflag:s28] =	ssyncadd.s32 $0xFFFF0000  }
0x1cc: {  	[tilespmem:s15], [sflag:$0x1] =	stream.linear.gather [hbm4b:s30+s4], $0x10000, $0x38;
	[tilespmem:$0x10D00] =	vst v63  }
0x1cd: {  	_ =	swait.ge [sflag:s16], $0x10000  }
0x1ce: {  	[sflag:s16] =	ssyncset.done $0x0  }
0x1cf: {  	[sflag:s16] =	ssyncadd.s32 $0xFFFF0000  }
0x1d0: {  	v3 =	vld [tilespmem:$0x80];
	_ =	sdelay $0x4  }
0x1d1: {  	v16 =	vshll.u32 v3, $0x3  }
0x1d2: {  	v3 =	vand.u32 $0x7, v3;
	v4 =	vand.u32 $0xFFFFFFC0, v16  }
0x1d3: {  	v3 =	vor.u32 v3, v4  }
0x1d4: {  	v4 =	vperm.xlane v3, v0;
	_ =	sdelay $0x1  }
0x1d5: {  	v4 =	vadd.s32 v1, v4;
	_ =	sdelay $0x4  }
0x1d6: {  	[hbm4b:s2+s4] =	stream.indirect_vreg.scatter [tilespmem:s15], [sflag:$0x2], $0x80, v4, vm0, $0xb8;
	[tilespmem:$0x10D00] =	vst v63  }
0x1d7: {  	s3 =	simm.s32 $0x1500;
	v3 =	vperm.xlane v3, v2  }
0x1d8: {  	[hbm4b:s6+s4] =	stream.indirect_vreg.scatter [tilespmem:s3], [sflag:$0x2], $0x80, v4, vm0, $0xb8;
	[tilespmem:$0x10D00] =	vst v63  }
0x1d9: {  	s17 =	simm.s32 $0x1D00;
	v3 =	vadd.s32 v1, v3  }
0x1da: {  	[hbm4b:s7+s4] =	stream.indirect_vreg.scatter [tilespmem:s17], [sflag:$0x2], $0x80, v4, vm0, $0xb8;
	[tilespmem:$0x10D00] =	vst v63  }
0x1db: {  	s17 =	simm.s32 $0x2500  }
0x1dc: {  	[hbm4b:s8+s4] =	stream.indirect_vreg.scatter [tilespmem:s17], [sflag:$0x2], $0x80, v4, vm0, $0xb8;
	[tilespmem:$0x10D00] =	vst v63  }
0x1dd: {  	s19 =	simm.s32 $0x2D00  }
0x1de: {  	[hbm4b:s2+s4] =	stream.indirect_vreg.scatter [tilespmem:s19], [sflag:$0x2], $0x80, v3, vm0, $0xb8;
	[tilespmem:$0x10D00] =	vst v63  }
0x1df: {  	s20 =	simm.s32 $0x3500  }
0x1e0: {  	[hbm4b:s6+s4] =	stream.indirect_vreg.scatter [tilespmem:s20], [sflag:$0x2], $0x80, v3, vm0, $0xb8;
	[tilespmem:$0x10D00] =	vst v63  }
0x1e1: {  	s30 =	simm.s32 $0x3D00  }
0x1e2: {  	[hbm4b:s7+s4] =	stream.indirect_vreg.scatter [tilespmem:s30], [sflag:$0x2], $0x80, v3, vm0, $0xb8;
	[tilespmem:$0x10D00] =	vst v63  }
0x1e3: {  	s29 =	simm.s32 $0x4500  }
0x1e4: {  	[hbm4b:s8+s4] =	stream.indirect_vreg.scatter [tilespmem:s29], [sflag:$0x2], $0x80, v3, vm0, $0xb8;
	[tilespmem:$0x10D00] =	vst v63  }
0x1e5: {  	v3 =	vld [tilespmem:$0x90];
	_ =	sdelay $0x4  }
0x1e6: {  	v17 =	vshll.u32 v3, $0x3  }
0x1e7: {  	v3 =	vand.u32 $0x7, v3;
	v4 =	vand.u32 $0xFFFFFFC0, v17  }
0x1e8: {  	v3 =	vor.u32 v3, v4  }
0x1e9: {  	v4 =	vperm.xlane v3, v0;
	_ =	sdelay $0x1  }
0x1ea: {  	v4 =	vadd.s32 v1, v4;
	_ =	sdelay $0x3  }
0x1eb: {  	s29 =	simm.s32 $0x4D00  }
0x1ec: {  	[hbm4b:s2+s4] =	stream.indirect_vreg.scatter [tilespmem:s29], [sflag:$0x2], $0x80, v4, vm0, $0xb8;
	[tilespmem:$0x10D00] =	vst v63  }
0x1ed: {  	s18 =	simm.s32 $0x5500;
	v3 =	vperm.xlane v3, v2  }
0x1ee: {  	[hbm4b:s6+s4] =	stream.indirect_vreg.scatter [tilespmem:s18], [sflag:$0x2], $0x80, v4, vm0, $0xb8;
	[tilespmem:$0x10D00] =	vst v63  }
0x1ef: {  	s1 =	simm.s32 $0x5D00;
	v3 =	vadd.s32 v1, v3  }
0x1f0: {  	[hbm4b:s7+s4] =	stream.indirect_vreg.scatter [tilespmem:s1], [sflag:$0x2], $0x80, v4, vm0, $0xb8;
	[tilespmem:$0x10D00] =	vst v63  }
0x1f1: {  	s21 =	simm.s32 $0x6500  }
0x1f2: {  	[hbm4b:s8+s4] =	stream.indirect_vreg.scatter [tilespmem:s21], [sflag:$0x2], $0x80, v4, vm0, $0xb8;
	[tilespmem:$0x10D00] =	vst v63  }
0x1f3: {  	s22 =	simm.s32 $0x6D00  }
0x1f4: {  	[hbm4b:s2+s4] =	stream.indirect_vreg.scatter [tilespmem:s22], [sflag:$0x2], $0x80, v3, vm0, $0xb8;
	[tilespmem:$0x10D00] =	vst v63  }
0x1f5: {  	s15 =	simm.s32 $0x7500  }
0x1f6: {  	[hbm4b:s6+s4] =	stream.indirect_vreg.scatter [tilespmem:s15], [sflag:$0x2], $0x80, v3, vm0, $0xb8;
	[tilespmem:$0x10D00] =	vst v63  }
0x1f7: {  	s23 =	simm.s32 $0x7D00  }
0x1f8: {  	[hbm4b:s7+s4] =	stream.indirect_vreg.scatter [tilespmem:s23], [sflag:$0x2], $0x80, v3, vm0, $0xb8;
	[tilespmem:$0x10D00] =	vst v63  }
0x1f9: {  	s26 =	simm.s32 $0x8500  }
0x1fa: {  	[hbm4b:s8+s4] =	stream.indirect_vreg.scatter [tilespmem:s26], [sflag:$0x2], $0x80, v3, vm0, $0xb8;
	[tilespmem:$0x10D00] =	vst v63  }
0x1fb: {  	v3 =	vld [tilespmem:$0xA0];
	_ =	sdelay $0x4  }
0x1fc: {  	v18 =	vshll.u32 v3, $0x3  }
0x1fd: {  	v3 =	vand.u32 $0x7, v3;
	v4 =	vand.u32 $0xFFFFFFC0, v18  }
0x1fe: {  	v3 =	vor.u32 v3, v4  }
0x1ff: {  	v4 =	vperm.xlane v3, v0;
	_ =	sdelay $0x1  }
0x200: {  	v4 =	vadd.s32 v1, v4;
	_ =	sdelay $0x3  }
0x201: {  	s3 =	simm.s32 $0x8D00  }
0x202: {  	[hbm4b:s2+s4] =	stream.indirect_vreg.scatter [tilespmem:s3], [sflag:$0x2], $0x80, v4, vm0, $0xb8;
	[tilespmem:$0x10D00] =	vst v63  }
0x203: {  	s11 =	simm.s32 $0x9500;
	v3 =	vperm.xlane v3, v2  }
0x204: {  	[hbm4b:s6+s4] =	stream.indirect_vreg.scatter [tilespmem:s11], [sflag:$0x2], $0x80, v4, vm0, $0xb8;
	[tilespmem:$0x10D00] =	vst v63  }
0x205: {  	s24 =	simm.s32 $0x9D00;
	v3 =	vadd.s32 v1, v3  }
0x206: {  	[hbm4b:s7+s4] =	stream.indirect_vreg.scatter [tilespmem:s24], [sflag:$0x2], $0x80, v4, vm0, $0xb8;
	[tilespmem:$0x10D00] =	vst v63  }
0x207: {  	s25 =	simm.s32 $0xA500  }
0x208: {  	[hbm4b:s8+s4] =	stream.indirect_vreg.scatter [tilespmem:s25], [sflag:$0x2], $0x80, v4, vm0, $0xb8;
	[tilespmem:$0x10D00] =	vst v63  }
0x209: {  	s26 =	simm.s32 $0xAD00  }
0x20a: {  	[hbm4b:s2+s4] =	stream.indirect_vreg.scatter [tilespmem:s26], [sflag:$0x2], $0x80, v3, vm0, $0xb8;
	[tilespmem:$0x10D00] =	vst v63  }
0x20b: {  	s14 =	simm.s32 $0xB500  }
0x20c: {  	[hbm4b:s6+s4] =	stream.indirect_vreg.scatter [tilespmem:s14], [sflag:$0x2], $0x80, v3, vm0, $0xb8;
	[tilespmem:$0x10D00] =	vst v63  }
0x20d: {  	s16 =	simm.s32 $0xBD00  }
0x20e: {  	[hbm4b:s7+s4] =	stream.indirect_vreg.scatter [tilespmem:s16], [sflag:$0x2], $0x80, v3, vm0, $0xb8;
	[tilespmem:$0x10D00] =	vst v63  }
0x20f: {  	s31 =	simm.s32 $0xC500  }
0x210: {  	[hbm4b:s8+s4] =	stream.indirect_vreg.scatter [tilespmem:s31], [sflag:$0x2], $0x80, v3, vm0, $0xb8;
	[tilespmem:$0x10D00] =	vst v63  }
0x211: {  	v3 =	vld [tilespmem:$0xB0];
	_ =	sdelay $0x4  }
0x212: {  	v19 =	vshll.u32 v3, $0x3  }
0x213: {  	v3 =	vand.u32 $0x7, v3;
	v4 =	vand.u32 $0xFFFFFFC0, v19  }
0x214: {  	v3 =	vor.u32 v3, v4  }
0x215: {  	v4 =	vperm.xlane v3, v0;
	_ =	sdelay $0x1  }
0x216: {  	v4 =	vadd.s32 v1, v4;
	_ =	sdelay $0x3  }
0x217: {  	s18 =	simm.s32 $0xCD00  }
0x218: {  	[hbm4b:s2+s4] =	stream.indirect_vreg.scatter [tilespmem:s18], [sflag:$0x2], $0x80, v4, vm0, $0xb8;
	[tilespmem:$0x10D00] =	vst v63  }
0x219: {  	s0 =	simm.s32 $0xD500;
	v3 =	vperm.xlane v3, v2  }
0x21a: {  	[hbm4b:s6+s4] =	stream.indirect_vreg.scatter [tilespmem:s0], [sflag:$0x2], $0x80, v4, vm0, $0xb8;
	[tilespmem:$0x10D00] =	vst v63  }
0x21b: {  	s5 =	simm.s32 $0xDD00;
	v3 =	vadd.s32 v1, v3  }
0x21c: {  	[hbm4b:s7+s4] =	stream.indirect_vreg.scatter [tilespmem:s5], [sflag:$0x2], $0x80, v4, vm0, $0xb8;
	[tilespmem:$0x10D00] =	vst v63  }
0x21d: {  	s9 =	simm.s32 $0xE500  }
0x21e: {  	[hbm4b:s8+s4] =	stream.indirect_vreg.scatter [tilespmem:s9], [sflag:$0x2], $0x80, v4, vm0, $0xb8;
	[tilespmem:$0x10D00] =	vst v63  }
0x21f: {  	s10 =	simm.s32 $0xED00  }
0x220: {  	[hbm4b:s2+s4] =	stream.indirect_vreg.scatter [tilespmem:s10], [sflag:$0x2], $0x80, v3, vm0, $0xb8;
	[tilespmem:$0x10D00] =	vst v63  }
0x221: {  	s12 =	simm.s32 $0xF500  }
0x222: {  	[hbm4b:s6+s4] =	stream.indirect_vreg.scatter [tilespmem:s12], [sflag:$0x2], $0x80, v3, vm0, $0xb8;
	[tilespmem:$0x10D00] =	vst v63  }
0x223: {  	s13 =	simm.s32 $0xFD00  }
0x224: {  	[hbm4b:s7+s4] =	stream.indirect_vreg.scatter [tilespmem:s13], [sflag:$0x2], $0x80, v3, vm0, $0xb8;
	[tilespmem:$0x10D00] =	vst v63  }
0x225: {  	s0 =	simm.s32 $0x10500  }
0x226: {  	[hbm4b:s8+s4] =	stream.indirect_vreg.scatter [tilespmem:s0], [sflag:$0x2], $0x80, v3, vm0, $0xb8;
	[tilespmem:$0x10D00] =	vst v63  }
0x227: {  	v3 =	vld [tilespmem:$0x280];
	_ =	sdelay $0x4  }
0x228: {  	v20 =	vshll.u32 v3, $0x3  }
0x229: {  	v3 =	vand.u32 $0x7, v3;
	v4 =	vand.u32 $0xFFFFFFC0, v20  }
0x22a: {  	v3 =	vor.u32 v3, v4  }
0x22b: {  	v4 =	vperm.xlane v3, v0;
	_ =	sdelay $0x1  }
0x22c: {  	v4 =	vadd.s32 v1, v4;
	_ =	sdelay $0x3  }
0x22d: {  	s0 =	simm.s32 $0xD00  }
0x22e: {  	[hbm4b:s2+s4] =	stream.indirect_vreg.scatter [tilespmem:s0], [sflag:$0x2], $0x80, v4, vm0, $0xb8;
	[tilespmem:$0x10D00] =	vst v63  }
0x22f: {  	v3 =	vperm.xlane v3, v2;
	s0 =	simm.s32 $0x1500  }
0x230: {  	[hbm4b:s6+s4] =	stream.indirect_vreg.scatter [tilespmem:s0], [sflag:$0x2], $0x80, v4, vm0, $0xb8;
	[tilespmem:$0x10D00] =	vst v63  }
0x231: {  	v3 =	vadd.s32 v1, v3;
	s0 =	simm.s32 $0x1D00  }
0x232: {  	[hbm4b:s7+s4] =	stream.indirect_vreg.scatter [tilespmem:s0], [sflag:$0x2], $0x80, v4, vm0, $0xb8;
	[tilespmem:$0x10D00] =	vst v63  }
0x233: {  	_ = 	snop  }
0x234: {  	[hbm4b:s8+s4] =	stream.indirect_vreg.scatter [tilespmem:s17], [sflag:$0x2], $0x80, v4, vm0, $0xb8;
	[tilespmem:$0x10D00] =	vst v63  }
0x235: {  	_ = 	snop  }
0x236: {  	[hbm4b:s2+s4] =	stream.indirect_vreg.scatter [tilespmem:s19], [sflag:$0x2], $0x80, v3, vm0, $0xb8;
	[tilespmem:$0x10D00] =	vst v63  }
0x237: {  	_ = 	snop  }
0x238: {  	[hbm4b:s6+s4] =	stream.indirect_vreg.scatter [tilespmem:s20], [sflag:$0x2], $0x80, v3, vm0, $0xb8;
	[tilespmem:$0x10D00] =	vst v63  }
0x239: {  	_ = 	snop  }
0x23a: {  	[hbm4b:s7+s4] =	stream.indirect_vreg.scatter [tilespmem:s30], [sflag:$0x2], $0x80, v3, vm0, $0xb8;
	[tilespmem:$0x10D00] =	vst v63  }
0x23b: {  	s20 =	simm.s32 $0x4500  }
0x23c: {  	[hbm4b:s8+s4] =	stream.indirect_vreg.scatter [tilespmem:s20], [sflag:$0x2], $0x80, v3, vm0, $0xb8;
	[tilespmem:$0x10D00] =	vst v63  }
0x23d: {  	v3 =	vld [tilespmem:$0x290];
	_ =	sdelay $0x4  }
0x23e: {  	v21 =	vshll.u32 v3, $0x3  }
0x23f: {  	v3 =	vand.u32 $0x7, v3;
	v4 =	vand.u32 $0xFFFFFFC0, v21  }
0x240: {  	v3 =	vor.u32 v3, v4  }
0x241: {  	v4 =	vperm.xlane v3, v0;
	_ =	sdelay $0x1  }
0x242: {  	v4 =	vadd.s32 v1, v4;
	_ =	sdelay $0x4  }
0x243: {  	[hbm4b:s2+s4] =	stream.indirect_vreg.scatter [tilespmem:s29], [sflag:$0x2], $0x80, v4, vm0, $0xb8;
	[tilespmem:$0x10D00] =	vst v63  }
0x244: {  	v3 =	vperm.xlane v3, v2;
	s29 =	simm.s32 $0x5500  }
0x245: {  	[hbm4b:s6+s4] =	stream.indirect_vreg.scatter [tilespmem:s29], [sflag:$0x2], $0x80, v4, vm0, $0xb8;
	[tilespmem:$0x10D00] =	vst v63  }
0x246: {  	v3 =	vadd.s32 v1, v3  }
0x247: {  	[hbm4b:s7+s4] =	stream.indirect_vreg.scatter [tilespmem:s1], [sflag:$0x2], $0x80, v4, vm0, $0xb8;
	[tilespmem:$0x10D00] =	vst v63  }
0x248: {  	_ = 	snop  }
0x249: {  	[hbm4b:s8+s4] =	stream.indirect_vreg.scatter [tilespmem:s21], [sflag:$0x2], $0x80, v4, vm0, $0xb8;
	[tilespmem:$0x10D00] =	vst v63  }
0x24a: {  	_ = 	snop  }
0x24b: {  	[hbm4b:s2+s4] =	stream.indirect_vreg.scatter [tilespmem:s22], [sflag:$0x2], $0x80, v3, vm0, $0xb8;
	[tilespmem:$0x10D00] =	vst v63  }
0x24c: {  	_ = 	snop  }
0x24d: {  	[hbm4b:s6+s4] =	stream.indirect_vreg.scatter [tilespmem:s15], [sflag:$0x2], $0x80, v3, vm0, $0xb8;
	[tilespmem:$0x10D00] =	vst v63  }
0x24e: {  	_ = 	snop  }
0x24f: {  	[hbm4b:s7+s4] =	stream.indirect_vreg.scatter [tilespmem:s23], [sflag:$0x2], $0x80, v3, vm0, $0xb8;
	[tilespmem:$0x10D00] =	vst v63  }
0x250: {  	s1 =	simm.s32 $0x8500  }
0x251: {  	[hbm4b:s8+s4] =	stream.indirect_vreg.scatter [tilespmem:s1], [sflag:$0x2], $0x80, v3, vm0, $0xb8;
	[tilespmem:$0x10D00] =	vst v63  }
0x252: {  	v3 =	vld [tilespmem:$0x2A0];
	_ =	sdelay $0x4  }
0x253: {  	v22 =	vshll.u32 v3, $0x3  }
0x254: {  	v3 =	vand.u32 $0x7, v3;
	v4 =	vand.u32 $0xFFFFFFC0, v22  }
0x255: {  	v3 =	vor.u32 v3, v4  }
0x256: {  	v4 =	vperm.xlane v3, v0;
	_ =	sdelay $0x1  }
0x257: {  	v4 =	vadd.s32 v1, v4;
	_ =	sdelay $0x4  }
0x258: {  	[hbm4b:s2+s4] =	stream.indirect_vreg.scatter [tilespmem:s3], [sflag:$0x2], $0x80, v4, vm0, $0xb8;
	[tilespmem:$0x10D00] =	vst v63  }
0x259: {  	v3 =	vperm.xlane v3, v2  }
0x25a: {  	[hbm4b:s6+s4] =	stream.indirect_vreg.scatter [tilespmem:s11], [sflag:$0x2], $0x80, v4, vm0, $0xb8;
	[tilespmem:$0x10D00] =	vst v63  }
0x25b: {  	v3 =	vadd.s32 v1, v3  }
0x25c: {  	[hbm4b:s7+s4] =	stream.indirect_vreg.scatter [tilespmem:s24], [sflag:$0x2], $0x80, v4, vm0, $0xb8;
	[tilespmem:$0x10D00] =	vst v63  }
0x25d: {  	_ = 	snop  }
0x25e: {  	[hbm4b:s8+s4] =	stream.indirect_vreg.scatter [tilespmem:s25], [sflag:$0x2], $0x80, v4, vm0, $0xb8;
	[tilespmem:$0x10D00] =	vst v63  }
0x25f: {  	_ = 	snop  }
0x260: {  	[hbm4b:s2+s4] =	stream.indirect_vreg.scatter [tilespmem:s26], [sflag:$0x2], $0x80, v3, vm0, $0xb8;
	[tilespmem:$0x10D00] =	vst v63  }
0x261: {  	_ = 	snop  }
0x262: {  	[hbm4b:s6+s4] =	stream.indirect_vreg.scatter [tilespmem:s14], [sflag:$0x2], $0x80, v3, vm0, $0xb8;
	[tilespmem:$0x10D00] =	vst v63  }
0x263: {  	_ = 	snop  }
0x264: {  	[hbm4b:s7+s4] =	stream.indirect_vreg.scatter [tilespmem:s16], [sflag:$0x2], $0x80, v3, vm0, $0xb8;
	[tilespmem:$0x10D00] =	vst v63  }
0x265: {  	_ = 	snop  }
0x266: {  	[hbm4b:s8+s4] =	stream.indirect_vreg.scatter [tilespmem:s31], [sflag:$0x2], $0x80, v3, vm0, $0xb8;
	[tilespmem:$0x10D00] =	vst v63  }
0x267: {  	v3 =	vld [tilespmem:$0x2B0];
	_ =	sdelay $0x4  }
0x268: {  	v23 =	vshll.u32 v3, $0x3  }
0x269: {  	v3 =	vand.u32 $0x7, v3;
	v4 =	vand.u32 $0xFFFFFFC0, v23  }
0x26a: {  	v3 =	vor.u32 v3, v4  }
0x26b: {  	v4 =	vperm.xlane v3, v0;
	_ =	sdelay $0x1  }
0x26c: {  	v4 =	vadd.s32 v1, v4;
	_ =	sdelay $0x4  }
0x26d: {  	[hbm4b:s2+s4] =	stream.indirect_vreg.scatter [tilespmem:s18], [sflag:$0x2], $0x80, v4, vm0, $0xb8;
	[tilespmem:$0x10D00] =	vst v63  }
0x26e: {  	s3 =	simm.s32 $0xD500;
	v3 =	vperm.xlane v3, v2  }
0x26f: {  	[hbm4b:s6+s4] =	stream.indirect_vreg.scatter [tilespmem:s3], [sflag:$0x2], $0x80, v4, vm0, $0xb8;
	[tilespmem:$0x10D00] =	vst v63  }
0x270: {  	v3 =	vadd.s32 v1, v3  }
0x271: {  	[hbm4b:s7+s4] =	stream.indirect_vreg.scatter [tilespmem:s5], [sflag:$0x2], $0x80, v4, vm0, $0xb8;
	[tilespmem:$0x10D00] =	vst v63  }
0x272: {  	_ = 	snop  }
0x273: {  	[hbm4b:s8+s4] =	stream.indirect_vreg.scatter [tilespmem:s9], [sflag:$0x2], $0x80, v4, vm0, $0xb8;
	[tilespmem:$0x10D00] =	vst v63  }
0x274: {  	_ = 	snop  }
0x275: {  	[hbm4b:s2+s4] =	stream.indirect_vreg.scatter [tilespmem:s10], [sflag:$0x2], $0x80, v3, vm0, $0xb8;
	[tilespmem:$0x10D00] =	vst v63  }
0x276: {  	_ = 	snop  }
0x277: {  	[hbm4b:s6+s4] =	stream.indirect_vreg.scatter [tilespmem:s12], [sflag:$0x2], $0x80, v3, vm0, $0xb8;
	[tilespmem:$0x10D00] =	vst v63  }
0x278: {  	_ = 	snop  }
0x279: {  	[hbm4b:s7+s4] =	stream.indirect_vreg.scatter [tilespmem:s13], [sflag:$0x2], $0x80, v3, vm0, $0xb8;
	[tilespmem:$0x10D00] =	vst v63  }
0x27a: {  	s9 =	simm.s32 $0x10500  }
0x27b: {  	[hbm4b:s8+s4] =	stream.indirect_vreg.scatter [tilespmem:s9], [sflag:$0x2], $0x80, v3, vm0, $0xb8;
	[tilespmem:$0x10D00] =	vst v63  }
0x27c: {  	v3 =	vld [tilespmem:$0x480];
	_ =	sdelay $0x4  }
0x27d: {  	v24 =	vshll.u32 v3, $0x3  }
0x27e: {  	v3 =	vand.u32 $0x7, v3;
	v4 =	vand.u32 $0xFFFFFFC0, v24  }
0x27f: {  	v3 =	vor.u32 v3, v4  }
0x280: {  	v4 =	vperm.xlane v3, v0;
	_ =	sdelay $0x1  }
0x281: {  	v4 =	vadd.s32 v1, v4;
	_ =	sdelay $0x3  }
0x282: {  	s10 =	simm.s32 $0xD00  }
0x283: {  	[hbm4b:s2+s4] =	stream.indirect_vreg.scatter [tilespmem:s10], [sflag:$0x2], $0x80, v4, vm0, $0xb8;
	[tilespmem:$0x10D00] =	vst v63  }
0x284: {  	s11 =	simm.s32 $0x1500;
	v3 =	vperm.xlane v3, v2  }
0x285: {  	[hbm4b:s6+s4] =	stream.indirect_vreg.scatter [tilespmem:s11], [sflag:$0x2], $0x80, v4, vm0, $0xb8;
	[tilespmem:$0x10D00] =	vst v63  }
0x286: {  	s12 =	simm.s32 $0x1D00;
	v3 =	vadd.s32 v1, v3  }
0x287: {  	[hbm4b:s7+s4] =	stream.indirect_vreg.scatter [tilespmem:s12], [sflag:$0x2], $0x80, v4, vm0, $0xb8;
	[tilespmem:$0x10D00] =	vst v63  }
0x288: {  	s13 =	simm.s32 $0x2500  }
0x289: {  	[hbm4b:s8+s4] =	stream.indirect_vreg.scatter [tilespmem:s13], [sflag:$0x2], $0x80, v4, vm0, $0xb8;
	[tilespmem:$0x10D00] =	vst v63  }
0x28a: {  	s25 =	simm.s32 $0x2D00  }
0x28b: {  	[hbm4b:s2+s4] =	stream.indirect_vreg.scatter [tilespmem:s25], [sflag:$0x2], $0x80, v3, vm0, $0xb8;
	[tilespmem:$0x10D00] =	vst v63  }
0x28c: {  	s26 =	simm.s32 $0x3500  }
0x28d: {  	[hbm4b:s6+s4] =	stream.indirect_vreg.scatter [tilespmem:s26], [sflag:$0x2], $0x80, v3, vm0, $0xb8;
	[tilespmem:$0x10D00] =	vst v63  }
0x28e: {  	s17 =	simm.s32 $0x3D00  }
0x28f: {  	[hbm4b:s7+s4] =	stream.indirect_vreg.scatter [tilespmem:s17], [sflag:$0x2], $0x80, v3, vm0, $0xb8;
	[tilespmem:$0x10D00] =	vst v63  }
0x290: {  	s19 =	simm.s32 $0x4500  }
0x291: {  	[hbm4b:s8+s4] =	stream.indirect_vreg.scatter [tilespmem:s19], [sflag:$0x2], $0x80, v3, vm0, $0xb8;
	[tilespmem:$0x10D00] =	vst v63  }
0x292: {  	v3 =	vld [tilespmem:$0x490];
	_ =	sdelay $0x4  }
0x293: {  	v25 =	vshll.u32 v3, $0x3  }
0x294: {  	v3 =	vand.u32 $0x7, v3;
	v4 =	vand.u32 $0xFFFFFFC0, v25  }
0x295: {  	v3 =	vor.u32 v3, v4  }
0x296: {  	v4 =	vperm.xlane v3, v0;
	_ =	sdelay $0x1  }
0x297: {  	v4 =	vadd.s32 v1, v4;
	_ =	sdelay $0x3  }
0x298: {  	s31 =	simm.s32 $0x4D00  }
0x299: {  	[hbm4b:s2+s4] =	stream.indirect_vreg.scatter [tilespmem:s31], [sflag:$0x2], $0x80, v4, vm0, $0xb8;
	[tilespmem:$0x10D00] =	vst v63  }
0x29a: {  	s12 =	simm.s32 $0x5500;
	v3 =	vperm.xlane v3, v2  }
0x29b: {  	[hbm4b:s6+s4] =	stream.indirect_vreg.scatter [tilespmem:s12], [sflag:$0x2], $0x80, v4, vm0, $0xb8;
	[tilespmem:$0x10D00] =	vst v63  }
0x29c: {  	s20 =	simm.s32 $0x5D00;
	v3 =	vadd.s32 v1, v3  }
0x29d: {  	[hbm4b:s7+s4] =	stream.indirect_vreg.scatter [tilespmem:s20], [sflag:$0x2], $0x80, v4, vm0, $0xb8;
	[tilespmem:$0x10D00] =	vst v63  }
0x29e: {  	s30 =	simm.s32 $0x6500  }
0x29f: {  	[hbm4b:s8+s4] =	stream.indirect_vreg.scatter [tilespmem:s30], [sflag:$0x2], $0x80, v4, vm0, $0xb8;
	[tilespmem:$0x10D00] =	vst v63  }
0x2a0: {  	s13 =	simm.s32 $0x6D00  }
0x2a1: {  	[hbm4b:s2+s4] =	stream.indirect_vreg.scatter [tilespmem:s13], [sflag:$0x2], $0x80, v3, vm0, $0xb8;
	[tilespmem:$0x10D00] =	vst v63  }
0x2a2: {  	s21 =	simm.s32 $0x7500  }
0x2a3: {  	[hbm4b:s6+s4] =	stream.indirect_vreg.scatter [tilespmem:s21], [sflag:$0x2], $0x80, v3, vm0, $0xb8;
	[tilespmem:$0x10D00] =	vst v63  }
0x2a4: {  	s19 =	simm.s32 $0x7D00  }
0x2a5: {  	[hbm4b:s7+s4] =	stream.indirect_vreg.scatter [tilespmem:s19], [sflag:$0x2], $0x80, v3, vm0, $0xb8;
	[tilespmem:$0x10D00] =	vst v63  }
0x2a6: {  	s21 =	simm.s32 $0x8500  }
0x2a7: {  	[hbm4b:s8+s4] =	stream.indirect_vreg.scatter [tilespmem:s21], [sflag:$0x2], $0x80, v3, vm0, $0xb8;
	[tilespmem:$0x10D00] =	vst v63  }
0x2a8: {  	v3 =	vld [tilespmem:$0x4A0];
	_ =	sdelay $0x4  }
0x2a9: {  	v26 =	vshll.u32 v3, $0x3  }
0x2aa: {  	v3 =	vand.u32 $0x7, v3;
	v4 =	vand.u32 $0xFFFFFFC0, v26  }
0x2ab: {  	v3 =	vor.u32 v3, v4  }
0x2ac: {  	v4 =	vperm.xlane v3, v0;
	_ =	sdelay $0x1  }
0x2ad: {  	v4 =	vadd.s32 v1, v4;
	_ =	sdelay $0x3  }
0x2ae: {  	s25 =	simm.s32 $0x8D00  }
0x2af: {  	[hbm4b:s2+s4] =	stream.indirect_vreg.scatter [tilespmem:s25], [sflag:$0x2], $0x80, v4, vm0, $0xb8;
	[tilespmem:$0x10D00] =	vst v63  }
0x2b0: {  	s26 =	simm.s32 $0x9500;
	v3 =	vperm.xlane v3, v2  }
0x2b1: {  	[hbm4b:s6+s4] =	stream.indirect_vreg.scatter [tilespmem:s26], [sflag:$0x2], $0x80, v4, vm0, $0xb8;
	[tilespmem:$0x10D00] =	vst v63  }
0x2b2: {  	s31 =	simm.s32 $0x9D00;
	v3 =	vadd.s32 v1, v3  }
0x2b3: {  	[hbm4b:s7+s4] =	stream.indirect_vreg.scatter [tilespmem:s31], [sflag:$0x2], $0x80, v4, vm0, $0xb8;
	[tilespmem:$0x10D00] =	vst v63  }
0x2b4: {  	s19 =	simm.s32 $0xA500  }
0x2b5: {  	[hbm4b:s8+s4] =	stream.indirect_vreg.scatter [tilespmem:s19], [sflag:$0x2], $0x80, v4, vm0, $0xb8;
	[tilespmem:$0x10D00] =	vst v63  }
0x2b6: {  	s21 =	simm.s32 $0xAD00  }
0x2b7: {  	[hbm4b:s2+s4] =	stream.indirect_vreg.scatter [tilespmem:s21], [sflag:$0x2], $0x80, v3, vm0, $0xb8;
	[tilespmem:$0x10D00] =	vst v63  }
0x2b8: {  	s15 =	simm.s32 $0xB500  }
0x2b9: {  	[hbm4b:s6+s4] =	stream.indirect_vreg.scatter [tilespmem:s15], [sflag:$0x2], $0x80, v3, vm0, $0xb8;
	[tilespmem:$0x10D00] =	vst v63  }
0x2ba: {  	s22 =	simm.s32 $0xBD00  }
0x2bb: {  	[hbm4b:s7+s4] =	stream.indirect_vreg.scatter [tilespmem:s22], [sflag:$0x2], $0x80, v3, vm0, $0xb8;
	[tilespmem:$0x10D00] =	vst v63  }
0x2bc: {  	s22 =	simm.s32 $0xC500  }
0x2bd: {  	[hbm4b:s8+s4] =	stream.indirect_vreg.scatter [tilespmem:s22], [sflag:$0x2], $0x80, v3, vm0, $0xb8;
	[tilespmem:$0x10D00] =	vst v63  }
0x2be: {  	v3 =	vld [tilespmem:$0x4B0];
	_ =	sdelay $0x4  }
0x2bf: {  	v27 =	vshll.u32 v3, $0x3  }
0x2c0: {  	v3 =	vand.u32 $0x7, v3;
	v4 =	vand.u32 $0xFFFFFFC0, v27  }
0x2c1: {  	v3 =	vor.u32 v3, v4  }
0x2c2: {  	v4 =	vperm.xlane v3, v0;
	_ =	sdelay $0x1  }
0x2c3: {  	v4 =	vadd.s32 v1, v4;
	_ =	sdelay $0x3  }
0x2c4: {  	s21 =	simm.s32 $0xCD00  }
0x2c5: {  	[hbm4b:s2+s4] =	stream.indirect_vreg.scatter [tilespmem:s21], [sflag:$0x2], $0x80, v4, vm0, $0xb8;
	[tilespmem:$0x10D00] =	vst v63  }
0x2c6: {  	s1 =	simm.s32 $0xD500;
	v3 =	vperm.xlane v3, v2  }
0x2c7: {  	[hbm4b:s6+s4] =	stream.indirect_vreg.scatter [tilespmem:s1], [sflag:$0x2], $0x80, v4, vm0, $0xb8;
	[tilespmem:$0x10D00] =	vst v63  }
0x2c8: {  	s18 =	simm.s32 $0xDD00;
	v3 =	vadd.s32 v1, v3  }
0x2c9: {  	[hbm4b:s7+s4] =	stream.indirect_vreg.scatter [tilespmem:s18], [sflag:$0x2], $0x80, v4, vm0, $0xb8;
	[tilespmem:$0x10D00] =	vst v63  }
0x2ca: {  	s14 =	simm.s32 $0xE500  }
0x2cb: {  	[hbm4b:s8+s4] =	stream.indirect_vreg.scatter [tilespmem:s14], [sflag:$0x2], $0x80, v4, vm0, $0xb8;
	[tilespmem:$0x10D00] =	vst v63  }
0x2cc: {  	s16 =	simm.s32 $0xED00  }
0x2cd: {  	[hbm4b:s2+s4] =	stream.indirect_vreg.scatter [tilespmem:s16], [sflag:$0x2], $0x80, v3, vm0, $0xb8;
	[tilespmem:$0x10D00] =	vst v63  }
0x2ce: {  	s23 =	simm.s32 $0xF500  }
0x2cf: {  	[hbm4b:s6+s4] =	stream.indirect_vreg.scatter [tilespmem:s23], [sflag:$0x2], $0x80, v3, vm0, $0xb8;
	[tilespmem:$0x10D00] =	vst v63  }
0x2d0: {  	s24 =	simm.s32 $0xFD00  }
0x2d1: {  	[hbm4b:s7+s4] =	stream.indirect_vreg.scatter [tilespmem:s24], [sflag:$0x2], $0x80, v3, vm0, $0xb8;
	[tilespmem:$0x10D00] =	vst v63  }
0x2d2: {  	s24 =	simm.s32 $0x10500  }
0x2d3: {  	[hbm4b:s8+s4] =	stream.indirect_vreg.scatter [tilespmem:s24], [sflag:$0x2], $0x80, v3, vm0, $0xb8;
	[tilespmem:$0x10D00] =	vst v63  }
0x2d4: {  	v3 =	vld [tilespmem:$0x680];
	_ =	sdelay $0x4  }
0x2d5: {  	v28 =	vshll.u32 v3, $0x3  }
0x2d6: {  	v3 =	vand.u32 $0x7, v3;
	v4 =	vand.u32 $0xFFFFFFC0, v28  }
0x2d7: {  	v3 =	vor.u32 v3, v4  }
0x2d8: {  	v4 =	vperm.xlane v3, v0;
	_ =	sdelay $0x1  }
0x2d9: {  	v4 =	vadd.s32 v1, v4;
	_ =	sdelay $0x3  }
0x2da: {  	s24 =	simm.s32 $0xD00  }
0x2db: {  	[hbm4b:s2+s4] =	stream.indirect_vreg.scatter [tilespmem:s24], [sflag:$0x2], $0x80, v4, vm0, $0xb8;
	[tilespmem:$0x10D00] =	vst v63  }
0x2dc: {  	s29 =	simm.s32 $0x1500;
	v3 =	vperm.xlane v3, v2  }
0x2dd: {  	[hbm4b:s6+s4] =	stream.indirect_vreg.scatter [tilespmem:s29], [sflag:$0x2], $0x80, v4, vm0, $0xb8;
	[tilespmem:$0x10D00] =	vst v63  }
0x2de: {  	v3 =	vadd.s32 v1, v3;
	s24 =	simm.s32 $0x1D00  }
0x2df: {  	[hbm4b:s7+s4] =	stream.indirect_vreg.scatter [tilespmem:s24], [sflag:$0x2], $0x80, v4, vm0, $0xb8;
	[tilespmem:$0x10D00] =	vst v63  }
0x2e0: {  	s5 =	simm.s32 $0x2500  }
0x2e1: {  	[hbm4b:s8+s4] =	stream.indirect_vreg.scatter [tilespmem:s5], [sflag:$0x2], $0x80, v4, vm0, $0xb8;
	[tilespmem:$0x10D00] =	vst v63  }
0x2e2: {  	s9 =	simm.s32 $0x2D00  }
0x2e3: {  	[hbm4b:s2+s4] =	stream.indirect_vreg.scatter [tilespmem:s9], [sflag:$0x2], $0x80, v3, vm0, $0xb8;
	[tilespmem:$0x10D00] =	vst v63  }
0x2e4: {  	s10 =	simm.s32 $0x3500  }
0x2e5: {  	[hbm4b:s6+s4] =	stream.indirect_vreg.scatter [tilespmem:s10], [sflag:$0x2], $0x80, v3, vm0, $0xb8;
	[tilespmem:$0x10D00] =	vst v63  }
0x2e6: {  	s3 =	simm.s32 $0x3D00  }
0x2e7: {  	[hbm4b:s7+s4] =	stream.indirect_vreg.scatter [tilespmem:s3], [sflag:$0x2], $0x80, v3, vm0, $0xb8;
	[tilespmem:$0x10D00] =	vst v63  }
0x2e8: {  	s11 =	simm.s32 $0x4500  }
0x2e9: {  	[hbm4b:s8+s4] =	stream.indirect_vreg.scatter [tilespmem:s11], [sflag:$0x2], $0x80, v3, vm0, $0xb8;
	[tilespmem:$0x10D00] =	vst v63  }
0x2ea: {  	v3 =	vld [tilespmem:$0x690];
	_ =	sdelay $0x4  }
0x2eb: {  	v29 =	vshll.u32 v3, $0x3  }
0x2ec: {  	v3 =	vand.u32 $0x7, v3;
	v4 =	vand.u32 $0xFFFFFFC0, v29  }
0x2ed: {  	v3 =	vor.u32 v3, v4  }
0x2ee: {  	v4 =	vperm.xlane v3, v0;
	_ =	sdelay $0x1  }
0x2ef: {  	v4 =	vadd.s32 v1, v4;
	_ =	sdelay $0x3  }
0x2f0: {  	s9 =	simm.s32 $0x4D00  }
0x2f1: {  	[hbm4b:s2+s4] =	stream.indirect_vreg.scatter [tilespmem:s9], [sflag:$0x2], $0x80, v4, vm0, $0xb8;
	[tilespmem:$0x10D00] =	vst v63  }
0x2f2: {  	s10 =	simm.s32 $0x5500;
	v3 =	vperm.xlane v3, v2  }
0x2f3: {  	[hbm4b:s6+s4] =	stream.indirect_vreg.scatter [tilespmem:s10], [sflag:$0x2], $0x80, v4, vm0, $0xb8;
	[tilespmem:$0x10D00] =	vst v63  }
0x2f4: {  	s17 =	simm.s32 $0x5D00;
	v3 =	vadd.s32 v1, v3  }
0x2f5: {  	[hbm4b:s7+s4] =	stream.indirect_vreg.scatter [tilespmem:s17], [sflag:$0x2], $0x80, v4, vm0, $0xb8;
	[tilespmem:$0x10D00] =	vst v63  }
0x2f6: {  	s12 =	simm.s32 $0x6500  }
0x2f7: {  	[hbm4b:s8+s4] =	stream.indirect_vreg.scatter [tilespmem:s12], [sflag:$0x2], $0x80, v4, vm0, $0xb8;
	[tilespmem:$0x10D00] =	vst v63  }
0x2f8: {  	s30 =	simm.s32 $0x6D00  }
0x2f9: {  	[hbm4b:s2+s4] =	stream.indirect_vreg.scatter [tilespmem:s30], [sflag:$0x2], $0x80, v3, vm0, $0xb8;
	[tilespmem:$0x10D00] =	vst v63  }
0x2fa: {  	s20 =	simm.s32 $0x7500  }
0x2fb: {  	[hbm4b:s6+s4] =	stream.indirect_vreg.scatter [tilespmem:s20], [sflag:$0x2], $0x80, v3, vm0, $0xb8;
	[tilespmem:$0x10D00] =	vst v63  }
0x2fc: {  	s13 =	simm.s32 $0x7D00  }
0x2fd: {  	[hbm4b:s7+s4] =	stream.indirect_vreg.scatter [tilespmem:s13], [sflag:$0x2], $0x80, v3, vm0, $0xb8;
	[tilespmem:$0x10D00] =	vst v63  }
0x2fe: {  	s17 =	simm.s32 $0x8500  }
0x2ff: {  	[hbm4b:s8+s4] =	stream.indirect_vreg.scatter [tilespmem:s17], [sflag:$0x2], $0x80, v3, vm0, $0xb8;
	[tilespmem:$0x10D00] =	vst v63  }
0x300: {  	v3 =	vld [tilespmem:$0x6A0];
	_ =	sdelay $0x4  }
0x301: {  	v30 =	vshll.u32 v3, $0x3  }
0x302: {  	v3 =	vand.u32 $0x7, v3;
	v4 =	vand.u32 $0xFFFFFFC0, v30  }
0x303: {  	v3 =	vor.u32 v3, v4  }
0x304: {  	v4 =	vperm.xlane v3, v0;
	_ =	sdelay $0x1  }
0x305: {  	v4 =	vadd.s32 v1, v4;
	_ =	sdelay $0x3  }
0x306: {  	s20 =	simm.s32 $0x8D00  }
0x307: {  	[hbm4b:s2+s4] =	stream.indirect_vreg.scatter [tilespmem:s20], [sflag:$0x2], $0x80, v4, vm0, $0xb8;
	[tilespmem:$0x10D00] =	vst v63  }
0x308: {  	s24 =	simm.s32 $0x9500;
	v3 =	vperm.xlane v3, v2  }
0x309: {  	[hbm4b:s6+s4] =	stream.indirect_vreg.scatter [tilespmem:s24], [sflag:$0x2], $0x80, v4, vm0, $0xb8;
	[tilespmem:$0x10D00] =	vst v63  }
0x30a: {  	s25 =	simm.s32 $0x9D00;
	v3 =	vadd.s32 v1, v3  }
0x30b: {  	[hbm4b:s7+s4] =	stream.indirect_vreg.scatter [tilespmem:s25], [sflag:$0x2], $0x80, v4, vm0, $0xb8;
	[tilespmem:$0x10D00] =	vst v63  }
0x30c: {  	s26 =	simm.s32 $0xA500  }
0x30d: {  	[hbm4b:s8+s4] =	stream.indirect_vreg.scatter [tilespmem:s26], [sflag:$0x2], $0x80, v4, vm0, $0xb8;
	[tilespmem:$0x10D00] =	vst v63  }
0x30e: {  	s31 =	simm.s32 $0xAD00  }
0x30f: {  	[hbm4b:s2+s4] =	stream.indirect_vreg.scatter [tilespmem:s31], [sflag:$0x2], $0x80, v3, vm0, $0xb8;
	[tilespmem:$0x10D00] =	vst v63  }
0x310: {  	s19 =	simm.s32 $0xB500  }
0x311: {  	[hbm4b:s6+s4] =	stream.indirect_vreg.scatter [tilespmem:s19], [sflag:$0x2], $0x80, v3, vm0, $0xb8;
	[tilespmem:$0x10D00] =	vst v63  }
0x312: {  	s15 =	simm.s32 $0xBD00  }
0x313: {  	[hbm4b:s7+s4] =	stream.indirect_vreg.scatter [tilespmem:s15], [sflag:$0x2], $0x80, v3, vm0, $0xb8;
	[tilespmem:$0x10D00] =	vst v63  }
0x314: {  	s22 =	simm.s32 $0xC500  }
0x315: {  	[hbm4b:s8+s4] =	stream.indirect_vreg.scatter [tilespmem:s22], [sflag:$0x2], $0x80, v3, vm0, $0xb8;
	[tilespmem:$0x10D00] =	vst v63  }
0x316: {  	v3 =	vld [tilespmem:$0x6B0];
	_ =	sdelay $0x4  }
0x317: {  	v31 =	vshll.u32 v3, $0x3  }
0x318: {  	v3 =	vand.u32 $0x7, v3;
	v4 =	vand.u32 $0xFFFFFFC0, v31  }
0x319: {  	v3 =	vor.u32 v3, v4  }
0x31a: {  	v4 =	vperm.xlane v3, v0;
	_ =	sdelay $0x1  }
0x31b: {  	v4 =	vadd.s32 v1, v4;
	_ =	sdelay $0x3  }
0x31c: {  	s31 =	simm.s32 $0xCD00  }
0x31d: {  	[hbm4b:s2+s4] =	stream.indirect_vreg.scatter [tilespmem:s31], [sflag:$0x2], $0x80, v4, vm0, $0xb8;
	[tilespmem:$0x10D00] =	vst v63  }
0x31e: {  	s0 =	simm.s32 $0xD500;
	v3 =	vperm.xlane v3, v2  }
0x31f: {  	[hbm4b:s6+s4] =	stream.indirect_vreg.scatter [tilespmem:s0], [sflag:$0x2], $0x80, v4, vm0, $0xb8;
	[tilespmem:$0x10D00] =	vst v63  }
0x320: {  	s21 =	simm.s32 $0xDD00;
	v3 =	vadd.s32 v1, v3  }
0x321: {  	[hbm4b:s7+s4] =	stream.indirect_vreg.scatter [tilespmem:s21], [sflag:$0x2], $0x80, v4, vm0, $0xb8;
	[tilespmem:$0x10D00] =	vst v63  }
0x322: {  	s1 =	simm.s32 $0xE500  }
0x323: {  	[hbm4b:s8+s4] =	stream.indirect_vreg.scatter [tilespmem:s1], [sflag:$0x2], $0x80, v4, vm0, $0xb8;
	[tilespmem:$0x10D00] =	vst v63  }
0x324: {  	s14 =	simm.s32 $0xED00  }
0x325: {  	[hbm4b:s2+s4] =	stream.indirect_vreg.scatter [tilespmem:s14], [sflag:$0x2], $0x80, v3, vm0, $0xb8;
	[tilespmem:$0x10D00] =	vst v63  }
0x326: {  	s16 =	simm.s32 $0xF500  }
0x327: {  	[hbm4b:s6+s4] =	stream.indirect_vreg.scatter [tilespmem:s16], [sflag:$0x2], $0x80, v3, vm0, $0xb8;
	[tilespmem:$0x10D00] =	vst v63  }
0x328: {  	s18 =	simm.s32 $0xFD00  }
0x329: {  	[hbm4b:s7+s4] =	stream.indirect_vreg.scatter [tilespmem:s18], [sflag:$0x2], $0x80, v3, vm0, $0xb8;
	[tilespmem:$0x10D00] =	vst v63  }
0x32a: {  	s23 =	simm.s32 $0x10500  }
0x32b: {  	[hbm4b:s8+s4] =	stream.indirect_vreg.scatter [tilespmem:s23], [sflag:$0x2], $0x80, v3, vm0, $0xb8;
	[tilespmem:$0x10D00] =	vst v63  }
0x32c: {  	_ =	swait.ge [sflag:s28], $0x10000  }
0x32d: {  	[sflag:s28] =	ssyncset.done $0x0  }
0x32e: {  	[sflag:s28] =	ssyncadd.s32 $0xFFFF0000  }
0x32f: {  	_ =	swait.ge [sflag:s28], $0x10000  }
0x330: {  	[sflag:s28] =	ssyncset.done $0x0  }
0x331: {  	[sflag:s28] =	ssyncadd.s32 $0xFFFF0000  }
0x332: {  	_ =	swait.ge [sflag:s28], $0x10000  }
0x333: {  	[sflag:s28] =	ssyncset.done $0x0  }
0x334: {  	[sflag:s28] =	ssyncadd.s32 $0xFFFF0000  }
0x335: {  	_ =	swait.ge [sflag:s28], $0x10000  }
0x336: {  	s10 =	simm.s32 $0xD00;
	[sflag:s28] =	ssyncset.done $0x0  }
0x337: {  	s12 =	simm.s32 $0x1;
	s30 =	rddreg [dreg:$0xf];
	[sflag:s28] =	ssyncadd.s32 $0xFFFF0000  }
0x338: {  	[tilespmem:s10], [sflag:$0x1] =	stream.linear.gather [hbm4b:s30+s4], $0x10000, $0x38;
	[tilespmem:$0x10D00] =	vst v63  }
0x339: {  	_ =	swait.ge [sflag:s12], $0x10000  }
0x33a: {  	[sflag:s12] =	ssyncset.done $0x0  }
0x33b: {  	[sflag:s12] =	ssyncadd.s32 $0xFFFF0000  }
0x33c: {  	v3 =	vld [tilespmem:$0x100];
	_ =	sdelay $0x4  }
0x33d: {  	v32 =	vshll.u32 v3, $0x3  }
0x33e: {  	v3 =	vand.u32 $0x7, v3;
	v4 =	vand.u32 $0xFFFFFFC0, v32  }
0x33f: {  	v3 =	vor.u32 v3, v4  }
0x340: {  	v4 =	vperm.xlane v3, v0;
	_ =	sdelay $0x1  }
0x341: {  	v4 =	vadd.s32 v1, v4;
	_ =	sdelay $0x4  }
0x342: {  	[hbm4b:s2+s4] =	stream.indirect_vreg.scatter [tilespmem:s10], [sflag:$0x2], $0x80, v4, vm0, $0xb8;
	[tilespmem:$0x10D00] =	vst v63  }
0x343: {  	s29 =	simm.s32 $0x1500;
	v3 =	vperm.xlane v3, v2  }
0x344: {  	[hbm4b:s6+s4] =	stream.indirect_vreg.scatter [tilespmem:s29], [sflag:$0x2], $0x80, v4, vm0, $0xb8;
	[tilespmem:$0x10D00] =	vst v63  }
0x345: {  	s16 =	simm.s32 $0x1D00;
	v3 =	vadd.s32 v1, v3  }
0x346: {  	[hbm4b:s7+s4] =	stream.indirect_vreg.scatter [tilespmem:s16], [sflag:$0x2], $0x80, v4, vm0, $0xb8;
	[tilespmem:$0x10D00] =	vst v63  }
0x347: {  	s17 =	simm.s32 $0x2500  }
0x348: {  	[hbm4b:s8+s4] =	stream.indirect_vreg.scatter [tilespmem:s17], [sflag:$0x2], $0x80, v4, vm0, $0xb8;
	[tilespmem:$0x10D00] =	vst v63  }
0x349: {  	s18 =	simm.s32 $0x2D00  }
0x34a: {  	[hbm4b:s2+s4] =	stream.indirect_vreg.scatter [tilespmem:s18], [sflag:$0x2], $0x80, v3, vm0, $0xb8;
	[tilespmem:$0x10D00] =	vst v63  }
0x34b: {  	s19 =	simm.s32 $0x3500  }
0x34c: {  	[hbm4b:s6+s4] =	stream.indirect_vreg.scatter [tilespmem:s19], [sflag:$0x2], $0x80, v3, vm0, $0xb8;
	[tilespmem:$0x10D00] =	vst v63  }
0x34d: {  	s3 =	simm.s32 $0x3D00  }
0x34e: {  	[hbm4b:s7+s4] =	stream.indirect_vreg.scatter [tilespmem:s3], [sflag:$0x2], $0x80, v3, vm0, $0xb8;
	[tilespmem:$0x10D00] =	vst v63  }
0x34f: {  	s11 =	simm.s32 $0x4500  }
0x350: {  	[hbm4b:s8+s4] =	stream.indirect_vreg.scatter [tilespmem:s11], [sflag:$0x2], $0x80, v3, vm0, $0xb8;
	[tilespmem:$0x10D00] =	vst v63  }
0x351: {  	v3 =	vld [tilespmem:$0x110];
	_ =	sdelay $0x4  }
0x352: {  	v33 =	vshll.u32 v3, $0x3  }
0x353: {  	v3 =	vand.u32 $0x7, v3;
	v4 =	vand.u32 $0xFFFFFFC0, v33  }
0x354: {  	v3 =	vor.u32 v3, v4  }
0x355: {  	v4 =	vperm.xlane v3, v0;
	_ =	sdelay $0x1  }
0x356: {  	v4 =	vadd.s32 v1, v4;
	_ =	sdelay $0x3  }
0x357: {  	s11 =	simm.s32 $0x4D00  }
0x358: {  	[hbm4b:s2+s4] =	stream.indirect_vreg.scatter [tilespmem:s11], [sflag:$0x2], $0x80, v4, vm0, $0xb8;
	[tilespmem:$0x10D00] =	vst v63  }
0x359: {  	s13 =	simm.s32 $0x5500;
	v3 =	vperm.xlane v3, v2  }
0x35a: {  	[hbm4b:s6+s4] =	stream.indirect_vreg.scatter [tilespmem:s13], [sflag:$0x2], $0x80, v4, vm0, $0xb8;
	[tilespmem:$0x10D00] =	vst v63  }
0x35b: {  	s14 =	simm.s32 $0x5D00;
	v3 =	vadd.s32 v1, v3  }
0x35c: {  	[hbm4b:s7+s4] =	stream.indirect_vreg.scatter [tilespmem:s14], [sflag:$0x2], $0x80, v4, vm0, $0xb8;
	[tilespmem:$0x10D00] =	vst v63  }
0x35d: {  	s20 =	simm.s32 $0x6500  }
0x35e: {  	[hbm4b:s8+s4] =	stream.indirect_vreg.scatter [tilespmem:s20], [sflag:$0x2], $0x80, v4, vm0, $0xb8;
	[tilespmem:$0x10D00] =	vst v63  }
0x35f: {  	s21 =	simm.s32 $0x6D00  }
0x360: {  	[hbm4b:s2+s4] =	stream.indirect_vreg.scatter [tilespmem:s21], [sflag:$0x2], $0x80, v3, vm0, $0xb8;
	[tilespmem:$0x10D00] =	vst v63  }
0x361: {  	s14 =	simm.s32 $0x7500  }
0x362: {  	[hbm4b:s6+s4] =	stream.indirect_vreg.scatter [tilespmem:s14], [sflag:$0x2], $0x80, v3, vm0, $0xb8;
	[tilespmem:$0x10D00] =	vst v63  }
0x363: {  	s22 =	simm.s32 $0x7D00  }
0x364: {  	[hbm4b:s7+s4] =	stream.indirect_vreg.scatter [tilespmem:s22], [sflag:$0x2], $0x80, v3, vm0, $0xb8;
	[tilespmem:$0x10D00] =	vst v63  }
0x365: {  	s15 =	simm.s32 $0x8500  }
0x366: {  	[hbm4b:s8+s4] =	stream.indirect_vreg.scatter [tilespmem:s15], [sflag:$0x2], $0x80, v3, vm0, $0xb8;
	[tilespmem:$0x10D00] =	vst v63  }
0x367: {  	v3 =	vld [tilespmem:$0x120];
	_ =	sdelay $0x4  }
0x368: {  	v34 =	vshll.u32 v3, $0x3  }
0x369: {  	v3 =	vand.u32 $0x7, v3;
	v4 =	vand.u32 $0xFFFFFFC0, v34  }
0x36a: {  	v3 =	vor.u32 v3, v4  }
0x36b: {  	v4 =	vperm.xlane v3, v0;
	_ =	sdelay $0x1  }
0x36c: {  	v4 =	vadd.s32 v1, v4;
	_ =	sdelay $0x3  }
0x36d: {  	s31 =	simm.s32 $0x8D00  }
0x36e: {  	[hbm4b:s2+s4] =	stream.indirect_vreg.scatter [tilespmem:s31], [sflag:$0x2], $0x80, v4, vm0, $0xb8;
	[tilespmem:$0x10D00] =	vst v63  }
0x36f: {  	s29 =	simm.s32 $0x9500;
	v3 =	vperm.xlane v3, v2  }
0x370: {  	[hbm4b:s6+s4] =	stream.indirect_vreg.scatter [tilespmem:s29], [sflag:$0x2], $0x80, v4, vm0, $0xb8;
	[tilespmem:$0x10D00] =	vst v63  }
0x371: {  	s25 =	simm.s32 $0x9D00;
	v3 =	vadd.s32 v1, v3  }
0x372: {  	[hbm4b:s7+s4] =	stream.indirect_vreg.scatter [tilespmem:s25], [sflag:$0x2], $0x80, v4, vm0, $0xb8;
	[tilespmem:$0x10D00] =	vst v63  }
0x373: {  	s26 =	simm.s32 $0xA500  }
0x374: {  	[hbm4b:s8+s4] =	stream.indirect_vreg.scatter [tilespmem:s26], [sflag:$0x2], $0x80, v4, vm0, $0xb8;
	[tilespmem:$0x10D00] =	vst v63  }
0x375: {  	s30 =	simm.s32 $0xAD00  }
0x376: {  	[hbm4b:s2+s4] =	stream.indirect_vreg.scatter [tilespmem:s30], [sflag:$0x2], $0x80, v3, vm0, $0xb8;
	[tilespmem:$0x10D00] =	vst v63  }
0x377: {  	s13 =	simm.s32 $0xB500  }
0x378: {  	[hbm4b:s6+s4] =	stream.indirect_vreg.scatter [tilespmem:s13], [sflag:$0x2], $0x80, v3, vm0, $0xb8;
	[tilespmem:$0x10D00] =	vst v63  }
0x379: {  	s15 =	simm.s32 $0xBD00  }
0x37a: {  	[hbm4b:s7+s4] =	stream.indirect_vreg.scatter [tilespmem:s15], [sflag:$0x2], $0x80, v3, vm0, $0xb8;
	[tilespmem:$0x10D00] =	vst v63  }
0x37b: {  	s23 =	simm.s32 $0xC500  }
0x37c: {  	[hbm4b:s8+s4] =	stream.indirect_vreg.scatter [tilespmem:s23], [sflag:$0x2], $0x80, v3, vm0, $0xb8;
	[tilespmem:$0x10D00] =	vst v63  }
0x37d: {  	v3 =	vld [tilespmem:$0x130];
	_ =	sdelay $0x4  }
0x37e: {  	v35 =	vshll.u32 v3, $0x3  }
0x37f: {  	v3 =	vand.u32 $0x7, v3;
	v4 =	vand.u32 $0xFFFFFFC0, v35  }
0x380: {  	v3 =	vor.u32 v3, v4  }
0x381: {  	v4 =	vperm.xlane v3, v0;
	_ =	sdelay $0x1  }
0x382: {  	v4 =	vadd.s32 v1, v4;
	_ =	sdelay $0x3  }
0x383: {  	s24 =	simm.s32 $0xCD00  }
0x384: {  	[hbm4b:s2+s4] =	stream.indirect_vreg.scatter [tilespmem:s24], [sflag:$0x2], $0x80, v4, vm0, $0xb8;
	[tilespmem:$0x10D00] =	vst v63  }
0x385: {  	s9 =	simm.s32 $0xD500;
	v3 =	vperm.xlane v3, v2  }
0x386: {  	[hbm4b:s6+s4] =	stream.indirect_vreg.scatter [tilespmem:s9], [sflag:$0x2], $0x80, v4, vm0, $0xb8;
	[tilespmem:$0x10D00] =	vst v63  }
0x387: {  	s1 =	simm.s32 $0xDD00;
	v3 =	vadd.s32 v1, v3  }
0x388: {  	[hbm4b:s7+s4] =	stream.indirect_vreg.scatter [tilespmem:s1], [sflag:$0x2], $0x80, v4, vm0, $0xb8;
	[tilespmem:$0x10D00] =	vst v63  }
0x389: {  	s5 =	simm.s32 $0xE500  }
0x38a: {  	[hbm4b:s8+s4] =	stream.indirect_vreg.scatter [tilespmem:s5], [sflag:$0x2], $0x80, v4, vm0, $0xb8;
	[tilespmem:$0x10D00] =	vst v63  }
0x38b: {  	s9 =	simm.s32 $0xED00  }
0x38c: {  	[hbm4b:s2+s4] =	stream.indirect_vreg.scatter [tilespmem:s9], [sflag:$0x2], $0x80, v3, vm0, $0xb8;
	[tilespmem:$0x10D00] =	vst v63  }
0x38d: {  	s10 =	simm.s32 $0xF500  }
0x38e: {  	[hbm4b:s6+s4] =	stream.indirect_vreg.scatter [tilespmem:s10], [sflag:$0x2], $0x80, v3, vm0, $0xb8;
	[tilespmem:$0x10D00] =	vst v63  }
0x38f: {  	s12 =	simm.s32 $0xFD00  }
0x390: {  	[hbm4b:s7+s4] =	stream.indirect_vreg.scatter [tilespmem:s12], [sflag:$0x2], $0x80, v3, vm0, $0xb8;
	[tilespmem:$0x10D00] =	vst v63  }
0x391: {  	s3 =	simm.s32 $0x10500  }
0x392: {  	[hbm4b:s8+s4] =	stream.indirect_vreg.scatter [tilespmem:s3], [sflag:$0x2], $0x80, v3, vm0, $0xb8;
	[tilespmem:$0x10D00] =	vst v63  }
0x393: {  	v3 =	vld [tilespmem:$0x300];
	_ =	sdelay $0x4  }
0x394: {  	v36 =	vshll.u32 v3, $0x3  }
0x395: {  	v3 =	vand.u32 $0x7, v3;
	v4 =	vand.u32 $0xFFFFFFC0, v36  }
0x396: {  	v3 =	vor.u32 v3, v4  }
0x397: {  	v4 =	vperm.xlane v3, v0;
	_ =	sdelay $0x1  }
0x398: {  	v4 =	vadd.s32 v1, v4;
	_ =	sdelay $0x3  }
0x399: {  	s0 =	simm.s32 $0xD00  }
0x39a: {  	[hbm4b:s2+s4] =	stream.indirect_vreg.scatter [tilespmem:s0], [sflag:$0x2], $0x80, v4, vm0, $0xb8;
	[tilespmem:$0x10D00] =	vst v63  }
0x39b: {  	v3 =	vperm.xlane v3, v2;
	s0 =	simm.s32 $0x1500  }
0x39c: {  	[hbm4b:s6+s4] =	stream.indirect_vreg.scatter [tilespmem:s0], [sflag:$0x2], $0x80, v4, vm0, $0xb8;
	[tilespmem:$0x10D00] =	vst v63  }
0x39d: {  	v3 =	vadd.s32 v1, v3  }
0x39e: {  	[hbm4b:s7+s4] =	stream.indirect_vreg.scatter [tilespmem:s16], [sflag:$0x2], $0x80, v4, vm0, $0xb8;
	[tilespmem:$0x10D00] =	vst v63  }
0x39f: {  	_ = 	snop  }
0x3a0: {  	[hbm4b:s8+s4] =	stream.indirect_vreg.scatter [tilespmem:s17], [sflag:$0x2], $0x80, v4, vm0, $0xb8;
	[tilespmem:$0x10D00] =	vst v63  }
0x3a1: {  	_ = 	snop  }
0x3a2: {  	[hbm4b:s2+s4] =	stream.indirect_vreg.scatter [tilespmem:s18], [sflag:$0x2], $0x80, v3, vm0, $0xb8;
	[tilespmem:$0x10D00] =	vst v63  }
0x3a3: {  	_ = 	snop  }
0x3a4: {  	[hbm4b:s6+s4] =	stream.indirect_vreg.scatter [tilespmem:s19], [sflag:$0x2], $0x80, v3, vm0, $0xb8;
	[tilespmem:$0x10D00] =	vst v63  }
0x3a5: {  	s17 =	simm.s32 $0x3D00  }
0x3a6: {  	[hbm4b:s7+s4] =	stream.indirect_vreg.scatter [tilespmem:s17], [sflag:$0x2], $0x80, v3, vm0, $0xb8;
	[tilespmem:$0x10D00] =	vst v63  }
0x3a7: {  	s18 =	simm.s32 $0x4500  }
0x3a8: {  	[hbm4b:s8+s4] =	stream.indirect_vreg.scatter [tilespmem:s18], [sflag:$0x2], $0x80, v3, vm0, $0xb8;
	[tilespmem:$0x10D00] =	vst v63  }
0x3a9: {  	v3 =	vld [tilespmem:$0x310];
	_ =	sdelay $0x4  }
0x3aa: {  	v37 =	vshll.u32 v3, $0x3  }
0x3ab: {  	v3 =	vand.u32 $0x7, v3;
	v4 =	vand.u32 $0xFFFFFFC0, v37  }
0x3ac: {  	v3 =	vor.u32 v3, v4  }
0x3ad: {  	v4 =	vperm.xlane v3, v0;
	_ =	sdelay $0x1  }
0x3ae: {  	v4 =	vadd.s32 v1, v4;
	_ =	sdelay $0x4  }
0x3af: {  	[hbm4b:s2+s4] =	stream.indirect_vreg.scatter [tilespmem:s11], [sflag:$0x2], $0x80, v4, vm0, $0xb8;
	[tilespmem:$0x10D00] =	vst v63  }
0x3b0: {  	s17 =	simm.s32 $0x5500;
	v3 =	vperm.xlane v3, v2  }
0x3b1: {  	[hbm4b:s6+s4] =	stream.indirect_vreg.scatter [tilespmem:s17], [sflag:$0x2], $0x80, v4, vm0, $0xb8;
	[tilespmem:$0x10D00] =	vst v63  }
0x3b2: {  	s18 =	simm.s32 $0x5D00;
	v3 =	vadd.s32 v1, v3  }
0x3b3: {  	[hbm4b:s7+s4] =	stream.indirect_vreg.scatter [tilespmem:s18], [sflag:$0x2], $0x80, v4, vm0, $0xb8;
	[tilespmem:$0x10D00] =	vst v63  }
0x3b4: {  	_ = 	snop  }
0x3b5: {  	[hbm4b:s8+s4] =	stream.indirect_vreg.scatter [tilespmem:s20], [sflag:$0x2], $0x80, v4, vm0, $0xb8;
	[tilespmem:$0x10D00] =	vst v63  }
0x3b6: {  	_ = 	snop  }
0x3b7: {  	[hbm4b:s2+s4] =	stream.indirect_vreg.scatter [tilespmem:s21], [sflag:$0x2], $0x80, v3, vm0, $0xb8;
	[tilespmem:$0x10D00] =	vst v63  }
0x3b8: {  	_ = 	snop  }
0x3b9: {  	[hbm4b:s6+s4] =	stream.indirect_vreg.scatter [tilespmem:s14], [sflag:$0x2], $0x80, v3, vm0, $0xb8;
	[tilespmem:$0x10D00] =	vst v63  }
0x3ba: {  	_ = 	snop  }
0x3bb: {  	[hbm4b:s7+s4] =	stream.indirect_vreg.scatter [tilespmem:s22], [sflag:$0x2], $0x80, v3, vm0, $0xb8;
	[tilespmem:$0x10D00] =	vst v63  }
0x3bc: {  	s20 =	simm.s32 $0x8500  }
0x3bd: {  	[hbm4b:s8+s4] =	stream.indirect_vreg.scatter [tilespmem:s20], [sflag:$0x2], $0x80, v3, vm0, $0xb8;
	[tilespmem:$0x10D00] =	vst v63  }
0x3be: {  	v3 =	vld [tilespmem:$0x320];
	_ =	sdelay $0x4  }
0x3bf: {  	v38 =	vshll.u32 v3, $0x3  }
0x3c0: {  	v3 =	vand.u32 $0x7, v3;
	v4 =	vand.u32 $0xFFFFFFC0, v38  }
0x3c1: {  	v3 =	vor.u32 v3, v4  }
0x3c2: {  	v4 =	vperm.xlane v3, v0;
	_ =	sdelay $0x1  }
0x3c3: {  	v4 =	vadd.s32 v1, v4;
	_ =	sdelay $0x4  }
0x3c4: {  	[hbm4b:s2+s4] =	stream.indirect_vreg.scatter [tilespmem:s31], [sflag:$0x2], $0x80, v4, vm0, $0xb8;
	[tilespmem:$0x10D00] =	vst v63  }
0x3c5: {  	v3 =	vperm.xlane v3, v2  }
0x3c6: {  	[hbm4b:s6+s4] =	stream.indirect_vreg.scatter [tilespmem:s29], [sflag:$0x2], $0x80, v4, vm0, $0xb8;
	[tilespmem:$0x10D00] =	vst v63  }
0x3c7: {  	v3 =	vadd.s32 v1, v3  }
0x3c8: {  	[hbm4b:s7+s4] =	stream.indirect_vreg.scatter [tilespmem:s25], [sflag:$0x2], $0x80, v4, vm0, $0xb8;
	[tilespmem:$0x10D00] =	vst v63  }
0x3c9: {  	_ = 	snop  }
0x3ca: {  	[hbm4b:s8+s4] =	stream.indirect_vreg.scatter [tilespmem:s26], [sflag:$0x2], $0x80, v4, vm0, $0xb8;
	[tilespmem:$0x10D00] =	vst v63  }
0x3cb: {  	_ = 	snop  }
0x3cc: {  	[hbm4b:s2+s4] =	stream.indirect_vreg.scatter [tilespmem:s30], [sflag:$0x2], $0x80, v3, vm0, $0xb8;
	[tilespmem:$0x10D00] =	vst v63  }
0x3cd: {  	_ = 	snop  }
0x3ce: {  	[hbm4b:s6+s4] =	stream.indirect_vreg.scatter [tilespmem:s13], [sflag:$0x2], $0x80, v3, vm0, $0xb8;
	[tilespmem:$0x10D00] =	vst v63  }
0x3cf: {  	_ = 	snop  }
0x3d0: {  	[hbm4b:s7+s4] =	stream.indirect_vreg.scatter [tilespmem:s15], [sflag:$0x2], $0x80, v3, vm0, $0xb8;
	[tilespmem:$0x10D00] =	vst v63  }
0x3d1: {  	_ = 	snop  }
0x3d2: {  	[hbm4b:s8+s4] =	stream.indirect_vreg.scatter [tilespmem:s23], [sflag:$0x2], $0x80, v3, vm0, $0xb8;
	[tilespmem:$0x10D00] =	vst v63  }
0x3d3: {  	v3 =	vld [tilespmem:$0x330];
	_ =	sdelay $0x4  }
0x3d4: {  	v39 =	vshll.u32 v3, $0x3  }
0x3d5: {  	v3 =	vand.u32 $0x7, v3;
	v4 =	vand.u32 $0xFFFFFFC0, v39  }
0x3d6: {  	v3 =	vor.u32 v3, v4  }
0x3d7: {  	v4 =	vperm.xlane v3, v0;
	_ =	sdelay $0x1  }
0x3d8: {  	v4 =	vadd.s32 v1, v4;
	_ =	sdelay $0x4  }
0x3d9: {  	[hbm4b:s2+s4] =	stream.indirect_vreg.scatter [tilespmem:s24], [sflag:$0x2], $0x80, v4, vm0, $0xb8;
	[tilespmem:$0x10D00] =	vst v63  }
0x3da: {  	v3 =	vperm.xlane v3, v2;
	s24 =	simm.s32 $0xD500  }
0x3db: {  	[hbm4b:s6+s4] =	stream.indirect_vreg.scatter [tilespmem:s24], [sflag:$0x2], $0x80, v4, vm0, $0xb8;
	[tilespmem:$0x10D00] =	vst v63  }
0x3dc: {  	v3 =	vadd.s32 v1, v3  }
0x3dd: {  	[hbm4b:s7+s4] =	stream.indirect_vreg.scatter [tilespmem:s1], [sflag:$0x2], $0x80, v4, vm0, $0xb8;
	[tilespmem:$0x10D00] =	vst v63  }
0x3de: {  	_ = 	snop  }
0x3df: {  	[hbm4b:s8+s4] =	stream.indirect_vreg.scatter [tilespmem:s5], [sflag:$0x2], $0x80, v4, vm0, $0xb8;
	[tilespmem:$0x10D00] =	vst v63  }
0x3e0: {  	_ = 	snop  }
0x3e1: {  	[hbm4b:s2+s4] =	stream.indirect_vreg.scatter [tilespmem:s9], [sflag:$0x2], $0x80, v3, vm0, $0xb8;
	[tilespmem:$0x10D00] =	vst v63  }
0x3e2: {  	_ = 	snop  }
0x3e3: {  	[hbm4b:s6+s4] =	stream.indirect_vreg.scatter [tilespmem:s10], [sflag:$0x2], $0x80, v3, vm0, $0xb8;
	[tilespmem:$0x10D00] =	vst v63  }
0x3e4: {  	_ = 	snop  }
0x3e5: {  	[hbm4b:s7+s4] =	stream.indirect_vreg.scatter [tilespmem:s12], [sflag:$0x2], $0x80, v3, vm0, $0xb8;
	[tilespmem:$0x10D00] =	vst v63  }
0x3e6: {  	_ = 	snop  }
0x3e7: {  	[hbm4b:s8+s4] =	stream.indirect_vreg.scatter [tilespmem:s3], [sflag:$0x2], $0x80, v3, vm0, $0xb8;
	[tilespmem:$0x10D00] =	vst v63  }
0x3e8: {  	v3 =	vld [tilespmem:$0x500];
	_ =	sdelay $0x4  }
0x3e9: {  	v40 =	vshll.u32 v3, $0x3  }
0x3ea: {  	v3 =	vand.u32 $0x7, v3;
	v4 =	vand.u32 $0xFFFFFFC0, v40  }
0x3eb: {  	v3 =	vor.u32 v3, v4  }
0x3ec: {  	v4 =	vperm.xlane v3, v0;
	_ =	sdelay $0x1  }
0x3ed: {  	v4 =	vadd.s32 v1, v4;
	_ =	sdelay $0x3  }
0x3ee: {  	s26 =	simm.s32 $0xD00  }
0x3ef: {  	[hbm4b:s2+s4] =	stream.indirect_vreg.scatter [tilespmem:s26], [sflag:$0x2], $0x80, v4, vm0, $0xb8;
	[tilespmem:$0x10D00] =	vst v63  }
0x3f0: {  	s0 =	simm.s32 $0x1500;
	v3 =	vperm.xlane v3, v2  }
0x3f1: {  	[hbm4b:s6+s4] =	stream.indirect_vreg.scatter [tilespmem:s0], [sflag:$0x2], $0x80, v4, vm0, $0xb8;
	[tilespmem:$0x10D00] =	vst v63  }
0x3f2: {  	s16 =	simm.s32 $0x1D00;
	v3 =	vadd.s32 v1, v3  }
0x3f3: {  	[hbm4b:s7+s4] =	stream.indirect_vreg.scatter [tilespmem:s16], [sflag:$0x2], $0x80, v4, vm0, $0xb8;
	[tilespmem:$0x10D00] =	vst v63  }
0x3f4: {  	s31 =	simm.s32 $0x2500  }
0x3f5: {  	[hbm4b:s8+s4] =	stream.indirect_vreg.scatter [tilespmem:s31], [sflag:$0x2], $0x80, v4, vm0, $0xb8;
	[tilespmem:$0x10D00] =	vst v63  }
0x3f6: {  	s12 =	simm.s32 $0x2D00  }
0x3f7: {  	[hbm4b:s2+s4] =	stream.indirect_vreg.scatter [tilespmem:s12], [sflag:$0x2], $0x80, v3, vm0, $0xb8;
	[tilespmem:$0x10D00] =	vst v63  }
0x3f8: {  	s19 =	simm.s32 $0x3500  }
0x3f9: {  	[hbm4b:s6+s4] =	stream.indirect_vreg.scatter [tilespmem:s19], [sflag:$0x2], $0x80, v3, vm0, $0xb8;
	[tilespmem:$0x10D00] =	vst v63  }
0x3fa: {  	s16 =	simm.s32 $0x3D00  }
0x3fb: {  	[hbm4b:s7+s4] =	stream.indirect_vreg.scatter [tilespmem:s16], [sflag:$0x2], $0x80, v3, vm0, $0xb8;
	[tilespmem:$0x10D00] =	vst v63  }
0x3fc: {  	s24 =	simm.s32 $0x4500  }
0x3fd: {  	[hbm4b:s8+s4] =	stream.indirect_vreg.scatter [tilespmem:s24], [sflag:$0x2], $0x80, v3, vm0, $0xb8;
	[tilespmem:$0x10D00] =	vst v63  }
0x3fe: {  	v3 =	vld [tilespmem:$0x510];
	_ =	sdelay $0x4  }
0x3ff: {  	v41 =	vshll.u32 v3, $0x3  }
0x400: {  	v3 =	vand.u32 $0x7, v3;
	v4 =	vand.u32 $0xFFFFFFC0, v41  }
0x401: {  	v3 =	vor.u32 v3, v4  }
0x402: {  	v4 =	vperm.xlane v3, v0;
	_ =	sdelay $0x1  }
0x403: {  	v4 =	vadd.s32 v1, v4;
	_ =	sdelay $0x3  }
0x404: {  	s11 =	simm.s32 $0x4D00  }
0x405: {  	[hbm4b:s2+s4] =	stream.indirect_vreg.scatter [tilespmem:s11], [sflag:$0x2], $0x80, v4, vm0, $0xb8;
	[tilespmem:$0x10D00] =	vst v63  }
0x406: {  	s17 =	simm.s32 $0x5500;
	v3 =	vperm.xlane v3, v2  }
0x407: {  	[hbm4b:s6+s4] =	stream.indirect_vreg.scatter [tilespmem:s17], [sflag:$0x2], $0x80, v4, vm0, $0xb8;
	[tilespmem:$0x10D00] =	vst v63  }
0x408: {  	s26 =	simm.s32 $0x5D00;
	v3 =	vadd.s32 v1, v3  }
0x409: {  	[hbm4b:s7+s4] =	stream.indirect_vreg.scatter [tilespmem:s26], [sflag:$0x2], $0x80, v4, vm0, $0xb8;
	[tilespmem:$0x10D00] =	vst v63  }
0x40a: {  	s12 =	simm.s32 $0x6500  }
0x40b: {  	[hbm4b:s8+s4] =	stream.indirect_vreg.scatter [tilespmem:s12], [sflag:$0x2], $0x80, v4, vm0, $0xb8;
	[tilespmem:$0x10D00] =	vst v63  }
0x40c: {  	s21 =	simm.s32 $0x6D00  }
0x40d: {  	[hbm4b:s2+s4] =	stream.indirect_vreg.scatter [tilespmem:s21], [sflag:$0x2], $0x80, v3, vm0, $0xb8;
	[tilespmem:$0x10D00] =	vst v63  }
0x40e: {  	s18 =	simm.s32 $0x7500  }
0x40f: {  	[hbm4b:s6+s4] =	stream.indirect_vreg.scatter [tilespmem:s18], [sflag:$0x2], $0x80, v3, vm0, $0xb8;
	[tilespmem:$0x10D00] =	vst v63  }
0x410: {  	s22 =	simm.s32 $0x7D00  }
0x411: {  	[hbm4b:s7+s4] =	stream.indirect_vreg.scatter [tilespmem:s22], [sflag:$0x2], $0x80, v3, vm0, $0xb8;
	[tilespmem:$0x10D00] =	vst v63  }
0x412: {  	s17 =	simm.s32 $0x8500  }
0x413: {  	[hbm4b:s8+s4] =	stream.indirect_vreg.scatter [tilespmem:s17], [sflag:$0x2], $0x80, v3, vm0, $0xb8;
	[tilespmem:$0x10D00] =	vst v63  }
0x414: {  	v3 =	vld [tilespmem:$0x520];
	_ =	sdelay $0x4  }
0x415: {  	v42 =	vshll.u32 v3, $0x3  }
0x416: {  	v3 =	vand.u32 $0x7, v3;
	v4 =	vand.u32 $0xFFFFFFC0, v42  }
0x417: {  	v3 =	vor.u32 v3, v4  }
0x418: {  	v4 =	vperm.xlane v3, v0;
	_ =	sdelay $0x1  }
0x419: {  	v4 =	vadd.s32 v1, v4;
	_ =	sdelay $0x3  }
0x41a: {  	s18 =	simm.s32 $0x8D00  }
0x41b: {  	[hbm4b:s2+s4] =	stream.indirect_vreg.scatter [tilespmem:s18], [sflag:$0x2], $0x80, v4, vm0, $0xb8;
	[tilespmem:$0x10D00] =	vst v63  }
0x41c: {  	s24 =	simm.s32 $0x9500;
	v3 =	vperm.xlane v3, v2  }
0x41d: {  	[hbm4b:s6+s4] =	stream.indirect_vreg.scatter [tilespmem:s24], [sflag:$0x2], $0x80, v4, vm0, $0xb8;
	[tilespmem:$0x10D00] =	vst v63  }
0x41e: {  	s29 =	simm.s32 $0x9D00;
	v3 =	vadd.s32 v1, v3  }
0x41f: {  	[hbm4b:s7+s4] =	stream.indirect_vreg.scatter [tilespmem:s29], [sflag:$0x2], $0x80, v4, vm0, $0xb8;
	[tilespmem:$0x10D00] =	vst v63  }
0x420: {  	s18 =	simm.s32 $0xA500  }
0x421: {  	[hbm4b:s8+s4] =	stream.indirect_vreg.scatter [tilespmem:s18], [sflag:$0x2], $0x80, v4, vm0, $0xb8;
	[tilespmem:$0x10D00] =	vst v63  }
0x422: {  	s30 =	simm.s32 $0xAD00  }
0x423: {  	[hbm4b:s2+s4] =	stream.indirect_vreg.scatter [tilespmem:s30], [sflag:$0x2], $0x80, v3, vm0, $0xb8;
	[tilespmem:$0x10D00] =	vst v63  }
0x424: {  	s13 =	simm.s32 $0xB500  }
0x425: {  	[hbm4b:s6+s4] =	stream.indirect_vreg.scatter [tilespmem:s13], [sflag:$0x2], $0x80, v3, vm0, $0xb8;
	[tilespmem:$0x10D00] =	vst v63  }
0x426: {  	s20 =	simm.s32 $0xBD00  }
0x427: {  	[hbm4b:s7+s4] =	stream.indirect_vreg.scatter [tilespmem:s20], [sflag:$0x2], $0x80, v3, vm0, $0xb8;
	[tilespmem:$0x10D00] =	vst v63  }
0x428: {  	s23 =	simm.s32 $0xC500  }
0x429: {  	[hbm4b:s8+s4] =	stream.indirect_vreg.scatter [tilespmem:s23], [sflag:$0x2], $0x80, v3, vm0, $0xb8;
	[tilespmem:$0x10D00] =	vst v63  }
0x42a: {  	v3 =	vld [tilespmem:$0x530];
	_ =	sdelay $0x4  }
0x42b: {  	v43 =	vshll.u32 v3, $0x3  }
0x42c: {  	v3 =	vand.u32 $0x7, v3;
	v4 =	vand.u32 $0xFFFFFFC0, v43  }
0x42d: {  	v3 =	vor.u32 v3, v4  }
0x42e: {  	v4 =	vperm.xlane v3, v0;
	_ =	sdelay $0x1  }
0x42f: {  	v4 =	vadd.s32 v1, v4;
	_ =	sdelay $0x3  }
0x430: {  	s25 =	simm.s32 $0xCD00  }
0x431: {  	[hbm4b:s2+s4] =	stream.indirect_vreg.scatter [tilespmem:s25], [sflag:$0x2], $0x80, v4, vm0, $0xb8;
	[tilespmem:$0x10D00] =	vst v63  }
0x432: {  	s20 =	simm.s32 $0xD500;
	v3 =	vperm.xlane v3, v2  }
0x433: {  	[hbm4b:s6+s4] =	stream.indirect_vreg.scatter [tilespmem:s20], [sflag:$0x2], $0x80, v4, vm0, $0xb8;
	[tilespmem:$0x10D00] =	vst v63  }
0x434: {  	s1 =	simm.s32 $0xDD00;
	v3 =	vadd.s32 v1, v3  }
0x435: {  	[hbm4b:s7+s4] =	stream.indirect_vreg.scatter [tilespmem:s1], [sflag:$0x2], $0x80, v4, vm0, $0xb8;
	[tilespmem:$0x10D00] =	vst v63  }
0x436: {  	s5 =	simm.s32 $0xE500  }
0x437: {  	[hbm4b:s8+s4] =	stream.indirect_vreg.scatter [tilespmem:s5], [sflag:$0x2], $0x80, v4, vm0, $0xb8;
	[tilespmem:$0x10D00] =	vst v63  }
0x438: {  	s9 =	simm.s32 $0xED00  }
0x439: {  	[hbm4b:s2+s4] =	stream.indirect_vreg.scatter [tilespmem:s9], [sflag:$0x2], $0x80, v3, vm0, $0xb8;
	[tilespmem:$0x10D00] =	vst v63  }
0x43a: {  	s14 =	simm.s32 $0xF500  }
0x43b: {  	[hbm4b:s6+s4] =	stream.indirect_vreg.scatter [tilespmem:s14], [sflag:$0x2], $0x80, v3, vm0, $0xb8;
	[tilespmem:$0x10D00] =	vst v63  }
0x43c: {  	s15 =	simm.s32 $0xFD00  }
0x43d: {  	[hbm4b:s7+s4] =	stream.indirect_vreg.scatter [tilespmem:s15], [sflag:$0x2], $0x80, v3, vm0, $0xb8;
	[tilespmem:$0x10D00] =	vst v63  }
0x43e: {  	s3 =	simm.s32 $0x10500  }
0x43f: {  	[hbm4b:s8+s4] =	stream.indirect_vreg.scatter [tilespmem:s3], [sflag:$0x2], $0x80, v3, vm0, $0xb8;
	[tilespmem:$0x10D00] =	vst v63  }
0x440: {  	v3 =	vld [tilespmem:$0x700];
	_ =	sdelay $0x4  }
0x441: {  	v44 =	vshll.u32 v3, $0x3  }
0x442: {  	v3 =	vand.u32 $0x7, v3;
	v4 =	vand.u32 $0xFFFFFFC0, v44  }
0x443: {  	v3 =	vor.u32 v3, v4  }
0x444: {  	v4 =	vperm.xlane v3, v0;
	_ =	sdelay $0x1  }
0x445: {  	v4 =	vadd.s32 v1, v4;
	_ =	sdelay $0x3  }
0x446: {  	s25 =	simm.s32 $0xD00  }
0x447: {  	[hbm4b:s2+s4] =	stream.indirect_vreg.scatter [tilespmem:s25], [sflag:$0x2], $0x80, v4, vm0, $0xb8;
	[tilespmem:$0x10D00] =	vst v63  }
0x448: {  	v3 =	vperm.xlane v3, v2  }
0x449: {  	[hbm4b:s6+s4] =	stream.indirect_vreg.scatter [tilespmem:s0], [sflag:$0x2], $0x80, v4, vm0, $0xb8;
	[tilespmem:$0x10D00] =	vst v63  }
0x44a: {  	v3 =	vadd.s32 v1, v3;
	s25 =	simm.s32 $0x1D00  }
0x44b: {  	[hbm4b:s7+s4] =	stream.indirect_vreg.scatter [tilespmem:s25], [sflag:$0x2], $0x80, v4, vm0, $0xb8;
	[tilespmem:$0x10D00] =	vst v63  }
0x44c: {  	s31 =	simm.s32 $0x2500  }
0x44d: {  	[hbm4b:s8+s4] =	stream.indirect_vreg.scatter [tilespmem:s31], [sflag:$0x2], $0x80, v4, vm0, $0xb8;
	[tilespmem:$0x10D00] =	vst v63  }
0x44e: {  	s15 =	simm.s32 $0x2D00  }
0x44f: {  	[hbm4b:s2+s4] =	stream.indirect_vreg.scatter [tilespmem:s15], [sflag:$0x2], $0x80, v3, vm0, $0xb8;
	[tilespmem:$0x10D00] =	vst v63  }
0x450: {  	s19 =	simm.s32 $0x3500  }
0x451: {  	[hbm4b:s6+s4] =	stream.indirect_vreg.scatter [tilespmem:s19], [sflag:$0x2], $0x80, v3, vm0, $0xb8;
	[tilespmem:$0x10D00] =	vst v63  }
0x452: {  	s25 =	simm.s32 $0x3D00  }
0x453: {  	[hbm4b:s7+s4] =	stream.indirect_vreg.scatter [tilespmem:s25], [sflag:$0x2], $0x80, v3, vm0, $0xb8;
	[tilespmem:$0x10D00] =	vst v63  }
0x454: {  	s31 =	simm.s32 $0x4500  }
0x455: {  	[hbm4b:s8+s4] =	stream.indirect_vreg.scatter [tilespmem:s31], [sflag:$0x2], $0x80, v3, vm0, $0xb8;
	[tilespmem:$0x10D00] =	vst v63  }
0x456: {  	v3 =	vld [tilespmem:$0x710];
	_ =	sdelay $0x4  }
0x457: {  	v45 =	vshll.u32 v3, $0x3  }
0x458: {  	v3 =	vand.u32 $0x7, v3;
	v4 =	vand.u32 $0xFFFFFFC0, v45  }
0x459: {  	v3 =	vor.u32 v3, v4  }
0x45a: {  	v4 =	vperm.xlane v3, v0;
	_ =	sdelay $0x1  }
0x45b: {  	v4 =	vadd.s32 v1, v4;
	_ =	sdelay $0x3  }
0x45c: {  	s16 =	simm.s32 $0x4D00  }
0x45d: {  	[hbm4b:s2+s4] =	stream.indirect_vreg.scatter [tilespmem:s16], [sflag:$0x2], $0x80, v4, vm0, $0xb8;
	[tilespmem:$0x10D00] =	vst v63  }
0x45e: {  	s11 =	simm.s32 $0x5500;
	v3 =	vperm.xlane v3, v2  }
0x45f: {  	[hbm4b:s6+s4] =	stream.indirect_vreg.scatter [tilespmem:s11], [sflag:$0x2], $0x80, v4, vm0, $0xb8;
	[tilespmem:$0x10D00] =	vst v63  }
0x460: {  	s26 =	simm.s32 $0x5D00;
	v3 =	vadd.s32 v1, v3  }
0x461: {  	[hbm4b:s7+s4] =	stream.indirect_vreg.scatter [tilespmem:s26], [sflag:$0x2], $0x80, v4, vm0, $0xb8;
	[tilespmem:$0x10D00] =	vst v63  }
0x462: {  	s15 =	simm.s32 $0x6500  }
0x463: {  	[hbm4b:s8+s4] =	stream.indirect_vreg.scatter [tilespmem:s15], [sflag:$0x2], $0x80, v4, vm0, $0xb8;
	[tilespmem:$0x10D00] =	vst v63  }
0x464: {  	s21 =	simm.s32 $0x6D00  }
0x465: {  	[hbm4b:s2+s4] =	stream.indirect_vreg.scatter [tilespmem:s21], [sflag:$0x2], $0x80, v3, vm0, $0xb8;
	[tilespmem:$0x10D00] =	vst v63  }
0x466: {  	s12 =	simm.s32 $0x7500  }
0x467: {  	[hbm4b:s6+s4] =	stream.indirect_vreg.scatter [tilespmem:s12], [sflag:$0x2], $0x80, v3, vm0, $0xb8;
	[tilespmem:$0x10D00] =	vst v63  }
0x468: {  	s22 =	simm.s32 $0x7D00  }
0x469: {  	[hbm4b:s7+s4] =	stream.indirect_vreg.scatter [tilespmem:s22], [sflag:$0x2], $0x80, v3, vm0, $0xb8;
	[tilespmem:$0x10D00] =	vst v63  }
0x46a: {  	s17 =	simm.s32 $0x8500  }
0x46b: {  	[hbm4b:s8+s4] =	stream.indirect_vreg.scatter [tilespmem:s17], [sflag:$0x2], $0x80, v3, vm0, $0xb8;
	[tilespmem:$0x10D00] =	vst v63  }
0x46c: {  	v3 =	vld [tilespmem:$0x720];
	_ =	sdelay $0x4  }
0x46d: {  	v46 =	vshll.u32 v3, $0x3  }
0x46e: {  	v3 =	vand.u32 $0x7, v3;
	v4 =	vand.u32 $0xFFFFFFC0, v46  }
0x46f: {  	v3 =	vor.u32 v3, v4  }
0x470: {  	v4 =	vperm.xlane v3, v0;
	_ =	sdelay $0x1  }
0x471: {  	v4 =	vadd.s32 v1, v4;
	_ =	sdelay $0x3  }
0x472: {  	s12 =	simm.s32 $0x8D00  }
0x473: {  	[hbm4b:s2+s4] =	stream.indirect_vreg.scatter [tilespmem:s12], [sflag:$0x2], $0x80, v4, vm0, $0xb8;
	[tilespmem:$0x10D00] =	vst v63  }
0x474: {  	s15 =	simm.s32 $0x9500;
	v3 =	vperm.xlane v3, v2  }
0x475: {  	[hbm4b:s6+s4] =	stream.indirect_vreg.scatter [tilespmem:s15], [sflag:$0x2], $0x80, v4, vm0, $0xb8;
	[tilespmem:$0x10D00] =	vst v63  }
0x476: {  	s29 =	simm.s32 $0x9D00;
	v3 =	vadd.s32 v1, v3  }
0x477: {  	[hbm4b:s7+s4] =	stream.indirect_vreg.scatter [tilespmem:s29], [sflag:$0x2], $0x80, v4, vm0, $0xb8;
	[tilespmem:$0x10D00] =	vst v63  }
0x478: {  	s17 =	simm.s32 $0xA500  }
0x479: {  	[hbm4b:s8+s4] =	stream.indirect_vreg.scatter [tilespmem:s17], [sflag:$0x2], $0x80, v4, vm0, $0xb8;
	[tilespmem:$0x10D00] =	vst v63  }
0x47a: {  	s30 =	simm.s32 $0xAD00  }
0x47b: {  	[hbm4b:s2+s4] =	stream.indirect_vreg.scatter [tilespmem:s30], [sflag:$0x2], $0x80, v3, vm0, $0xb8;
	[tilespmem:$0x10D00] =	vst v63  }
0x47c: {  	s10 =	simm.s32 $0xB500  }
0x47d: {  	[hbm4b:s6+s4] =	stream.indirect_vreg.scatter [tilespmem:s10], [sflag:$0x2], $0x80, v3, vm0, $0xb8;
	[tilespmem:$0x10D00] =	vst v63  }
0x47e: {  	s13 =	simm.s32 $0xBD00  }
0x47f: {  	[hbm4b:s7+s4] =	stream.indirect_vreg.scatter [tilespmem:s13], [sflag:$0x2], $0x80, v3, vm0, $0xb8;
	[tilespmem:$0x10D00] =	vst v63  }
0x480: {  	s23 =	simm.s32 $0xC500  }
0x481: {  	[hbm4b:s8+s4] =	stream.indirect_vreg.scatter [tilespmem:s23], [sflag:$0x2], $0x80, v3, vm0, $0xb8;
	[tilespmem:$0x10D00] =	vst v63  }
0x482: {  	v3 =	vld [tilespmem:$0x730];
	_ =	sdelay $0x4  }
0x483: {  	v47 =	vshll.u32 v3, $0x3  }
0x484: {  	v3 =	vand.u32 $0x7, v3;
	v4 =	vand.u32 $0xFFFFFFC0, v47  }
0x485: {  	v3 =	vor.u32 v3, v4  }
0x486: {  	v4 =	vperm.xlane v3, v0;
	_ =	sdelay $0x1  }
0x487: {  	v4 =	vadd.s32 v1, v4;
	_ =	sdelay $0x3  }
0x488: {  	s24 =	simm.s32 $0xCD00  }
0x489: {  	[hbm4b:s2+s4] =	stream.indirect_vreg.scatter [tilespmem:s24], [sflag:$0x2], $0x80, v4, vm0, $0xb8;
	[tilespmem:$0x10D00] =	vst v63  }
0x48a: {  	s20 =	simm.s32 $0xD500;
	v3 =	vperm.xlane v3, v2  }
0x48b: {  	[hbm4b:s6+s4] =	stream.indirect_vreg.scatter [tilespmem:s20], [sflag:$0x2], $0x80, v4, vm0, $0xb8;
	[tilespmem:$0x10D00] =	vst v63  }
0x48c: {  	s18 =	simm.s32 $0xDD00;
	v3 =	vadd.s32 v1, v3  }
0x48d: {  	[hbm4b:s7+s4] =	stream.indirect_vreg.scatter [tilespmem:s18], [sflag:$0x2], $0x80, v4, vm0, $0xb8;
	[tilespmem:$0x10D00] =	vst v63  }
0x48e: {  	s5 =	simm.s32 $0xE500  }
0x48f: {  	[hbm4b:s8+s4] =	stream.indirect_vreg.scatter [tilespmem:s5], [sflag:$0x2], $0x80, v4, vm0, $0xb8;
	[tilespmem:$0x10D00] =	vst v63  }
0x490: {  	s9 =	simm.s32 $0xED00  }
0x491: {  	[hbm4b:s2+s4] =	stream.indirect_vreg.scatter [tilespmem:s9], [sflag:$0x2], $0x80, v3, vm0, $0xb8;
	[tilespmem:$0x10D00] =	vst v63  }
0x492: {  	s14 =	simm.s32 $0xF500  }
0x493: {  	[hbm4b:s6+s4] =	stream.indirect_vreg.scatter [tilespmem:s14], [sflag:$0x2], $0x80, v3, vm0, $0xb8;
	[tilespmem:$0x10D00] =	vst v63  }
0x494: {  	s1 =	simm.s32 $0xFD00  }
0x495: {  	[hbm4b:s7+s4] =	stream.indirect_vreg.scatter [tilespmem:s1], [sflag:$0x2], $0x80, v3, vm0, $0xb8;
	[tilespmem:$0x10D00] =	vst v63  }
0x496: {  	s3 =	simm.s32 $0x10500  }
0x497: {  	[hbm4b:s8+s4] =	stream.indirect_vreg.scatter [tilespmem:s3], [sflag:$0x2], $0x80, v3, vm0, $0xb8;
	[tilespmem:$0x10D00] =	vst v63  }
0x498: {  	_ =	swait.ge [sflag:s28], $0x10000  }
0x499: {  	[sflag:s28] =	ssyncset.done $0x0  }
0x49a: {  	[sflag:s28] =	ssyncadd.s32 $0xFFFF0000  }
0x49b: {  	_ =	swait.ge [sflag:s28], $0x10000  }
0x49c: {  	[sflag:s28] =	ssyncset.done $0x0  }
0x49d: {  	[sflag:s28] =	ssyncadd.s32 $0xFFFF0000  }
0x49e: {  	_ =	swait.ge [sflag:s28], $0x10000  }
0x49f: {  	[sflag:s28] =	ssyncset.done $0x0  }
0x4a0: {  	[sflag:s28] =	ssyncadd.s32 $0xFFFF0000  }
0x4a1: {  	_ =	swait.ge [sflag:s28], $0x10000  }
0x4a2: {  	s11 =	simm.s32 $0x1;
	[sflag:s28] =	ssyncset.done $0x0  }
0x4a3: {  	s10 =	simm.s32 $0xD00;
	s30 =	rddreg [dreg:$0x10];
	[sflag:s28] =	ssyncadd.s32 $0xFFFF0000  }
0x4a4: {  	[tilespmem:s10], [sflag:$0x1] =	stream.linear.gather [hbm4b:s30+s4], $0x10000, $0x38;
	[tilespmem:$0x10D00] =	vst v63  }
0x4a5: {  	s30 =	rddreg [dreg:$0x19];
	_ =	swait.ge [sflag:s11], $0x10000  }
0x4a6: {  	[sflag:s11] =	ssyncset.done $0x0  }
0x4a7: {  	[sflag:s11] =	ssyncadd.s32 $0xFFFF0000  }
0x4a8: {  	v3 =	vld [tilespmem:$0x180];
	_ =	sdelay $0x4  }
0x4a9: {  	v48 =	vshll.u32 v3, $0x3  }
0x4aa: {  	v3 =	vand.u32 $0x7, v3;
	v4 =	vand.u32 $0xFFFFFFC0, v48  }
0x4ab: {  	v3 =	vor.u32 v3, v4  }
0x4ac: {  	v4 =	vperm.xlane v3, v0;
	_ =	sdelay $0x1  }
0x4ad: {  	v4 =	vadd.s32 v1, v4;
	_ =	sdelay $0x4  }
0x4ae: {  	[hbm4b:s2+s4] =	stream.indirect_vreg.scatter [tilespmem:s10], [sflag:$0x2], $0x80, v4, vm0, $0xb8;
	[tilespmem:$0x10D00] =	vst v63  }
0x4af: {  	s29 =	simm.s32 $0x1500;
	v3 =	vperm.xlane v3, v2  }
0x4b0: {  	[hbm4b:s6+s4] =	stream.indirect_vreg.scatter [tilespmem:s29], [sflag:$0x2], $0x80, v4, vm0, $0xb8;
	[tilespmem:$0x10D00] =	vst v63  }
0x4b1: {  	s9 =	simm.s32 $0x1D00;
	v3 =	vadd.s32 v1, v3  }
0x4b2: {  	[hbm4b:s7+s4] =	stream.indirect_vreg.scatter [tilespmem:s9], [sflag:$0x2], $0x80, v4, vm0, $0xb8;
	[tilespmem:$0x10D00] =	vst v63  }
0x4b3: {  	s10 =	simm.s32 $0x2500  }
0x4b4: {  	[hbm4b:s8+s4] =	stream.indirect_vreg.scatter [tilespmem:s10], [sflag:$0x2], $0x80, v4, vm0, $0xb8;
	[tilespmem:$0x10D00] =	vst v63  }
0x4b5: {  	s12 =	simm.s32 $0x2D00  }
0x4b6: {  	[hbm4b:s2+s4] =	stream.indirect_vreg.scatter [tilespmem:s12], [sflag:$0x2], $0x80, v3, vm0, $0xb8;
	[tilespmem:$0x10D00] =	vst v63  }
0x4b7: {  	s19 =	simm.s32 $0x3500  }
0x4b8: {  	[hbm4b:s6+s4] =	stream.indirect_vreg.scatter [tilespmem:s19], [sflag:$0x2], $0x80, v3, vm0, $0xb8;
	[tilespmem:$0x10D00] =	vst v63  }
0x4b9: {  	s11 =	simm.s32 $0x3D00  }
0x4ba: {  	[hbm4b:s7+s4] =	stream.indirect_vreg.scatter [tilespmem:s11], [sflag:$0x2], $0x80, v3, vm0, $0xb8;
	[tilespmem:$0x10D00] =	vst v63  }
0x4bb: {  	s5 =	simm.s32 $0x4500  }
0x4bc: {  	[hbm4b:s8+s4] =	stream.indirect_vreg.scatter [tilespmem:s5], [sflag:$0x2], $0x80, v3, vm0, $0xb8;
	[tilespmem:$0x10D00] =	vst v63  }
0x4bd: {  	v3 =	vld [tilespmem:$0x190];
	_ =	sdelay $0x4  }
0x4be: {  	v49 =	vshll.u32 v3, $0x3  }
0x4bf: {  	v3 =	vand.u32 $0x7, v3;
	v4 =	vand.u32 $0xFFFFFFC0, v49  }
0x4c0: {  	v3 =	vor.u32 v3, v4  }
0x4c1: {  	v4 =	vperm.xlane v3, v0;
	_ =	sdelay $0x1  }
0x4c2: {  	v4 =	vadd.s32 v1, v4;
	_ =	sdelay $0x3  }
0x4c3: {  	s1 =	simm.s32 $0x4D00  }
0x4c4: {  	[hbm4b:s2+s4] =	stream.indirect_vreg.scatter [tilespmem:s1], [sflag:$0x2], $0x80, v4, vm0, $0xb8;
	[tilespmem:$0x10D00] =	vst v63  }
0x4c5: {  	s0 =	simm.s32 $0x5500;
	v3 =	vperm.xlane v3, v2  }
0x4c6: {  	[hbm4b:s6+s4] =	stream.indirect_vreg.scatter [tilespmem:s0], [sflag:$0x2], $0x80, v4, vm0, $0xb8;
	[tilespmem:$0x10D00] =	vst v63  }
0x4c7: {  	s17 =	simm.s32 $0x5D00;
	v3 =	vadd.s32 v1, v3  }
0x4c8: {  	[hbm4b:s7+s4] =	stream.indirect_vreg.scatter [tilespmem:s17], [sflag:$0x2], $0x80, v4, vm0, $0xb8;
	[tilespmem:$0x10D00] =	vst v63  }
0x4c9: {  	s13 =	simm.s32 $0x6500  }
0x4ca: {  	[hbm4b:s8+s4] =	stream.indirect_vreg.scatter [tilespmem:s13], [sflag:$0x2], $0x80, v4, vm0, $0xb8;
	[tilespmem:$0x10D00] =	vst v63  }
0x4cb: {  	s16 =	simm.s32 $0x6D00  }
0x4cc: {  	[hbm4b:s2+s4] =	stream.indirect_vreg.scatter [tilespmem:s16], [sflag:$0x2], $0x80, v3, vm0, $0xb8;
	[tilespmem:$0x10D00] =	vst v63  }
0x4cd: {  	s21 =	simm.s32 $0x7500  }
0x4ce: {  	[hbm4b:s6+s4] =	stream.indirect_vreg.scatter [tilespmem:s21], [sflag:$0x2], $0x80, v3, vm0, $0xb8;
	[tilespmem:$0x10D00] =	vst v63  }
0x4cf: {  	s31 =	simm.s32 $0x7D00  }
0x4d0: {  	[hbm4b:s7+s4] =	stream.indirect_vreg.scatter [tilespmem:s31], [sflag:$0x2], $0x80, v3, vm0, $0xb8;
	[tilespmem:$0x10D00] =	vst v63  }
0x4d1: {  	s3 =	simm.s32 $0x8500  }
0x4d2: {  	[hbm4b:s8+s4] =	stream.indirect_vreg.scatter [tilespmem:s3], [sflag:$0x2], $0x80, v3, vm0, $0xb8;
	[tilespmem:$0x10D00] =	vst v63  }
0x4d3: {  	v3 =	vld [tilespmem:$0x1A0];
	_ =	sdelay $0x4  }
0x4d4: {  	v50 =	vshll.u32 v3, $0x3  }
0x4d5: {  	v3 =	vand.u32 $0x7, v3;
	v4 =	vand.u32 $0xFFFFFFC0, v50  }
0x4d6: {  	v3 =	vor.u32 v3, v4  }
0x4d7: {  	v4 =	vperm.xlane v3, v0;
	_ =	sdelay $0x1  }
0x4d8: {  	v4 =	vadd.s32 v1, v4;
	_ =	sdelay $0x3  }
0x4d9: {  	s31 =	simm.s32 $0x8D00  }
0x4da: {  	[hbm4b:s2+s4] =	stream.indirect_vreg.scatter [tilespmem:s31], [sflag:$0x2], $0x80, v4, vm0, $0xb8;
	[tilespmem:$0x10D00] =	vst v63  }
0x4db: {  	s14 =	simm.s32 $0x9500;
	v3 =	vperm.xlane v3, v2  }
0x4dc: {  	[hbm4b:s6+s4] =	stream.indirect_vreg.scatter [tilespmem:s14], [sflag:$0x2], $0x80, v4, vm0, $0xb8;
	[tilespmem:$0x10D00] =	vst v63  }
0x4dd: {  	s22 =	simm.s32 $0x9D00;
	v3 =	vadd.s32 v1, v3  }
0x4de: {  	[hbm4b:s7+s4] =	stream.indirect_vreg.scatter [tilespmem:s22], [sflag:$0x2], $0x80, v4, vm0, $0xb8;
	[tilespmem:$0x10D00] =	vst v63  }
0x4df: {  	s26 =	simm.s32 $0xA500  }
0x4e0: {  	[hbm4b:s8+s4] =	stream.indirect_vreg.scatter [tilespmem:s26], [sflag:$0x2], $0x80, v4, vm0, $0xb8;
	[tilespmem:$0x10D00] =	vst v63  }
0x4e1: {  	s23 =	simm.s32 $0xAD00  }
0x4e2: {  	[hbm4b:s2+s4] =	stream.indirect_vreg.scatter [tilespmem:s23], [sflag:$0x2], $0x80, v3, vm0, $0xb8;
	[tilespmem:$0x10D00] =	vst v63  }
0x4e3: {  	s15 =	simm.s32 $0xB500  }
0x4e4: {  	[hbm4b:s6+s4] =	stream.indirect_vreg.scatter [tilespmem:s15], [sflag:$0x2], $0x80, v3, vm0, $0xb8;
	[tilespmem:$0x10D00] =	vst v63  }
0x4e5: {  	s19 =	simm.s32 $0xBD00  }
0x4e6: {  	[hbm4b:s7+s4] =	stream.indirect_vreg.scatter [tilespmem:s19], [sflag:$0x2], $0x80, v3, vm0, $0xb8;
	[tilespmem:$0x10D00] =	vst v63  }
0x4e7: {  	s25 =	simm.s32 $0xC500  }
0x4e8: {  	[hbm4b:s8+s4] =	stream.indirect_vreg.scatter [tilespmem:s25], [sflag:$0x2], $0x80, v3, vm0, $0xb8;
	[tilespmem:$0x10D00] =	vst v63  }
0x4e9: {  	v3 =	vld [tilespmem:$0x1B0];
	_ =	sdelay $0x4  }
0x4ea: {  	v51 =	vshll.u32 v3, $0x3  }
0x4eb: {  	v3 =	vand.u32 $0x7, v3;
	v4 =	vand.u32 $0xFFFFFFC0, v51  }
0x4ec: {  	v3 =	vor.u32 v3, v4  }
0x4ed: {  	v4 =	vperm.xlane v3, v0;
	_ =	sdelay $0x1  }
0x4ee: {  	v4 =	vadd.s32 v1, v4;
	_ =	sdelay $0x3  }
0x4ef: {  	s22 =	simm.s32 $0xCD00  }
0x4f0: {  	[hbm4b:s2+s4] =	stream.indirect_vreg.scatter [tilespmem:s22], [sflag:$0x2], $0x80, v4, vm0, $0xb8;
	[tilespmem:$0x10D00] =	vst v63  }
0x4f1: {  	s16 =	simm.s32 $0xD500;
	v3 =	vperm.xlane v3, v2  }
0x4f2: {  	[hbm4b:s6+s4] =	stream.indirect_vreg.scatter [tilespmem:s16], [sflag:$0x2], $0x80, v4, vm0, $0xb8;
	[tilespmem:$0x10D00] =	vst v63  }
0x4f3: {  	s20 =	simm.s32 $0xDD00;
	v3 =	vadd.s32 v1, v3  }
0x4f4: {  	[hbm4b:s7+s4] =	stream.indirect_vreg.scatter [tilespmem:s20], [sflag:$0x2], $0x80, v4, vm0, $0xb8;
	[tilespmem:$0x10D00] =	vst v63  }
0x4f5: {  	s20 =	simm.s32 $0xE500  }
0x4f6: {  	[hbm4b:s8+s4] =	stream.indirect_vreg.scatter [tilespmem:s20], [sflag:$0x2], $0x80, v4, vm0, $0xb8;
	[tilespmem:$0x10D00] =	vst v63  }
0x4f7: {  	s21 =	simm.s32 $0xED00  }
0x4f8: {  	[hbm4b:s2+s4] =	stream.indirect_vreg.scatter [tilespmem:s21], [sflag:$0x2], $0x80, v3, vm0, $0xb8;
	[tilespmem:$0x10D00] =	vst v63  }
0x4f9: {  	s15 =	simm.s32 $0xF500  }
0x4fa: {  	[hbm4b:s6+s4] =	stream.indirect_vreg.scatter [tilespmem:s15], [sflag:$0x2], $0x80, v3, vm0, $0xb8;
	[tilespmem:$0x10D00] =	vst v63  }
0x4fb: {  	s18 =	simm.s32 $0xFD00  }
0x4fc: {  	[hbm4b:s7+s4] =	stream.indirect_vreg.scatter [tilespmem:s18], [sflag:$0x2], $0x80, v3, vm0, $0xb8;
	[tilespmem:$0x10D00] =	vst v63  }
0x4fd: {  	s25 =	simm.s32 $0x10500  }
0x4fe: {  	[hbm4b:s8+s4] =	stream.indirect_vreg.scatter [tilespmem:s25], [sflag:$0x2], $0x80, v3, vm0, $0xb8;
	[tilespmem:$0x10D00] =	vst v63  }
0x4ff: {  	v3 =	vld [tilespmem:$0x380];
	_ =	sdelay $0x4  }
0x500: {  	v52 =	vshll.u32 v3, $0x3  }
0x501: {  	v3 =	vand.u32 $0x7, v3;
	v4 =	vand.u32 $0xFFFFFFC0, v52  }
0x502: {  	v3 =	vor.u32 v3, v4  }
0x503: {  	v4 =	vperm.xlane v3, v0;
	_ =	sdelay $0x1  }
0x504: {  	v4 =	vadd.s32 v1, v4;
	_ =	sdelay $0x3  }
0x505: {  	s24 =	simm.s32 $0xD00  }
0x506: {  	[hbm4b:s2+s4] =	stream.indirect_vreg.scatter [tilespmem:s24], [sflag:$0x2], $0x80, v4, vm0, $0xb8;
	[tilespmem:$0x10D00] =	vst v63  }
0x507: {  	v3 =	vperm.xlane v3, v2  }
0x508: {  	[hbm4b:s6+s4] =	stream.indirect_vreg.scatter [tilespmem:s29], [sflag:$0x2], $0x80, v4, vm0, $0xb8;
	[tilespmem:$0x10D00] =	vst v63  }
0x509: {  	v3 =	vadd.s32 v1, v3  }
0x50a: {  	[hbm4b:s7+s4] =	stream.indirect_vreg.scatter [tilespmem:s9], [sflag:$0x2], $0x80, v4, vm0, $0xb8;
	[tilespmem:$0x10D00] =	vst v63  }
0x50b: {  	_ = 	snop  }
0x50c: {  	[hbm4b:s8+s4] =	stream.indirect_vreg.scatter [tilespmem:s10], [sflag:$0x2], $0x80, v4, vm0, $0xb8;
	[tilespmem:$0x10D00] =	vst v63  }
0x50d: {  	_ = 	snop  }
0x50e: {  	[hbm4b:s2+s4] =	stream.indirect_vreg.scatter [tilespmem:s12], [sflag:$0x2], $0x80, v3, vm0, $0xb8;
	[tilespmem:$0x10D00] =	vst v63  }
0x50f: {  	s12 =	simm.s32 $0x3500  }
0x510: {  	[hbm4b:s6+s4] =	stream.indirect_vreg.scatter [tilespmem:s12], [sflag:$0x2], $0x80, v3, vm0, $0xb8;
	[tilespmem:$0x10D00] =	vst v63  }
0x511: {  	_ = 	snop  }
0x512: {  	[hbm4b:s7+s4] =	stream.indirect_vreg.scatter [tilespmem:s11], [sflag:$0x2], $0x80, v3, vm0, $0xb8;
	[tilespmem:$0x10D00] =	vst v63  }
0x513: {  	_ = 	snop  }
0x514: {  	[hbm4b:s8+s4] =	stream.indirect_vreg.scatter [tilespmem:s5], [sflag:$0x2], $0x80, v3, vm0, $0xb8;
	[tilespmem:$0x10D00] =	vst v63  }
0x515: {  	v3 =	vld [tilespmem:$0x390];
	_ =	sdelay $0x4  }
0x516: {  	v53 =	vshll.u32 v3, $0x3  }
0x517: {  	v3 =	vand.u32 $0x7, v3;
	v4 =	vand.u32 $0xFFFFFFC0, v53  }
0x518: {  	v3 =	vor.u32 v3, v4  }
0x519: {  	v4 =	vperm.xlane v3, v0;
	_ =	sdelay $0x1  }
0x51a: {  	v4 =	vadd.s32 v1, v4;
	_ =	sdelay $0x4  }
0x51b: {  	[hbm4b:s2+s4] =	stream.indirect_vreg.scatter [tilespmem:s1], [sflag:$0x2], $0x80, v4, vm0, $0xb8;
	[tilespmem:$0x10D00] =	vst v63  }
0x51c: {  	v3 =	vperm.xlane v3, v2  }
0x51d: {  	[hbm4b:s6+s4] =	stream.indirect_vreg.scatter [tilespmem:s0], [sflag:$0x2], $0x80, v4, vm0, $0xb8;
	[tilespmem:$0x10D00] =	vst v63  }
0x51e: {  	v3 =	vadd.s32 v1, v3  }
0x51f: {  	[hbm4b:s7+s4] =	stream.indirect_vreg.scatter [tilespmem:s17], [sflag:$0x2], $0x80, v4, vm0, $0xb8;
	[tilespmem:$0x10D00] =	vst v63  }
0x520: {  	_ = 	snop  }
0x521: {  	[hbm4b:s8+s4] =	stream.indirect_vreg.scatter [tilespmem:s13], [sflag:$0x2], $0x80, v4, vm0, $0xb8;
	[tilespmem:$0x10D00] =	vst v63  }
0x522: {  	s9 =	simm.s32 $0x6D00  }
0x523: {  	[hbm4b:s2+s4] =	stream.indirect_vreg.scatter [tilespmem:s9], [sflag:$0x2], $0x80, v3, vm0, $0xb8;
	[tilespmem:$0x10D00] =	vst v63  }
0x524: {  	s11 =	simm.s32 $0x7500  }
0x525: {  	[hbm4b:s6+s4] =	stream.indirect_vreg.scatter [tilespmem:s11], [sflag:$0x2], $0x80, v3, vm0, $0xb8;
	[tilespmem:$0x10D00] =	vst v63  }
0x526: {  	s13 =	simm.s32 $0x7D00  }
0x527: {  	[hbm4b:s7+s4] =	stream.indirect_vreg.scatter [tilespmem:s13], [sflag:$0x2], $0x80, v3, vm0, $0xb8;
	[tilespmem:$0x10D00] =	vst v63  }
0x528: {  	_ = 	snop  }
0x529: {  	[hbm4b:s8+s4] =	stream.indirect_vreg.scatter [tilespmem:s3], [sflag:$0x2], $0x80, v3, vm0, $0xb8;
	[tilespmem:$0x10D00] =	vst v63  }
0x52a: {  	v3 =	vld [tilespmem:$0x3A0];
	_ =	sdelay $0x4  }
0x52b: {  	v54 =	vshll.u32 v3, $0x3  }
0x52c: {  	v3 =	vand.u32 $0x7, v3;
	v4 =	vand.u32 $0xFFFFFFC0, v54  }
0x52d: {  	v3 =	vor.u32 v3, v4  }
0x52e: {  	v4 =	vperm.xlane v3, v0;
	_ =	sdelay $0x1  }
0x52f: {  	v4 =	vadd.s32 v1, v4;
	_ =	sdelay $0x4  }
0x530: {  	[hbm4b:s2+s4] =	stream.indirect_vreg.scatter [tilespmem:s31], [sflag:$0x2], $0x80, v4, vm0, $0xb8;
	[tilespmem:$0x10D00] =	vst v63  }
0x531: {  	v3 =	vperm.xlane v3, v2  }
0x532: {  	[hbm4b:s6+s4] =	stream.indirect_vreg.scatter [tilespmem:s14], [sflag:$0x2], $0x80, v4, vm0, $0xb8;
	[tilespmem:$0x10D00] =	vst v63  }
0x533: {  	v3 =	vadd.s32 v1, v3;
	s14 =	simm.s32 $0x9D00  }
0x534: {  	[hbm4b:s7+s4] =	stream.indirect_vreg.scatter [tilespmem:s14], [sflag:$0x2], $0x80, v4, vm0, $0xb8;
	[tilespmem:$0x10D00] =	vst v63  }
0x535: {  	_ = 	snop  }
0x536: {  	[hbm4b:s8+s4] =	stream.indirect_vreg.scatter [tilespmem:s26], [sflag:$0x2], $0x80, v4, vm0, $0xb8;
	[tilespmem:$0x10D00] =	vst v63  }
0x537: {  	_ = 	snop  }
0x538: {  	[hbm4b:s2+s4] =	stream.indirect_vreg.scatter [tilespmem:s23], [sflag:$0x2], $0x80, v3, vm0, $0xb8;
	[tilespmem:$0x10D00] =	vst v63  }
0x539: {  	s23 =	simm.s32 $0xB500  }
0x53a: {  	[hbm4b:s6+s4] =	stream.indirect_vreg.scatter [tilespmem:s23], [sflag:$0x2], $0x80, v3, vm0, $0xb8;
	[tilespmem:$0x10D00] =	vst v63  }
0x53b: {  	_ = 	snop  }
0x53c: {  	[hbm4b:s7+s4] =	stream.indirect_vreg.scatter [tilespmem:s19], [sflag:$0x2], $0x80, v3, vm0, $0xb8;
	[tilespmem:$0x10D00] =	vst v63  }
0x53d: {  	s26 =	simm.s32 $0xC500  }
0x53e: {  	[hbm4b:s8+s4] =	stream.indirect_vreg.scatter [tilespmem:s26], [sflag:$0x2], $0x80, v3, vm0, $0xb8;
	[tilespmem:$0x10D00] =	vst v63  }
0x53f: {  	v3 =	vld [tilespmem:$0x3B0];
	_ =	sdelay $0x4  }
0x540: {  	v55 =	vshll.u32 v3, $0x3  }
0x541: {  	v3 =	vand.u32 $0x7, v3;
	v4 =	vand.u32 $0xFFFFFFC0, v55  }
0x542: {  	v3 =	vor.u32 v3, v4  }
0x543: {  	v4 =	vperm.xlane v3, v0;
	_ =	sdelay $0x1  }
0x544: {  	v4 =	vadd.s32 v1, v4;
	_ =	sdelay $0x4  }
0x545: {  	[hbm4b:s2+s4] =	stream.indirect_vreg.scatter [tilespmem:s22], [sflag:$0x2], $0x80, v4, vm0, $0xb8;
	[tilespmem:$0x10D00] =	vst v63  }
0x546: {  	v3 =	vperm.xlane v3, v2  }
0x547: {  	[hbm4b:s6+s4] =	stream.indirect_vreg.scatter [tilespmem:s16], [sflag:$0x2], $0x80, v4, vm0, $0xb8;
	[tilespmem:$0x10D00] =	vst v63  }
0x548: {  	s11 =	simm.s32 $0xDD00;
	v3 =	vadd.s32 v1, v3  }
0x549: {  	[hbm4b:s7+s4] =	stream.indirect_vreg.scatter [tilespmem:s11], [sflag:$0x2], $0x80, v4, vm0, $0xb8;
	[tilespmem:$0x10D00] =	vst v63  }
0x54a: {  	_ = 	snop  }
0x54b: {  	[hbm4b:s8+s4] =	stream.indirect_vreg.scatter [tilespmem:s20], [sflag:$0x2], $0x80, v4, vm0, $0xb8;
	[tilespmem:$0x10D00] =	vst v63  }
0x54c: {  	_ = 	snop  }
0x54d: {  	[hbm4b:s2+s4] =	stream.indirect_vreg.scatter [tilespmem:s21], [sflag:$0x2], $0x80, v3, vm0, $0xb8;
	[tilespmem:$0x10D00] =	vst v63  }
0x54e: {  	_ = 	snop  }
0x54f: {  	[hbm4b:s6+s4] =	stream.indirect_vreg.scatter [tilespmem:s15], [sflag:$0x2], $0x80, v3, vm0, $0xb8;
	[tilespmem:$0x10D00] =	vst v63  }
0x550: {  	_ = 	snop  }
0x551: {  	[hbm4b:s7+s4] =	stream.indirect_vreg.scatter [tilespmem:s18], [sflag:$0x2], $0x80, v3, vm0, $0xb8;
	[tilespmem:$0x10D00] =	vst v63  }
0x552: {  	_ = 	snop  }
0x553: {  	[hbm4b:s8+s4] =	stream.indirect_vreg.scatter [tilespmem:s25], [sflag:$0x2], $0x80, v3, vm0, $0xb8;
	[tilespmem:$0x10D00] =	vst v63  }
0x554: {  	v3 =	vld [tilespmem:$0x580];
	_ =	sdelay $0x4  }
0x555: {  	v56 =	vshll.u32 v3, $0x3  }
0x556: {  	v3 =	vand.u32 $0x7, v3;
	v4 =	vand.u32 $0xFFFFFFC0, v56  }
0x557: {  	v3 =	vor.u32 v3, v4  }
0x558: {  	v4 =	vperm.xlane v3, v0;
	_ =	sdelay $0x1  }
0x559: {  	v4 =	vadd.s32 v1, v4;
	_ =	sdelay $0x3  }
0x55a: {  	s13 =	simm.s32 $0xD00  }
0x55b: {  	[hbm4b:s2+s4] =	stream.indirect_vreg.scatter [tilespmem:s13], [sflag:$0x2], $0x80, v4, vm0, $0xb8;
	[tilespmem:$0x10D00] =	vst v63  }
0x55c: {  	s14 =	simm.s32 $0x1500;
	v3 =	vperm.xlane v3, v2  }
0x55d: {  	[hbm4b:s6+s4] =	stream.indirect_vreg.scatter [tilespmem:s14], [sflag:$0x2], $0x80, v4, vm0, $0xb8;
	[tilespmem:$0x10D00] =	vst v63  }
0x55e: {  	s24 =	simm.s32 $0x1D00;
	v3 =	vadd.s32 v1, v3  }
0x55f: {  	[hbm4b:s7+s4] =	stream.indirect_vreg.scatter [tilespmem:s24], [sflag:$0x2], $0x80, v4, vm0, $0xb8;
	[tilespmem:$0x10D00] =	vst v63  }
0x560: {  	s29 =	simm.s32 $0x2500  }
0x561: {  	[hbm4b:s8+s4] =	stream.indirect_vreg.scatter [tilespmem:s29], [sflag:$0x2], $0x80, v4, vm0, $0xb8;
	[tilespmem:$0x10D00] =	vst v63  }
0x562: {  	s15 =	simm.s32 $0x2D00  }
0x563: {  	[hbm4b:s2+s4] =	stream.indirect_vreg.scatter [tilespmem:s15], [sflag:$0x2], $0x80, v3, vm0, $0xb8;
	[tilespmem:$0x10D00] =	vst v63  }
0x564: {  	s18 =	simm.s32 $0x3500  }
0x565: {  	[hbm4b:s6+s4] =	stream.indirect_vreg.scatter [tilespmem:s18], [sflag:$0x2], $0x80, v3, vm0, $0xb8;
	[tilespmem:$0x10D00] =	vst v63  }
0x566: {  	s12 =	simm.s32 $0x3D00  }
0x567: {  	[hbm4b:s7+s4] =	stream.indirect_vreg.scatter [tilespmem:s12], [sflag:$0x2], $0x80, v3, vm0, $0xb8;
	[tilespmem:$0x10D00] =	vst v63  }
0x568: {  	s10 =	simm.s32 $0x4500  }
0x569: {  	[hbm4b:s8+s4] =	stream.indirect_vreg.scatter [tilespmem:s10], [sflag:$0x2], $0x80, v3, vm0, $0xb8;
	[tilespmem:$0x10D00] =	vst v63  }
0x56a: {  	v3 =	vld [tilespmem:$0x590];
	_ =	sdelay $0x4  }
0x56b: {  	v57 =	vshll.u32 v3, $0x3  }
0x56c: {  	v3 =	vand.u32 $0x7, v3;
	v4 =	vand.u32 $0xFFFFFFC0, v57  }
0x56d: {  	v3 =	vor.u32 v3, v4  }
0x56e: {  	v4 =	vperm.xlane v3, v0;
	_ =	sdelay $0x1  }
0x56f: {  	v4 =	vadd.s32 v1, v4;
	_ =	sdelay $0x3  }
0x570: {  	s5 =	simm.s32 $0x4D00  }
0x571: {  	[hbm4b:s2+s4] =	stream.indirect_vreg.scatter [tilespmem:s5], [sflag:$0x2], $0x80, v4, vm0, $0xb8;
	[tilespmem:$0x10D00] =	vst v63  }
0x572: {  	s1 =	simm.s32 $0x5500;
	v3 =	vperm.xlane v3, v2  }
0x573: {  	[hbm4b:s6+s4] =	stream.indirect_vreg.scatter [tilespmem:s1], [sflag:$0x2], $0x80, v4, vm0, $0xb8;
	[tilespmem:$0x10D00] =	vst v63  }
0x574: {  	s21 =	simm.s32 $0x5D00;
	v3 =	vadd.s32 v1, v3  }
0x575: {  	[hbm4b:s7+s4] =	stream.indirect_vreg.scatter [tilespmem:s21], [sflag:$0x2], $0x80, v4, vm0, $0xb8;
	[tilespmem:$0x10D00] =	vst v63  }
0x576: {  	s17 =	simm.s32 $0x6500  }
0x577: {  	[hbm4b:s8+s4] =	stream.indirect_vreg.scatter [tilespmem:s17], [sflag:$0x2], $0x80, v4, vm0, $0xb8;
	[tilespmem:$0x10D00] =	vst v63  }
0x578: {  	s25 =	simm.s32 $0x6D00  }
0x579: {  	[hbm4b:s2+s4] =	stream.indirect_vreg.scatter [tilespmem:s25], [sflag:$0x2], $0x80, v3, vm0, $0xb8;
	[tilespmem:$0x10D00] =	vst v63  }
0x57a: {  	s17 =	simm.s32 $0x7500  }
0x57b: {  	[hbm4b:s6+s4] =	stream.indirect_vreg.scatter [tilespmem:s17], [sflag:$0x2], $0x80, v3, vm0, $0xb8;
	[tilespmem:$0x10D00] =	vst v63  }
0x57c: {  	s0 =	simm.s32 $0x7D00  }
0x57d: {  	[hbm4b:s7+s4] =	stream.indirect_vreg.scatter [tilespmem:s0], [sflag:$0x2], $0x80, v3, vm0, $0xb8;
	[tilespmem:$0x10D00] =	vst v63  }
0x57e: {  	s9 =	simm.s32 $0x8500  }
0x57f: {  	[hbm4b:s8+s4] =	stream.indirect_vreg.scatter [tilespmem:s9], [sflag:$0x2], $0x80, v3, vm0, $0xb8;
	[tilespmem:$0x10D00] =	vst v63  }
0x580: {  	v3 =	vld [tilespmem:$0x5A0];
	_ =	sdelay $0x4  }
0x581: {  	v58 =	vshll.u32 v3, $0x3  }
0x582: {  	v3 =	vand.u32 $0x7, v3;
	v4 =	vand.u32 $0xFFFFFFC0, v58  }
0x583: {  	v3 =	vor.u32 v3, v4  }
0x584: {  	v4 =	vperm.xlane v3, v0;
	_ =	sdelay $0x1  }
0x585: {  	v4 =	vadd.s32 v1, v4;
	_ =	sdelay $0x3  }
0x586: {  	s18 =	simm.s32 $0x8D00  }
0x587: {  	[hbm4b:s2+s4] =	stream.indirect_vreg.scatter [tilespmem:s18], [sflag:$0x2], $0x80, v4, vm0, $0xb8;
	[tilespmem:$0x10D00] =	vst v63  }
0x588: {  	s31 =	simm.s32 $0x9500;
	v3 =	vperm.xlane v3, v2  }
0x589: {  	[hbm4b:s6+s4] =	stream.indirect_vreg.scatter [tilespmem:s31], [sflag:$0x2], $0x80, v4, vm0, $0xb8;
	[tilespmem:$0x10D00] =	vst v63  }
0x58a: {  	s21 =	simm.s32 $0x9D00;
	v3 =	vadd.s32 v1, v3  }
0x58b: {  	[hbm4b:s7+s4] =	stream.indirect_vreg.scatter [tilespmem:s21], [sflag:$0x2], $0x80, v4, vm0, $0xb8;
	[tilespmem:$0x10D00] =	vst v63  }
0x58c: {  	s25 =	simm.s32 $0xA500  }
0x58d: {  	[hbm4b:s8+s4] =	stream.indirect_vreg.scatter [tilespmem:s25], [sflag:$0x2], $0x80, v4, vm0, $0xb8;
	[tilespmem:$0x10D00] =	vst v63  }
0x58e: {  	s31 =	simm.s32 $0xAD00  }
0x58f: {  	[hbm4b:s2+s4] =	stream.indirect_vreg.scatter [tilespmem:s31], [sflag:$0x2], $0x80, v3, vm0, $0xb8;
	[tilespmem:$0x10D00] =	vst v63  }
0x590: {  	s21 =	simm.s32 $0xB500  }
0x591: {  	[hbm4b:s6+s4] =	stream.indirect_vreg.scatter [tilespmem:s21], [sflag:$0x2], $0x80, v3, vm0, $0xb8;
	[tilespmem:$0x10D00] =	vst v63  }
0x592: {  	s23 =	simm.s32 $0xBD00  }
0x593: {  	[hbm4b:s7+s4] =	stream.indirect_vreg.scatter [tilespmem:s23], [sflag:$0x2], $0x80, v3, vm0, $0xb8;
	[tilespmem:$0x10D00] =	vst v63  }
0x594: {  	s31 =	simm.s32 $0xC500  }
0x595: {  	[hbm4b:s8+s4] =	stream.indirect_vreg.scatter [tilespmem:s31], [sflag:$0x2], $0x80, v3, vm0, $0xb8;
	[tilespmem:$0x10D00] =	vst v63  }
0x596: {  	v3 =	vld [tilespmem:$0x5B0];
	_ =	sdelay $0x4  }
0x597: {  	v59 =	vshll.u32 v3, $0x3  }
0x598: {  	v3 =	vand.u32 $0x7, v3;
	v4 =	vand.u32 $0xFFFFFFC0, v59  }
0x599: {  	v3 =	vor.u32 v3, v4  }
0x59a: {  	v4 =	vperm.xlane v3, v0;
	_ =	sdelay $0x1  }
0x59b: {  	v4 =	vadd.s32 v1, v4;
	_ =	sdelay $0x3  }
0x59c: {  	s23 =	simm.s32 $0xCD00  }
0x59d: {  	[hbm4b:s2+s4] =	stream.indirect_vreg.scatter [tilespmem:s23], [sflag:$0x2], $0x80, v4, vm0, $0xb8;
	[tilespmem:$0x10D00] =	vst v63  }
0x59e: {  	s19 =	simm.s32 $0xD500;
	v3 =	vperm.xlane v3, v2  }
0x59f: {  	[hbm4b:s6+s4] =	stream.indirect_vreg.scatter [tilespmem:s19], [sflag:$0x2], $0x80, v4, vm0, $0xb8;
	[tilespmem:$0x10D00] =	vst v63  }
0x5a0: {  	s31 =	simm.s32 $0xDD00;
	v3 =	vadd.s32 v1, v3  }
0x5a1: {  	[hbm4b:s7+s4] =	stream.indirect_vreg.scatter [tilespmem:s31], [sflag:$0x2], $0x80, v4, vm0, $0xb8;
	[tilespmem:$0x10D00] =	vst v63  }
0x5a2: {  	s22 =	simm.s32 $0xE500  }
0x5a3: {  	[hbm4b:s8+s4] =	stream.indirect_vreg.scatter [tilespmem:s22], [sflag:$0x2], $0x80, v4, vm0, $0xb8;
	[tilespmem:$0x10D00] =	vst v63  }
0x5a4: {  	s26 =	simm.s32 $0xED00  }
0x5a5: {  	[hbm4b:s2+s4] =	stream.indirect_vreg.scatter [tilespmem:s26], [sflag:$0x2], $0x80, v3, vm0, $0xb8;
	[tilespmem:$0x10D00] =	vst v63  }
0x5a6: {  	s16 =	simm.s32 $0xF500  }
0x5a7: {  	[hbm4b:s6+s4] =	stream.indirect_vreg.scatter [tilespmem:s16], [sflag:$0x2], $0x80, v3, vm0, $0xb8;
	[tilespmem:$0x10D00] =	vst v63  }
0x5a8: {  	s20 =	simm.s32 $0xFD00  }
0x5a9: {  	[hbm4b:s7+s4] =	stream.indirect_vreg.scatter [tilespmem:s20], [sflag:$0x2], $0x80, v3, vm0, $0xb8;
	[tilespmem:$0x10D00] =	vst v63  }
0x5aa: {  	s26 =	simm.s32 $0x10500  }
0x5ab: {  	[hbm4b:s8+s4] =	stream.indirect_vreg.scatter [tilespmem:s26], [sflag:$0x2], $0x80, v3, vm0, $0xb8;
	[tilespmem:$0x10D00] =	vst v63  }
0x5ac: {  	v3 =	vld [tilespmem:$0x780];
	_ =	sdelay $0x4  }
0x5ad: {  	v60 =	vshll.u32 v3, $0x3  }
0x5ae: {  	v3 =	vand.u32 $0x7, v3;
	v4 =	vand.u32 $0xFFFFFFC0, v60  }
0x5af: {  	v3 =	vor.u32 v3, v4  }
0x5b0: {  	v4 =	vperm.xlane v3, v0;
	_ =	sdelay $0x1  }
0x5b1: {  	v4 =	vadd.s32 v1, v4;
	_ =	sdelay $0x3  }
0x5b2: {  	s26 =	simm.s32 $0xD00  }
0x5b3: {  	[hbm4b:s2+s4] =	stream.indirect_vreg.scatter [tilespmem:s26], [sflag:$0x2], $0x80, v4, vm0, $0xb8;
	[tilespmem:$0x10D00] =	vst v63  }
0x5b4: {  	s14 =	simm.s32 $0x1500;
	v3 =	vperm.xlane v3, v2  }
0x5b5: {  	[hbm4b:s6+s4] =	stream.indirect_vreg.scatter [tilespmem:s14], [sflag:$0x2], $0x80, v4, vm0, $0xb8;
	[tilespmem:$0x10D00] =	vst v63  }
0x5b6: {  	s11 =	simm.s32 $0x1D00;
	v3 =	vadd.s32 v1, v3  }
0x5b7: {  	[hbm4b:s7+s4] =	stream.indirect_vreg.scatter [tilespmem:s11], [sflag:$0x2], $0x80, v4, vm0, $0xb8;
	[tilespmem:$0x10D00] =	vst v63  }
0x5b8: {  	s13 =	simm.s32 $0x2500  }
0x5b9: {  	[hbm4b:s8+s4] =	stream.indirect_vreg.scatter [tilespmem:s13], [sflag:$0x2], $0x80, v4, vm0, $0xb8;
	[tilespmem:$0x10D00] =	vst v63  }
0x5ba: {  	s29 =	simm.s32 $0x2D00  }
0x5bb: {  	[hbm4b:s2+s4] =	stream.indirect_vreg.scatter [tilespmem:s29], [sflag:$0x2], $0x80, v3, vm0, $0xb8;
	[tilespmem:$0x10D00] =	vst v63  }
0x5bc: {  	s13 =	simm.s32 $0x3500  }
0x5bd: {  	[hbm4b:s6+s4] =	stream.indirect_vreg.scatter [tilespmem:s13], [sflag:$0x2], $0x80, v3, vm0, $0xb8;
	[tilespmem:$0x10D00] =	vst v63  }
0x5be: {  	s24 =	simm.s32 $0x3D00  }
0x5bf: {  	[hbm4b:s7+s4] =	stream.indirect_vreg.scatter [tilespmem:s24], [sflag:$0x2], $0x80, v3, vm0, $0xb8;
	[tilespmem:$0x10D00] =	vst v63  }
0x5c0: {  	s10 =	simm.s32 $0x4500  }
0x5c1: {  	[hbm4b:s8+s4] =	stream.indirect_vreg.scatter [tilespmem:s10], [sflag:$0x2], $0x80, v3, vm0, $0xb8;
	[tilespmem:$0x10D00] =	vst v63  }
0x5c2: {  	v3 =	vld [tilespmem:$0x790];
	_ =	sdelay $0x4  }
0x5c3: {  	v61 =	vshll.u32 v3, $0x3  }
0x5c4: {  	v3 =	vand.u32 $0x7, v3;
	v4 =	vand.u32 $0xFFFFFFC0, v61  }
0x5c5: {  	v3 =	vor.u32 v3, v4  }
0x5c6: {  	v4 =	vperm.xlane v3, v0;
	_ =	sdelay $0x1  }
0x5c7: {  	v4 =	vadd.s32 v1, v4;
	_ =	sdelay $0x3  }
0x5c8: {  	s3 =	simm.s32 $0x4D00  }
0x5c9: {  	[hbm4b:s2+s4] =	stream.indirect_vreg.scatter [tilespmem:s3], [sflag:$0x2], $0x80, v4, vm0, $0xb8;
	[tilespmem:$0x10D00] =	vst v63  }
0x5ca: {  	s1 =	simm.s32 $0x5500;
	v3 =	vperm.xlane v3, v2  }
0x5cb: {  	[hbm4b:s6+s4] =	stream.indirect_vreg.scatter [tilespmem:s1], [sflag:$0x2], $0x80, v4, vm0, $0xb8;
	[tilespmem:$0x10D00] =	vst v63  }
0x5cc: {  	s15 =	simm.s32 $0x5D00;
	v3 =	vadd.s32 v1, v3  }
0x5cd: {  	[hbm4b:s7+s4] =	stream.indirect_vreg.scatter [tilespmem:s15], [sflag:$0x2], $0x80, v4, vm0, $0xb8;
	[tilespmem:$0x10D00] =	vst v63  }
0x5ce: {  	s12 =	simm.s32 $0x6500  }
0x5cf: {  	[hbm4b:s8+s4] =	stream.indirect_vreg.scatter [tilespmem:s12], [sflag:$0x2], $0x80, v4, vm0, $0xb8;
	[tilespmem:$0x10D00] =	vst v63  }
0x5d0: {  	s14 =	simm.s32 $0x6D00  }
0x5d1: {  	[hbm4b:s2+s4] =	stream.indirect_vreg.scatter [tilespmem:s14], [sflag:$0x2], $0x80, v3, vm0, $0xb8;
	[tilespmem:$0x10D00] =	vst v63  }
0x5d2: {  	s15 =	simm.s32 $0x7500  }
0x5d3: {  	[hbm4b:s6+s4] =	stream.indirect_vreg.scatter [tilespmem:s15], [sflag:$0x2], $0x80, v3, vm0, $0xb8;
	[tilespmem:$0x10D00] =	vst v63  }
0x5d4: {  	s0 =	simm.s32 $0x7D00  }
0x5d5: {  	[hbm4b:s7+s4] =	stream.indirect_vreg.scatter [tilespmem:s0], [sflag:$0x2], $0x80, v3, vm0, $0xb8;
	[tilespmem:$0x10D00] =	vst v63  }
0x5d6: {  	s5 =	simm.s32 $0x8500  }
0x5d7: {  	[hbm4b:s8+s4] =	stream.indirect_vreg.scatter [tilespmem:s5], [sflag:$0x2], $0x80, v3, vm0, $0xb8;
	[tilespmem:$0x10D00] =	vst v63  }
0x5d8: {  	v3 =	vld [tilespmem:$0x7A0];
	_ =	sdelay $0x4  }
0x5d9: {  	v62 =	vshll.u32 v3, $0x3  }
0x5da: {  	v3 =	vand.u32 $0x7, v3;
	v4 =	vand.u32 $0xFFFFFFC0, v62  }
0x5db: {  	v3 =	vor.u32 v3, v4  }
0x5dc: {  	v4 =	vperm.xlane v3, v0;
	_ =	sdelay $0x1  }
0x5dd: {  	v4 =	vadd.s32 v1, v4;
	_ =	sdelay $0x3  }
0x5de: {  	s17 =	simm.s32 $0x8D00  }
0x5df: {  	[hbm4b:s2+s4] =	stream.indirect_vreg.scatter [tilespmem:s17], [sflag:$0x2], $0x80, v4, vm0, $0xb8;
	[tilespmem:$0x10D00] =	vst v63  }
0x5e0: {  	s9 =	simm.s32 $0x9500;
	v3 =	vperm.xlane v3, v2  }
0x5e1: {  	[hbm4b:s6+s4] =	stream.indirect_vreg.scatter [tilespmem:s9], [sflag:$0x2], $0x80, v4, vm0, $0xb8;
	[tilespmem:$0x10D00] =	vst v63  }
0x5e2: {  	v3 =	vadd.s32 v1, v3;
	s17 =	simm.s32 $0x9D00  }
0x5e3: {  	[hbm4b:s7+s4] =	stream.indirect_vreg.scatter [tilespmem:s17], [sflag:$0x2], $0x80, v4, vm0, $0xb8;
	[tilespmem:$0x10D00] =	vst v63  }
0x5e4: {  	s25 =	simm.s32 $0xA500  }
0x5e5: {  	[hbm4b:s8+s4] =	stream.indirect_vreg.scatter [tilespmem:s25], [sflag:$0x2], $0x80, v4, vm0, $0xb8;
	[tilespmem:$0x10D00] =	vst v63  }
0x5e6: {  	s24 =	simm.s32 $0xAD00  }
0x5e7: {  	[hbm4b:s2+s4] =	stream.indirect_vreg.scatter [tilespmem:s24], [sflag:$0x2], $0x80, v3, vm0, $0xb8;
	[tilespmem:$0x10D00] =	vst v63  }
0x5e8: {  	s25 =	simm.s32 $0xB500  }
0x5e9: {  	[hbm4b:s6+s4] =	stream.indirect_vreg.scatter [tilespmem:s25], [sflag:$0x2], $0x80, v3, vm0, $0xb8;
	[tilespmem:$0x10D00] =	vst v63  }
0x5ea: {  	s21 =	simm.s32 $0xBD00  }
0x5eb: {  	[hbm4b:s7+s4] =	stream.indirect_vreg.scatter [tilespmem:s21], [sflag:$0x2], $0x80, v3, vm0, $0xb8;
	[tilespmem:$0x10D00] =	vst v63  }
0x5ec: {  	s26 =	simm.s32 $0xC500  }
0x5ed: {  	[hbm4b:s8+s4] =	stream.indirect_vreg.scatter [tilespmem:s26], [sflag:$0x2], $0x80, v3, vm0, $0xb8;
	[tilespmem:$0x10D00] =	vst v63  }
0x5ee: {  	v3 =	vld [tilespmem:$0x7B0];
	_ =	sdelay $0x4  }
0x5ef: {  	v63 =	vshll.u32 v3, $0x3  }
0x5f0: {  	v3 =	vand.u32 $0x7, v3;
	v4 =	vand.u32 $0xFFFFFFC0, v63  }
0x5f1: {  	v3 =	vor.u32 v3, v4  }
0x5f2: {  	v4 =	vperm.xlane v3, v0;
	_ =	sdelay $0x1  }
0x5f3: {  	v4 =	vadd.s32 v1, v4;
	_ =	sdelay $0x3  }
0x5f4: {  	s23 =	simm.s32 $0xCD00  }
0x5f5: {  	[hbm4b:s2+s4] =	stream.indirect_vreg.scatter [tilespmem:s23], [sflag:$0x2], $0x80, v4, vm0, $0xb8;
	[tilespmem:$0x10D00] =	vst v63  }
0x5f6: {  	s18 =	simm.s32 $0xD500;
	v3 =	vperm.xlane v3, v2  }
0x5f7: {  	[hbm4b:s6+s4] =	stream.indirect_vreg.scatter [tilespmem:s18], [sflag:$0x2], $0x80, v4, vm0, $0xb8;
	[tilespmem:$0x10D00] =	vst v63  }
0x5f8: {  	s29 =	simm.s32 $0xDD00;
	v3 =	vadd.s32 v1, v3  }
0x5f9: {  	[hbm4b:s7+s4] =	stream.indirect_vreg.scatter [tilespmem:s29], [sflag:$0x2], $0x80, v4, vm0, $0xb8;
	[tilespmem:$0x10D00] =	vst v63  }
0x5fa: {  	s19 =	simm.s32 $0xE500  }
0x5fb: {  	[hbm4b:s8+s4] =	stream.indirect_vreg.scatter [tilespmem:s19], [sflag:$0x2], $0x80, v4, vm0, $0xb8;
	[tilespmem:$0x10D00] =	vst v63  }
0x5fc: {  	s22 =	simm.s32 $0xED00  }
0x5fd: {  	[hbm4b:s2+s4] =	stream.indirect_vreg.scatter [tilespmem:s22], [sflag:$0x2], $0x80, v3, vm0, $0xb8;
	[tilespmem:$0x10D00] =	vst v63  }
0x5fe: {  	s31 =	simm.s32 $0xF500  }
0x5ff: {  	[hbm4b:s6+s4] =	stream.indirect_vreg.scatter [tilespmem:s31], [sflag:$0x2], $0x80, v3, vm0, $0xb8;
	[tilespmem:$0x10D00] =	vst v63  }
0x600: {  	s16 =	simm.s32 $0xFD00  }
0x601: {  	[hbm4b:s7+s4] =	stream.indirect_vreg.scatter [tilespmem:s16], [sflag:$0x2], $0x80, v3, vm0, $0xb8;
	[tilespmem:$0x10D00] =	vst v63  }
0x602: {  	s20 =	simm.s32 $0x10500  }
0x603: {  	[hbm4b:s8+s4] =	stream.indirect_vreg.scatter [tilespmem:s20], [sflag:$0x2], $0x80, v3, vm0, $0xb8;
	[tilespmem:$0x10D00] =	vst v63  }
0x604: {  	_ =	swait.ge [sflag:s28], $0x10000  }
0x605: {  	[sflag:s28] =	ssyncset.done $0x0  }
0x606: {  	[sflag:s28] =	ssyncadd.s32 $0xFFFF0000  }
0x607: {  	_ =	swait.ge [sflag:s28], $0x10000  }
0x608: {  	[sflag:s28] =	ssyncset.done $0x0  }
0x609: {  	[sflag:s28] =	ssyncadd.s32 $0xFFFF0000  }
0x60a: {  	_ =	swait.ge [sflag:s28], $0x10000  }
0x60b: {  	[sflag:s28] =	ssyncset.done $0x0  }
0x60c: {  	[sflag:s28] =	ssyncadd.s32 $0xFFFF0000  }
0x60d: {  	_ =	swait.ge [sflag:s28], $0x10000  }
0x60e: {  	[sflag:s28] =	ssyncset.done $0x0  }
0x60f: {  	s31 =	simm.s32 $0x3;
	[sflag:s28] =	ssyncadd.s32 $0xFFFF0000  }
0x610: {  	_ =	swait.ge [sflag:s31], $0x80  }
0x611: {  	[sflag:s31] =	ssyncset.done $0x0  }
0x612: {  	[sflag:s31] =	ssyncadd.s32 $0xFFFFFF80  }
0x613: {  	_ =	swait.ge [sflag:s31], $0x80  }
0x614: {  	[sflag:s31] =	ssyncset.done $0x0  }
0x615: {  	[sflag:s31] =	ssyncadd.s32 $0xFFFFFF80  }
0x616: {  	_ =	swait.ge [sflag:s31], $0x80  }
0x617: {  	[sflag:s31] =	ssyncset.done $0x0  }
0x618: {  	[sflag:s31] =	ssyncadd.s32 $0xFFFFFF80  }
0x619: {  	_ =	swait.ge [sflag:s31], $0x80  }
0x61a: {  	[sflag:s31] =	ssyncset.done $0x0  }
0x61b: {  	[sflag:s31] =	ssyncadd.s32 $0xFFFFFF80  }
0x61c: {  	_ =	swait.ge [sflag:s31], $0x80  }
0x61d: {  	[sflag:s31] =	ssyncset.done $0x0  }
0x61e: {  	[sflag:s31] =	ssyncadd.s32 $0xFFFFFF80  }
0x61f: {  	_ =	swait.ge [sflag:s31], $0x80  }
0x620: {  	[sflag:s31] =	ssyncset.done $0x0  }
0x621: {  	[sflag:s31] =	ssyncadd.s32 $0xFFFFFF80  }
0x622: {  	p0 =	sne.s32 s30, $0x1;
	_ =	swait.ge [sflag:s31], $0x80  }
.Ltmp0:
0x623: {  	[sflag:s31] =	ssyncset.done $0x0;
	(pc) =	sbr.rel @p0 .LBB2_1-.Ltmp0, $4  }
0x624: {  	[sflag:s31] =	ssyncadd.s32 $0xFFFFFF80  }
0x625: {  	_ =	swait.ge [sflag:s31], $0x80  }
0x626: {  	[sflag:s31] =	ssyncset.done $0x0  }
0x627: {  	s30 =	sadd.s32 $0xFFFFFFFF, s30;
	[sflag:s31] =	ssyncadd.s32 $0xFFFFFF80  }
0x628: {  	_ =	sfence.sel $0x180000  }
0x629: {  	[bflag:$0x0] =	sbarrier.arrive $0xFFFF  }
0x62a: {  	_ =	strace $0x90000047  }
0x62b: {  	s0 =	stileid.u32;
	[bflag:$0x2] =	sbarrier.arrive $0xFFFF  }
0x62c: {  	p0 =	sne.s32 s0, $0x0;
	s0 =	rddreg [dreg:$0x4]  }
0x62d: {  	s0 =	sadd.s32 @!p0 $0x100000, s0  }
0x62e: {  	[sflag:s0] =	ssyncadd.tile.s32 @!p0 $0x1;
	_ =	shalt  }
.Lfunc_end2:
_tile_overlayer_lowered:
.L_overlay_start_2:
0x62f: {  	(tag) =	ssettag $0x2  }
0x630: {  	s0 =	rddreg [dreg:$0x0];
	s2 =	stileid.u32  }
0x631: {  	s1 =	rddreg [dreg:$0x1];
	p0 =	sne.s32 s2, $0x0  }
0x632: {  	s3 =	rddreg [dreg:$0x2];
	[bflag:$0x3] =	sbarrier.arrive $0xFFFF;
	s2 =	simm.s32 @!p0 $0x1C04  }
0x633: {  	[timem:s3], [sflag:s2] =	dma.local @!p0 [hbm:s0], s1  }
0x634: {  	s0 =	simm.s32 @!p0 $0x4  }
0x635: {  	_ =	swait.ge @!p0 [sflag:s0], s1  }
0x636: {  	s1 =	ssub.s32 @!p0 $0x0, s1;
	[sflag:s0] =	ssyncset.done @!p0 $0x0  }
0x637: {  	[sflag:s0] =	ssyncadd.s32 @!p0 s1  }
0x638: {  	[bflag:$0x3] =	sbarrier.arrive $0xFFFF  }
0x639: {  	_ =	shalt  }

</sc_bundles>
